<compile_context>
chip_gen: v7x
topology: tpu7x:2x2x1
jax: 0.10.2.dev20260603
libtpu: 0.0.44.dev20260713+nightly
codegen_flags: <defaults>
</compile_context>

<pallas_src>
import functools

import jax
import jax.numpy as jnp
from jax import lax
from jax.experimental import pallas as pl
from jax.experimental.pallas import tpu as pltpu
from jax.experimental.pallas import tpu_sc as plsc

N_NODES = 10000
N_EDGES = 320000
D = 128
NUM_CLASSES = 10
NUM_GRAPHS = 128
B_EXP = 1.5
EPS = 1e-8

NC = 2
NS = 16
K = 80
C = N_EDGES // (NC * NS * K)
N_PAD = 10240
ROWS_PER_TILE = N_PAD // NS
DEG_W = 16

_mesh = plsc.VectorSubcoreMesh(core_axis_name="c", subcore_axis_name="s")


@functools.partial(
    pl.kernel,
    out_type=jax.ShapeDtypeStruct((NC, N_PAD, DEG_W), jnp.float32),
    mesh=_mesh,
    scratch_types=[
        pltpu.VMEM((C, K), jnp.int32),
        pltpu.VMEM((K, DEG_W), jnp.float32),
        pltpu.VMEM((128, DEG_W), jnp.float32),
        pltpu.VMEM_SHARED((N_PAD, DEG_W), jnp.float32),
    ],
)
def _deg_kernel(col_hbm, out_hbm, col_v, ones_v, stage, accum):
    c = lax.axis_index("c")
    s = lax.axis_index("s")
    zeros16 = jnp.zeros((16,), jnp.float32)
    ones16 = jnp.ones((16,), jnp.float32)

    def _zrow(i, _):
        stage[i, :] = zeros16
        return 0

    lax.fori_loop(0, 128, _zrow, 0)

    def _orow(i, _):
        ones_v[i, :] = ones16
        return 0

    lax.fori_loop(0, K, _orow, 0)

    base = s * ROWS_PER_TILE
    for t in range(5):
        pltpu.sync_copy(stage, accum.at[pl.ds(base + t * 128, 128)])
    plsc.subcore_barrier()

    pltpu.sync_copy(col_hbm.at[c, s], col_v)

    def _body(j, _):
        pltpu.sync_copy(ones_v, accum.at[col_v.at[j]], add=True)
        return 0

    lax.fori_loop(0, C, _body, 0)
    plsc.subcore_barrier()

    for t in range(5):
        pltpu.sync_copy(accum.at[pl.ds(base + t * 128, 128)], stage)
        pltpu.sync_copy(stage, out_hbm.at[c, pl.ds(base + t * 128, 128)])


@functools.partial(
    pl.kernel,
    out_type=jax.ShapeDtypeStruct((NC, N_PAD, D), jnp.float32),
    mesh=_mesh,
    scratch_types=[
        pltpu.VMEM((C * K,), jnp.int32),
        pltpu.VMEM((C, K), jnp.int32),
        pltpu.VMEM((2, K, D), jnp.float32),
        pltpu.VMEM_SHARED((N_PAD, D), jnp.float32),
        pltpu.SemaphoreType.DMA,
        pltpu.SemaphoreType.DMA,
    ],
)
def _scatter_kernel(h_hbm, row_hbm, col_hbm, out_hbm,
                    row_v, col_v, msg, accum, sem, ssem):
    c = lax.axis_index("c")
    s = lax.axis_index("s")
    zeros16 = jnp.zeros((16,), jnp.float32)

    def _zrow(i, _):
        msg[0, i // 8, pl.ds((i % 8) * 16, 16)] = zeros16
        return 0

    lax.fori_loop(0, K * 8, _zrow, 0)

    base = s * ROWS_PER_TILE
    for t in range(ROWS_PER_TILE // K):
        pltpu.sync_copy(msg.at[0], accum.at[pl.ds(base + t * K, K)])
    plsc.subcore_barrier()

    pltpu.sync_copy(row_hbm.at[c, s], row_v)
    pltpu.sync_copy(col_hbm.at[c, s], col_v)

    def _gather_desc(j, slot):
        off = pl.multiple_of(j * K, K)
        return pltpu.make_async_copy(h_hbm.at[row_v.at[pl.ds(off, K)]],
                                     msg.at[slot], sem)

    def _gather(j, slot):
        _gather_desc(j, slot).start()

    def _scatter_wait(j, slot):
        pltpu.make_async_copy(msg.at[slot], accum.at[col_v.at[j]], ssem).wait()

    _gather(0, 0)

    def _body(j, _):
        slot = lax.rem(j, 2)
        _gather_desc(j, slot).wait()

        @pl.when(j >= 1)
        def _():
            _scatter_wait(j - 1, 1 - slot)

        @pl.when(j + 1 < C)
        def _():
            _gather(j + 1, 1 - slot)

        pltpu.async_copy(msg.at[slot], accum.at[col_v.at[j]], ssem, add=True)
        return 0

    lax.fori_loop(0, C, _body, 0)
    _scatter_wait(C - 1, (C - 1) % 2)
    plsc.subcore_barrier()

    nT = ROWS_PER_TILE // K
    for t in range(nT):
        slot = t % 2
        if t >= 2:
            pltpu.make_async_copy(
                msg.at[slot], out_hbm.at[c, pl.ds(base + (t - 2) * K, K)],
                ssem).wait()
        pltpu.sync_copy(accum.at[pl.ds(base + t * K, K)], msg.at[slot])
        pltpu.make_async_copy(
            msg.at[slot], out_hbm.at[c, pl.ds(base + t * K, K)], ssem).start()
    for t in (nT - 2, nT - 1):
        pltpu.make_async_copy(
            msg.at[t % 2], out_hbm.at[c, pl.ds(base + t * K, K)], ssem).wait()


_RB = 1000


def _dis_block(deg_ref):
    deg = deg_ref[0, :, 0:1] + deg_ref[1, :, 0:1] + 1.0
    return lax.rsqrt(deg)


def _bcos_scale(h):
    nrm2 = jnp.sum(h * h, axis=1, keepdims=True)
    return lax.rsqrt(jnp.sqrt(nrm2) + EPS)


def _stage1_body(x_ref, w_ref, deg_ref, o_ref):
    x = x_ref[...]
    dis = _dis_block(deg_ref)
    h = x * _bcos_scale(x)
    o_ref[...] = jnp.dot(h, w_ref[...], preferred_element_type=jnp.float32,
                         precision=lax.Precision.HIGHEST) * dis


def _stage2_body(s_ref, hp_ref, deg_ref, w_ref, o_ref):
    dis = _dis_block(deg_ref)
    h1 = jnp.maximum((s_ref[0] + s_ref[1] + hp_ref[...]) * dis, 0.0)
    h = h1 * _bcos_scale(h1)
    o_ref[...] = jnp.dot(h, w_ref[...], preferred_element_type=jnp.float32,
                         precision=lax.Precision.HIGHEST) * dis


def _stage3_body(s_ref, hp_ref, deg_ref, b_ref, wc_ref, o_ref,
                 pool_acc, cnt_acc):
    i = pl.program_id(0)

    @pl.when(i == 0)
    def _():
        pool_acc[...] = jnp.zeros((NUM_GRAPHS, D), jnp.float32)
        cnt_acc[...] = jnp.zeros((NUM_GRAPHS, D), jnp.float32)

    dis = _dis_block(deg_ref)
    h2 = (s_ref[0] + s_ref[1] + hp_ref[...]) * dis
    b = b_ref[0]
    oh = (b == lax.broadcasted_iota(jnp.int32, (NUM_GRAPHS, _RB), 0))
    oh = oh.astype(jnp.float32)
    pool_acc[...] += jnp.dot(oh, h2, preferred_element_type=jnp.float32,
                             precision=lax.Precision.HIGHEST)
    cnt_acc[...] += jnp.dot(oh, jnp.ones((_RB, D), jnp.float32),
                            preferred_element_type=jnp.float32,
                            precision=lax.Precision.HIGHEST)

    @pl.when(i == pl.num_programs(0) - 1)
    def _():
        pooled = pool_acc[...] / jnp.maximum(cnt_acc[...], 1.0)
        o_ref[...] = jnp.dot(pooled, wc_ref[...],
                             preferred_element_type=jnp.float32,
                             precision=lax.Precision.HIGHEST)


_G = N_NODES // _RB

_stage1 = pl.pallas_call(
    _stage1_body,
    grid=(_G,),
    in_specs=[
        pl.BlockSpec((_RB, D), lambda i: (i, 0)),
        pl.BlockSpec((D, D), lambda i: (0, 0)),
        pl.BlockSpec((NC, _RB, DEG_W), lambda i: (0, i, 0)),
    ],
    out_specs=pl.BlockSpec((_RB, D), lambda i: (i, 0)),
    out_shape=jax.ShapeDtypeStruct((N_NODES, D), jnp.float32),
)

_stage2 = pl.pallas_call(
    _stage2_body,
    grid=(_G,),
    in_specs=[
        pl.BlockSpec((NC, _RB, D), lambda i: (0, i, 0)),
        pl.BlockSpec((_RB, D), lambda i: (i, 0)),
        pl.BlockSpec((NC, _RB, DEG_W), lambda i: (0, i, 0)),
        pl.BlockSpec((D, D), lambda i: (0, 0)),
    ],
    out_specs=pl.BlockSpec((_RB, D), lambda i: (i, 0)),
    out_shape=jax.ShapeDtypeStruct((N_NODES, D), jnp.float32),
)

_stage3 = pl.pallas_call(
    _stage3_body,
    grid=(_G,),
    in_specs=[
        pl.BlockSpec((NC, _RB, D), lambda i: (0, i, 0)),
        pl.BlockSpec((_RB, D), lambda i: (i, 0)),
        pl.BlockSpec((NC, _RB, DEG_W), lambda i: (0, i, 0)),
        pl.BlockSpec((1, 1, _RB), lambda i: (i, 0, 0)),
        pl.BlockSpec((D, NUM_CLASSES), lambda i: (0, 0)),
    ],
    out_specs=pl.BlockSpec((NUM_GRAPHS, NUM_CLASSES), lambda i: (0, 0)),
    out_shape=jax.ShapeDtypeStruct((NUM_GRAPHS, NUM_CLASSES), jnp.float32),
    scratch_shapes=[
        pltpu.VMEM((NUM_GRAPHS, D), jnp.float32),
        pltpu.VMEM((NUM_GRAPHS, D), jnp.float32),
    ],
)


def kernel(x, edge_index, batch, W1, W2, Wc):
    row3 = edge_index[0].reshape(NC, NS, C * K)
    col3 = edge_index[1].reshape(NC, NS, C, K)
    batch3 = batch.reshape(_G, 1, _RB)

    degp = _deg_kernel(col3)
    h1p = _stage1(x, W1, degp)
    s1 = _scatter_kernel(h1p, row3, col3)
    h2p = _stage2(s1, h1p, degp, W2)
    s2 = _scatter_kernel(h2p, row3, col3)
    return _stage3(s2, h2p, degp, batch3, Wc)

# --- scband reference (transcript-rebuilt; emitter-appended) ---
"""Pipeline reference for scband-bcos-gcn-28346784153664 (READ-ONLY COPY).

The authoritative reference and input builder live on the scoring server;
editing this copy changes nothing except your own understanding.
"""

import jax, jax.numpy as jnp
import numpy as np

N_NODES = 10000
N_EDGES = 320000
IN_DIM = 128
HIDDEN = 128
NUM_CLASSES = 10
NUM_GRAPHS = 128
B = 1.5
EPS = 1e-8


def setup_inputs(seed: int = 0) -> dict:
    key = jax.random.key(seed)
    k1, k2, k3, k4, k5, k6 = jax.random.split(key, 6)
    x = jax.random.normal(k1, (N_NODES, IN_DIM), dtype=jnp.float32)
    edge_index = jax.random.randint(k2, (2, N_EDGES), 0, N_NODES, dtype=jnp.int32)
    batch = jnp.sort(jax.random.randint(k3, (N_NODES,), 0, NUM_GRAPHS, dtype=jnp.int32))
    W1 = jax.random.normal(k4, (IN_DIM, HIDDEN), dtype=jnp.float32) * (1.0 / np.sqrt(IN_DIM))
    W2 = jax.random.normal(k5, (HIDDEN, HIDDEN), dtype=jnp.float32) * (1.0 / np.sqrt(HIDDEN))
    Wc = jax.random.normal(k6, (HIDDEN, NUM_CLASSES), dtype=jnp.float32) * (1.0 / np.sqrt(HIDDEN))
    return {"x": x, "edge_index": edge_index, "batch": batch, "W1": W1, "W2": W2, "Wc": Wc}


def _bcos_transform(x):
    norm = jnp.linalg.norm(x, axis=-1, keepdims=True) + EPS
    x_norm = x / norm
    return norm ** (B - 1.0) * x_norm


def _gcn_conv(x, edge_index, W):
    # PyG GCNConv (bias=False): symmetric normalization with self-loops
    h = x @ W
    row = edge_index[0]  # source (x_j)
    col = edge_index[1]  # target (aggregation index)
    loop = jnp.arange(N_NODES, dtype=row.dtype)
    row = jnp.concatenate([row, loop])
    col = jnp.concatenate([col, loop])
    deg = jax.ops.segment_sum(jnp.ones_like(col, dtype=h.dtype), col, num_segments=N_NODES)
    deg_inv_sqrt = jnp.where(deg > 0, deg ** -0.5, 0.0)
    norm = deg_inv_sqrt[row] * deg_inv_sqrt[col]
    msg = h[row] * norm[:, None]
    out = jax.ops.segment_sum(msg, col, num_segments=N_NODES)
    return out


def _global_mean_pool(x, batch):
    sums = jax.ops.segment_sum(x, batch, num_segments=NUM_GRAPHS)
    counts = jax.ops.segment_sum(jnp.ones((x.shape[0],), dtype=x.dtype), batch, num_segments=NUM_GRAPHS)
    counts = jnp.clip(counts, 1.0, None)
    return sums / counts[:, None]


def reference(x, edge_index, batch, W1, W2, Wc):
    h = _bcos_transform(x)
    h = _gcn_conv(h, edge_index, W1)
    h = jax.nn.relu(h)
    h = _bcos_transform(h)
    h = _gcn_conv(h, edge_index, W2)
    pooled = _global_mean_pool(h, batch)
    return pooled @ Wc

if __name__ == "__main__":
    import jax
    _d = setup_inputs()
    print(jax.jit(kernel)(*tuple(_d.values())))

</pallas_src>

<mosaic_0001>
#map = affine_map<(d0, d1) -> (0, 0)>
#map1 = affine_map<(d0, d1) -> (0, 0, 0)>
#map2 = affine_map<(d0, d1) -> (0, 0, 0, 0)>
module attributes {stable_mosaic.version = 14 : i64} {
  func.func @_scatter_kernel(%arg0: i32, %arg1: i32, %arg2: memref<10000x128xf32, #tpu.memory_space<hbm>>, %arg3: memref<2x16x10000xi32, #tpu.memory_space<hbm>>, %arg4: memref<2x16x125x80xi32, #tpu.memory_space<hbm>>, %arg5: memref<2x10240x128xf32, #tpu.memory_space<hbm>>, %arg6: memref<10000xi32, #tpu.memory_space<vmem>>, %arg7: memref<125x80xi32, #tpu.memory_space<vmem>>, %arg8: memref<2x80x128xf32, #tpu.memory_space<vmem>>, %arg9: memref<10240x128xf32, #tpu.memory_space<vmem_shared>>, %arg10: memref<!tpu.dma_semaphore, #tpu.memory_space<semaphore_mem>>, %arg11: memref<!tpu.dma_semaphore, #tpu.memory_space<semaphore_mem>>) attributes {dimension_semantics = [#tpu.dimension_semantics<core_parallel>, #tpu.dimension_semantics<subcore_parallel>], iteration_bounds = array<i64: 2, 16>, scalar_prefetch = 0 : i64, scratch_operands = 6 : i64, tpu.core_type = #tpu.core_type<sc_vector_subcore>, window_params = [{transform_indices = #map}, {transform_indices = #map1}, {transform_indices = #map2}, {transform_indices = #map1}]} {
    %broadcast_in_dim3A = arith.constant 0.000000e+00 : f32
    %broadcast_in_dim3A_0 = vector.broadcast %broadcast_in_dim3A : f32 to vector<16xf32>
    %scan3A = arith.constant 0 : i32
    %scan3A_1 = arith.constant 0 : i32
    %scan3A_2 = arith.constant 640 : i32
    %scan3A_3 = arith.addi %scan3A_1, %scan3A_2 : i32
    %scan3A_4 = arith.constant 1 : i32
    %scan3A_5 = scf.for %scan3A_354 = %scan3A_1 to %scan3A_3 step %scan3A_4 iter_args(%scan3A_355 = %scan3A) -> (i32)  : i32 {
      %jit3A = arith.constant 8 : i32
      %div3A = arith.divsi %scan3A_354, %jit3A : i32
      %sign3A = arith.constant 0 : i32
      %sign3A_356 = arith.cmpi sgt, %scan3A_354, %sign3A : i32
      %sign3A_357 = arith.extui %sign3A_356 : i1 to i32
      %sign3A_358 = arith.constant 0 : i32
      %sign3A_359 = arith.cmpi slt, %scan3A_354, %sign3A_358 : i32
      %sign3A_360 = arith.extui %sign3A_359 : i1 to i32
      %sign3A_361 = arith.subi %sign3A_357, %sign3A_360 : i32
      %sign3A_362 = arith.constant 0 : i32
      %sign3A_363 = arith.cmpi sgt, %jit3A, %sign3A_362 : i32
      %sign3A_364 = arith.extui %sign3A_363 : i1 to i32
      %sign3A_365 = arith.constant 0 : i32
      %sign3A_366 = arith.cmpi slt, %jit3A, %sign3A_365 : i32
      %sign3A_367 = arith.extui %sign3A_366 : i1 to i32
      %sign3A_368 = arith.subi %sign3A_364, %sign3A_367 : i32
      %ne3A = arith.cmpi ne, %sign3A_361, %sign3A_368 : i32
      %rem3A = arith.remsi %scan3A_354, %jit3A : i32
      %ne3A_369 = arith.constant 0 : i32
      %ne3A_370 = arith.cmpi ne, %rem3A, %ne3A_369 : i32
      %and3A = arith.andi %ne3A, %ne3A_370 : i1
      %sub3A = arith.constant 1 : i32
      %sub3A_371 = arith.subi %div3A, %sub3A : i32
      %select_n3A = arith.select %and3A, %sub3A_371, %div3A : i32
      %jit3A_372 = arith.constant 8 : i32
      %eq3A = arith.constant 0 : i32
      %eq3A_373 = arith.cmpi eq, %jit3A_372, %eq3A : i32
      %jit3A_374 = arith.constant 1 : i32
      %select_n3A_375 = arith.select %eq3A_373, %jit3A_374, %jit3A_372 : i32
      %rem3A_376 = arith.remsi %scan3A_354, %select_n3A_375 : i32
      %ne3A_377 = arith.constant 0 : i32
      %ne3A_378 = arith.cmpi ne, %rem3A_376, %ne3A_377 : i32
      %lt3A = arith.constant 0 : i32
      %lt3A_379 = arith.cmpi slt, %rem3A_376, %lt3A : i32
      %lt3A_380 = arith.constant 0 : i32
      %lt3A_381 = arith.cmpi slt, %select_n3A_375, %lt3A_380 : i32
      %ne3A_382 = arith.xori %lt3A_379, %lt3A_381 : i1
      %and3A_383 = arith.andi %ne3A_382, %ne3A_378 : i1
      %add3A_384 = arith.addi %rem3A_376, %select_n3A_375 : i32
      %select_n3A_385 = arith.select %and3A_383, %add3A_384, %rem3A_376 : i32
      %mul3A_386 = arith.constant 16 : i32
      %mul3A_387 = arith.muli %select_n3A_385, %mul3A_386 : i32
      %swap3A = arith.constant 0 : i32
      %swap3A_388 = arith.index_cast %swap3A : i32 to index
      %swap3A_389 = arith.index_cast %select_n3A : i32 to index
      %swap3A_390 = arith.index_cast %mul3A_387 : i32 to index
      %swap3A_391 = tpu.vector_load %arg8[%swap3A_388, %swap3A_389, %swap3A_390] {strides = array<i32>} : memref<2x80x128xf32, #tpu.memory_space<vmem>>, vector<1x1x16xf32>,
      %swap3A_392 = vector.shape_cast %swap3A_391 : vector<1x1x16xf32> to vector<16xf32>
      %swap3A_393 = vector.shape_cast %broadcast_in_dim3A_0 : vector<16xf32> to vector<1x1x16xf32>
      tpu.vector_store %arg8[%swap3A_388, %swap3A_389, %swap3A_390], %swap3A_393 {strides = array<i32>} : memref<2x80x128xf32, #tpu.memory_space<vmem>>, vector<1x1x16xf32>,
      %scan3A_394 = arith.constant 0 : i32
      scf.yield %scan3A_394 : i32
    }
    %scan3A_6 = arith.constant 640 : i32
    %mul3A = arith.constant 640 : i32
    %mul3A_7 = arith.muli %arg1, %mul3A : i32
    %add3A = arith.constant 0 : i32
    %add3A_8 = arith.addi %mul3A_7, %add3A : i32
    %run_scoped3A = arith.constant 0 : i32
    "tpu.region"() ({
      %run_scoped3A_354 = tpu.sem_alloc : memref<!tpu.dma_semaphore, #tpu.memory_space<semaphore_mem>>
      %dma_start3A_355 = arith.constant 0 : i32
      %dma_start3A_356 = arith.constant 0 : i32
      %dma_start3A_357 = tpu.memref_slice %arg8[%run_scoped3A, %dma_start3A_355, %dma_start3A_356] : memref<2x80x128xf32, #tpu.memory_space<vmem>> -> memref<1x80x128xf32, #tpu.memory_space<vmem>>
      %dma_start3A_358 = tpu.memref_squeeze %dma_start3A_357 : memref<1x80x128xf32, #tpu.memory_space<vmem>> -> memref<80x128xf32, #tpu.memory_space<vmem>>
      %dma_start3A_359 = arith.constant 0 : i32
      %dma_start3A_360 = tpu.memref_slice %arg9[%add3A_8, %dma_start3A_359] : memref<10240x128xf32, #tpu.memory_space<vmem_shared>> -> memref<80x128xf32, #tpu.memory_space<vmem_shared>>
      %dma_start3A_361 = arith.constant 0 : i32
      %dma_start3A_362 = tpu.memref_slice %arg9[%add3A_8, %dma_start3A_361] : memref<10240x128xf32, #tpu.memory_space<vmem_shared>> -> memref<80x128xf32, #tpu.memory_space<vmem_shared>>
      %dma_start3A_363 = arith.constant 0 : i32
      %dma_start3A_364 = arith.constant 0 : i32
      %dma_start3A_365 = tpu.memref_slice %arg8[%run_scoped3A, %dma_start3A_363, %dma_start3A_364] : memref<2x80x128xf32, #tpu.memory_space<vmem>> -> memref<1x80x128xf32, #tpu.memory_space<vmem>>
      %dma_start3A_366 = tpu.memref_squeeze %dma_start3A_365 : memref<1x80x128xf32, #tpu.memory_space<vmem>> -> memref<80x128xf32, #tpu.memory_space<vmem>>
      tpu.enqueue_dma source(%dma_start3A_366 : memref<80x128xf32, #tpu.memory_space<vmem>>) target(%dma_start3A_362 : memref<80x128xf32, #tpu.memory_space<vmem_shared>>) target_semaphore(%run_scoped3A_354 : memref<!tpu.dma_semaphore, #tpu.memory_space<semaphore_mem>>)
      %dma_wait3A_367 = arith.constant 0 : i32
      %dma_wait3A_368 = arith.constant 0 : i32
      %dma_wait3A_369 = tpu.memref_slice %arg8[%run_scoped3A, %dma_wait3A_367, %dma_wait3A_368] : memref<2x80x128xf32, #tpu.memory_space<vmem>> -> memref<1x80x128xf32, #tpu.memory_space<vmem>>
      %dma_wait3A_370 = tpu.memref_squeeze %dma_wait3A_369 : memref<1x80x128xf32, #tpu.memory_space<vmem>> -> memref<80x128xf32, #tpu.memory_space<vmem>>
      %dma_wait3A_371 = arith.constant 0 : i32
      %dma_wait3A_372 = tpu.memref_slice %arg9[%add3A_8, %dma_wait3A_371] : memref<10240x128xf32, #tpu.memory_space<vmem_shared>> -> memref<80x128xf32, #tpu.memory_space<vmem_shared>>
      %dma_wait3A_373 = arith.constant 0 : i32
      %dma_wait3A_374 = tpu.memref_slice %arg9[%add3A_8, %dma_wait3A_373] : memref<10240x128xf32, #tpu.memory_space<vmem_shared>> -> memref<80x128xf32, #tpu.memory_space<vmem_shared>>
      %dma_wait3A_375 = arith.constant 0 : i32
      %dma_wait3A_376 = arith.constant 0 : i32
      %dma_wait3A_377 = tpu.memref_slice %arg8[%run_scoped3A, %dma_wait3A_375, %dma_wait3A_376] : memref<2x80x128xf32, #tpu.memory_space<vmem>> -> memref<1x80x128xf32, #tpu.memory_space<vmem>>
      %dma_wait3A_378 = tpu.memref_squeeze %dma_wait3A_377 : memref<1x80x128xf32, #tpu.memory_space<vmem>> -> memref<80x128xf32, #tpu.memory_space<vmem>>
      tpu.wait_dma2 semaphore(%run_scoped3A_354 : memref<!tpu.dma_semaphore, #tpu.memory_space<semaphore_mem>>) src(%dma_wait3A_378 : memref<80x128xf32, #tpu.memory_space<vmem>>) dst(%dma_wait3A_374 : memref<80x128xf32, #tpu.memory_space<vmem_shared>>)
      tpu.yield
    }) : () -> ()
    %add3A_9 = arith.constant 80 : i32
    %add3A_10 = arith.addi %mul3A_7, %add3A_9 : i32
    %run_scoped3A_11 = arith.constant 0 : i32
    "tpu.region"() ({
      %run_scoped3A_354 = tpu.sem_alloc : memref<!tpu.dma_semaphore, #tpu.memory_space<semaphore_mem>>
      %dma_start3A_355 = arith.constant 0 : i32
      %dma_start3A_356 = arith.constant 0 : i32
      %dma_start3A_357 = tpu.memref_slice %arg8[%run_scoped3A_11, %dma_start3A_355, %dma_start3A_356] : memref<2x80x128xf32, #tpu.memory_space<vmem>> -> memref<1x80x128xf32, #tpu.memory_space<vmem>>
      %dma_start3A_358 = tpu.memref_squeeze %dma_start3A_357 : memref<1x80x128xf32, #tpu.memory_space<vmem>> -> memref<80x128xf32, #tpu.memory_space<vmem>>
      %dma_start3A_359 = arith.constant 0 : i32
      %dma_start3A_360 = tpu.memref_slice %arg9[%add3A_10, %dma_start3A_359] : memref<10240x128xf32, #tpu.memory_space<vmem_shared>> -> memref<80x128xf32, #tpu.memory_space<vmem_shared>>
      %dma_start3A_361 = arith.constant 0 : i32
      %dma_start3A_362 = tpu.memref_slice %arg9[%add3A_10, %dma_start3A_361] : memref<10240x128xf32, #tpu.memory_space<vmem_shared>> -> memref<80x128xf32, #tpu.memory_space<vmem_shared>>
      %dma_start3A_363 = arith.constant 0 : i32
      %dma_start3A_364 = arith.constant 0 : i32
      %dma_start3A_365 = tpu.memref_slice %arg8[%run_scoped3A_11, %dma_start3A_363, %dma_start3A_364] : memref<2x80x128xf32, #tpu.memory_space<vmem>> -> memref<1x80x128xf32, #tpu.memory_space<vmem>>
      %dma_start3A_366 = tpu.memref_squeeze %dma_start3A_365 : memref<1x80x128xf32, #tpu.memory_space<vmem>> -> memref<80x128xf32, #tpu.memory_space<vmem>>
      tpu.enqueue_dma source(%dma_start3A_366 : memref<80x128xf32, #tpu.memory_space<vmem>>) target(%dma_start3A_362 : memref<80x128xf32, #tpu.memory_space<vmem_shared>>) target_semaphore(%run_scoped3A_354 : memref<!tpu.dma_semaphore, #tpu.memory_space<semaphore_mem>>)
      %dma_wait3A_367 = arith.constant 0 : i32
      %dma_wait3A_368 = arith.constant 0 : i32
      %dma_wait3A_369 = tpu.memref_slice %arg8[%run_scoped3A_11, %dma_wait3A_367, %dma_wait3A_368] : memref<2x80x128xf32, #tpu.memory_space<vmem>> -> memref<1x80x128xf32, #tpu.memory_space<vmem>>
      %dma_wait3A_370 = tpu.memref_squeeze %dma_wait3A_369 : memref<1x80x128xf32, #tpu.memory_space<vmem>> -> memref<80x128xf32, #tpu.memory_space<vmem>>
      %dma_wait3A_371 = arith.constant 0 : i32
      %dma_wait3A_372 = tpu.memref_slice %arg9[%add3A_10, %dma_wait3A_371] : memref<10240x128xf32, #tpu.memory_space<vmem_shared>> -> memref<80x128xf32, #tpu.memory_space<vmem_shared>>
      %dma_wait3A_373 = arith.constant 0 : i32
      %dma_wait3A_374 = tpu.memref_slice %arg9[%add3A_10, %dma_wait3A_373] : memref<10240x128xf32, #tpu.memory_space<vmem_shared>> -> memref<80x128xf32, #tpu.memory_space<vmem_shared>>
      %dma_wait3A_375 = arith.constant 0 : i32
      %dma_wait3A_376 = arith.constant 0 : i32
      %dma_wait3A_377 = tpu.memref_slice %arg8[%run_scoped3A_11, %dma_wait3A_375, %dma_wait3A_376] : memref<2x80x128xf32, #tpu.memory_space<vmem>> -> memref<1x80x128xf32, #tpu.memory_space<vmem>>
      %dma_wait3A_378 = tpu.memref_squeeze %dma_wait3A_377 : memref<1x80x128xf32, #tpu.memory_space<vmem>> -> memref<80x128xf32, #tpu.memory_space<vmem>>
      tpu.wait_dma2 semaphore(%run_scoped3A_354 : memref<!tpu.dma_semaphore, #tpu.memory_space<semaphore_mem>>) src(%dma_wait3A_378 : memref<80x128xf32, #tpu.memory_space<vmem>>) dst(%dma_wait3A_374 : memref<80x128xf32, #tpu.memory_space<vmem_shared>>)
      tpu.yield
    }) : () -> ()
    %add3A_12 = arith.constant 160 : i32
    %add3A_13 = arith.addi %mul3A_7, %add3A_12 : i32
    %run_scoped3A_14 = arith.constant 0 : i32
    "tpu.region"() ({
      %run_scoped3A_354 = tpu.sem_alloc : memref<!tpu.dma_semaphore, #tpu.memory_space<semaphore_mem>>
      %dma_start3A_355 = arith.constant 0 : i32
      %dma_start3A_356 = arith.constant 0 : i32
      %dma_start3A_357 = tpu.memref_slice %arg8[%run_scoped3A_14, %dma_start3A_355, %dma_start3A_356] : memref<2x80x128xf32, #tpu.memory_space<vmem>> -> memref<1x80x128xf32, #tpu.memory_space<vmem>>
      %dma_start3A_358 = tpu.memref_squeeze %dma_start3A_357 : memref<1x80x128xf32, #tpu.memory_space<vmem>> -> memref<80x128xf32, #tpu.memory_space<vmem>>
      %dma_start3A_359 = arith.constant 0 : i32
      %dma_start3A_360 = tpu.memref_slice %arg9[%add3A_13, %dma_start3A_359] : memref<10240x128xf32, #tpu.memory_space<vmem_shared>> -> memref<80x128xf32, #tpu.memory_space<vmem_shared>>
      %dma_start3A_361 = arith.constant 0 : i32
      %dma_start3A_362 = tpu.memref_slice %arg9[%add3A_13, %dma_start3A_361] : memref<10240x128xf32, #tpu.memory_space<vmem_shared>> -> memref<80x128xf32, #tpu.memory_space<vmem_shared>>
      %dma_start3A_363 = arith.constant 0 : i32
      %dma_start3A_364 = arith.constant 0 : i32
      %dma_start3A_365 = tpu.memref_slice %arg8[%run_scoped3A_14, %dma_start3A_363, %dma_start3A_364] : memref<2x80x128xf32, #tpu.memory_space<vmem>> -> memref<1x80x128xf32, #tpu.memory_space<vmem>>
      %dma_start3A_366 = tpu.memref_squeeze %dma_start3A_365 : memref<1x80x128xf32, #tpu.memory_space<vmem>> -> memref<80x128xf32, #tpu.memory_space<vmem>>
      tpu.enqueue_dma source(%dma_start3A_366 : memref<80x128xf32, #tpu.memory_space<vmem>>) target(%dma_start3A_362 : memref<80x128xf32, #tpu.memory_space<vmem_shared>>) target_semaphore(%run_scoped3A_354 : memref<!tpu.dma_semaphore, #tpu.memory_space<semaphore_mem>>)
      %dma_wait3A_367 = arith.constant 0 : i32
      %dma_wait3A_368 = arith.constant 0 : i32
      %dma_wait3A_369 = tpu.memref_slice %arg8[%run_scoped3A_14, %dma_wait3A_367, %dma_wait3A_368] : memref<2x80x128xf32, #tpu.memory_space<vmem>> -> memref<1x80x128xf32, #tpu.memory_space<vmem>>
      %dma_wait3A_370 = tpu.memref_squeeze %dma_wait3A_369 : memref<1x80x128xf32, #tpu.memory_space<vmem>> -> memref<80x128xf32, #tpu.memory_space<vmem>>
      %dma_wait3A_371 = arith.constant 0 : i32
      %dma_wait3A_372 = tpu.memref_slice %arg9[%add3A_13, %dma_wait3A_371] : memref<10240x128xf32, #tpu.memory_space<vmem_shared>> -> memref<80x128xf32, #tpu.memory_space<vmem_shared>>
      %dma_wait3A_373 = arith.constant 0 : i32
      %dma_wait3A_374 = tpu.memref_slice %arg9[%add3A_13, %dma_wait3A_373] : memref<10240x128xf32, #tpu.memory_space<vmem_shared>> -> memref<80x128xf32, #tpu.memory_space<vmem_shared>>
      %dma_wait3A_375 = arith.constant 0 : i32
      %dma_wait3A_376 = arith.constant 0 : i32
      %dma_wait3A_377 = tpu.memref_slice %arg8[%run_scoped3A_14, %dma_wait3A_375, %dma_wait3A_376] : memref<2x80x128xf32, #tpu.memory_space<vmem>> -> memref<1x80x128xf32, #tpu.memory_space<vmem>>
      %dma_wait3A_378 = tpu.memref_squeeze %dma_wait3A_377 : memref<1x80x128xf32, #tpu.memory_space<vmem>> -> memref<80x128xf32, #tpu.memory_space<vmem>>
      tpu.wait_dma2 semaphore(%run_scoped3A_354 : memref<!tpu.dma_semaphore, #tpu.memory_space<semaphore_mem>>) src(%dma_wait3A_378 : memref<80x128xf32, #tpu.memory_space<vmem>>) dst(%dma_wait3A_374 : memref<80x128xf32, #tpu.memory_space<vmem_shared>>)
      tpu.yield
    }) : () -> ()
    %add3A_15 = arith.constant 240 : i32
    %add3A_16 = arith.addi %mul3A_7, %add3A_15 : i32
    %run_scoped3A_17 = arith.constant 0 : i32
    "tpu.region"() ({
      %run_scoped3A_354 = tpu.sem_alloc : memref<!tpu.dma_semaphore, #tpu.memory_space<semaphore_mem>>
      %dma_start3A_355 = arith.constant 0 : i32
      %dma_start3A_356 = arith.constant 0 : i32
      %dma_start3A_357 = tpu.memref_slice %arg8[%run_scoped3A_17, %dma_start3A_355, %dma_start3A_356] : memref<2x80x128xf32, #tpu.memory_space<vmem>> -> memref<1x80x128xf32, #tpu.memory_space<vmem>>
      %dma_start3A_358 = tpu.memref_squeeze %dma_start3A_357 : memref<1x80x128xf32, #tpu.memory_space<vmem>> -> memref<80x128xf32, #tpu.memory_space<vmem>>
      %dma_start3A_359 = arith.constant 0 : i32
      %dma_start3A_360 = tpu.memref_slice %arg9[%add3A_16, %dma_start3A_359] : memref<10240x128xf32, #tpu.memory_space<vmem_shared>> -> memref<80x128xf32, #tpu.memory_space<vmem_shared>>
      %dma_start3A_361 = arith.constant 0 : i32
      %dma_start3A_362 = tpu.memref_slice %arg9[%add3A_16, %dma_start3A_361] : memref<10240x128xf32, #tpu.memory_space<vmem_shared>> -> memref<80x128xf32, #tpu.memory_space<vmem_shared>>
      %dma_start3A_363 = arith.constant 0 : i32
      %dma_start3A_364 = arith.constant 0 : i32
      %dma_start3A_365 = tpu.memref_slice %arg8[%run_scoped3A_17, %dma_start3A_363, %dma_start3A_364] : memref<2x80x128xf32, #tpu.memory_space<vmem>> -> memref<1x80x128xf32, #tpu.memory_space<vmem>>
      %dma_start3A_366 = tpu.memref_squeeze %dma_start3A_365 : memref<1x80x128xf32, #tpu.memory_space<vmem>> -> memref<80x128xf32, #tpu.memory_space<vmem>>
      tpu.enqueue_dma source(%dma_start3A_366 : memref<80x128xf32, #tpu.memory_space<vmem>>) target(%dma_start3A_362 : memref<80x128xf32, #tpu.memory_space<vmem_shared>>) target_semaphore(%run_scoped3A_354 : memref<!tpu.dma_semaphore, #tpu.memory_space<semaphore_mem>>)
      %dma_wait3A_367 = arith.constant 0 : i32
      %dma_wait3A_368 = arith.constant 0 : i32
      %dma_wait3A_369 = tpu.memref_slice %arg8[%run_scoped3A_17, %dma_wait3A_367, %dma_wait3A_368] : memref<2x80x128xf32, #tpu.memory_space<vmem>> -> memref<1x80x128xf32, #tpu.memory_space<vmem>>
      %dma_wait3A_370 = tpu.memref_squeeze %dma_wait3A_369 : memref<1x80x128xf32, #tpu.memory_space<vmem>> -> memref<80x128xf32, #tpu.memory_space<vmem>>
      %dma_wait3A_371 = arith.constant 0 : i32
      %dma_wait3A_372 = tpu.memref_slice %arg9[%add3A_16, %dma_wait3A_371] : memref<10240x128xf32, #tpu.memory_space<vmem_shared>> -> memref<80x128xf32, #tpu.memory_space<vmem_shared>>
      %dma_wait3A_373 = arith.constant 0 : i32
      %dma_wait3A_374 = tpu.memref_slice %arg9[%add3A_16, %dma_wait3A_373] : memref<10240x128xf32, #tpu.memory_space<vmem_shared>> -> memref<80x128xf32, #tpu.memory_space<vmem_shared>>
      %dma_wait3A_375 = arith.constant 0 : i32
      %dma_wait3A_376 = arith.constant 0 : i32
      %dma_wait3A_377 = tpu.memref_slice %arg8[%run_scoped3A_17, %dma_wait3A_375, %dma_wait3A_376] : memref<2x80x128xf32, #tpu.memory_space<vmem>> -> memref<1x80x128xf32, #tpu.memory_space<vmem>>
      %dma_wait3A_378 = tpu.memref_squeeze %dma_wait3A_377 : memref<1x80x128xf32, #tpu.memory_space<vmem>> -> memref<80x128xf32, #tpu.memory_space<vmem>>
      tpu.wait_dma2 semaphore(%run_scoped3A_354 : memref<!tpu.dma_semaphore, #tpu.memory_space<semaphore_mem>>) src(%dma_wait3A_378 : memref<80x128xf32, #tpu.memory_space<vmem>>) dst(%dma_wait3A_374 : memref<80x128xf32, #tpu.memory_space<vmem_shared>>)
      tpu.yield
    }) : () -> ()
    %add3A_18 = arith.constant 320 : i32
    %add3A_19 = arith.addi %mul3A_7, %add3A_18 : i32
    %run_scoped3A_20 = arith.constant 0 : i32
    "tpu.region"() ({
      %run_scoped3A_354 = tpu.sem_alloc : memref<!tpu.dma_semaphore, #tpu.memory_space<semaphore_mem>>
      %dma_start3A_355 = arith.constant 0 : i32
      %dma_start3A_356 = arith.constant 0 : i32
      %dma_start3A_357 = tpu.memref_slice %arg8[%run_scoped3A_20, %dma_start3A_355, %dma_start3A_356] : memref<2x80x128xf32, #tpu.memory_space<vmem>> -> memref<1x80x128xf32, #tpu.memory_space<vmem>>
      %dma_start3A_358 = tpu.memref_squeeze %dma_start3A_357 : memref<1x80x128xf32, #tpu.memory_space<vmem>> -> memref<80x128xf32, #tpu.memory_space<vmem>>
      %dma_start3A_359 = arith.constant 0 : i32
      %dma_start3A_360 = tpu.memref_slice %arg9[%add3A_19, %dma_start3A_359] : memref<10240x128xf32, #tpu.memory_space<vmem_shared>> -> memref<80x128xf32, #tpu.memory_space<vmem_shared>>
      %dma_start3A_361 = arith.constant 0 : i32
      %dma_start3A_362 = tpu.memref_slice %arg9[%add3A_19, %dma_start3A_361] : memref<10240x128xf32, #tpu.memory_space<vmem_shared>> -> memref<80x128xf32, #tpu.memory_space<vmem_shared>>
      %dma_start3A_363 = arith.constant 0 : i32
      %dma_start3A_364 = arith.constant 0 : i32
      %dma_start3A_365 = tpu.memref_slice %arg8[%run_scoped3A_20, %dma_start3A_363, %dma_start3A_364] : memref<2x80x128xf32, #tpu.memory_space<vmem>> -> memref<1x80x128xf32, #tpu.memory_space<vmem>>
      %dma_start3A_366 = tpu.memref_squeeze %dma_start3A_365 : memref<1x80x128xf32, #tpu.memory_space<vmem>> -> memref<80x128xf32, #tpu.memory_space<vmem>>
      tpu.enqueue_dma source(%dma_start3A_366 : memref<80x128xf32, #tpu.memory_space<vmem>>) target(%dma_start3A_362 : memref<80x128xf32, #tpu.memory_space<vmem_shared>>) target_semaphore(%run_scoped3A_354 : memref<!tpu.dma_semaphore, #tpu.memory_space<semaphore_mem>>)
      %dma_wait3A_367 = arith.constant 0 : i32
      %dma_wait3A_368 = arith.constant 0 : i32
      %dma_wait3A_369 = tpu.memref_slice %arg8[%run_scoped3A_20, %dma_wait3A_367, %dma_wait3A_368] : memref<2x80x128xf32, #tpu.memory_space<vmem>> -> memref<1x80x128xf32, #tpu.memory_space<vmem>>
      %dma_wait3A_370 = tpu.memref_squeeze %dma_wait3A_369 : memref<1x80x128xf32, #tpu.memory_space<vmem>> -> memref<80x128xf32, #tpu.memory_space<vmem>>
      %dma_wait3A_371 = arith.constant 0 : i32
      %dma_wait3A_372 = tpu.memref_slice %arg9[%add3A_19, %dma_wait3A_371] : memref<10240x128xf32, #tpu.memory_space<vmem_shared>> -> memref<80x128xf32, #tpu.memory_space<vmem_shared>>
      %dma_wait3A_373 = arith.constant 0 : i32
      %dma_wait3A_374 = tpu.memref_slice %arg9[%add3A_19, %dma_wait3A_373] : memref<10240x128xf32, #tpu.memory_space<vmem_shared>> -> memref<80x128xf32, #tpu.memory_space<vmem_shared>>
      %dma_wait3A_375 = arith.constant 0 : i32
      %dma_wait3A_376 = arith.constant 0 : i32
      %dma_wait3A_377 = tpu.memref_slice %arg8[%run_scoped3A_20, %dma_wait3A_375, %dma_wait3A_376] : memref<2x80x128xf32, #tpu.memory_space<vmem>> -> memref<1x80x128xf32, #tpu.memory_space<vmem>>
      %dma_wait3A_378 = tpu.memref_squeeze %dma_wait3A_377 : memref<1x80x128xf32, #tpu.memory_space<vmem>> -> memref<80x128xf32, #tpu.memory_space<vmem>>
      tpu.wait_dma2 semaphore(%run_scoped3A_354 : memref<!tpu.dma_semaphore, #tpu.memory_space<semaphore_mem>>) src(%dma_wait3A_378 : memref<80x128xf32, #tpu.memory_space<vmem>>) dst(%dma_wait3A_374 : memref<80x128xf32, #tpu.memory_space<vmem_shared>>)
      tpu.yield
    }) : () -> ()
    %add3A_21 = arith.constant 400 : i32
    %add3A_22 = arith.addi %mul3A_7, %add3A_21 : i32
    %run_scoped3A_23 = arith.constant 0 : i32
    "tpu.region"() ({
      %run_scoped3A_354 = tpu.sem_alloc : memref<!tpu.dma_semaphore, #tpu.memory_space<semaphore_mem>>
      %dma_start3A_355 = arith.constant 0 : i32
      %dma_start3A_356 = arith.constant 0 : i32
      %dma_start3A_357 = tpu.memref_slice %arg8[%run_scoped3A_23, %dma_start3A_355, %dma_start3A_356] : memref<2x80x128xf32, #tpu.memory_space<vmem>> -> memref<1x80x128xf32, #tpu.memory_space<vmem>>
      %dma_start3A_358 = tpu.memref_squeeze %dma_start3A_357 : memref<1x80x128xf32, #tpu.memory_space<vmem>> -> memref<80x128xf32, #tpu.memory_space<vmem>>
      %dma_start3A_359 = arith.constant 0 : i32
      %dma_start3A_360 = tpu.memref_slice %arg9[%add3A_22, %dma_start3A_359] : memref<10240x128xf32, #tpu.memory_space<vmem_shared>> -> memref<80x128xf32, #tpu.memory_space<vmem_shared>>
      %dma_start3A_361 = arith.constant 0 : i32
      %dma_start3A_362 = tpu.memref_slice %arg9[%add3A_22, %dma_start3A_361] : memref<10240x128xf32, #tpu.memory_space<vmem_shared>> -> memref<80x128xf32, #tpu.memory_space<vmem_shared>>
      %dma_start3A_363 = arith.constant 0 : i32
      %dma_start3A_364 = arith.constant 0 : i32
      %dma_start3A_365 = tpu.memref_slice %arg8[%run_scoped3A_23, %dma_start3A_363, %dma_start3A_364] : memref<2x80x128xf32, #tpu.memory_space<vmem>> -> memref<1x80x128xf32, #tpu.memory_space<vmem>>
      %dma_start3A_366 = tpu.memref_squeeze %dma_start3A_365 : memref<1x80x128xf32, #tpu.memory_space<vmem>> -> memref<80x128xf32, #tpu.memory_space<vmem>>
      tpu.enqueue_dma source(%dma_start3A_366 : memref<80x128xf32, #tpu.memory_space<vmem>>) target(%dma_start3A_362 : memref<80x128xf32, #tpu.memory_space<vmem_shared>>) target_semaphore(%run_scoped3A_354 : memref<!tpu.dma_semaphore, #tpu.memory_space<semaphore_mem>>)
      %dma_wait3A_367 = arith.constant 0 : i32
      %dma_wait3A_368 = arith.constant 0 : i32
      %dma_wait3A_369 = tpu.memref_slice %arg8[%run_scoped3A_23, %dma_wait3A_367, %dma_wait3A_368] : memref<2x80x128xf32, #tpu.memory_space<vmem>> -> memref<1x80x128xf32, #tpu.memory_space<vmem>>
      %dma_wait3A_370 = tpu.memref_squeeze %dma_wait3A_369 : memref<1x80x128xf32, #tpu.memory_space<vmem>> -> memref<80x128xf32, #tpu.memory_space<vmem>>
      %dma_wait3A_371 = arith.constant 0 : i32
      %dma_wait3A_372 = tpu.memref_slice %arg9[%add3A_22, %dma_wait3A_371] : memref<10240x128xf32, #tpu.memory_space<vmem_shared>> -> memref<80x128xf32, #tpu.memory_space<vmem_shared>>
      %dma_wait3A_373 = arith.constant 0 : i32
      %dma_wait3A_374 = tpu.memref_slice %arg9[%add3A_22, %dma_wait3A_373] : memref<10240x128xf32, #tpu.memory_space<vmem_shared>> -> memref<80x128xf32, #tpu.memory_space<vmem_shared>>
      %dma_wait3A_375 = arith.constant 0 : i32
      %dma_wait3A_376 = arith.constant 0 : i32
      %dma_wait3A_377 = tpu.memref_slice %arg8[%run_scoped3A_23, %dma_wait3A_375, %dma_wait3A_376] : memref<2x80x128xf32, #tpu.memory_space<vmem>> -> memref<1x80x128xf32, #tpu.memory_space<vmem>>
      %dma_wait3A_378 = tpu.memref_squeeze %dma_wait3A_377 : memref<1x80x128xf32, #tpu.memory_space<vmem>> -> memref<80x128xf32, #tpu.memory_space<vmem>>
      tpu.wait_dma2 semaphore(%run_scoped3A_354 : memref<!tpu.dma_semaphore, #tpu.memory_space<semaphore_mem>>) src(%dma_wait3A_378 : memref<80x128xf32, #tpu.memory_space<vmem>>) dst(%dma_wait3A_374 : memref<80x128xf32, #tpu.memory_space<vmem_shared>>)
      tpu.yield
    }) : () -> ()
    %add3A_24 = arith.constant 480 : i32
    %add3A_25 = arith.addi %mul3A_7, %add3A_24 : i32
    %run_scoped3A_26 = arith.constant 0 : i32
    "tpu.region"() ({
      %run_scoped3A_354 = tpu.sem_alloc : memref<!tpu.dma_semaphore, #tpu.memory_space<semaphore_mem>>
      %dma_start3A_355 = arith.constant 0 : i32
      %dma_start3A_356 = arith.constant 0 : i32
      %dma_start3A_357 = tpu.memref_slice %arg8[%run_scoped3A_26, %dma_start3A_355, %dma_start3A_356] : memref<2x80x128xf32, #tpu.memory_space<vmem>> -> memref<1x80x128xf32, #tpu.memory_space<vmem>>
      %dma_start3A_358 = tpu.memref_squeeze %dma_start3A_357 : memref<1x80x128xf32, #tpu.memory_space<vmem>> -> memref<80x128xf32, #tpu.memory_space<vmem>>
      %dma_start3A_359 = arith.constant 0 : i32
      %dma_start3A_360 = tpu.memref_slice %arg9[%add3A_25, %dma_start3A_359] : memref<10240x128xf32, #tpu.memory_space<vmem_shared>> -> memref<80x128xf32, #tpu.memory_space<vmem_shared>>
      %dma_start3A_361 = arith.constant 0 : i32
      %dma_start3A_362 = tpu.memref_slice %arg9[%add3A_25, %dma_start3A_361] : memref<10240x128xf32, #tpu.memory_space<vmem_shared>> -> memref<80x128xf32, #tpu.memory_space<vmem_shared>>
      %dma_start3A_363 = arith.constant 0 : i32
      %dma_start3A_364 = arith.constant 0 : i32
      %dma_start3A_365 = tpu.memref_slice %arg8[%run_scoped3A_26, %dma_start3A_363, %dma_start3A_364] : memref<2x80x128xf32, #tpu.memory_space<vmem>> -> memref<1x80x128xf32, #tpu.memory_space<vmem>>
      %dma_start3A_366 = tpu.memref_squeeze %dma_start3A_365 : memref<1x80x128xf32, #tpu.memory_space<vmem>> -> memref<80x128xf32, #tpu.memory_space<vmem>>
      tpu.enqueue_dma source(%dma_start3A_366 : memref<80x128xf32, #tpu.memory_space<vmem>>) target(%dma_start3A_362 : memref<80x128xf32, #tpu.memory_space<vmem_shared>>) target_semaphore(%run_scoped3A_354 : memref<!tpu.dma_semaphore, #tpu.memory_space<semaphore_mem>>)
      %dma_wait3A_367 = arith.constant 0 : i32
      %dma_wait3A_368 = arith.constant 0 : i32
      %dma_wait3A_369 = tpu.memref_slice %arg8[%run_scoped3A_26, %dma_wait3A_367, %dma_wait3A_368] : memref<2x80x128xf32, #tpu.memory_space<vmem>> -> memref<1x80x128xf32, #tpu.memory_space<vmem>>
      %dma_wait3A_370 = tpu.memref_squeeze %dma_wait3A_369 : memref<1x80x128xf32, #tpu.memory_space<vmem>> -> memref<80x128xf32, #tpu.memory_space<vmem>>
      %dma_wait3A_371 = arith.constant 0 : i32
      %dma_wait3A_372 = tpu.memref_slice %arg9[%add3A_25, %dma_wait3A_371] : memref<10240x128xf32, #tpu.memory_space<vmem_shared>> -> memref<80x128xf32, #tpu.memory_space<vmem_shared>>
      %dma_wait3A_373 = arith.constant 0 : i32
      %dma_wait3A_374 = tpu.memref_slice %arg9[%add3A_25, %dma_wait3A_373] : memref<10240x128xf32, #tpu.memory_space<vmem_shared>> -> memref<80x128xf32, #tpu.memory_space<vmem_shared>>
      %dma_wait3A_375 = arith.constant 0 : i32
      %dma_wait3A_376 = arith.constant 0 : i32
      %dma_wait3A_377 = tpu.memref_slice %arg8[%run_scoped3A_26, %dma_wait3A_375, %dma_wait3A_376] : memref<2x80x128xf32, #tpu.memory_space<vmem>> -> memref<1x80x128xf32, #tpu.memory_space<vmem>>
      %dma_wait3A_378 = tpu.memref_squeeze %dma_wait3A_377 : memref<1x80x128xf32, #tpu.memory_space<vmem>> -> memref<80x128xf32, #tpu.memory_space<vmem>>
      tpu.wait_dma2 semaphore(%run_scoped3A_354 : memref<!tpu.dma_semaphore, #tpu.memory_space<semaphore_mem>>) src(%dma_wait3A_378 : memref<80x128xf32, #tpu.memory_space<vmem>>) dst(%dma_wait3A_374 : memref<80x128xf32, #tpu.memory_space<vmem_shared>>)
      tpu.yield
    }) : () -> ()
    %add3A_27 = arith.constant 560 : i32
    %add3A_28 = arith.addi %mul3A_7, %add3A_27 : i32
    %run_scoped3A_29 = arith.constant 0 : i32
    "tpu.region"() ({
      %run_scoped3A_354 = tpu.sem_alloc : memref<!tpu.dma_semaphore, #tpu.memory_space<semaphore_mem>>
      %dma_start3A_355 = arith.constant 0 : i32
      %dma_start3A_356 = arith.constant 0 : i32
      %dma_start3A_357 = tpu.memref_slice %arg8[%run_scoped3A_29, %dma_start3A_355, %dma_start3A_356] : memref<2x80x128xf32, #tpu.memory_space<vmem>> -> memref<1x80x128xf32, #tpu.memory_space<vmem>>
      %dma_start3A_358 = tpu.memref_squeeze %dma_start3A_357 : memref<1x80x128xf32, #tpu.memory_space<vmem>> -> memref<80x128xf32, #tpu.memory_space<vmem>>
      %dma_start3A_359 = arith.constant 0 : i32
      %dma_start3A_360 = tpu.memref_slice %arg9[%add3A_28, %dma_start3A_359] : memref<10240x128xf32, #tpu.memory_space<vmem_shared>> -> memref<80x128xf32, #tpu.memory_space<vmem_shared>>
      %dma_start3A_361 = arith.constant 0 : i32
      %dma_start3A_362 = tpu.memref_slice %arg9[%add3A_28, %dma_start3A_361] : memref<10240x128xf32, #tpu.memory_space<vmem_shared>> -> memref<80x128xf32, #tpu.memory_space<vmem_shared>>
      %dma_start3A_363 = arith.constant 0 : i32
      %dma_start3A_364 = arith.constant 0 : i32
      %dma_start3A_365 = tpu.memref_slice %arg8[%run_scoped3A_29, %dma_start3A_363, %dma_start3A_364] : memref<2x80x128xf32, #tpu.memory_space<vmem>> -> memref<1x80x128xf32, #tpu.memory_space<vmem>>
      %dma_start3A_366 = tpu.memref_squeeze %dma_start3A_365 : memref<1x80x128xf32, #tpu.memory_space<vmem>> -> memref<80x128xf32, #tpu.memory_space<vmem>>
      tpu.enqueue_dma source(%dma_start3A_366 : memref<80x128xf32, #tpu.memory_space<vmem>>) target(%dma_start3A_362 : memref<80x128xf32, #tpu.memory_space<vmem_shared>>) target_semaphore(%run_scoped3A_354 : memref<!tpu.dma_semaphore, #tpu.memory_space<semaphore_mem>>)
      %dma_wait3A_367 = arith.constant 0 : i32
      %dma_wait3A_368 = arith.constant 0 : i32
      %dma_wait3A_369 = tpu.memref_slice %arg8[%run_scoped3A_29, %dma_wait3A_367, %dma_wait3A_368] : memref<2x80x128xf32, #tpu.memory_space<vmem>> -> memref<1x80x128xf32, #tpu.memory_space<vmem>>
      %dma_wait3A_370 = tpu.memref_squeeze %dma_wait3A_369 : memref<1x80x128xf32, #tpu.memory_space<vmem>> -> memref<80x128xf32, #tpu.memory_space<vmem>>
      %dma_wait3A_371 = arith.constant 0 : i32
      %dma_wait3A_372 = tpu.memref_slice %arg9[%add3A_28, %dma_wait3A_371] : memref<10240x128xf32, #tpu.memory_space<vmem_shared>> -> memref<80x128xf32, #tpu.memory_space<vmem_shared>>
      %dma_wait3A_373 = arith.constant 0 : i32
      %dma_wait3A_374 = tpu.memref_slice %arg9[%add3A_28, %dma_wait3A_373] : memref<10240x128xf32, #tpu.memory_space<vmem_shared>> -> memref<80x128xf32, #tpu.memory_space<vmem_shared>>
      %dma_wait3A_375 = arith.constant 0 : i32
      %dma_wait3A_376 = arith.constant 0 : i32
      %dma_wait3A_377 = tpu.memref_slice %arg8[%run_scoped3A_29, %dma_wait3A_375, %dma_wait3A_376] : memref<2x80x128xf32, #tpu.memory_space<vmem>> -> memref<1x80x128xf32, #tpu.memory_space<vmem>>
      %dma_wait3A_378 = tpu.memref_squeeze %dma_wait3A_377 : memref<1x80x128xf32, #tpu.memory_space<vmem>> -> memref<80x128xf32, #tpu.memory_space<vmem>>
      tpu.wait_dma2 semaphore(%run_scoped3A_354 : memref<!tpu.dma_semaphore, #tpu.memory_space<semaphore_mem>>) src(%dma_wait3A_378 : memref<80x128xf32, #tpu.memory_space<vmem>>) dst(%dma_wait3A_374 : memref<80x128xf32, #tpu.memory_space<vmem_shared>>)
      tpu.yield
    }) : () -> ()
    %barrier3A = arith.constant 0 : index
    tpu.barrier barrier_id(%barrier3A)
    "tpu.region"() ({
      %run_scoped3A_354 = tpu.sem_alloc : memref<!tpu.dma_semaphore, #tpu.memory_space<semaphore_mem>>
      %dma_start3A_355 = arith.constant 0 : i32
      %dma_start3A_356 = tpu.memref_slice %arg3[%arg0, %arg1, %dma_start3A_355] : memref<2x16x10000xi32, #tpu.memory_space<hbm>> -> memref<1x1x10000xi32, #tpu.memory_space<hbm>>
      %dma_start3A_357 = tpu.memref_squeeze %dma_start3A_356 : memref<1x1x10000xi32, #tpu.memory_space<hbm>> -> memref<10000xi32, #tpu.memory_space<hbm>>
      %dma_start3A_358 = arith.constant 0 : i32
      %dma_start3A_359 = tpu.memref_slice %arg3[%arg0, %arg1, %dma_start3A_358] : memref<2x16x10000xi32, #tpu.memory_space<hbm>> -> memref<1x1x10000xi32, #tpu.memory_space<hbm>>
      %dma_start3A_360 = tpu.memref_squeeze %dma_start3A_359 : memref<1x1x10000xi32, #tpu.memory_space<hbm>> -> memref<10000xi32, #tpu.memory_space<hbm>>
      tpu.enqueue_dma source(%dma_start3A_360 : memref<10000xi32, #tpu.memory_space<hbm>>) target(%arg6 : memref<10000xi32, #tpu.memory_space<vmem>>) target_semaphore(%run_scoped3A_354 : memref<!tpu.dma_semaphore, #tpu.memory_space<semaphore_mem>>)
      %dma_wait3A_361 = arith.constant 0 : i32
      %dma_wait3A_362 = tpu.memref_slice %arg3[%arg0, %arg1, %dma_wait3A_361] : memref<2x16x10000xi32, #tpu.memory_space<hbm>> -> memref<1x1x10000xi32, #tpu.memory_space<hbm>>
      %dma_wait3A_363 = tpu.memref_squeeze %dma_wait3A_362 : memref<1x1x10000xi32, #tpu.memory_space<hbm>> -> memref<10000xi32, #tpu.memory_space<hbm>>
      %dma_wait3A_364 = arith.constant 0 : i32
      %dma_wait3A_365 = tpu.memref_slice %arg3[%arg0, %arg1, %dma_wait3A_364] : memref<2x16x10000xi32, #tpu.memory_space<hbm>> -> memref<1x1x10000xi32, #tpu.memory_space<hbm>>
      %dma_wait3A_366 = tpu.memref_squeeze %dma_wait3A_365 : memref<1x1x10000xi32, #tpu.memory_space<hbm>> -> memref<10000xi32, #tpu.memory_space<hbm>>
      tpu.wait_dma2 semaphore(%run_scoped3A_354 : memref<!tpu.dma_semaphore, #tpu.memory_space<semaphore_mem>>) src(%dma_wait3A_366 : memref<10000xi32, #tpu.memory_space<hbm>>) dst(%arg6 : memref<10000xi32, #tpu.memory_space<vmem>>)
      tpu.yield
    }) : () -> ()
    "tpu.region"() ({
      %run_scoped3A_354 = tpu.sem_alloc : memref<!tpu.dma_semaphore, #tpu.memory_space<semaphore_mem>>
      %dma_start3A_355 = arith.constant 0 : i32
      %dma_start3A_356 = arith.constant 0 : i32
      %dma_start3A_357 = tpu.memref_slice %arg4[%arg0, %arg1, %dma_start3A_355, %dma_start3A_356] : memref<2x16x125x80xi32, #tpu.memory_space<hbm>> -> memref<1x1x125x80xi32, #tpu.memory_space<hbm>>
      %dma_start3A_358 = tpu.memref_squeeze %dma_start3A_357 : memref<1x1x125x80xi32, #tpu.memory_space<hbm>> -> memref<125x80xi32, #tpu.memory_space<hbm>>
      %dma_start3A_359 = arith.constant 0 : i32
      %dma_start3A_360 = arith.constant 0 : i32
      %dma_start3A_361 = tpu.memref_slice %arg4[%arg0, %arg1, %dma_start3A_359, %dma_start3A_360] : memref<2x16x125x80xi32, #tpu.memory_space<hbm>> -> memref<1x1x125x80xi32, #tpu.memory_space<hbm>>
      %dma_start3A_362 = tpu.memref_squeeze %dma_start3A_361 : memref<1x1x125x80xi32, #tpu.memory_space<hbm>> -> memref<125x80xi32, #tpu.memory_space<hbm>>
      tpu.enqueue_dma source(%dma_start3A_362 : memref<125x80xi32, #tpu.memory_space<hbm>>) target(%arg7 : memref<125x80xi32, #tpu.memory_space<vmem>>) target_semaphore(%run_scoped3A_354 : memref<!tpu.dma_semaphore, #tpu.memory_space<semaphore_mem>>)
      %dma_wait3A_363 = arith.constant 0 : i32
      %dma_wait3A_364 = arith.constant 0 : i32
      %dma_wait3A_365 = tpu.memref_slice %arg4[%arg0, %arg1, %dma_wait3A_363, %dma_wait3A_364] : memref<2x16x125x80xi32, #tpu.memory_space<hbm>> -> memref<1x1x125x80xi32, #tpu.memory_space<hbm>>
      %dma_wait3A_366 = tpu.memref_squeeze %dma_wait3A_365 : memref<1x1x125x80xi32, #tpu.memory_space<hbm>> -> memref<125x80xi32, #tpu.memory_space<hbm>>
      %dma_wait3A_367 = arith.constant 0 : i32
      %dma_wait3A_368 = arith.constant 0 : i32
      %dma_wait3A_369 = tpu.memref_slice %arg4[%arg0, %arg1, %dma_wait3A_367, %dma_wait3A_368] : memref<2x16x125x80xi32, #tpu.memory_space<hbm>> -> memref<1x1x125x80xi32, #tpu.memory_space<hbm>>
      %dma_wait3A_370 = tpu.memref_squeeze %dma_wait3A_369 : memref<1x1x125x80xi32, #tpu.memory_space<hbm>> -> memref<125x80xi32, #tpu.memory_space<hbm>>
      tpu.wait_dma2 semaphore(%run_scoped3A_354 : memref<!tpu.dma_semaphore, #tpu.memory_space<semaphore_mem>>) src(%dma_wait3A_370 : memref<125x80xi32, #tpu.memory_space<hbm>>) dst(%arg7 : memref<125x80xi32, #tpu.memory_space<vmem>>)
      tpu.yield
    }) : () -> ()
    %multiple_of3A = arith.constant 0 : i32
    %multiple_of3A_30 = tpu.assume_multiple %multiple_of3A, 80 : i32
    %dma_start3A = arith.constant 0 : i32
    %dma_start3A_31 = arith.constant 0 : i32
    %dma_start3A_32 = arith.constant 0 : i32
    %dma_start3A_33 = tpu.memref_slice %arg8[%dma_start3A, %dma_start3A_31, %dma_start3A_32] : memref<2x80x128xf32, #tpu.memory_space<vmem>> -> memref<1x80x128xf32, #tpu.memory_space<vmem>>
    %dma_start3A_34 = tpu.memref_squeeze %dma_start3A_33 : memref<1x80x128xf32, #tpu.memory_space<vmem>> -> memref<80x128xf32, #tpu.memory_space<vmem>>
    %dma_start3A_35 = tpu.memref_slice %arg6[%multiple_of3A_30] : memref<10000xi32, #tpu.memory_space<vmem>> -> memref<80xi32, #tpu.memory_space<vmem>>
    %dma_start3A_36 = arith.constant 0 : i32
    %dma_start3A_37 = arith.constant 0 : i32
    %dma_start3A_38 = tpu.memref_slice %arg2[%dma_start3A_36, %dma_start3A_37] : memref<10000x128xf32, #tpu.memory_space<hbm>> -> memref<10000x128xf32, #tpu.memory_space<hbm>>
    tpu.enqueue_indirect_dma source(%dma_start3A_38 : memref<10000x128xf32, #tpu.memory_space<hbm>>) target(%dma_start3A_34 : memref<80x128xf32, #tpu.memory_space<vmem>>) offsets(%dma_start3A_35 : memref<80xi32, #tpu.memory_space<vmem>>) semaphore(%arg10 : memref<!tpu.dma_semaphore, #tpu.memory_space<semaphore_mem>>)
    %scan3A_39 = arith.constant 0 : i32
    %scan3A_40 = arith.constant 0 : i32
    %scan3A_41 = arith.constant 125 : i32
    %scan3A_42 = arith.addi %scan3A_40, %scan3A_41 : i32
    %scan3A_43 = arith.constant 1 : i32
    %scan3A_44 = scf.for %scan3A_354 = %scan3A_40 to %scan3A_42 step %scan3A_43 iter_args(%scan3A_355 = %scan3A_39) -> (i32)  : i32 {
      %rem3A = arith.constant 2 : i32
      %rem3A_356 = arith.remsi %scan3A_354, %rem3A : i32
      %mul3A_357 = arith.constant 80 : i32
      %mul3A_358 = arith.muli %scan3A_354, %mul3A_357 : i32
      %multiple_of3A_359 = tpu.assume_multiple %mul3A_358, 80 : i32
      %dma_wait3A_360 = arith.constant 0 : i32
      %dma_wait3A_361 = arith.constant 0 : i32
      %dma_wait3A_362 = tpu.memref_slice %arg8[%rem3A_356, %dma_wait3A_360, %dma_wait3A_361] : memref<2x80x128xf32, #tpu.memory_space<vmem>> -> memref<1x80x128xf32, #tpu.memory_space<vmem>>
      %dma_wait3A_363 = tpu.memref_squeeze %dma_wait3A_362 : memref<1x80x128xf32, #tpu.memory_space<vmem>> -> memref<80x128xf32, #tpu.memory_space<vmem>>
      %dma_wait3A_364 = tpu.memref_slice %arg6[%multiple_of3A_359] : memref<10000xi32, #tpu.memory_space<vmem>> -> memref<80xi32, #tpu.memory_space<vmem>>
      %dma_wait3A_365 = arith.constant 0 : i32
      %dma_wait3A_366 = arith.constant 0 : i32
      %dma_wait3A_367 = tpu.memref_slice %arg2[%dma_wait3A_365, %dma_wait3A_366] : memref<10000x128xf32, #tpu.memory_space<hbm>> -> memref<10000x128xf32, #tpu.memory_space<hbm>>
      tpu.wait_indirect_dma semaphore(%arg10 : memref<!tpu.dma_semaphore, #tpu.memory_space<semaphore_mem>>) src(%dma_wait3A_367 : memref<10000x128xf32, #tpu.memory_space<hbm>>) dst(%dma_wait3A_363 : memref<80x128xf32, #tpu.memory_space<vmem>>)
      %ge3A = arith.constant 1 : i32
      %ge3A_368 = arith.cmpi sge, %scan3A_354, %ge3A : i32
      %convert_element_type3A = arith.extui %ge3A_368 : i1 to i32
      %cond3A = arith.constant 0 : i32
      %cond3A_369 = arith.cmpi ne, %convert_element_type3A, %cond3A : i32
      scf.if %cond3A_369 {
        %sub3A = arith.constant 1 : i32
        %sub3A_387 = arith.subi %scan3A_354, %sub3A : i32
        %sub3A_388 = arith.constant 1 : i32
        %sub3A_389 = arith.subi %sub3A_388, %rem3A_356 : i32
        %dma_wait3A_390 = arith.constant 0 : i32
        %dma_wait3A_391 = arith.constant 0 : i32
        %dma_wait3A_392 = tpu.memref_slice %arg8[%sub3A_389, %dma_wait3A_390, %dma_wait3A_391] : memref<2x80x128xf32, #tpu.memory_space<vmem>> -> memref<1x80x128xf32, #tpu.memory_space<vmem>>
        %dma_wait3A_393 = tpu.memref_squeeze %dma_wait3A_392 : memref<1x80x128xf32, #tpu.memory_space<vmem>> -> memref<80x128xf32, #tpu.memory_space<vmem>>
        %dma_wait3A_394 = arith.constant 0 : i32
        %dma_wait3A_395 = tpu.memref_slice %arg7[%sub3A_387, %dma_wait3A_394] : memref<125x80xi32, #tpu.memory_space<vmem>> -> memref<1x80xi32, #tpu.memory_space<vmem>>
        %dma_wait3A_396 = tpu.memref_squeeze %dma_wait3A_395 : memref<1x80xi32, #tpu.memory_space<vmem>> -> memref<80xi32, #tpu.memory_space<vmem>>
        %dma_wait3A_397 = arith.constant 0 : i32
        %dma_wait3A_398 = arith.constant 0 : i32
        %dma_wait3A_399 = tpu.memref_slice %arg9[%dma_wait3A_397, %dma_wait3A_398] : memref<10240x128xf32, #tpu.memory_space<vmem_shared>> -> memref<10240x128xf32, #tpu.memory_space<vmem_shared>>
        tpu.wait_indirect_dma semaphore(%arg11 : memref<!tpu.dma_semaphore, #tpu.memory_space<semaphore_mem>>) src(%dma_wait3A_393 : memref<80x128xf32, #tpu.memory_space<vmem>>) dst(%dma_wait3A_399 : memref<10240x128xf32, #tpu.memory_space<vmem_shared>>)
      } else {
      }
      %add3A_370 = arith.constant 1 : i32
      %add3A_371 = arith.addi %scan3A_354, %add3A_370 : i32
      %lt3A = arith.constant 125 : i32
      %lt3A_372 = arith.cmpi slt, %add3A_371, %lt3A : i32
      %convert_element_type3A_373 = arith.extui %lt3A_372 : i1 to i32
      %cond3A_374 = arith.constant 0 : i32
      %cond3A_375 = arith.cmpi ne, %convert_element_type3A_373, %cond3A_374 : i32
      scf.if %cond3A_375 {
        %add3A_387 = arith.constant 1 : i32
        %add3A_388 = arith.addi %scan3A_354, %add3A_387 : i32
        %sub3A = arith.constant 1 : i32
        %sub3A_389 = arith.subi %sub3A, %rem3A_356 : i32
        %mul3A_390 = arith.constant 80 : i32
        %mul3A_391 = arith.muli %add3A_388, %mul3A_390 : i32
        %multiple_of3A_392 = tpu.assume_multiple %mul3A_391, 80 : i32
        %dma_start3A_393 = arith.constant 0 : i32
        %dma_start3A_394 = arith.constant 0 : i32
        %dma_start3A_395 = tpu.memref_slice %arg8[%sub3A_389, %dma_start3A_393, %dma_start3A_394] : memref<2x80x128xf32, #tpu.memory_space<vmem>> -> memref<1x80x128xf32, #tpu.memory_space<vmem>>
        %dma_start3A_396 = tpu.memref_squeeze %dma_start3A_395 : memref<1x80x128xf32, #tpu.memory_space<vmem>> -> memref<80x128xf32, #tpu.memory_space<vmem>>
        %dma_start3A_397 = tpu.memref_slice %arg6[%multiple_of3A_392] : memref<10000xi32, #tpu.memory_space<vmem>> -> memref<80xi32, #tpu.memory_space<vmem>>
        %dma_start3A_398 = arith.constant 0 : i32
        %dma_start3A_399 = arith.constant 0 : i32
        %dma_start3A_400 = tpu.memref_slice %arg2[%dma_start3A_398, %dma_start3A_399] : memref<10000x128xf32, #tpu.memory_space<hbm>> -> memref<10000x128xf32, #tpu.memory_space<hbm>>
        tpu.enqueue_indirect_dma source(%dma_start3A_400 : memref<10000x128xf32, #tpu.memory_space<hbm>>) target(%dma_start3A_396 : memref<80x128xf32, #tpu.memory_space<vmem>>) offsets(%dma_start3A_397 : memref<80xi32, #tpu.memory_space<vmem>>) semaphore(%arg10 : memref<!tpu.dma_semaphore, #tpu.memory_space<semaphore_mem>>)
      } else {
      }
      %dma_start3A_376 = arith.constant 0 : i32
      %dma_start3A_377 = arith.constant 0 : i32
      %dma_start3A_378 = tpu.memref_slice %arg8[%rem3A_356, %dma_start3A_376, %dma_start3A_377] : memref<2x80x128xf32, #tpu.memory_space<vmem>> -> memref<1x80x128xf32, #tpu.memory_space<vmem>>
      %dma_start3A_379 = tpu.memref_squeeze %dma_start3A_378 : memref<1x80x128xf32, #tpu.memory_space<vmem>> -> memref<80x128xf32, #tpu.memory_space<vmem>>
      %dma_start3A_380 = arith.constant 0 : i32
      %dma_start3A_381 = tpu.memref_slice %arg7[%scan3A_354, %dma_start3A_380] : memref<125x80xi32, #tpu.memory_space<vmem>> -> memref<1x80xi32, #tpu.memory_space<vmem>>
      %dma_start3A_382 = tpu.memref_squeeze %dma_start3A_381 : memref<1x80xi32, #tpu.memory_space<vmem>> -> memref<80xi32, #tpu.memory_space<vmem>>
      %dma_start3A_383 = arith.constant 0 : i32
      %dma_start3A_384 = arith.constant 0 : i32
      %dma_start3A_385 = tpu.memref_slice %arg9[%dma_start3A_383, %dma_start3A_384] : memref<10240x128xf32, #tpu.memory_space<vmem_shared>> -> memref<10240x128xf32, #tpu.memory_space<vmem_shared>>
      tpu.enqueue_indirect_dma source(%dma_start3A_379 : memref<80x128xf32, #tpu.memory_space<vmem>>) target(%dma_start3A_385 : memref<10240x128xf32, #tpu.memory_space<vmem_shared>>) offsets(%dma_start3A_382 : memref<80xi32, #tpu.memory_space<vmem>>) semaphore(%arg11 : memref<!tpu.dma_semaphore, #tpu.memory_space<semaphore_mem>>) {add = true}
      %scan3A_386 = arith.constant 0 : i32
      scf.yield %scan3A_386 : i32
    }
    %scan3A_45 = arith.constant 125 : i32
    %dma_wait3A = arith.constant 0 : i32
    %dma_wait3A_46 = arith.constant 124 : i32
    %dma_wait3A_47 = arith.constant 0 : i32
    %dma_wait3A_48 = arith.constant 0 : i32
    %dma_wait3A_49 = tpu.memref_slice %arg8[%dma_wait3A, %dma_wait3A_47, %dma_wait3A_48] : memref<2x80x128xf32, #tpu.memory_space<vmem>> -> memref<1x80x128xf32, #tpu.memory_space<vmem>>
    %dma_wait3A_50 = tpu.memref_squeeze %dma_wait3A_49 : memref<1x80x128xf32, #tpu.memory_space<vmem>> -> memref<80x128xf32, #tpu.memory_space<vmem>>
    %dma_wait3A_51 = arith.constant 0 : i32
    %dma_wait3A_52 = tpu.memref_slice %arg7[%dma_wait3A_46, %dma_wait3A_51] : memref<125x80xi32, #tpu.memory_space<vmem>> -> memref<1x80xi32, #tpu.memory_space<vmem>>
    %dma_wait3A_53 = tpu.memref_squeeze %dma_wait3A_52 : memref<1x80xi32, #tpu.memory_space<vmem>> -> memref<80xi32, #tpu.memory_space<vmem>>
    %dma_wait3A_54 = arith.constant 0 : i32
    %dma_wait3A_55 = arith.constant 0 : i32
    %dma_wait3A_56 = tpu.memref_slice %arg9[%dma_wait3A_54, %dma_wait3A_55] : memref<10240x128xf32, #tpu.memory_space<vmem_shared>> -> memref<10240x128xf32, #tpu.memory_space<vmem_shared>>
    tpu.wait_indirect_dma semaphore(%arg11 : memref<!tpu.dma_semaphore, #tpu.memory_space<semaphore_mem>>) src(%dma_wait3A_50 : memref<80x128xf32, #tpu.memory_space<vmem>>) dst(%dma_wait3A_56 : memref<10240x128xf32, #tpu.memory_space<vmem_shared>>)
    %barrier3A_57 = arith.constant 0 : index
    tpu.barrier barrier_id(%barrier3A_57)
    %add3A_58 = arith.constant 0 : i32
    %add3A_59 = arith.addi %mul3A_7, %add3A_58 : i32
    %run_scoped3A_60 = arith.constant 0 : i32
    "tpu.region"() ({
      %run_scoped3A_354 = tpu.sem_alloc : memref<!tpu.dma_semaphore, #tpu.memory_space<semaphore_mem>>
      %dma_start3A_355 = arith.constant 0 : i32
      %dma_start3A_356 = arith.constant 0 : i32
      %dma_start3A_357 = tpu.memref_slice %arg8[%run_scoped3A_60, %dma_start3A_355, %dma_start3A_356] : memref<2x80x128xf32, #tpu.memory_space<vmem>> -> memref<1x80x128xf32, #tpu.memory_space<vmem>>
      %dma_start3A_358 = tpu.memref_squeeze %dma_start3A_357 : memref<1x80x128xf32, #tpu.memory_space<vmem>> -> memref<80x128xf32, #tpu.memory_space<vmem>>
      %dma_start3A_359 = arith.constant 0 : i32
      %dma_start3A_360 = tpu.memref_slice %arg9[%add3A_59, %dma_start3A_359] : memref<10240x128xf32, #tpu.memory_space<vmem_shared>> -> memref<80x128xf32, #tpu.memory_space<vmem_shared>>
      %dma_start3A_361 = arith.constant 0 : i32
      %dma_start3A_362 = arith.constant 0 : i32
      %dma_start3A_363 = tpu.memref_slice %arg8[%run_scoped3A_60, %dma_start3A_361, %dma_start3A_362] : memref<2x80x128xf32, #tpu.memory_space<vmem>> -> memref<1x80x128xf32, #tpu.memory_space<vmem>>
      %dma_start3A_364 = tpu.memref_squeeze %dma_start3A_363 : memref<1x80x128xf32, #tpu.memory_space<vmem>> -> memref<80x128xf32, #tpu.memory_space<vmem>>
      %dma_start3A_365 = arith.constant 0 : i32
      %dma_start3A_366 = tpu.memref_slice %arg9[%add3A_59, %dma_start3A_365] : memref<10240x128xf32, #tpu.memory_space<vmem_shared>> -> memref<80x128xf32, #tpu.memory_space<vmem_shared>>
      tpu.enqueue_dma source(%dma_start3A_366 : memref<80x128xf32, #tpu.memory_space<vmem_shared>>) target(%dma_start3A_364 : memref<80x128xf32, #tpu.memory_space<vmem>>) target_semaphore(%run_scoped3A_354 : memref<!tpu.dma_semaphore, #tpu.memory_space<semaphore_mem>>)
      %dma_wait3A_367 = arith.constant 0 : i32
      %dma_wait3A_368 = arith.constant 0 : i32
      %dma_wait3A_369 = tpu.memref_slice %arg8[%run_scoped3A_60, %dma_wait3A_367, %dma_wait3A_368] : memref<2x80x128xf32, #tpu.memory_space<vmem>> -> memref<1x80x128xf32, #tpu.memory_space<vmem>>
      %dma_wait3A_370 = tpu.memref_squeeze %dma_wait3A_369 : memref<1x80x128xf32, #tpu.memory_space<vmem>> -> memref<80x128xf32, #tpu.memory_space<vmem>>
      %dma_wait3A_371 = arith.constant 0 : i32
      %dma_wait3A_372 = tpu.memref_slice %arg9[%add3A_59, %dma_wait3A_371] : memref<10240x128xf32, #tpu.memory_space<vmem_shared>> -> memref<80x128xf32, #tpu.memory_space<vmem_shared>>
      %dma_wait3A_373 = arith.constant 0 : i32
      %dma_wait3A_374 = arith.constant 0 : i32
      %dma_wait3A_375 = tpu.memref_slice %arg8[%run_scoped3A_60, %dma_wait3A_373, %dma_wait3A_374] : memref<2x80x128xf32, #tpu.memory_space<vmem>> -> memref<1x80x128xf32, #tpu.memory_space<vmem>>
      %dma_wait3A_376 = tpu.memref_squeeze %dma_wait3A_375 : memref<1x80x128xf32, #tpu.memory_space<vmem>> -> memref<80x128xf32, #tpu.memory_space<vmem>>
      %dma_wait3A_377 = arith.constant 0 : i32
      %dma_wait3A_378 = tpu.memref_slice %arg9[%add3A_59, %dma_wait3A_377] : memref<10240x128xf32, #tpu.memory_space<vmem_shared>> -> memref<80x128xf32, #tpu.memory_space<vmem_shared>>
      tpu.wait_dma2 semaphore(%run_scoped3A_354 : memref<!tpu.dma_semaphore, #tpu.memory_space<semaphore_mem>>) src(%dma_wait3A_378 : memref<80x128xf32, #tpu.memory_space<vmem_shared>>) dst(%dma_wait3A_376 : memref<80x128xf32, #tpu.memory_space<vmem>>)
      tpu.yield
    }) : () -> ()
    %add3A_61 = arith.constant 0 : i32
    %add3A_62 = arith.addi %mul3A_7, %add3A_61 : i32
    %dma_start3A_63 = arith.constant 0 : i32
    %dma_start3A_64 = arith.constant 0 : i32
    %dma_start3A_65 = arith.constant 0 : i32
    %dma_start3A_66 = tpu.memref_slice %arg8[%dma_start3A_63, %dma_start3A_64, %dma_start3A_65] : memref<2x80x128xf32, #tpu.memory_space<vmem>> -> memref<1x80x128xf32, #tpu.memory_space<vmem>>
    %dma_start3A_67 = tpu.memref_squeeze %dma_start3A_66 : memref<1x80x128xf32, #tpu.memory_space<vmem>> -> memref<80x128xf32, #tpu.memory_space<vmem>>
    %dma_start3A_68 = arith.constant 0 : i32
    %dma_start3A_69 = tpu.memref_slice %arg5[%arg0, %add3A_62, %dma_start3A_68] : memref<2x10240x128xf32, #tpu.memory_space<hbm>> -> memref<1x80x128xf32, #tpu.memory_space<hbm>>
    %dma_start3A_70 = tpu.memref_squeeze %dma_start3A_69 : memref<1x80x128xf32, #tpu.memory_space<hbm>> -> memref<80x128xf32, #tpu.memory_space<hbm>>
    %dma_start3A_71 = arith.constant 0 : i32
    %dma_start3A_72 = tpu.memref_slice %arg5[%arg0, %add3A_62, %dma_start3A_71] : memref<2x10240x128xf32, #tpu.memory_space<hbm>> -> memref<1x80x128xf32, #tpu.memory_space<hbm>>
    %dma_start3A_73 = tpu.memref_squeeze %dma_start3A_72 : memref<1x80x128xf32, #tpu.memory_space<hbm>> -> memref<80x128xf32, #tpu.memory_space<hbm>>
    %dma_start3A_74 = arith.constant 0 : i32
    %dma_start3A_75 = arith.constant 0 : i32
    %dma_start3A_76 = tpu.memref_slice %arg8[%dma_start3A_63, %dma_start3A_74, %dma_start3A_75] : memref<2x80x128xf32, #tpu.memory_space<vmem>> -> memref<1x80x128xf32, #tpu.memory_space<vmem>>
    %dma_start3A_77 = tpu.memref_squeeze %dma_start3A_76 : memref<1x80x128xf32, #tpu.memory_space<vmem>> -> memref<80x128xf32, #tpu.memory_space<vmem>>
    tpu.enqueue_dma source(%dma_start3A_77 : memref<80x128xf32, #tpu.memory_space<vmem>>) target(%dma_start3A_73 : memref<80x128xf32, #tpu.memory_space<hbm>>) target_semaphore(%arg11 : memref<!tpu.dma_semaphore, #tpu.memory_space<semaphore_mem>>)
    %add3A_78 = arith.constant 80 : i32
    %add3A_79 = arith.addi %mul3A_7, %add3A_78 : i32
    %run_scoped3A_80 = arith.constant 1 : i32
    "tpu.region"() ({
      %run_scoped3A_354 = tpu.sem_alloc : memref<!tpu.dma_semaphore, #tpu.memory_space<semaphore_mem>>
      %dma_start3A_355 = arith.constant 0 : i32
      %dma_start3A_356 = arith.constant 0 : i32
      %dma_start3A_357 = tpu.memref_slice %arg8[%run_scoped3A_80, %dma_start3A_355, %dma_start3A_356] : memref<2x80x128xf32, #tpu.memory_space<vmem>> -> memref<1x80x128xf32, #tpu.memory_space<vmem>>
      %dma_start3A_358 = tpu.memref_squeeze %dma_start3A_357 : memref<1x80x128xf32, #tpu.memory_space<vmem>> -> memref<80x128xf32, #tpu.memory_space<vmem>>
      %dma_start3A_359 = arith.constant 0 : i32
      %dma_start3A_360 = tpu.memref_slice %arg9[%add3A_79, %dma_start3A_359] : memref<10240x128xf32, #tpu.memory_space<vmem_shared>> -> memref<80x128xf32, #tpu.memory_space<vmem_shared>>
      %dma_start3A_361 = arith.constant 0 : i32
      %dma_start3A_362 = arith.constant 0 : i32
      %dma_start3A_363 = tpu.memref_slice %arg8[%run_scoped3A_80, %dma_start3A_361, %dma_start3A_362] : memref<2x80x128xf32, #tpu.memory_space<vmem>> -> memref<1x80x128xf32, #tpu.memory_space<vmem>>
      %dma_start3A_364 = tpu.memref_squeeze %dma_start3A_363 : memref<1x80x128xf32, #tpu.memory_space<vmem>> -> memref<80x128xf32, #tpu.memory_space<vmem>>
      %dma_start3A_365 = arith.constant 0 : i32
      %dma_start3A_366 = tpu.memref_slice %arg9[%add3A_79, %dma_start3A_365] : memref<10240x128xf32, #tpu.memory_space<vmem_shared>> -> memref<80x128xf32, #tpu.memory_space<vmem_shared>>
      tpu.enqueue_dma source(%dma_start3A_366 : memref<80x128xf32, #tpu.memory_space<vmem_shared>>) target(%dma_start3A_364 : memref<80x128xf32, #tpu.memory_space<vmem>>) target_semaphore(%run_scoped3A_354 : memref<!tpu.dma_semaphore, #tpu.memory_space<semaphore_mem>>)
      %dma_wait3A_367 = arith.constant 0 : i32
      %dma_wait3A_368 = arith.constant 0 : i32
      %dma_wait3A_369 = tpu.memref_slice %arg8[%run_scoped3A_80, %dma_wait3A_367, %dma_wait3A_368] : memref<2x80x128xf32, #tpu.memory_space<vmem>> -> memref<1x80x128xf32, #tpu.memory_space<vmem>>
      %dma_wait3A_370 = tpu.memref_squeeze %dma_wait3A_369 : memref<1x80x128xf32, #tpu.memory_space<vmem>> -> memref<80x128xf32, #tpu.memory_space<vmem>>
      %dma_wait3A_371 = arith.constant 0 : i32
      %dma_wait3A_372 = tpu.memref_slice %arg9[%add3A_79, %dma_wait3A_371] : memref<10240x128xf32, #tpu.memory_space<vmem_shared>> -> memref<80x128xf32, #tpu.memory_space<vmem_shared>>
      %dma_wait3A_373 = arith.constant 0 : i32
      %dma_wait3A_374 = arith.constant 0 : i32
      %dma_wait3A_375 = tpu.memref_slice %arg8[%run_scoped3A_80, %dma_wait3A_373, %dma_wait3A_374] : memref<2x80x128xf32, #tpu.memory_space<vmem>> -> memref<1x80x128xf32, #tpu.memory_space<vmem>>
      %dma_wait3A_376 = tpu.memref_squeeze %dma_wait3A_375 : memref<1x80x128xf32, #tpu.memory_space<vmem>> -> memref<80x128xf32, #tpu.memory_space<vmem>>
      %dma_wait3A_377 = arith.constant 0 : i32
      %dma_wait3A_378 = tpu.memref_slice %arg9[%add3A_79, %dma_wait3A_377] : memref<10240x128xf32, #tpu.memory_space<vmem_shared>> -> memref<80x128xf32, #tpu.memory_space<vmem_shared>>
      tpu.wait_dma2 semaphore(%run_scoped3A_354 : memref<!tpu.dma_semaphore, #tpu.memory_space<semaphore_mem>>) src(%dma_wait3A_378 : memref<80x128xf32, #tpu.memory_space<vmem_shared>>) dst(%dma_wait3A_376 : memref<80x128xf32, #tpu.memory_space<vmem>>)
      tpu.yield
    }) : () -> ()
    %add3A_81 = arith.constant 80 : i32
    %add3A_82 = arith.addi %mul3A_7, %add3A_81 : i32
    %dma_start3A_83 = arith.constant 1 : i32
    %dma_start3A_84 = arith.constant 0 : i32
    %dma_start3A_85 = arith.constant 0 : i32
    %dma_start3A_86 = tpu.memref_slice %arg8[%dma_start3A_83, %dma_start3A_84, %dma_start3A_85] : memref<2x80x128xf32, #tpu.memory_space<vmem>> -> memref<1x80x128xf32, #tpu.memory_space<vmem>>
    %dma_start3A_87 = tpu.memref_squeeze %dma_start3A_86 : memref<1x80x128xf32, #tpu.memory_space<vmem>> -> memref<80x128xf32, #tpu.memory_space<vmem>>
    %dma_start3A_88 = arith.constant 0 : i32
    %dma_start3A_89 = tpu.memref_slice %arg5[%arg0, %add3A_82, %dma_start3A_88] : memref<2x10240x128xf32, #tpu.memory_space<hbm>> -> memref<1x80x128xf32, #tpu.memory_space<hbm>>
    %dma_start3A_90 = tpu.memref_squeeze %dma_start3A_89 : memref<1x80x128xf32, #tpu.memory_space<hbm>> -> memref<80x128xf32, #tpu.memory_space<hbm>>
    %dma_start3A_91 = arith.constant 0 : i32
    %dma_start3A_92 = tpu.memref_slice %arg5[%arg0, %add3A_82, %dma_start3A_91] : memref<2x10240x128xf32, #tpu.memory_space<hbm>> -> memref<1x80x128xf32, #tpu.memory_space<hbm>>
    %dma_start3A_93 = tpu.memref_squeeze %dma_start3A_92 : memref<1x80x128xf32, #tpu.memory_space<hbm>> -> memref<80x128xf32, #tpu.memory_space<hbm>>
    %dma_start3A_94 = arith.constant 0 : i32
    %dma_start3A_95 = arith.constant 0 : i32
    %dma_start3A_96 = tpu.memref_slice %arg8[%dma_start3A_83, %dma_start3A_94, %dma_start3A_95] : memref<2x80x128xf32, #tpu.memory_space<vmem>> -> memref<1x80x128xf32, #tpu.memory_space<vmem>>
    %dma_start3A_97 = tpu.memref_squeeze %dma_start3A_96 : memref<1x80x128xf32, #tpu.memory_space<vmem>> -> memref<80x128xf32, #tpu.memory_space<vmem>>
    tpu.enqueue_dma source(%dma_start3A_97 : memref<80x128xf32, #tpu.memory_space<vmem>>) target(%dma_start3A_93 : memref<80x128xf32, #tpu.memory_space<hbm>>) target_semaphore(%arg11 : memref<!tpu.dma_semaphore, #tpu.memory_space<semaphore_mem>>)
    %add3A_98 = arith.constant 0 : i32
    %add3A_99 = arith.addi %mul3A_7, %add3A_98 : i32
    %dma_wait3A_100 = arith.constant 0 : i32
    %dma_wait3A_101 = arith.constant 0 : i32
    %dma_wait3A_102 = arith.constant 0 : i32
    %dma_wait3A_103 = tpu.memref_slice %arg8[%dma_wait3A_100, %dma_wait3A_101, %dma_wait3A_102] : memref<2x80x128xf32, #tpu.memory_space<vmem>> -> memref<1x80x128xf32, #tpu.memory_space<vmem>>
    %dma_wait3A_104 = tpu.memref_squeeze %dma_wait3A_103 : memref<1x80x128xf32, #tpu.memory_space<vmem>> -> memref<80x128xf32, #tpu.memory_space<vmem>>
    %dma_wait3A_105 = arith.constant 0 : i32
    %dma_wait3A_106 = tpu.memref_slice %arg5[%arg0, %add3A_99, %dma_wait3A_105] : memref<2x10240x128xf32, #tpu.memory_space<hbm>> -> memref<1x80x128xf32, #tpu.memory_space<hbm>>
    %dma_wait3A_107 = tpu.memref_squeeze %dma_wait3A_106 : memref<1x80x128xf32, #tpu.memory_space<hbm>> -> memref<80x128xf32, #tpu.memory_space<hbm>>
    %dma_wait3A_108 = arith.constant 0 : i32
    %dma_wait3A_109 = tpu.memref_slice %arg5[%arg0, %add3A_99, %dma_wait3A_108] : memref<2x10240x128xf32, #tpu.memory_space<hbm>> -> memref<1x80x128xf32, #tpu.memory_space<hbm>>
    %dma_wait3A_110 = tpu.memref_squeeze %dma_wait3A_109 : memref<1x80x128xf32, #tpu.memory_space<hbm>> -> memref<80x128xf32, #tpu.memory_space<hbm>>
    %dma_wait3A_111 = arith.constant 0 : i32
    %dma_wait3A_112 = arith.constant 0 : i32
    %dma_wait3A_113 = tpu.memref_slice %arg8[%dma_wait3A_100, %dma_wait3A_111, %dma_wait3A_112] : memref<2x80x128xf32, #tpu.memory_space<vmem>> -> memref<1x80x128xf32, #tpu.memory_space<vmem>>
    %dma_wait3A_114 = tpu.memref_squeeze %dma_wait3A_113 : memref<1x80x128xf32, #tpu.memory_space<vmem>> -> memref<80x128xf32, #tpu.memory_space<vmem>>
    tpu.wait_dma2 semaphore(%arg11 : memref<!tpu.dma_semaphore, #tpu.memory_space<semaphore_mem>>) src(%dma_wait3A_114 : memref<80x128xf32, #tpu.memory_space<vmem>>) dst(%dma_wait3A_110 : memref<80x128xf32, #tpu.memory_space<hbm>>)
    %add3A_115 = arith.constant 160 : i32
    %add3A_116 = arith.addi %mul3A_7, %add3A_115 : i32
    %run_scoped3A_117 = arith.constant 0 : i32
    "tpu.region"() ({
      %run_scoped3A_354 = tpu.sem_alloc : memref<!tpu.dma_semaphore, #tpu.memory_space<semaphore_mem>>
      %dma_start3A_355 = arith.constant 0 : i32
      %dma_start3A_356 = arith.constant 0 : i32
      %dma_start3A_357 = tpu.memref_slice %arg8[%run_scoped3A_117, %dma_start3A_355, %dma_start3A_356] : memref<2x80x128xf32, #tpu.memory_space<vmem>> -> memref<1x80x128xf32, #tpu.memory_space<vmem>>
      %dma_start3A_358 = tpu.memref_squeeze %dma_start3A_357 : memref<1x80x128xf32, #tpu.memory_space<vmem>> -> memref<80x128xf32, #tpu.memory_space<vmem>>
      %dma_start3A_359 = arith.constant 0 : i32
      %dma_start3A_360 = tpu.memref_slice %arg9[%add3A_116, %dma_start3A_359] : memref<10240x128xf32, #tpu.memory_space<vmem_shared>> -> memref<80x128xf32, #tpu.memory_space<vmem_shared>>
      %dma_start3A_361 = arith.constant 0 : i32
      %dma_start3A_362 = arith.constant 0 : i32
      %dma_start3A_363 = tpu.memref_slice %arg8[%run_scoped3A_117, %dma_start3A_361, %dma_start3A_362] : memref<2x80x128xf32, #tpu.memory_space<vmem>> -> memref<1x80x128xf32, #tpu.memory_space<vmem>>
      %dma_start3A_364 = tpu.memref_squeeze %dma_start3A_363 : memref<1x80x128xf32, #tpu.memory_space<vmem>> -> memref<80x128xf32, #tpu.memory_space<vmem>>
      %dma_start3A_365 = arith.constant 0 : i32
      %dma_start3A_366 = tpu.memref_slice %arg9[%add3A_116, %dma_start3A_365] : memref<10240x128xf32, #tpu.memory_space<vmem_shared>> -> memref<80x128xf32, #tpu.memory_space<vmem_shared>>
      tpu.enqueue_dma source(%dma_start3A_366 : memref<80x128xf32, #tpu.memory_space<vmem_shared>>) target(%dma_start3A_364 : memref<80x128xf32, #tpu.memory_space<vmem>>) target_semaphore(%run_scoped3A_354 : memref<!tpu.dma_semaphore, #tpu.memory_space<semaphore_mem>>)
      %dma_wait3A_367 = arith.constant 0 : i32
      %dma_wait3A_368 = arith.constant 0 : i32
      %dma_wait3A_369 = tpu.memref_slice %arg8[%run_scoped3A_117, %dma_wait3A_367, %dma_wait3A_368] : memref<2x80x128xf32, #tpu.memory_space<vmem>> -> memref<1x80x128xf32, #tpu.memory_space<vmem>>
      %dma_wait3A_370 = tpu.memref_squeeze %dma_wait3A_369 : memref<1x80x128xf32, #tpu.memory_space<vmem>> -> memref<80x128xf32, #tpu.memory_space<vmem>>
      %dma_wait3A_371 = arith.constant 0 : i32
      %dma_wait3A_372 = tpu.memref_slice %arg9[%add3A_116, %dma_wait3A_371] : memref<10240x128xf32, #tpu.memory_space<vmem_shared>> -> memref<80x128xf32, #tpu.memory_space<vmem_shared>>
      %dma_wait3A_373 = arith.constant 0 : i32
      %dma_wait3A_374 = arith.constant 0 : i32
      %dma_wait3A_375 = tpu.memref_slice %arg8[%run_scoped3A_117, %dma_wait3A_373, %dma_wait3A_374] : memref<2x80x128xf32, #tpu.memory_space<vmem>> -> memref<1x80x128xf32, #tpu.memory_space<vmem>>
      %dma_wait3A_376 = tpu.memref_squeeze %dma_wait3A_375 : memref<1x80x128xf32, #tpu.memory_space<vmem>> -> memref<80x128xf32, #tpu.memory_space<vmem>>
      %dma_wait3A_377 = arith.constant 0 : i32
      %dma_wait3A_378 = tpu.memref_slice %arg9[%add3A_116, %dma_wait3A_377] : memref<10240x128xf32, #tpu.memory_space<vmem_shared>> -> memref<80x128xf32, #tpu.memory_space<vmem_shared>>
      tpu.wait_dma2 semaphore(%run_scoped3A_354 : memref<!tpu.dma_semaphore, #tpu.memory_space<semaphore_mem>>) src(%dma_wait3A_378 : memref<80x128xf32, #tpu.memory_space<vmem_shared>>) dst(%dma_wait3A_376 : memref<80x128xf32, #tpu.memory_space<vmem>>)
      tpu.yield
    }) : () -> ()
    %add3A_118 = arith.constant 160 : i32
    %add3A_119 = arith.addi %mul3A_7, %add3A_118 : i32
    %dma_start3A_120 = arith.constant 0 : i32
    %dma_start3A_121 = arith.constant 0 : i32
    %dma_start3A_122 = arith.constant 0 : i32
    %dma_start3A_123 = tpu.memref_slice %arg8[%dma_start3A_120, %dma_start3A_121, %dma_start3A_122] : memref<2x80x128xf32, #tpu.memory_space<vmem>> -> memref<1x80x128xf32, #tpu.memory_space<vmem>>
    %dma_start3A_124 = tpu.memref_squeeze %dma_start3A_123 : memref<1x80x128xf32, #tpu.memory_space<vmem>> -> memref<80x128xf32, #tpu.memory_space<vmem>>
    %dma_start3A_125 = arith.constant 0 : i32
    %dma_start3A_126 = tpu.memref_slice %arg5[%arg0, %add3A_119, %dma_start3A_125] : memref<2x10240x128xf32, #tpu.memory_space<hbm>> -> memref<1x80x128xf32, #tpu.memory_space<hbm>>
    %dma_start3A_127 = tpu.memref_squeeze %dma_start3A_126 : memref<1x80x128xf32, #tpu.memory_space<hbm>> -> memref<80x128xf32, #tpu.memory_space<hbm>>
    %dma_start3A_128 = arith.constant 0 : i32
    %dma_start3A_129 = tpu.memref_slice %arg5[%arg0, %add3A_119, %dma_start3A_128] : memref<2x10240x128xf32, #tpu.memory_space<hbm>> -> memref<1x80x128xf32, #tpu.memory_space<hbm>>
    %dma_start3A_130 = tpu.memref_squeeze %dma_start3A_129 : memref<1x80x128xf32, #tpu.memory_space<hbm>> -> memref<80x128xf32, #tpu.memory_space<hbm>>
    %dma_start3A_131 = arith.constant 0 : i32
    %dma_start3A_132 = arith.constant 0 : i32
    %dma_start3A_133 = tpu.memref_slice %arg8[%dma_start3A_120, %dma_start3A_131, %dma_start3A_132] : memref<2x80x128xf32, #tpu.memory_space<vmem>> -> memref<1x80x128xf32, #tpu.memory_space<vmem>>
    %dma_start3A_134 = tpu.memref_squeeze %dma_start3A_133 : memref<1x80x128xf32, #tpu.memory_space<vmem>> -> memref<80x128xf32, #tpu.memory_space<vmem>>
    tpu.enqueue_dma source(%dma_start3A_134 : memref<80x128xf32, #tpu.memory_space<vmem>>) target(%dma_start3A_130 : memref<80x128xf32, #tpu.memory_space<hbm>>) target_semaphore(%arg11 : memref<!tpu.dma_semaphore, #tpu.memory_space<semaphore_mem>>)
    %add3A_135 = arith.constant 80 : i32
    %add3A_136 = arith.addi %mul3A_7, %add3A_135 : i32
    %dma_wait3A_137 = arith.constant 1 : i32
    %dma_wait3A_138 = arith.constant 0 : i32
    %dma_wait3A_139 = arith.constant 0 : i32
    %dma_wait3A_140 = tpu.memref_slice %arg8[%dma_wait3A_137, %dma_wait3A_138, %dma_wait3A_139] : memref<2x80x128xf32, #tpu.memory_space<vmem>> -> memref<1x80x128xf32, #tpu.memory_space<vmem>>
    %dma_wait3A_141 = tpu.memref_squeeze %dma_wait3A_140 : memref<1x80x128xf32, #tpu.memory_space<vmem>> -> memref<80x128xf32, #tpu.memory_space<vmem>>
    %dma_wait3A_142 = arith.constant 0 : i32
    %dma_wait3A_143 = tpu.memref_slice %arg5[%arg0, %add3A_136, %dma_wait3A_142] : memref<2x10240x128xf32, #tpu.memory_space<hbm>> -> memref<1x80x128xf32, #tpu.memory_space<hbm>>
    %dma_wait3A_144 = tpu.memref_squeeze %dma_wait3A_143 : memref<1x80x128xf32, #tpu.memory_space<hbm>> -> memref<80x128xf32, #tpu.memory_space<hbm>>
    %dma_wait3A_145 = arith.constant 0 : i32
    %dma_wait3A_146 = tpu.memref_slice %arg5[%arg0, %add3A_136, %dma_wait3A_145] : memref<2x10240x128xf32, #tpu.memory_space<hbm>> -> memref<1x80x128xf32, #tpu.memory_space<hbm>>
    %dma_wait3A_147 = tpu.memref_squeeze %dma_wait3A_146 : memref<1x80x128xf32, #tpu.memory_space<hbm>> -> memref<80x128xf32, #tpu.memory_space<hbm>>
    %dma_wait3A_148 = arith.constant 0 : i32
    %dma_wait3A_149 = arith.constant 0 : i32
    %dma_wait3A_150 = tpu.memref_slice %arg8[%dma_wait3A_137, %dma_wait3A_148, %dma_wait3A_149] : memref<2x80x128xf32, #tpu.memory_space<vmem>> -> memref<1x80x128xf32, #tpu.memory_space<vmem>>
    %dma_wait3A_151 = tpu.memref_squeeze %dma_wait3A_150 : memref<1x80x128xf32, #tpu.memory_space<vmem>> -> memref<80x128xf32, #tpu.memory_space<vmem>>
    tpu.wait_dma2 semaphore(%arg11 : memref<!tpu.dma_semaphore, #tpu.memory_space<semaphore_mem>>) src(%dma_wait3A_151 : memref<80x128xf32, #tpu.memory_space<vmem>>) dst(%dma_wait3A_147 : memref<80x128xf32, #tpu.memory_space<hbm>>)
    %add3A_152 = arith.constant 240 : i32
    %add3A_153 = arith.addi %mul3A_7, %add3A_152 : i32
    %run_scoped3A_154 = arith.constant 1 : i32
    "tpu.region"() ({
      %run_scoped3A_354 = tpu.sem_alloc : memref<!tpu.dma_semaphore, #tpu.memory_space<semaphore_mem>>
      %dma_start3A_355 = arith.constant 0 : i32
      %dma_start3A_356 = arith.constant 0 : i32
      %dma_start3A_357 = tpu.memref_slice %arg8[%run_scoped3A_154, %dma_start3A_355, %dma_start3A_356] : memref<2x80x128xf32, #tpu.memory_space<vmem>> -> memref<1x80x128xf32, #tpu.memory_space<vmem>>
      %dma_start3A_358 = tpu.memref_squeeze %dma_start3A_357 : memref<1x80x128xf32, #tpu.memory_space<vmem>> -> memref<80x128xf32, #tpu.memory_space<vmem>>
      %dma_start3A_359 = arith.constant 0 : i32
      %dma_start3A_360 = tpu.memref_slice %arg9[%add3A_153, %dma_start3A_359] : memref<10240x128xf32, #tpu.memory_space<vmem_shared>> -> memref<80x128xf32, #tpu.memory_space<vmem_shared>>
      %dma_start3A_361 = arith.constant 0 : i32
      %dma_start3A_362 = arith.constant 0 : i32
      %dma_start3A_363 = tpu.memref_slice %arg8[%run_scoped3A_154, %dma_start3A_361, %dma_start3A_362] : memref<2x80x128xf32, #tpu.memory_space<vmem>> -> memref<1x80x128xf32, #tpu.memory_space<vmem>>
      %dma_start3A_364 = tpu.memref_squeeze %dma_start3A_363 : memref<1x80x128xf32, #tpu.memory_space<vmem>> -> memref<80x128xf32, #tpu.memory_space<vmem>>
      %dma_start3A_365 = arith.constant 0 : i32
      %dma_start3A_366 = tpu.memref_slice %arg9[%add3A_153, %dma_start3A_365] : memref<10240x128xf32, #tpu.memory_space<vmem_shared>> -> memref<80x128xf32, #tpu.memory_space<vmem_shared>>
      tpu.enqueue_dma source(%dma_start3A_366 : memref<80x128xf32, #tpu.memory_space<vmem_shared>>) target(%dma_start3A_364 : memref<80x128xf32, #tpu.memory_space<vmem>>) target_semaphore(%run_scoped3A_354 : memref<!tpu.dma_semaphore, #tpu.memory_space<semaphore_mem>>)
      %dma_wait3A_367 = arith.constant 0 : i32
      %dma_wait3A_368 = arith.constant 0 : i32
      %dma_wait3A_369 = tpu.memref_slice %arg8[%run_scoped3A_154, %dma_wait3A_367, %dma_wait3A_368] : memref<2x80x128xf32, #tpu.memory_space<vmem>> -> memref<1x80x128xf32, #tpu.memory_space<vmem>>
      %dma_wait3A_370 = tpu.memref_squeeze %dma_wait3A_369 : memref<1x80x128xf32, #tpu.memory_space<vmem>> -> memref<80x128xf32, #tpu.memory_space<vmem>>
      %dma_wait3A_371 = arith.constant 0 : i32
      %dma_wait3A_372 = tpu.memref_slice %arg9[%add3A_153, %dma_wait3A_371] : memref<10240x128xf32, #tpu.memory_space<vmem_shared>> -> memref<80x128xf32, #tpu.memory_space<vmem_shared>>
      %dma_wait3A_373 = arith.constant 0 : i32
      %dma_wait3A_374 = arith.constant 0 : i32
      %dma_wait3A_375 = tpu.memref_slice %arg8[%run_scoped3A_154, %dma_wait3A_373, %dma_wait3A_374] : memref<2x80x128xf32, #tpu.memory_space<vmem>> -> memref<1x80x128xf32, #tpu.memory_space<vmem>>
      %dma_wait3A_376 = tpu.memref_squeeze %dma_wait3A_375 : memref<1x80x128xf32, #tpu.memory_space<vmem>> -> memref<80x128xf32, #tpu.memory_space<vmem>>
      %dma_wait3A_377 = arith.constant 0 : i32
      %dma_wait3A_378 = tpu.memref_slice %arg9[%add3A_153, %dma_wait3A_377] : memref<10240x128xf32, #tpu.memory_space<vmem_shared>> -> memref<80x128xf32, #tpu.memory_space<vmem_shared>>
      tpu.wait_dma2 semaphore(%run_scoped3A_354 : memref<!tpu.dma_semaphore, #tpu.memory_space<semaphore_mem>>) src(%dma_wait3A_378 : memref<80x128xf32, #tpu.memory_space<vmem_shared>>) dst(%dma_wait3A_376 : memref<80x128xf32, #tpu.memory_space<vmem>>)
      tpu.yield
    }) : () -> ()
    %add3A_155 = arith.constant 240 : i32
    %add3A_156 = arith.addi %mul3A_7, %add3A_155 : i32
    %dma_start3A_157 = arith.constant 1 : i32
    %dma_start3A_158 = arith.constant 0 : i32
    %dma_start3A_159 = arith.constant 0 : i32
    %dma_start3A_160 = tpu.memref_slice %arg8[%dma_start3A_157, %dma_start3A_158, %dma_start3A_159] : memref<2x80x128xf32, #tpu.memory_space<vmem>> -> memref<1x80x128xf32, #tpu.memory_space<vmem>>
    %dma_start3A_161 = tpu.memref_squeeze %dma_start3A_160 : memref<1x80x128xf32, #tpu.memory_space<vmem>> -> memref<80x128xf32, #tpu.memory_space<vmem>>
    %dma_start3A_162 = arith.constant 0 : i32
    %dma_start3A_163 = tpu.memref_slice %arg5[%arg0, %add3A_156, %dma_start3A_162] : memref<2x10240x128xf32, #tpu.memory_space<hbm>> -> memref<1x80x128xf32, #tpu.memory_space<hbm>>
    %dma_start3A_164 = tpu.memref_squeeze %dma_start3A_163 : memref<1x80x128xf32, #tpu.memory_space<hbm>> -> memref<80x128xf32, #tpu.memory_space<hbm>>
    %dma_start3A_165 = arith.constant 0 : i32
    %dma_start3A_166 = tpu.memref_slice %arg5[%arg0, %add3A_156, %dma_start3A_165] : memref<2x10240x128xf32, #tpu.memory_space<hbm>> -> memref<1x80x128xf32, #tpu.memory_space<hbm>>
    %dma_start3A_167 = tpu.memref_squeeze %dma_start3A_166 : memref<1x80x128xf32, #tpu.memory_space<hbm>> -> memref<80x128xf32, #tpu.memory_space<hbm>>
    %dma_start3A_168 = arith.constant 0 : i32
    %dma_start3A_169 = arith.constant 0 : i32
    %dma_start3A_170 = tpu.memref_slice %arg8[%dma_start3A_157, %dma_start3A_168, %dma_start3A_169] : memref<2x80x128xf32, #tpu.memory_space<vmem>> -> memref<1x80x128xf32, #tpu.memory_space<vmem>>
    %dma_start3A_171 = tpu.memref_squeeze %dma_start3A_170 : memref<1x80x128xf32, #tpu.memory_space<vmem>> -> memref<80x128xf32, #tpu.memory_space<vmem>>
    tpu.enqueue_dma source(%dma_start3A_171 : memref<80x128xf32, #tpu.memory_space<vmem>>) target(%dma_start3A_167 : memref<80x128xf32, #tpu.memory_space<hbm>>) target_semaphore(%arg11 : memref<!tpu.dma_semaphore, #tpu.memory_space<semaphore_mem>>)
    %add3A_172 = arith.constant 160 : i32
    %add3A_173 = arith.addi %mul3A_7, %add3A_172 : i32
    %dma_wait3A_174 = arith.constant 0 : i32
    %dma_wait3A_175 = arith.constant 0 : i32
    %dma_wait3A_176 = arith.constant 0 : i32
    %dma_wait3A_177 = tpu.memref_slice %arg8[%dma_wait3A_174, %dma_wait3A_175, %dma_wait3A_176] : memref<2x80x128xf32, #tpu.memory_space<vmem>> -> memref<1x80x128xf32, #tpu.memory_space<vmem>>
    %dma_wait3A_178 = tpu.memref_squeeze %dma_wait3A_177 : memref<1x80x128xf32, #tpu.memory_space<vmem>> -> memref<80x128xf32, #tpu.memory_space<vmem>>
    %dma_wait3A_179 = arith.constant 0 : i32
    %dma_wait3A_180 = tpu.memref_slice %arg5[%arg0, %add3A_173, %dma_wait3A_179] : memref<2x10240x128xf32, #tpu.memory_space<hbm>> -> memref<1x80x128xf32, #tpu.memory_space<hbm>>
    %dma_wait3A_181 = tpu.memref_squeeze %dma_wait3A_180 : memref<1x80x128xf32, #tpu.memory_space<hbm>> -> memref<80x128xf32, #tpu.memory_space<hbm>>
    %dma_wait3A_182 = arith.constant 0 : i32
    %dma_wait3A_183 = tpu.memref_slice %arg5[%arg0, %add3A_173, %dma_wait3A_182] : memref<2x10240x128xf32, #tpu.memory_space<hbm>> -> memref<1x80x128xf32, #tpu.memory_space<hbm>>
    %dma_wait3A_184 = tpu.memref_squeeze %dma_wait3A_183 : memref<1x80x128xf32, #tpu.memory_space<hbm>> -> memref<80x128xf32, #tpu.memory_space<hbm>>
    %dma_wait3A_185 = arith.constant 0 : i32
    %dma_wait3A_186 = arith.constant 0 : i32
    %dma_wait3A_187 = tpu.memref_slice %arg8[%dma_wait3A_174, %dma_wait3A_185, %dma_wait3A_186] : memref<2x80x128xf32, #tpu.memory_space<vmem>> -> memref<1x80x128xf32, #tpu.memory_space<vmem>>
    %dma_wait3A_188 = tpu.memref_squeeze %dma_wait3A_187 : memref<1x80x128xf32, #tpu.memory_space<vmem>> -> memref<80x128xf32, #tpu.memory_space<vmem>>
    tpu.wait_dma2 semaphore(%arg11 : memref<!tpu.dma_semaphore, #tpu.memory_space<semaphore_mem>>) src(%dma_wait3A_188 : memref<80x128xf32, #tpu.memory_space<vmem>>) dst(%dma_wait3A_184 : memref<80x128xf32, #tpu.memory_space<hbm>>)
    %add3A_189 = arith.constant 320 : i32
    %add3A_190 = arith.addi %mul3A_7, %add3A_189 : i32
    %run_scoped3A_191 = arith.constant 0 : i32
    "tpu.region"() ({
      %run_scoped3A_354 = tpu.sem_alloc : memref<!tpu.dma_semaphore, #tpu.memory_space<semaphore_mem>>
      %dma_start3A_355 = arith.constant 0 : i32
      %dma_start3A_356 = arith.constant 0 : i32
      %dma_start3A_357 = tpu.memref_slice %arg8[%run_scoped3A_191, %dma_start3A_355, %dma_start3A_356] : memref<2x80x128xf32, #tpu.memory_space<vmem>> -> memref<1x80x128xf32, #tpu.memory_space<vmem>>
      %dma_start3A_358 = tpu.memref_squeeze %dma_start3A_357 : memref<1x80x128xf32, #tpu.memory_space<vmem>> -> memref<80x128xf32, #tpu.memory_space<vmem>>
      %dma_start3A_359 = arith.constant 0 : i32
      %dma_start3A_360 = tpu.memref_slice %arg9[%add3A_190, %dma_start3A_359] : memref<10240x128xf32, #tpu.memory_space<vmem_shared>> -> memref<80x128xf32, #tpu.memory_space<vmem_shared>>
      %dma_start3A_361 = arith.constant 0 : i32
      %dma_start3A_362 = arith.constant 0 : i32
      %dma_start3A_363 = tpu.memref_slice %arg8[%run_scoped3A_191, %dma_start3A_361, %dma_start3A_362] : memref<2x80x128xf32, #tpu.memory_space<vmem>> -> memref<1x80x128xf32, #tpu.memory_space<vmem>>
      %dma_start3A_364 = tpu.memref_squeeze %dma_start3A_363 : memref<1x80x128xf32, #tpu.memory_space<vmem>> -> memref<80x128xf32, #tpu.memory_space<vmem>>
      %dma_start3A_365 = arith.constant 0 : i32
      %dma_start3A_366 = tpu.memref_slice %arg9[%add3A_190, %dma_start3A_365] : memref<10240x128xf32, #tpu.memory_space<vmem_shared>> -> memref<80x128xf32, #tpu.memory_space<vmem_shared>>
      tpu.enqueue_dma source(%dma_start3A_366 : memref<80x128xf32, #tpu.memory_space<vmem_shared>>) target(%dma_start3A_364 : memref<80x128xf32, #tpu.memory_space<vmem>>) target_semaphore(%run_scoped3A_354 : memref<!tpu.dma_semaphore, #tpu.memory_space<semaphore_mem>>)
      %dma_wait3A_367 = arith.constant 0 : i32
      %dma_wait3A_368 = arith.constant 0 : i32
      %dma_wait3A_369 = tpu.memref_slice %arg8[%run_scoped3A_191, %dma_wait3A_367, %dma_wait3A_368] : memref<2x80x128xf32, #tpu.memory_space<vmem>> -> memref<1x80x128xf32, #tpu.memory_space<vmem>>
      %dma_wait3A_370 = tpu.memref_squeeze %dma_wait3A_369 : memref<1x80x128xf32, #tpu.memory_space<vmem>> -> memref<80x128xf32, #tpu.memory_space<vmem>>
      %dma_wait3A_371 = arith.constant 0 : i32
      %dma_wait3A_372 = tpu.memref_slice %arg9[%add3A_190, %dma_wait3A_371] : memref<10240x128xf32, #tpu.memory_space<vmem_shared>> -> memref<80x128xf32, #tpu.memory_space<vmem_shared>>
      %dma_wait3A_373 = arith.constant 0 : i32
      %dma_wait3A_374 = arith.constant 0 : i32
      %dma_wait3A_375 = tpu.memref_slice %arg8[%run_scoped3A_191, %dma_wait3A_373, %dma_wait3A_374] : memref<2x80x128xf32, #tpu.memory_space<vmem>> -> memref<1x80x128xf32, #tpu.memory_space<vmem>>
      %dma_wait3A_376 = tpu.memref_squeeze %dma_wait3A_375 : memref<1x80x128xf32, #tpu.memory_space<vmem>> -> memref<80x128xf32, #tpu.memory_space<vmem>>
      %dma_wait3A_377 = arith.constant 0 : i32
      %dma_wait3A_378 = tpu.memref_slice %arg9[%add3A_190, %dma_wait3A_377] : memref<10240x128xf32, #tpu.memory_space<vmem_shared>> -> memref<80x128xf32, #tpu.memory_space<vmem_shared>>
      tpu.wait_dma2 semaphore(%run_scoped3A_354 : memref<!tpu.dma_semaphore, #tpu.memory_space<semaphore_mem>>) src(%dma_wait3A_378 : memref<80x128xf32, #tpu.memory_space<vmem_shared>>) dst(%dma_wait3A_376 : memref<80x128xf32, #tpu.memory_space<vmem>>)
      tpu.yield
    }) : () -> ()
    %add3A_192 = arith.constant 320 : i32
    %add3A_193 = arith.addi %mul3A_7, %add3A_192 : i32
    %dma_start3A_194 = arith.constant 0 : i32
    %dma_start3A_195 = arith.constant 0 : i32
    %dma_start3A_196 = arith.constant 0 : i32
    %dma_start3A_197 = tpu.memref_slice %arg8[%dma_start3A_194, %dma_start3A_195, %dma_start3A_196] : memref<2x80x128xf32, #tpu.memory_space<vmem>> -> memref<1x80x128xf32, #tpu.memory_space<vmem>>
    %dma_start3A_198 = tpu.memref_squeeze %dma_start3A_197 : memref<1x80x128xf32, #tpu.memory_space<vmem>> -> memref<80x128xf32, #tpu.memory_space<vmem>>
    %dma_start3A_199 = arith.constant 0 : i32
    %dma_start3A_200 = tpu.memref_slice %arg5[%arg0, %add3A_193, %dma_start3A_199] : memref<2x10240x128xf32, #tpu.memory_space<hbm>> -> memref<1x80x128xf32, #tpu.memory_space<hbm>>
    %dma_start3A_201 = tpu.memref_squeeze %dma_start3A_200 : memref<1x80x128xf32, #tpu.memory_space<hbm>> -> memref<80x128xf32, #tpu.memory_space<hbm>>
    %dma_start3A_202 = arith.constant 0 : i32
    %dma_start3A_203 = tpu.memref_slice %arg5[%arg0, %add3A_193, %dma_start3A_202] : memref<2x10240x128xf32, #tpu.memory_space<hbm>> -> memref<1x80x128xf32, #tpu.memory_space<hbm>>
    %dma_start3A_204 = tpu.memref_squeeze %dma_start3A_203 : memref<1x80x128xf32, #tpu.memory_space<hbm>> -> memref<80x128xf32, #tpu.memory_space<hbm>>
    %dma_start3A_205 = arith.constant 0 : i32
    %dma_start3A_206 = arith.constant 0 : i32
    %dma_start3A_207 = tpu.memref_slice %arg8[%dma_start3A_194, %dma_start3A_205, %dma_start3A_206] : memref<2x80x128xf32, #tpu.memory_space<vmem>> -> memref<1x80x128xf32, #tpu.memory_space<vmem>>
    %dma_start3A_208 = tpu.memref_squeeze %dma_start3A_207 : memref<1x80x128xf32, #tpu.memory_space<vmem>> -> memref<80x128xf32, #tpu.memory_space<vmem>>
    tpu.enqueue_dma source(%dma_start3A_208 : memref<80x128xf32, #tpu.memory_space<vmem>>) target(%dma_start3A_204 : memref<80x128xf32, #tpu.memory_space<hbm>>) target_semaphore(%arg11 : memref<!tpu.dma_semaphore, #tpu.memory_space<semaphore_mem>>)
    %add3A_209 = arith.constant 240 : i32
    %add3A_210 = arith.addi %mul3A_7, %add3A_209 : i32
    %dma_wait3A_211 = arith.constant 1 : i32
    %dma_wait3A_212 = arith.constant 0 : i32
    %dma_wait3A_213 = arith.constant 0 : i32
    %dma_wait3A_214 = tpu.memref_slice %arg8[%dma_wait3A_211, %dma_wait3A_212, %dma_wait3A_213] : memref<2x80x128xf32, #tpu.memory_space<vmem>> -> memref<1x80x128xf32, #tpu.memory_space<vmem>>
    %dma_wait3A_215 = tpu.memref_squeeze %dma_wait3A_214 : memref<1x80x128xf32, #tpu.memory_space<vmem>> -> memref<80x128xf32, #tpu.memory_space<vmem>>
    %dma_wait3A_216 = arith.constant 0 : i32
    %dma_wait3A_217 = tpu.memref_slice %arg5[%arg0, %add3A_210, %dma_wait3A_216] : memref<2x10240x128xf32, #tpu.memory_space<hbm>> -> memref<1x80x128xf32, #tpu.memory_space<hbm>>
    %dma_wait3A_218 = tpu.memref_squeeze %dma_wait3A_217 : memref<1x80x128xf32, #tpu.memory_space<hbm>> -> memref<80x128xf32, #tpu.memory_space<hbm>>
    %dma_wait3A_219 = arith.constant 0 : i32
    %dma_wait3A_220 = tpu.memref_slice %arg5[%arg0, %add3A_210, %dma_wait3A_219] : memref<2x10240x128xf32, #tpu.memory_space<hbm>> -> memref<1x80x128xf32, #tpu.memory_space<hbm>>
    %dma_wait3A_221 = tpu.memref_squeeze %dma_wait3A_220 : memref<1x80x128xf32, #tpu.memory_space<hbm>> -> memref<80x128xf32, #tpu.memory_space<hbm>>
    %dma_wait3A_222 = arith.constant 0 : i32
    %dma_wait3A_223 = arith.constant 0 : i32
    %dma_wait3A_224 = tpu.memref_slice %arg8[%dma_wait3A_211, %dma_wait3A_222, %dma_wait3A_223] : memref<2x80x128xf32, #tpu.memory_space<vmem>> -> memref<1x80x128xf32, #tpu.memory_space<vmem>>
    %dma_wait3A_225 = tpu.memref_squeeze %dma_wait3A_224 : memref<1x80x128xf32, #tpu.memory_space<vmem>> -> memref<80x128xf32, #tpu.memory_space<vmem>>
    tpu.wait_dma2 semaphore(%arg11 : memref<!tpu.dma_semaphore, #tpu.memory_space<semaphore_mem>>) src(%dma_wait3A_225 : memref<80x128xf32, #tpu.memory_space<vmem>>) dst(%dma_wait3A_221 : memref<80x128xf32, #tpu.memory_space<hbm>>)
    %add3A_226 = arith.constant 400 : i32
    %add3A_227 = arith.addi %mul3A_7, %add3A_226 : i32
    %run_scoped3A_228 = arith.constant 1 : i32
    "tpu.region"() ({
      %run_scoped3A_354 = tpu.sem_alloc : memref<!tpu.dma_semaphore, #tpu.memory_space<semaphore_mem>>
      %dma_start3A_355 = arith.constant 0 : i32
      %dma_start3A_356 = arith.constant 0 : i32
      %dma_start3A_357 = tpu.memref_slice %arg8[%run_scoped3A_228, %dma_start3A_355, %dma_start3A_356] : memref<2x80x128xf32, #tpu.memory_space<vmem>> -> memref<1x80x128xf32, #tpu.memory_space<vmem>>
      %dma_start3A_358 = tpu.memref_squeeze %dma_start3A_357 : memref<1x80x128xf32, #tpu.memory_space<vmem>> -> memref<80x128xf32, #tpu.memory_space<vmem>>
      %dma_start3A_359 = arith.constant 0 : i32
      %dma_start3A_360 = tpu.memref_slice %arg9[%add3A_227, %dma_start3A_359] : memref<10240x128xf32, #tpu.memory_space<vmem_shared>> -> memref<80x128xf32, #tpu.memory_space<vmem_shared>>
      %dma_start3A_361 = arith.constant 0 : i32
      %dma_start3A_362 = arith.constant 0 : i32
      %dma_start3A_363 = tpu.memref_slice %arg8[%run_scoped3A_228, %dma_start3A_361, %dma_start3A_362] : memref<2x80x128xf32, #tpu.memory_space<vmem>> -> memref<1x80x128xf32, #tpu.memory_space<vmem>>
      %dma_start3A_364 = tpu.memref_squeeze %dma_start3A_363 : memref<1x80x128xf32, #tpu.memory_space<vmem>> -> memref<80x128xf32, #tpu.memory_space<vmem>>
      %dma_start3A_365 = arith.constant 0 : i32
      %dma_start3A_366 = tpu.memref_slice %arg9[%add3A_227, %dma_start3A_365] : memref<10240x128xf32, #tpu.memory_space<vmem_shared>> -> memref<80x128xf32, #tpu.memory_space<vmem_shared>>
      tpu.enqueue_dma source(%dma_start3A_366 : memref<80x128xf32, #tpu.memory_space<vmem_shared>>) target(%dma_start3A_364 : memref<80x128xf32, #tpu.memory_space<vmem>>) target_semaphore(%run_scoped3A_354 : memref<!tpu.dma_semaphore, #tpu.memory_space<semaphore_mem>>)
      %dma_wait3A_367 = arith.constant 0 : i32
      %dma_wait3A_368 = arith.constant 0 : i32
      %dma_wait3A_369 = tpu.memref_slice %arg8[%run_scoped3A_228, %dma_wait3A_367, %dma_wait3A_368] : memref<2x80x128xf32, #tpu.memory_space<vmem>> -> memref<1x80x128xf32, #tpu.memory_space<vmem>>
      %dma_wait3A_370 = tpu.memref_squeeze %dma_wait3A_369 : memref<1x80x128xf32, #tpu.memory_space<vmem>> -> memref<80x128xf32, #tpu.memory_space<vmem>>
      %dma_wait3A_371 = arith.constant 0 : i32
      %dma_wait3A_372 = tpu.memref_slice %arg9[%add3A_227, %dma_wait3A_371] : memref<10240x128xf32, #tpu.memory_space<vmem_shared>> -> memref<80x128xf32, #tpu.memory_space<vmem_shared>>
      %dma_wait3A_373 = arith.constant 0 : i32
      %dma_wait3A_374 = arith.constant 0 : i32
      %dma_wait3A_375 = tpu.memref_slice %arg8[%run_scoped3A_228, %dma_wait3A_373, %dma_wait3A_374] : memref<2x80x128xf32, #tpu.memory_space<vmem>> -> memref<1x80x128xf32, #tpu.memory_space<vmem>>
      %dma_wait3A_376 = tpu.memref_squeeze %dma_wait3A_375 : memref<1x80x128xf32, #tpu.memory_space<vmem>> -> memref<80x128xf32, #tpu.memory_space<vmem>>
      %dma_wait3A_377 = arith.constant 0 : i32
      %dma_wait3A_378 = tpu.memref_slice %arg9[%add3A_227, %dma_wait3A_377] : memref<10240x128xf32, #tpu.memory_space<vmem_shared>> -> memref<80x128xf32, #tpu.memory_space<vmem_shared>>
      tpu.wait_dma2 semaphore(%run_scoped3A_354 : memref<!tpu.dma_semaphore, #tpu.memory_space<semaphore_mem>>) src(%dma_wait3A_378 : memref<80x128xf32, #tpu.memory_space<vmem_shared>>) dst(%dma_wait3A_376 : memref<80x128xf32, #tpu.memory_space<vmem>>)
      tpu.yield
    }) : () -> ()
    %add3A_229 = arith.constant 400 : i32
    %add3A_230 = arith.addi %mul3A_7, %add3A_229 : i32
    %dma_start3A_231 = arith.constant 1 : i32
    %dma_start3A_232 = arith.constant 0 : i32
    %dma_start3A_233 = arith.constant 0 : i32
    %dma_start3A_234 = tpu.memref_slice %arg8[%dma_start3A_231, %dma_start3A_232, %dma_start3A_233] : memref<2x80x128xf32, #tpu.memory_space<vmem>> -> memref<1x80x128xf32, #tpu.memory_space<vmem>>
    %dma_start3A_235 = tpu.memref_squeeze %dma_start3A_234 : memref<1x80x128xf32, #tpu.memory_space<vmem>> -> memref<80x128xf32, #tpu.memory_space<vmem>>
    %dma_start3A_236 = arith.constant 0 : i32
    %dma_start3A_237 = tpu.memref_slice %arg5[%arg0, %add3A_230, %dma_start3A_236] : memref<2x10240x128xf32, #tpu.memory_space<hbm>> -> memref<1x80x128xf32, #tpu.memory_space<hbm>>
    %dma_start3A_238 = tpu.memref_squeeze %dma_start3A_237 : memref<1x80x128xf32, #tpu.memory_space<hbm>> -> memref<80x128xf32, #tpu.memory_space<hbm>>
    %dma_start3A_239 = arith.constant 0 : i32
    %dma_start3A_240 = tpu.memref_slice %arg5[%arg0, %add3A_230, %dma_start3A_239] : memref<2x10240x128xf32, #tpu.memory_space<hbm>> -> memref<1x80x128xf32, #tpu.memory_space<hbm>>
    %dma_start3A_241 = tpu.memref_squeeze %dma_start3A_240 : memref<1x80x128xf32, #tpu.memory_space<hbm>> -> memref<80x128xf32, #tpu.memory_space<hbm>>
    %dma_start3A_242 = arith.constant 0 : i32
    %dma_start3A_243 = arith.constant 0 : i32
    %dma_start3A_244 = tpu.memref_slice %arg8[%dma_start3A_231, %dma_start3A_242, %dma_start3A_243] : memref<2x80x128xf32, #tpu.memory_space<vmem>> -> memref<1x80x128xf32, #tpu.memory_space<vmem>>
    %dma_start3A_245 = tpu.memref_squeeze %dma_start3A_244 : memref<1x80x128xf32, #tpu.memory_space<vmem>> -> memref<80x128xf32, #tpu.memory_space<vmem>>
    tpu.enqueue_dma source(%dma_start3A_245 : memref<80x128xf32, #tpu.memory_space<vmem>>) target(%dma_start3A_241 : memref<80x128xf32, #tpu.memory_space<hbm>>) target_semaphore(%arg11 : memref<!tpu.dma_semaphore, #tpu.memory_space<semaphore_mem>>)
    %add3A_246 = arith.constant 320 : i32
    %add3A_247 = arith.addi %mul3A_7, %add3A_246 : i32
    %dma_wait3A_248 = arith.constant 0 : i32
    %dma_wait3A_249 = arith.constant 0 : i32
    %dma_wait3A_250 = arith.constant 0 : i32
    %dma_wait3A_251 = tpu.memref_slice %arg8[%dma_wait3A_248, %dma_wait3A_249, %dma_wait3A_250] : memref<2x80x128xf32, #tpu.memory_space<vmem>> -> memref<1x80x128xf32, #tpu.memory_space<vmem>>
    %dma_wait3A_252 = tpu.memref_squeeze %dma_wait3A_251 : memref<1x80x128xf32, #tpu.memory_space<vmem>> -> memref<80x128xf32, #tpu.memory_space<vmem>>
    %dma_wait3A_253 = arith.constant 0 : i32
    %dma_wait3A_254 = tpu.memref_slice %arg5[%arg0, %add3A_247, %dma_wait3A_253] : memref<2x10240x128xf32, #tpu.memory_space<hbm>> -> memref<1x80x128xf32, #tpu.memory_space<hbm>>
    %dma_wait3A_255 = tpu.memref_squeeze %dma_wait3A_254 : memref<1x80x128xf32, #tpu.memory_space<hbm>> -> memref<80x128xf32, #tpu.memory_space<hbm>>
    %dma_wait3A_256 = arith.constant 0 : i32
    %dma_wait3A_257 = tpu.memref_slice %arg5[%arg0, %add3A_247, %dma_wait3A_256] : memref<2x10240x128xf32, #tpu.memory_space<hbm>> -> memref<1x80x128xf32, #tpu.memory_space<hbm>>
    %dma_wait3A_258 = tpu.memref_squeeze %dma_wait3A_257 : memref<1x80x128xf32, #tpu.memory_space<hbm>> -> memref<80x128xf32, #tpu.memory_space<hbm>>
    %dma_wait3A_259 = arith.constant 0 : i32
    %dma_wait3A_260 = arith.constant 0 : i32
    %dma_wait3A_261 = tpu.memref_slice %arg8[%dma_wait3A_248, %dma_wait3A_259, %dma_wait3A_260] : memref<2x80x128xf32, #tpu.memory_space<vmem>> -> memref<1x80x128xf32, #tpu.memory_space<vmem>>
    %dma_wait3A_262 = tpu.memref_squeeze %dma_wait3A_261 : memref<1x80x128xf32, #tpu.memory_space<vmem>> -> memref<80x128xf32, #tpu.memory_space<vmem>>
    tpu.wait_dma2 semaphore(%arg11 : memref<!tpu.dma_semaphore, #tpu.memory_space<semaphore_mem>>) src(%dma_wait3A_262 : memref<80x128xf32, #tpu.memory_space<vmem>>) dst(%dma_wait3A_258 : memref<80x128xf32, #tpu.memory_space<hbm>>)
    %add3A_263 = arith.constant 480 : i32
    %add3A_264 = arith.addi %mul3A_7, %add3A_263 : i32
    %run_scoped3A_265 = arith.constant 0 : i32
    "tpu.region"() ({
      %run_scoped3A_354 = tpu.sem_alloc : memref<!tpu.dma_semaphore, #tpu.memory_space<semaphore_mem>>
      %dma_start3A_355 = arith.constant 0 : i32
      %dma_start3A_356 = arith.constant 0 : i32
      %dma_start3A_357 = tpu.memref_slice %arg8[%run_scoped3A_265, %dma_start3A_355, %dma_start3A_356] : memref<2x80x128xf32, #tpu.memory_space<vmem>> -> memref<1x80x128xf32, #tpu.memory_space<vmem>>
      %dma_start3A_358 = tpu.memref_squeeze %dma_start3A_357 : memref<1x80x128xf32, #tpu.memory_space<vmem>> -> memref<80x128xf32, #tpu.memory_space<vmem>>
      %dma_start3A_359 = arith.constant 0 : i32
      %dma_start3A_360 = tpu.memref_slice %arg9[%add3A_264, %dma_start3A_359] : memref<10240x128xf32, #tpu.memory_space<vmem_shared>> -> memref<80x128xf32, #tpu.memory_space<vmem_shared>>
      %dma_start3A_361 = arith.constant 0 : i32
      %dma_start3A_362 = arith.constant 0 : i32
      %dma_start3A_363 = tpu.memref_slice %arg8[%run_scoped3A_265, %dma_start3A_361, %dma_start3A_362] : memref<2x80x128xf32, #tpu.memory_space<vmem>> -> memref<1x80x128xf32, #tpu.memory_space<vmem>>
      %dma_start3A_364 = tpu.memref_squeeze %dma_start3A_363 : memref<1x80x128xf32, #tpu.memory_space<vmem>> -> memref<80x128xf32, #tpu.memory_space<vmem>>
      %dma_start3A_365 = arith.constant 0 : i32
      %dma_start3A_366 = tpu.memref_slice %arg9[%add3A_264, %dma_start3A_365] : memref<10240x128xf32, #tpu.memory_space<vmem_shared>> -> memref<80x128xf32, #tpu.memory_space<vmem_shared>>
      tpu.enqueue_dma source(%dma_start3A_366 : memref<80x128xf32, #tpu.memory_space<vmem_shared>>) target(%dma_start3A_364 : memref<80x128xf32, #tpu.memory_space<vmem>>) target_semaphore(%run_scoped3A_354 : memref<!tpu.dma_semaphore, #tpu.memory_space<semaphore_mem>>)
      %dma_wait3A_367 = arith.constant 0 : i32
      %dma_wait3A_368 = arith.constant 0 : i32
      %dma_wait3A_369 = tpu.memref_slice %arg8[%run_scoped3A_265, %dma_wait3A_367, %dma_wait3A_368] : memref<2x80x128xf32, #tpu.memory_space<vmem>> -> memref<1x80x128xf32, #tpu.memory_space<vmem>>
      %dma_wait3A_370 = tpu.memref_squeeze %dma_wait3A_369 : memref<1x80x128xf32, #tpu.memory_space<vmem>> -> memref<80x128xf32, #tpu.memory_space<vmem>>
      %dma_wait3A_371 = arith.constant 0 : i32
      %dma_wait3A_372 = tpu.memref_slice %arg9[%add3A_264, %dma_wait3A_371] : memref<10240x128xf32, #tpu.memory_space<vmem_shared>> -> memref<80x128xf32, #tpu.memory_space<vmem_shared>>
      %dma_wait3A_373 = arith.constant 0 : i32
      %dma_wait3A_374 = arith.constant 0 : i32
      %dma_wait3A_375 = tpu.memref_slice %arg8[%run_scoped3A_265, %dma_wait3A_373, %dma_wait3A_374] : memref<2x80x128xf32, #tpu.memory_space<vmem>> -> memref<1x80x128xf32, #tpu.memory_space<vmem>>
      %dma_wait3A_376 = tpu.memref_squeeze %dma_wait3A_375 : memref<1x80x128xf32, #tpu.memory_space<vmem>> -> memref<80x128xf32, #tpu.memory_space<vmem>>
      %dma_wait3A_377 = arith.constant 0 : i32
      %dma_wait3A_378 = tpu.memref_slice %arg9[%add3A_264, %dma_wait3A_377] : memref<10240x128xf32, #tpu.memory_space<vmem_shared>> -> memref<80x128xf32, #tpu.memory_space<vmem_shared>>
      tpu.wait_dma2 semaphore(%run_scoped3A_354 : memref<!tpu.dma_semaphore, #tpu.memory_space<semaphore_mem>>) src(%dma_wait3A_378 : memref<80x128xf32, #tpu.memory_space<vmem_shared>>) dst(%dma_wait3A_376 : memref<80x128xf32, #tpu.memory_space<vmem>>)
      tpu.yield
    }) : () -> ()
    %add3A_266 = arith.constant 480 : i32
    %add3A_267 = arith.addi %mul3A_7, %add3A_266 : i32
    %dma_start3A_268 = arith.constant 0 : i32
    %dma_start3A_269 = arith.constant 0 : i32
    %dma_start3A_270 = arith.constant 0 : i32
    %dma_start3A_271 = tpu.memref_slice %arg8[%dma_start3A_268, %dma_start3A_269, %dma_start3A_270] : memref<2x80x128xf32, #tpu.memory_space<vmem>> -> memref<1x80x128xf32, #tpu.memory_space<vmem>>
    %dma_start3A_272 = tpu.memref_squeeze %dma_start3A_271 : memref<1x80x128xf32, #tpu.memory_space<vmem>> -> memref<80x128xf32, #tpu.memory_space<vmem>>
    %dma_start3A_273 = arith.constant 0 : i32
    %dma_start3A_274 = tpu.memref_slice %arg5[%arg0, %add3A_267, %dma_start3A_273] : memref<2x10240x128xf32, #tpu.memory_space<hbm>> -> memref<1x80x128xf32, #tpu.memory_space<hbm>>
    %dma_start3A_275 = tpu.memref_squeeze %dma_start3A_274 : memref<1x80x128xf32, #tpu.memory_space<hbm>> -> memref<80x128xf32, #tpu.memory_space<hbm>>
    %dma_start3A_276 = arith.constant 0 : i32
    %dma_start3A_277 = tpu.memref_slice %arg5[%arg0, %add3A_267, %dma_start3A_276] : memref<2x10240x128xf32, #tpu.memory_space<hbm>> -> memref<1x80x128xf32, #tpu.memory_space<hbm>>
    %dma_start3A_278 = tpu.memref_squeeze %dma_start3A_277 : memref<1x80x128xf32, #tpu.memory_space<hbm>> -> memref<80x128xf32, #tpu.memory_space<hbm>>
    %dma_start3A_279 = arith.constant 0 : i32
    %dma_start3A_280 = arith.constant 0 : i32
    %dma_start3A_281 = tpu.memref_slice %arg8[%dma_start3A_268, %dma_start3A_279, %dma_start3A_280] : memref<2x80x128xf32, #tpu.memory_space<vmem>> -> memref<1x80x128xf32, #tpu.memory_space<vmem>>
    %dma_start3A_282 = tpu.memref_squeeze %dma_start3A_281 : memref<1x80x128xf32, #tpu.memory_space<vmem>> -> memref<80x128xf32, #tpu.memory_space<vmem>>
    tpu.enqueue_dma source(%dma_start3A_282 : memref<80x128xf32, #tpu.memory_space<vmem>>) target(%dma_start3A_278 : memref<80x128xf32, #tpu.memory_space<hbm>>) target_semaphore(%arg11 : memref<!tpu.dma_semaphore, #tpu.memory_space<semaphore_mem>>)
    %add3A_283 = arith.constant 400 : i32
    %add3A_284 = arith.addi %mul3A_7, %add3A_283 : i32
    %dma_wait3A_285 = arith.constant 1 : i32
    %dma_wait3A_286 = arith.constant 0 : i32
    %dma_wait3A_287 = arith.constant 0 : i32
    %dma_wait3A_288 = tpu.memref_slice %arg8[%dma_wait3A_285, %dma_wait3A_286, %dma_wait3A_287] : memref<2x80x128xf32, #tpu.memory_space<vmem>> -> memref<1x80x128xf32, #tpu.memory_space<vmem>>
    %dma_wait3A_289 = tpu.memref_squeeze %dma_wait3A_288 : memref<1x80x128xf32, #tpu.memory_space<vmem>> -> memref<80x128xf32, #tpu.memory_space<vmem>>
    %dma_wait3A_290 = arith.constant 0 : i32
    %dma_wait3A_291 = tpu.memref_slice %arg5[%arg0, %add3A_284, %dma_wait3A_290] : memref<2x10240x128xf32, #tpu.memory_space<hbm>> -> memref<1x80x128xf32, #tpu.memory_space<hbm>>
    %dma_wait3A_292 = tpu.memref_squeeze %dma_wait3A_291 : memref<1x80x128xf32, #tpu.memory_space<hbm>> -> memref<80x128xf32, #tpu.memory_space<hbm>>
    %dma_wait3A_293 = arith.constant 0 : i32
    %dma_wait3A_294 = tpu.memref_slice %arg5[%arg0, %add3A_284, %dma_wait3A_293] : memref<2x10240x128xf32, #tpu.memory_space<hbm>> -> memref<1x80x128xf32, #tpu.memory_space<hbm>>
    %dma_wait3A_295 = tpu.memref_squeeze %dma_wait3A_294 : memref<1x80x128xf32, #tpu.memory_space<hbm>> -> memref<80x128xf32, #tpu.memory_space<hbm>>
    %dma_wait3A_296 = arith.constant 0 : i32
    %dma_wait3A_297 = arith.constant 0 : i32
    %dma_wait3A_298 = tpu.memref_slice %arg8[%dma_wait3A_285, %dma_wait3A_296, %dma_wait3A_297] : memref<2x80x128xf32, #tpu.memory_space<vmem>> -> memref<1x80x128xf32, #tpu.memory_space<vmem>>
    %dma_wait3A_299 = tpu.memref_squeeze %dma_wait3A_298 : memref<1x80x128xf32, #tpu.memory_space<vmem>> -> memref<80x128xf32, #tpu.memory_space<vmem>>
    tpu.wait_dma2 semaphore(%arg11 : memref<!tpu.dma_semaphore, #tpu.memory_space<semaphore_mem>>) src(%dma_wait3A_299 : memref<80x128xf32, #tpu.memory_space<vmem>>) dst(%dma_wait3A_295 : memref<80x128xf32, #tpu.memory_space<hbm>>)
    %add3A_300 = arith.constant 560 : i32
    %add3A_301 = arith.addi %mul3A_7, %add3A_300 : i32
    %run_scoped3A_302 = arith.constant 1 : i32
    "tpu.region"() ({
      %run_scoped3A_354 = tpu.sem_alloc : memref<!tpu.dma_semaphore, #tpu.memory_space<semaphore_mem>>
      %dma_start3A_355 = arith.constant 0 : i32
      %dma_start3A_356 = arith.constant 0 : i32
      %dma_start3A_357 = tpu.memref_slice %arg8[%run_scoped3A_302, %dma_start3A_355, %dma_start3A_356] : memref<2x80x128xf32, #tpu.memory_space<vmem>> -> memref<1x80x128xf32, #tpu.memory_space<vmem>>
      %dma_start3A_358 = tpu.memref_squeeze %dma_start3A_357 : memref<1x80x128xf32, #tpu.memory_space<vmem>> -> memref<80x128xf32, #tpu.memory_space<vmem>>
      %dma_start3A_359 = arith.constant 0 : i32
      %dma_start3A_360 = tpu.memref_slice %arg9[%add3A_301, %dma_start3A_359] : memref<10240x128xf32, #tpu.memory_space<vmem_shared>> -> memref<80x128xf32, #tpu.memory_space<vmem_shared>>
      %dma_start3A_361 = arith.constant 0 : i32
      %dma_start3A_362 = arith.constant 0 : i32
      %dma_start3A_363 = tpu.memref_slice %arg8[%run_scoped3A_302, %dma_start3A_361, %dma_start3A_362] : memref<2x80x128xf32, #tpu.memory_space<vmem>> -> memref<1x80x128xf32, #tpu.memory_space<vmem>>
      %dma_start3A_364 = tpu.memref_squeeze %dma_start3A_363 : memref<1x80x128xf32, #tpu.memory_space<vmem>> -> memref<80x128xf32, #tpu.memory_space<vmem>>
      %dma_start3A_365 = arith.constant 0 : i32
      %dma_start3A_366 = tpu.memref_slice %arg9[%add3A_301, %dma_start3A_365] : memref<10240x128xf32, #tpu.memory_space<vmem_shared>> -> memref<80x128xf32, #tpu.memory_space<vmem_shared>>
      tpu.enqueue_dma source(%dma_start3A_366 : memref<80x128xf32, #tpu.memory_space<vmem_shared>>) target(%dma_start3A_364 : memref<80x128xf32, #tpu.memory_space<vmem>>) target_semaphore(%run_scoped3A_354 : memref<!tpu.dma_semaphore, #tpu.memory_space<semaphore_mem>>)
      %dma_wait3A_367 = arith.constant 0 : i32
      %dma_wait3A_368 = arith.constant 0 : i32
      %dma_wait3A_369 = tpu.memref_slice %arg8[%run_scoped3A_302, %dma_wait3A_367, %dma_wait3A_368] : memref<2x80x128xf32, #tpu.memory_space<vmem>> -> memref<1x80x128xf32, #tpu.memory_space<vmem>>
      %dma_wait3A_370 = tpu.memref_squeeze %dma_wait3A_369 : memref<1x80x128xf32, #tpu.memory_space<vmem>> -> memref<80x128xf32, #tpu.memory_space<vmem>>
      %dma_wait3A_371 = arith.constant 0 : i32
      %dma_wait3A_372 = tpu.memref_slice %arg9[%add3A_301, %dma_wait3A_371] : memref<10240x128xf32, #tpu.memory_space<vmem_shared>> -> memref<80x128xf32, #tpu.memory_space<vmem_shared>>
      %dma_wait3A_373 = arith.constant 0 : i32
      %dma_wait3A_374 = arith.constant 0 : i32
      %dma_wait3A_375 = tpu.memref_slice %arg8[%run_scoped3A_302, %dma_wait3A_373, %dma_wait3A_374] : memref<2x80x128xf32, #tpu.memory_space<vmem>> -> memref<1x80x128xf32, #tpu.memory_space<vmem>>
      %dma_wait3A_376 = tpu.memref_squeeze %dma_wait3A_375 : memref<1x80x128xf32, #tpu.memory_space<vmem>> -> memref<80x128xf32, #tpu.memory_space<vmem>>
      %dma_wait3A_377 = arith.constant 0 : i32
      %dma_wait3A_378 = tpu.memref_slice %arg9[%add3A_301, %dma_wait3A_377] : memref<10240x128xf32, #tpu.memory_space<vmem_shared>> -> memref<80x128xf32, #tpu.memory_space<vmem_shared>>
      tpu.wait_dma2 semaphore(%run_scoped3A_354 : memref<!tpu.dma_semaphore, #tpu.memory_space<semaphore_mem>>) src(%dma_wait3A_378 : memref<80x128xf32, #tpu.memory_space<vmem_shared>>) dst(%dma_wait3A_376 : memref<80x128xf32, #tpu.memory_space<vmem>>)
      tpu.yield
    }) : () -> ()
    %add3A_303 = arith.constant 560 : i32
    %add3A_304 = arith.addi %mul3A_7, %add3A_303 : i32
    %dma_start3A_305 = arith.constant 1 : i32
    %dma_start3A_306 = arith.constant 0 : i32
    %dma_start3A_307 = arith.constant 0 : i32
    %dma_start3A_308 = tpu.memref_slice %arg8[%dma_start3A_305, %dma_start3A_306, %dma_start3A_307] : memref<2x80x128xf32, #tpu.memory_space<vmem>> -> memref<1x80x128xf32, #tpu.memory_space<vmem>>
    %dma_start3A_309 = tpu.memref_squeeze %dma_start3A_308 : memref<1x80x128xf32, #tpu.memory_space<vmem>> -> memref<80x128xf32, #tpu.memory_space<vmem>>
    %dma_start3A_310 = arith.constant 0 : i32
    %dma_start3A_311 = tpu.memref_slice %arg5[%arg0, %add3A_304, %dma_start3A_310] : memref<2x10240x128xf32, #tpu.memory_space<hbm>> -> memref<1x80x128xf32, #tpu.memory_space<hbm>>
    %dma_start3A_312 = tpu.memref_squeeze %dma_start3A_311 : memref<1x80x128xf32, #tpu.memory_space<hbm>> -> memref<80x128xf32, #tpu.memory_space<hbm>>
    %dma_start3A_313 = arith.constant 0 : i32
    %dma_start3A_314 = tpu.memref_slice %arg5[%arg0, %add3A_304, %dma_start3A_313] : memref<2x10240x128xf32, #tpu.memory_space<hbm>> -> memref<1x80x128xf32, #tpu.memory_space<hbm>>
    %dma_start3A_315 = tpu.memref_squeeze %dma_start3A_314 : memref<1x80x128xf32, #tpu.memory_space<hbm>> -> memref<80x128xf32, #tpu.memory_space<hbm>>
    %dma_start3A_316 = arith.constant 0 : i32
    %dma_start3A_317 = arith.constant 0 : i32
    %dma_start3A_318 = tpu.memref_slice %arg8[%dma_start3A_305, %dma_start3A_316, %dma_start3A_317] : memref<2x80x128xf32, #tpu.memory_space<vmem>> -> memref<1x80x128xf32, #tpu.memory_space<vmem>>
    %dma_start3A_319 = tpu.memref_squeeze %dma_start3A_318 : memref<1x80x128xf32, #tpu.memory_space<vmem>> -> memref<80x128xf32, #tpu.memory_space<vmem>>
    tpu.enqueue_dma source(%dma_start3A_319 : memref<80x128xf32, #tpu.memory_space<vmem>>) target(%dma_start3A_315 : memref<80x128xf32, #tpu.memory_space<hbm>>) target_semaphore(%arg11 : memref<!tpu.dma_semaphore, #tpu.memory_space<semaphore_mem>>)
    %add3A_320 = arith.constant 480 : i32
    %add3A_321 = arith.addi %mul3A_7, %add3A_320 : i32
    %dma_wait3A_322 = arith.constant 0 : i32
    %dma_wait3A_323 = arith.constant 0 : i32
    %dma_wait3A_324 = arith.constant 0 : i32
    %dma_wait3A_325 = tpu.memref_slice %arg8[%dma_wait3A_322, %dma_wait3A_323, %dma_wait3A_324] : memref<2x80x128xf32, #tpu.memory_space<vmem>> -> memref<1x80x128xf32, #tpu.memory_space<vmem>>
    %dma_wait3A_326 = tpu.memref_squeeze %dma_wait3A_325 : memref<1x80x128xf32, #tpu.memory_space<vmem>> -> memref<80x128xf32, #tpu.memory_space<vmem>>
    %dma_wait3A_327 = arith.constant 0 : i32
    %dma_wait3A_328 = tpu.memref_slice %arg5[%arg0, %add3A_321, %dma_wait3A_327] : memref<2x10240x128xf32, #tpu.memory_space<hbm>> -> memref<1x80x128xf32, #tpu.memory_space<hbm>>
    %dma_wait3A_329 = tpu.memref_squeeze %dma_wait3A_328 : memref<1x80x128xf32, #tpu.memory_space<hbm>> -> memref<80x128xf32, #tpu.memory_space<hbm>>
    %dma_wait3A_330 = arith.constant 0 : i32
    %dma_wait3A_331 = tpu.memref_slice %arg5[%arg0, %add3A_321, %dma_wait3A_330] : memref<2x10240x128xf32, #tpu.memory_space<hbm>> -> memref<1x80x128xf32, #tpu.memory_space<hbm>>
    %dma_wait3A_332 = tpu.memref_squeeze %dma_wait3A_331 : memref<1x80x128xf32, #tpu.memory_space<hbm>> -> memref<80x128xf32, #tpu.memory_space<hbm>>
    %dma_wait3A_333 = arith.constant 0 : i32
    %dma_wait3A_334 = arith.constant 0 : i32
    %dma_wait3A_335 = tpu.memref_slice %arg8[%dma_wait3A_322, %dma_wait3A_333, %dma_wait3A_334] : memref<2x80x128xf32, #tpu.memory_space<vmem>> -> memref<1x80x128xf32, #tpu.memory_space<vmem>>
    %dma_wait3A_336 = tpu.memref_squeeze %dma_wait3A_335 : memref<1x80x128xf32, #tpu.memory_space<vmem>> -> memref<80x128xf32, #tpu.memory_space<vmem>>
    tpu.wait_dma2 semaphore(%arg11 : memref<!tpu.dma_semaphore, #tpu.memory_space<semaphore_mem>>) src(%dma_wait3A_336 : memref<80x128xf32, #tpu.memory_space<vmem>>) dst(%dma_wait3A_332 : memref<80x128xf32, #tpu.memory_space<hbm>>)
    %add3A_337 = arith.constant 560 : i32
    %add3A_338 = arith.addi %mul3A_7, %add3A_337 : i32
    %dma_wait3A_339 = arith.constant 1 : i32
    %dma_wait3A_340 = arith.constant 0 : i32
    %dma_wait3A_341 = arith.constant 0 : i32
    %dma_wait3A_342 = tpu.memref_slice %arg8[%dma_wait3A_339, %dma_wait3A_340, %dma_wait3A_341] : memref<2x80x128xf32, #tpu.memory_space<vmem>> -> memref<1x80x128xf32, #tpu.memory_space<vmem>>
    %dma_wait3A_343 = tpu.memref_squeeze %dma_wait3A_342 : memref<1x80x128xf32, #tpu.memory_space<vmem>> -> memref<80x128xf32, #tpu.memory_space<vmem>>
    %dma_wait3A_344 = arith.constant 0 : i32
    %dma_wait3A_345 = tpu.memref_slice %arg5[%arg0, %add3A_338, %dma_wait3A_344] : memref<2x10240x128xf32, #tpu.memory_space<hbm>> -> memref<1x80x128xf32, #tpu.memory_space<hbm>>
    %dma_wait3A_346 = tpu.memref_squeeze %dma_wait3A_345 : memref<1x80x128xf32, #tpu.memory_space<hbm>> -> memref<80x128xf32, #tpu.memory_space<hbm>>
    %dma_wait3A_347 = arith.constant 0 : i32
    %dma_wait3A_348 = tpu.memref_slice %arg5[%arg0, %add3A_338, %dma_wait3A_347] : memref<2x10240x128xf32, #tpu.memory_space<hbm>> -> memref<1x80x128xf32, #tpu.memory_space<hbm>>
    %dma_wait3A_349 = tpu.memref_squeeze %dma_wait3A_348 : memref<1x80x128xf32, #tpu.memory_space<hbm>> -> memref<80x128xf32, #tpu.memory_space<hbm>>
    %dma_wait3A_350 = arith.constant 0 : i32
    %dma_wait3A_351 = arith.constant 0 : i32
    %dma_wait3A_352 = tpu.memref_slice %arg8[%dma_wait3A_339, %dma_wait3A_350, %dma_wait3A_351] : memref<2x80x128xf32, #tpu.memory_space<vmem>> -> memref<1x80x128xf32, #tpu.memory_space<vmem>>
    %dma_wait3A_353 = tpu.memref_squeeze %dma_wait3A_352 : memref<1x80x128xf32, #tpu.memory_space<vmem>> -> memref<80x128xf32, #tpu.memory_space<vmem>>
    tpu.wait_dma2 semaphore(%arg11 : memref<!tpu.dma_semaphore, #tpu.memory_space<semaphore_mem>>) src(%dma_wait3A_353 : memref<80x128xf32, #tpu.memory_space<vmem>>) dst(%dma_wait3A_349 : memref<80x128xf32, #tpu.memory_space<hbm>>)
    return
  }
}

#map = affine_map<(d0, d1) -> (0, 0, 0, 0)>
#map1 = affine_map<(d0, d1) -> (0, 0, 0)>
module attributes {stable_mosaic.version = 14 : i64} {
  func.func @_deg_kernel(%arg0: i32, %arg1: i32, %arg2: memref<2x16x125x80xi32, #tpu.memory_space<hbm>>, %arg3: memref<2x10240x16xf32, #tpu.memory_space<hbm>>, %arg4: memref<125x80xi32, #tpu.memory_space<vmem>>, %arg5: memref<80x16xf32, #tpu.memory_space<vmem>>, %arg6: memref<128x16xf32, #tpu.memory_space<vmem>>, %arg7: memref<10240x16xf32, #tpu.memory_space<vmem_shared>>) attributes {dimension_semantics = [#tpu.dimension_semantics<core_parallel>, #tpu.dimension_semantics<subcore_parallel>], iteration_bounds = array<i64: 2, 16>, scalar_prefetch = 0 : i64, scratch_operands = 4 : i64, tpu.core_type = #tpu.core_type<sc_vector_subcore>, window_params = [{transform_indices = #map}, {transform_indices = #map1}]} {
    %broadcast_in_dim3A = arith.constant 0.000000e+00 : f32
    %broadcast_in_dim3A_0 = vector.broadcast %broadcast_in_dim3A : f32 to vector<16xf32>
    %broadcast_in_dim3A_1 = arith.constant 1.000000e+00 : f32
    %broadcast_in_dim3A_2 = vector.broadcast %broadcast_in_dim3A_1 : f32 to vector<16xf32>
    %scan3A = arith.constant 0 : i32
    %scan3A_3 = arith.constant 0 : i32
    %scan3A_4 = arith.constant 128 : i32
    %scan3A_5 = arith.addi %scan3A_3, %scan3A_4 : i32
    %scan3A_6 = arith.constant 1 : i32
    %scan3A_7 = scf.for %scan3A_54 = %scan3A_3 to %scan3A_5 step %scan3A_6 iter_args(%scan3A_55 = %scan3A) -> (i32)  : i32 {
      %swap3A = arith.index_cast %scan3A_54 : i32 to index
      %swap3A_56 = arith.constant 0 : index
      %swap3A_57 = tpu.vector_load %arg6[%swap3A, %swap3A_56] {strides = array<i32>} : memref<128x16xf32, #tpu.memory_space<vmem>>, vector<1x16xf32>,
      %swap3A_58 = vector.shape_cast %swap3A_57 : vector<1x16xf32> to vector<16xf32>
      %swap3A_59 = vector.shape_cast %broadcast_in_dim3A_0 : vector<16xf32> to vector<1x16xf32>
      tpu.vector_store %arg6[%swap3A, %swap3A_56], %swap3A_59 {strides = array<i32>} : memref<128x16xf32, #tpu.memory_space<vmem>>, vector<1x16xf32>,
      %scan3A_60 = arith.constant 0 : i32
      scf.yield %scan3A_60 : i32
    }
    %scan3A_8 = arith.constant 128 : i32
    %scan3A_9 = arith.constant 0 : i32
    %scan3A_10 = arith.constant 0 : i32
    %scan3A_11 = arith.constant 80 : i32
    %scan3A_12 = arith.addi %scan3A_10, %scan3A_11 : i32
    %scan3A_13 = arith.constant 1 : i32
    %scan3A_14 = scf.for %scan3A_54 = %scan3A_10 to %scan3A_12 step %scan3A_13 iter_args(%scan3A_55 = %scan3A_9) -> (i32)  : i32 {
      %swap3A = arith.index_cast %scan3A_54 : i32 to index
      %swap3A_56 = arith.constant 0 : index
      %swap3A_57 = tpu.vector_load %arg5[%swap3A, %swap3A_56] {strides = array<i32>} : memref<80x16xf32, #tpu.memory_space<vmem>>, vector<1x16xf32>,
      %swap3A_58 = vector.shape_cast %swap3A_57 : vector<1x16xf32> to vector<16xf32>
      %swap3A_59 = vector.shape_cast %broadcast_in_dim3A_2 : vector<16xf32> to vector<1x16xf32>
      tpu.vector_store %arg5[%swap3A, %swap3A_56], %swap3A_59 {strides = array<i32>} : memref<80x16xf32, #tpu.memory_space<vmem>>, vector<1x16xf32>,
      %scan3A_60 = arith.constant 0 : i32
      scf.yield %scan3A_60 : i32
    }
    %scan3A_15 = arith.constant 80 : i32
    %mul3A = arith.constant 640 : i32
    %mul3A_16 = arith.muli %arg1, %mul3A : i32
    %add3A = arith.constant 0 : i32
    %add3A_17 = arith.addi %mul3A_16, %add3A : i32
    "tpu.region"() ({
      %run_scoped3A = tpu.sem_alloc : memref<!tpu.dma_semaphore, #tpu.memory_space<semaphore_mem>>
      %dma_start3A = arith.constant 0 : i32
      %dma_start3A_54 = tpu.memref_slice %arg7[%add3A_17, %dma_start3A] : memref<10240x16xf32, #tpu.memory_space<vmem_shared>> -> memref<128x16xf32, #tpu.memory_space<vmem_shared>>
      %dma_start3A_55 = arith.constant 0 : i32
      %dma_start3A_56 = tpu.memref_slice %arg7[%add3A_17, %dma_start3A_55] : memref<10240x16xf32, #tpu.memory_space<vmem_shared>> -> memref<128x16xf32, #tpu.memory_space<vmem_shared>>
      tpu.enqueue_dma source(%arg6 : memref<128x16xf32, #tpu.memory_space<vmem>>) target(%dma_start3A_56 : memref<128x16xf32, #tpu.memory_space<vmem_shared>>) target_semaphore(%run_scoped3A : memref<!tpu.dma_semaphore, #tpu.memory_space<semaphore_mem>>)
      %dma_wait3A = arith.constant 0 : i32
      %dma_wait3A_57 = tpu.memref_slice %arg7[%add3A_17, %dma_wait3A] : memref<10240x16xf32, #tpu.memory_space<vmem_shared>> -> memref<128x16xf32, #tpu.memory_space<vmem_shared>>
      %dma_wait3A_58 = arith.constant 0 : i32
      %dma_wait3A_59 = tpu.memref_slice %arg7[%add3A_17, %dma_wait3A_58] : memref<10240x16xf32, #tpu.memory_space<vmem_shared>> -> memref<128x16xf32, #tpu.memory_space<vmem_shared>>
      tpu.wait_dma2 semaphore(%run_scoped3A : memref<!tpu.dma_semaphore, #tpu.memory_space<semaphore_mem>>) src(%arg6 : memref<128x16xf32, #tpu.memory_space<vmem>>) dst(%dma_wait3A_59 : memref<128x16xf32, #tpu.memory_space<vmem_shared>>)
      tpu.yield
    }) : () -> ()
    %add3A_18 = arith.constant 128 : i32
    %add3A_19 = arith.addi %mul3A_16, %add3A_18 : i32
    "tpu.region"() ({
      %run_scoped3A = tpu.sem_alloc : memref<!tpu.dma_semaphore, #tpu.memory_space<semaphore_mem>>
      %dma_start3A = arith.constant 0 : i32
      %dma_start3A_54 = tpu.memref_slice %arg7[%add3A_19, %dma_start3A] : memref<10240x16xf32, #tpu.memory_space<vmem_shared>> -> memref<128x16xf32, #tpu.memory_space<vmem_shared>>
      %dma_start3A_55 = arith.constant 0 : i32
      %dma_start3A_56 = tpu.memref_slice %arg7[%add3A_19, %dma_start3A_55] : memref<10240x16xf32, #tpu.memory_space<vmem_shared>> -> memref<128x16xf32, #tpu.memory_space<vmem_shared>>
      tpu.enqueue_dma source(%arg6 : memref<128x16xf32, #tpu.memory_space<vmem>>) target(%dma_start3A_56 : memref<128x16xf32, #tpu.memory_space<vmem_shared>>) target_semaphore(%run_scoped3A : memref<!tpu.dma_semaphore, #tpu.memory_space<semaphore_mem>>)
      %dma_wait3A = arith.constant 0 : i32
      %dma_wait3A_57 = tpu.memref_slice %arg7[%add3A_19, %dma_wait3A] : memref<10240x16xf32, #tpu.memory_space<vmem_shared>> -> memref<128x16xf32, #tpu.memory_space<vmem_shared>>
      %dma_wait3A_58 = arith.constant 0 : i32
      %dma_wait3A_59 = tpu.memref_slice %arg7[%add3A_19, %dma_wait3A_58] : memref<10240x16xf32, #tpu.memory_space<vmem_shared>> -> memref<128x16xf32, #tpu.memory_space<vmem_shared>>
      tpu.wait_dma2 semaphore(%run_scoped3A : memref<!tpu.dma_semaphore, #tpu.memory_space<semaphore_mem>>) src(%arg6 : memref<128x16xf32, #tpu.memory_space<vmem>>) dst(%dma_wait3A_59 : memref<128x16xf32, #tpu.memory_space<vmem_shared>>)
      tpu.yield
    }) : () -> ()
    %add3A_20 = arith.constant 256 : i32
    %add3A_21 = arith.addi %mul3A_16, %add3A_20 : i32
    "tpu.region"() ({
      %run_scoped3A = tpu.sem_alloc : memref<!tpu.dma_semaphore, #tpu.memory_space<semaphore_mem>>
      %dma_start3A = arith.constant 0 : i32
      %dma_start3A_54 = tpu.memref_slice %arg7[%add3A_21, %dma_start3A] : memref<10240x16xf32, #tpu.memory_space<vmem_shared>> -> memref<128x16xf32, #tpu.memory_space<vmem_shared>>
      %dma_start3A_55 = arith.constant 0 : i32
      %dma_start3A_56 = tpu.memref_slice %arg7[%add3A_21, %dma_start3A_55] : memref<10240x16xf32, #tpu.memory_space<vmem_shared>> -> memref<128x16xf32, #tpu.memory_space<vmem_shared>>
      tpu.enqueue_dma source(%arg6 : memref<128x16xf32, #tpu.memory_space<vmem>>) target(%dma_start3A_56 : memref<128x16xf32, #tpu.memory_space<vmem_shared>>) target_semaphore(%run_scoped3A : memref<!tpu.dma_semaphore, #tpu.memory_space<semaphore_mem>>)
      %dma_wait3A = arith.constant 0 : i32
      %dma_wait3A_57 = tpu.memref_slice %arg7[%add3A_21, %dma_wait3A] : memref<10240x16xf32, #tpu.memory_space<vmem_shared>> -> memref<128x16xf32, #tpu.memory_space<vmem_shared>>
      %dma_wait3A_58 = arith.constant 0 : i32
      %dma_wait3A_59 = tpu.memref_slice %arg7[%add3A_21, %dma_wait3A_58] : memref<10240x16xf32, #tpu.memory_space<vmem_shared>> -> memref<128x16xf32, #tpu.memory_space<vmem_shared>>
      tpu.wait_dma2 semaphore(%run_scoped3A : memref<!tpu.dma_semaphore, #tpu.memory_space<semaphore_mem>>) src(%arg6 : memref<128x16xf32, #tpu.memory_space<vmem>>) dst(%dma_wait3A_59 : memref<128x16xf32, #tpu.memory_space<vmem_shared>>)
      tpu.yield
    }) : () -> ()
    %add3A_22 = arith.constant 384 : i32
    %add3A_23 = arith.addi %mul3A_16, %add3A_22 : i32
    "tpu.region"() ({
      %run_scoped3A = tpu.sem_alloc : memref<!tpu.dma_semaphore, #tpu.memory_space<semaphore_mem>>
      %dma_start3A = arith.constant 0 : i32
      %dma_start3A_54 = tpu.memref_slice %arg7[%add3A_23, %dma_start3A] : memref<10240x16xf32, #tpu.memory_space<vmem_shared>> -> memref<128x16xf32, #tpu.memory_space<vmem_shared>>
      %dma_start3A_55 = arith.constant 0 : i32
      %dma_start3A_56 = tpu.memref_slice %arg7[%add3A_23, %dma_start3A_55] : memref<10240x16xf32, #tpu.memory_space<vmem_shared>> -> memref<128x16xf32, #tpu.memory_space<vmem_shared>>
      tpu.enqueue_dma source(%arg6 : memref<128x16xf32, #tpu.memory_space<vmem>>) target(%dma_start3A_56 : memref<128x16xf32, #tpu.memory_space<vmem_shared>>) target_semaphore(%run_scoped3A : memref<!tpu.dma_semaphore, #tpu.memory_space<semaphore_mem>>)
      %dma_wait3A = arith.constant 0 : i32
      %dma_wait3A_57 = tpu.memref_slice %arg7[%add3A_23, %dma_wait3A] : memref<10240x16xf32, #tpu.memory_space<vmem_shared>> -> memref<128x16xf32, #tpu.memory_space<vmem_shared>>
      %dma_wait3A_58 = arith.constant 0 : i32
      %dma_wait3A_59 = tpu.memref_slice %arg7[%add3A_23, %dma_wait3A_58] : memref<10240x16xf32, #tpu.memory_space<vmem_shared>> -> memref<128x16xf32, #tpu.memory_space<vmem_shared>>
      tpu.wait_dma2 semaphore(%run_scoped3A : memref<!tpu.dma_semaphore, #tpu.memory_space<semaphore_mem>>) src(%arg6 : memref<128x16xf32, #tpu.memory_space<vmem>>) dst(%dma_wait3A_59 : memref<128x16xf32, #tpu.memory_space<vmem_shared>>)
      tpu.yield
    }) : () -> ()
    %add3A_24 = arith.constant 512 : i32
    %add3A_25 = arith.addi %mul3A_16, %add3A_24 : i32
    "tpu.region"() ({
      %run_scoped3A = tpu.sem_alloc : memref<!tpu.dma_semaphore, #tpu.memory_space<semaphore_mem>>
      %dma_start3A = arith.constant 0 : i32
      %dma_start3A_54 = tpu.memref_slice %arg7[%add3A_25, %dma_start3A] : memref<10240x16xf32, #tpu.memory_space<vmem_shared>> -> memref<128x16xf32, #tpu.memory_space<vmem_shared>>
      %dma_start3A_55 = arith.constant 0 : i32
      %dma_start3A_56 = tpu.memref_slice %arg7[%add3A_25, %dma_start3A_55] : memref<10240x16xf32, #tpu.memory_space<vmem_shared>> -> memref<128x16xf32, #tpu.memory_space<vmem_shared>>
      tpu.enqueue_dma source(%arg6 : memref<128x16xf32, #tpu.memory_space<vmem>>) target(%dma_start3A_56 : memref<128x16xf32, #tpu.memory_space<vmem_shared>>) target_semaphore(%run_scoped3A : memref<!tpu.dma_semaphore, #tpu.memory_space<semaphore_mem>>)
      %dma_wait3A = arith.constant 0 : i32
      %dma_wait3A_57 = tpu.memref_slice %arg7[%add3A_25, %dma_wait3A] : memref<10240x16xf32, #tpu.memory_space<vmem_shared>> -> memref<128x16xf32, #tpu.memory_space<vmem_shared>>
      %dma_wait3A_58 = arith.constant 0 : i32
      %dma_wait3A_59 = tpu.memref_slice %arg7[%add3A_25, %dma_wait3A_58] : memref<10240x16xf32, #tpu.memory_space<vmem_shared>> -> memref<128x16xf32, #tpu.memory_space<vmem_shared>>
      tpu.wait_dma2 semaphore(%run_scoped3A : memref<!tpu.dma_semaphore, #tpu.memory_space<semaphore_mem>>) src(%arg6 : memref<128x16xf32, #tpu.memory_space<vmem>>) dst(%dma_wait3A_59 : memref<128x16xf32, #tpu.memory_space<vmem_shared>>)
      tpu.yield
    }) : () -> ()
    %barrier3A = arith.constant 0 : index
    tpu.barrier barrier_id(%barrier3A)
    "tpu.region"() ({
      %run_scoped3A = tpu.sem_alloc : memref<!tpu.dma_semaphore, #tpu.memory_space<semaphore_mem>>
      %dma_start3A = arith.constant 0 : i32
      %dma_start3A_54 = arith.constant 0 : i32
      %dma_start3A_55 = tpu.memref_slice %arg2[%arg0, %arg1, %dma_start3A, %dma_start3A_54] : memref<2x16x125x80xi32, #tpu.memory_space<hbm>> -> memref<1x1x125x80xi32, #tpu.memory_space<hbm>>
      %dma_start3A_56 = tpu.memref_squeeze %dma_start3A_55 : memref<1x1x125x80xi32, #tpu.memory_space<hbm>> -> memref<125x80xi32, #tpu.memory_space<hbm>>
      %dma_start3A_57 = arith.constant 0 : i32
      %dma_start3A_58 = arith.constant 0 : i32
      %dma_start3A_59 = tpu.memref_slice %arg2[%arg0, %arg1, %dma_start3A_57, %dma_start3A_58] : memref<2x16x125x80xi32, #tpu.memory_space<hbm>> -> memref<1x1x125x80xi32, #tpu.memory_space<hbm>>
      %dma_start3A_60 = tpu.memref_squeeze %dma_start3A_59 : memref<1x1x125x80xi32, #tpu.memory_space<hbm>> -> memref<125x80xi32, #tpu.memory_space<hbm>>
      tpu.enqueue_dma source(%dma_start3A_60 : memref<125x80xi32, #tpu.memory_space<hbm>>) target(%arg4 : memref<125x80xi32, #tpu.memory_space<vmem>>) target_semaphore(%run_scoped3A : memref<!tpu.dma_semaphore, #tpu.memory_space<semaphore_mem>>)
      %dma_wait3A = arith.constant 0 : i32
      %dma_wait3A_61 = arith.constant 0 : i32
      %dma_wait3A_62 = tpu.memref_slice %arg2[%arg0, %arg1, %dma_wait3A, %dma_wait3A_61] : memref<2x16x125x80xi32, #tpu.memory_space<hbm>> -> memref<1x1x125x80xi32, #tpu.memory_space<hbm>>
      %dma_wait3A_63 = tpu.memref_squeeze %dma_wait3A_62 : memref<1x1x125x80xi32, #tpu.memory_space<hbm>> -> memref<125x80xi32, #tpu.memory_space<hbm>>
      %dma_wait3A_64 = arith.constant 0 : i32
      %dma_wait3A_65 = arith.constant 0 : i32
      %dma_wait3A_66 = tpu.memref_slice %arg2[%arg0, %arg1, %dma_wait3A_64, %dma_wait3A_65] : memref<2x16x125x80xi32, #tpu.memory_space<hbm>> -> memref<1x1x125x80xi32, #tpu.memory_space<hbm>>
      %dma_wait3A_67 = tpu.memref_squeeze %dma_wait3A_66 : memref<1x1x125x80xi32, #tpu.memory_space<hbm>> -> memref<125x80xi32, #tpu.memory_space<hbm>>
      tpu.wait_dma2 semaphore(%run_scoped3A : memref<!tpu.dma_semaphore, #tpu.memory_space<semaphore_mem>>) src(%dma_wait3A_67 : memref<125x80xi32, #tpu.memory_space<hbm>>) dst(%arg4 : memref<125x80xi32, #tpu.memory_space<vmem>>)
      tpu.yield
    }) : () -> ()
    %scan3A_26 = arith.constant 0 : i32
    %scan3A_27 = arith.constant 0 : i32
    %scan3A_28 = arith.constant 125 : i32
    %scan3A_29 = arith.addi %scan3A_27, %scan3A_28 : i32
    %scan3A_30 = arith.constant 1 : i32
    %scan3A_31 = scf.for %scan3A_54 = %scan3A_27 to %scan3A_29 step %scan3A_30 iter_args(%scan3A_55 = %scan3A_26) -> (i32)  : i32 {
      "tpu.region"() ({
        %run_scoped3A = tpu.sem_alloc : memref<!tpu.dma_semaphore, #tpu.memory_space<semaphore_mem>>
        %dma_start3A = arith.constant 0 : i32
        %dma_start3A_57 = tpu.memref_slice %arg4[%scan3A_54, %dma_start3A] : memref<125x80xi32, #tpu.memory_space<vmem>> -> memref<1x80xi32, #tpu.memory_space<vmem>>
        %dma_start3A_58 = tpu.memref_squeeze %dma_start3A_57 : memref<1x80xi32, #tpu.memory_space<vmem>> -> memref<80xi32, #tpu.memory_space<vmem>>
        %dma_start3A_59 = arith.constant 0 : i32
        %dma_start3A_60 = arith.constant 0 : i32
        %dma_start3A_61 = tpu.memref_slice %arg7[%dma_start3A_59, %dma_start3A_60] : memref<10240x16xf32, #tpu.memory_space<vmem_shared>> -> memref<10240x16xf32, #tpu.memory_space<vmem_shared>>
        tpu.enqueue_indirect_dma source(%arg5 : memref<80x16xf32, #tpu.memory_space<vmem>>) target(%dma_start3A_61 : memref<10240x16xf32, #tpu.memory_space<vmem_shared>>) offsets(%dma_start3A_58 : memref<80xi32, #tpu.memory_space<vmem>>) semaphore(%run_scoped3A : memref<!tpu.dma_semaphore, #tpu.memory_space<semaphore_mem>>) {add = true}
        %dma_wait3A = arith.constant 0 : i32
        %dma_wait3A_62 = tpu.memref_slice %arg4[%scan3A_54, %dma_wait3A] : memref<125x80xi32, #tpu.memory_space<vmem>> -> memref<1x80xi32, #tpu.memory_space<vmem>>
        %dma_wait3A_63 = tpu.memref_squeeze %dma_wait3A_62 : memref<1x80xi32, #tpu.memory_space<vmem>> -> memref<80xi32, #tpu.memory_space<vmem>>
        %dma_wait3A_64 = arith.constant 0 : i32
        %dma_wait3A_65 = arith.constant 0 : i32
        %dma_wait3A_66 = tpu.memref_slice %arg7[%dma_wait3A_64, %dma_wait3A_65] : memref<10240x16xf32, #tpu.memory_space<vmem_shared>> -> memref<10240x16xf32, #tpu.memory_space<vmem_shared>>
        tpu.wait_indirect_dma semaphore(%run_scoped3A : memref<!tpu.dma_semaphore, #tpu.memory_space<semaphore_mem>>) src(%arg5 : memref<80x16xf32, #tpu.memory_space<vmem>>) dst(%dma_wait3A_66 : memref<10240x16xf32, #tpu.memory_space<vmem_shared>>)
        tpu.yield
      }) : () -> ()
      %scan3A_56 = arith.constant 0 : i32
      scf.yield %scan3A_56 : i32
    }
    %scan3A_32 = arith.constant 125 : i32
    %barrier3A_33 = arith.constant 0 : index
    tpu.barrier barrier_id(%barrier3A_33)
    %add3A_34 = arith.constant 0 : i32
    %add3A_35 = arith.addi %mul3A_16, %add3A_34 : i32
    "tpu.region"() ({
      %run_scoped3A = tpu.sem_alloc : memref<!tpu.dma_semaphore, #tpu.memory_space<semaphore_mem>>
      %dma_start3A = arith.constant 0 : i32
      %dma_start3A_54 = tpu.memref_slice %arg7[%add3A_35, %dma_start3A] : memref<10240x16xf32, #tpu.memory_space<vmem_shared>> -> memref<128x16xf32, #tpu.memory_space<vmem_shared>>
      %dma_start3A_55 = arith.constant 0 : i32
      %dma_start3A_56 = tpu.memref_slice %arg7[%add3A_35, %dma_start3A_55] : memref<10240x16xf32, #tpu.memory_space<vmem_shared>> -> memref<128x16xf32, #tpu.memory_space<vmem_shared>>
      tpu.enqueue_dma source(%dma_start3A_56 : memref<128x16xf32, #tpu.memory_space<vmem_shared>>) target(%arg6 : memref<128x16xf32, #tpu.memory_space<vmem>>) target_semaphore(%run_scoped3A : memref<!tpu.dma_semaphore, #tpu.memory_space<semaphore_mem>>)
      %dma_wait3A = arith.constant 0 : i32
      %dma_wait3A_57 = tpu.memref_slice %arg7[%add3A_35, %dma_wait3A] : memref<10240x16xf32, #tpu.memory_space<vmem_shared>> -> memref<128x16xf32, #tpu.memory_space<vmem_shared>>
      %dma_wait3A_58 = arith.constant 0 : i32
      %dma_wait3A_59 = tpu.memref_slice %arg7[%add3A_35, %dma_wait3A_58] : memref<10240x16xf32, #tpu.memory_space<vmem_shared>> -> memref<128x16xf32, #tpu.memory_space<vmem_shared>>
      tpu.wait_dma2 semaphore(%run_scoped3A : memref<!tpu.dma_semaphore, #tpu.memory_space<semaphore_mem>>) src(%dma_wait3A_59 : memref<128x16xf32, #tpu.memory_space<vmem_shared>>) dst(%arg6 : memref<128x16xf32, #tpu.memory_space<vmem>>)
      tpu.yield
    }) : () -> ()
    %add3A_36 = arith.constant 0 : i32
    %add3A_37 = arith.addi %mul3A_16, %add3A_36 : i32
    "tpu.region"() ({
      %run_scoped3A = tpu.sem_alloc : memref<!tpu.dma_semaphore, #tpu.memory_space<semaphore_mem>>
      %dma_start3A = arith.constant 0 : i32
      %dma_start3A_54 = tpu.memref_slice %arg3[%arg0, %add3A_37, %dma_start3A] : memref<2x10240x16xf32, #tpu.memory_space<hbm>> -> memref<1x128x16xf32, #tpu.memory_space<hbm>>
      %dma_start3A_55 = tpu.memref_squeeze %dma_start3A_54 : memref<1x128x16xf32, #tpu.memory_space<hbm>> -> memref<128x16xf32, #tpu.memory_space<hbm>>
      %dma_start3A_56 = arith.constant 0 : i32
      %dma_start3A_57 = tpu.memref_slice %arg3[%arg0, %add3A_37, %dma_start3A_56] : memref<2x10240x16xf32, #tpu.memory_space<hbm>> -> memref<1x128x16xf32, #tpu.memory_space<hbm>>
      %dma_start3A_58 = tpu.memref_squeeze %dma_start3A_57 : memref<1x128x16xf32, #tpu.memory_space<hbm>> -> memref<128x16xf32, #tpu.memory_space<hbm>>
      tpu.enqueue_dma source(%arg6 : memref<128x16xf32, #tpu.memory_space<vmem>>) target(%dma_start3A_58 : memref<128x16xf32, #tpu.memory_space<hbm>>) target_semaphore(%run_scoped3A : memref<!tpu.dma_semaphore, #tpu.memory_space<semaphore_mem>>)
      %dma_wait3A = arith.constant 0 : i32
      %dma_wait3A_59 = tpu.memref_slice %arg3[%arg0, %add3A_37, %dma_wait3A] : memref<2x10240x16xf32, #tpu.memory_space<hbm>> -> memref<1x128x16xf32, #tpu.memory_space<hbm>>
      %dma_wait3A_60 = tpu.memref_squeeze %dma_wait3A_59 : memref<1x128x16xf32, #tpu.memory_space<hbm>> -> memref<128x16xf32, #tpu.memory_space<hbm>>
      %dma_wait3A_61 = arith.constant 0 : i32
      %dma_wait3A_62 = tpu.memref_slice %arg3[%arg0, %add3A_37, %dma_wait3A_61] : memref<2x10240x16xf32, #tpu.memory_space<hbm>> -> memref<1x128x16xf32, #tpu.memory_space<hbm>>
      %dma_wait3A_63 = tpu.memref_squeeze %dma_wait3A_62 : memref<1x128x16xf32, #tpu.memory_space<hbm>> -> memref<128x16xf32, #tpu.memory_space<hbm>>
      tpu.wait_dma2 semaphore(%run_scoped3A : memref<!tpu.dma_semaphore, #tpu.memory_space<semaphore_mem>>) src(%arg6 : memref<128x16xf32, #tpu.memory_space<vmem>>) dst(%dma_wait3A_63 : memref<128x16xf32, #tpu.memory_space<hbm>>)
      tpu.yield
    }) : () -> ()
    %add3A_38 = arith.constant 128 : i32
    %add3A_39 = arith.addi %mul3A_16, %add3A_38 : i32
    "tpu.region"() ({
      %run_scoped3A = tpu.sem_alloc : memref<!tpu.dma_semaphore, #tpu.memory_space<semaphore_mem>>
      %dma_start3A = arith.constant 0 : i32
      %dma_start3A_54 = tpu.memref_slice %arg7[%add3A_39, %dma_start3A] : memref<10240x16xf32, #tpu.memory_space<vmem_shared>> -> memref<128x16xf32, #tpu.memory_space<vmem_shared>>
      %dma_start3A_55 = arith.constant 0 : i32
      %dma_start3A_56 = tpu.memref_slice %arg7[%add3A_39, %dma_start3A_55] : memref<10240x16xf32, #tpu.memory_space<vmem_shared>> -> memref<128x16xf32, #tpu.memory_space<vmem_shared>>
      tpu.enqueue_dma source(%dma_start3A_56 : memref<128x16xf32, #tpu.memory_space<vmem_shared>>) target(%arg6 : memref<128x16xf32, #tpu.memory_space<vmem>>) target_semaphore(%run_scoped3A : memref<!tpu.dma_semaphore, #tpu.memory_space<semaphore_mem>>)
      %dma_wait3A = arith.constant 0 : i32
      %dma_wait3A_57 = tpu.memref_slice %arg7[%add3A_39, %dma_wait3A] : memref<10240x16xf32, #tpu.memory_space<vmem_shared>> -> memref<128x16xf32, #tpu.memory_space<vmem_shared>>
      %dma_wait3A_58 = arith.constant 0 : i32
      %dma_wait3A_59 = tpu.memref_slice %arg7[%add3A_39, %dma_wait3A_58] : memref<10240x16xf32, #tpu.memory_space<vmem_shared>> -> memref<128x16xf32, #tpu.memory_space<vmem_shared>>
      tpu.wait_dma2 semaphore(%run_scoped3A : memref<!tpu.dma_semaphore, #tpu.memory_space<semaphore_mem>>) src(%dma_wait3A_59 : memref<128x16xf32, #tpu.memory_space<vmem_shared>>) dst(%arg6 : memref<128x16xf32, #tpu.memory_space<vmem>>)
      tpu.yield
    }) : () -> ()
    %add3A_40 = arith.constant 128 : i32
    %add3A_41 = arith.addi %mul3A_16, %add3A_40 : i32
    "tpu.region"() ({
      %run_scoped3A = tpu.sem_alloc : memref<!tpu.dma_semaphore, #tpu.memory_space<semaphore_mem>>
      %dma_start3A = arith.constant 0 : i32
      %dma_start3A_54 = tpu.memref_slice %arg3[%arg0, %add3A_41, %dma_start3A] : memref<2x10240x16xf32, #tpu.memory_space<hbm>> -> memref<1x128x16xf32, #tpu.memory_space<hbm>>
      %dma_start3A_55 = tpu.memref_squeeze %dma_start3A_54 : memref<1x128x16xf32, #tpu.memory_space<hbm>> -> memref<128x16xf32, #tpu.memory_space<hbm>>
      %dma_start3A_56 = arith.constant 0 : i32
      %dma_start3A_57 = tpu.memref_slice %arg3[%arg0, %add3A_41, %dma_start3A_56] : memref<2x10240x16xf32, #tpu.memory_space<hbm>> -> memref<1x128x16xf32, #tpu.memory_space<hbm>>
      %dma_start3A_58 = tpu.memref_squeeze %dma_start3A_57 : memref<1x128x16xf32, #tpu.memory_space<hbm>> -> memref<128x16xf32, #tpu.memory_space<hbm>>
      tpu.enqueue_dma source(%arg6 : memref<128x16xf32, #tpu.memory_space<vmem>>) target(%dma_start3A_58 : memref<128x16xf32, #tpu.memory_space<hbm>>) target_semaphore(%run_scoped3A : memref<!tpu.dma_semaphore, #tpu.memory_space<semaphore_mem>>)
      %dma_wait3A = arith.constant 0 : i32
      %dma_wait3A_59 = tpu.memref_slice %arg3[%arg0, %add3A_41, %dma_wait3A] : memref<2x10240x16xf32, #tpu.memory_space<hbm>> -> memref<1x128x16xf32, #tpu.memory_space<hbm>>
      %dma_wait3A_60 = tpu.memref_squeeze %dma_wait3A_59 : memref<1x128x16xf32, #tpu.memory_space<hbm>> -> memref<128x16xf32, #tpu.memory_space<hbm>>
      %dma_wait3A_61 = arith.constant 0 : i32
      %dma_wait3A_62 = tpu.memref_slice %arg3[%arg0, %add3A_41, %dma_wait3A_61] : memref<2x10240x16xf32, #tpu.memory_space<hbm>> -> memref<1x128x16xf32, #tpu.memory_space<hbm>>
      %dma_wait3A_63 = tpu.memref_squeeze %dma_wait3A_62 : memref<1x128x16xf32, #tpu.memory_space<hbm>> -> memref<128x16xf32, #tpu.memory_space<hbm>>
      tpu.wait_dma2 semaphore(%run_scoped3A : memref<!tpu.dma_semaphore, #tpu.memory_space<semaphore_mem>>) src(%arg6 : memref<128x16xf32, #tpu.memory_space<vmem>>) dst(%dma_wait3A_63 : memref<128x16xf32, #tpu.memory_space<hbm>>)
      tpu.yield
    }) : () -> ()
    %add3A_42 = arith.constant 256 : i32
    %add3A_43 = arith.addi %mul3A_16, %add3A_42 : i32
    "tpu.region"() ({
      %run_scoped3A = tpu.sem_alloc : memref<!tpu.dma_semaphore, #tpu.memory_space<semaphore_mem>>
      %dma_start3A = arith.constant 0 : i32
      %dma_start3A_54 = tpu.memref_slice %arg7[%add3A_43, %dma_start3A] : memref<10240x16xf32, #tpu.memory_space<vmem_shared>> -> memref<128x16xf32, #tpu.memory_space<vmem_shared>>
      %dma_start3A_55 = arith.constant 0 : i32
      %dma_start3A_56 = tpu.memref_slice %arg7[%add3A_43, %dma_start3A_55] : memref<10240x16xf32, #tpu.memory_space<vmem_shared>> -> memref<128x16xf32, #tpu.memory_space<vmem_shared>>
      tpu.enqueue_dma source(%dma_start3A_56 : memref<128x16xf32, #tpu.memory_space<vmem_shared>>) target(%arg6 : memref<128x16xf32, #tpu.memory_space<vmem>>) target_semaphore(%run_scoped3A : memref<!tpu.dma_semaphore, #tpu.memory_space<semaphore_mem>>)
      %dma_wait3A = arith.constant 0 : i32
      %dma_wait3A_57 = tpu.memref_slice %arg7[%add3A_43, %dma_wait3A] : memref<10240x16xf32, #tpu.memory_space<vmem_shared>> -> memref<128x16xf32, #tpu.memory_space<vmem_shared>>
      %dma_wait3A_58 = arith.constant 0 : i32
      %dma_wait3A_59 = tpu.memref_slice %arg7[%add3A_43, %dma_wait3A_58] : memref<10240x16xf32, #tpu.memory_space<vmem_shared>> -> memref<128x16xf32, #tpu.memory_space<vmem_shared>>
      tpu.wait_dma2 semaphore(%run_scoped3A : memref<!tpu.dma_semaphore, #tpu.memory_space<semaphore_mem>>) src(%dma_wait3A_59 : memref<128x16xf32, #tpu.memory_space<vmem_shared>>) dst(%arg6 : memref<128x16xf32, #tpu.memory_space<vmem>>)
      tpu.yield
    }) : () -> ()
    %add3A_44 = arith.constant 256 : i32
    %add3A_45 = arith.addi %mul3A_16, %add3A_44 : i32
    "tpu.region"() ({
      %run_scoped3A = tpu.sem_alloc : memref<!tpu.dma_semaphore, #tpu.memory_space<semaphore_mem>>
      %dma_start3A = arith.constant 0 : i32
      %dma_start3A_54 = tpu.memref_slice %arg3[%arg0, %add3A_45, %dma_start3A] : memref<2x10240x16xf32, #tpu.memory_space<hbm>> -> memref<1x128x16xf32, #tpu.memory_space<hbm>>
      %dma_start3A_55 = tpu.memref_squeeze %dma_start3A_54 : memref<1x128x16xf32, #tpu.memory_space<hbm>> -> memref<128x16xf32, #tpu.memory_space<hbm>>
      %dma_start3A_56 = arith.constant 0 : i32
      %dma_start3A_57 = tpu.memref_slice %arg3[%arg0, %add3A_45, %dma_start3A_56] : memref<2x10240x16xf32, #tpu.memory_space<hbm>> -> memref<1x128x16xf32, #tpu.memory_space<hbm>>
      %dma_start3A_58 = tpu.memref_squeeze %dma_start3A_57 : memref<1x128x16xf32, #tpu.memory_space<hbm>> -> memref<128x16xf32, #tpu.memory_space<hbm>>
      tpu.enqueue_dma source(%arg6 : memref<128x16xf32, #tpu.memory_space<vmem>>) target(%dma_start3A_58 : memref<128x16xf32, #tpu.memory_space<hbm>>) target_semaphore(%run_scoped3A : memref<!tpu.dma_semaphore, #tpu.memory_space<semaphore_mem>>)
      %dma_wait3A = arith.constant 0 : i32
      %dma_wait3A_59 = tpu.memref_slice %arg3[%arg0, %add3A_45, %dma_wait3A] : memref<2x10240x16xf32, #tpu.memory_space<hbm>> -> memref<1x128x16xf32, #tpu.memory_space<hbm>>
      %dma_wait3A_60 = tpu.memref_squeeze %dma_wait3A_59 : memref<1x128x16xf32, #tpu.memory_space<hbm>> -> memref<128x16xf32, #tpu.memory_space<hbm>>
      %dma_wait3A_61 = arith.constant 0 : i32
      %dma_wait3A_62 = tpu.memref_slice %arg3[%arg0, %add3A_45, %dma_wait3A_61] : memref<2x10240x16xf32, #tpu.memory_space<hbm>> -> memref<1x128x16xf32, #tpu.memory_space<hbm>>
      %dma_wait3A_63 = tpu.memref_squeeze %dma_wait3A_62 : memref<1x128x16xf32, #tpu.memory_space<hbm>> -> memref<128x16xf32, #tpu.memory_space<hbm>>
      tpu.wait_dma2 semaphore(%run_scoped3A : memref<!tpu.dma_semaphore, #tpu.memory_space<semaphore_mem>>) src(%arg6 : memref<128x16xf32, #tpu.memory_space<vmem>>) dst(%dma_wait3A_63 : memref<128x16xf32, #tpu.memory_space<hbm>>)
      tpu.yield
    }) : () -> ()
    %add3A_46 = arith.constant 384 : i32
    %add3A_47 = arith.addi %mul3A_16, %add3A_46 : i32
    "tpu.region"() ({
      %run_scoped3A = tpu.sem_alloc : memref<!tpu.dma_semaphore, #tpu.memory_space<semaphore_mem>>
      %dma_start3A = arith.constant 0 : i32
      %dma_start3A_54 = tpu.memref_slice %arg7[%add3A_47, %dma_start3A] : memref<10240x16xf32, #tpu.memory_space<vmem_shared>> -> memref<128x16xf32, #tpu.memory_space<vmem_shared>>
      %dma_start3A_55 = arith.constant 0 : i32
      %dma_start3A_56 = tpu.memref_slice %arg7[%add3A_47, %dma_start3A_55] : memref<10240x16xf32, #tpu.memory_space<vmem_shared>> -> memref<128x16xf32, #tpu.memory_space<vmem_shared>>
      tpu.enqueue_dma source(%dma_start3A_56 : memref<128x16xf32, #tpu.memory_space<vmem_shared>>) target(%arg6 : memref<128x16xf32, #tpu.memory_space<vmem>>) target_semaphore(%run_scoped3A : memref<!tpu.dma_semaphore, #tpu.memory_space<semaphore_mem>>)
      %dma_wait3A = arith.constant 0 : i32
      %dma_wait3A_57 = tpu.memref_slice %arg7[%add3A_47, %dma_wait3A] : memref<10240x16xf32, #tpu.memory_space<vmem_shared>> -> memref<128x16xf32, #tpu.memory_space<vmem_shared>>
      %dma_wait3A_58 = arith.constant 0 : i32
      %dma_wait3A_59 = tpu.memref_slice %arg7[%add3A_47, %dma_wait3A_58] : memref<10240x16xf32, #tpu.memory_space<vmem_shared>> -> memref<128x16xf32, #tpu.memory_space<vmem_shared>>
      tpu.wait_dma2 semaphore(%run_scoped3A : memref<!tpu.dma_semaphore, #tpu.memory_space<semaphore_mem>>) src(%dma_wait3A_59 : memref<128x16xf32, #tpu.memory_space<vmem_shared>>) dst(%arg6 : memref<128x16xf32, #tpu.memory_space<vmem>>)
      tpu.yield
    }) : () -> ()
    %add3A_48 = arith.constant 384 : i32
    %add3A_49 = arith.addi %mul3A_16, %add3A_48 : i32
    "tpu.region"() ({
      %run_scoped3A = tpu.sem_alloc : memref<!tpu.dma_semaphore, #tpu.memory_space<semaphore_mem>>
      %dma_start3A = arith.constant 0 : i32
      %dma_start3A_54 = tpu.memref_slice %arg3[%arg0, %add3A_49, %dma_start3A] : memref<2x10240x16xf32, #tpu.memory_space<hbm>> -> memref<1x128x16xf32, #tpu.memory_space<hbm>>
      %dma_start3A_55 = tpu.memref_squeeze %dma_start3A_54 : memref<1x128x16xf32, #tpu.memory_space<hbm>> -> memref<128x16xf32, #tpu.memory_space<hbm>>
      %dma_start3A_56 = arith.constant 0 : i32
      %dma_start3A_57 = tpu.memref_slice %arg3[%arg0, %add3A_49, %dma_start3A_56] : memref<2x10240x16xf32, #tpu.memory_space<hbm>> -> memref<1x128x16xf32, #tpu.memory_space<hbm>>
      %dma_start3A_58 = tpu.memref_squeeze %dma_start3A_57 : memref<1x128x16xf32, #tpu.memory_space<hbm>> -> memref<128x16xf32, #tpu.memory_space<hbm>>
      tpu.enqueue_dma source(%arg6 : memref<128x16xf32, #tpu.memory_space<vmem>>) target(%dma_start3A_58 : memref<128x16xf32, #tpu.memory_space<hbm>>) target_semaphore(%run_scoped3A : memref<!tpu.dma_semaphore, #tpu.memory_space<semaphore_mem>>)
      %dma_wait3A = arith.constant 0 : i32
      %dma_wait3A_59 = tpu.memref_slice %arg3[%arg0, %add3A_49, %dma_wait3A] : memref<2x10240x16xf32, #tpu.memory_space<hbm>> -> memref<1x128x16xf32, #tpu.memory_space<hbm>>
      %dma_wait3A_60 = tpu.memref_squeeze %dma_wait3A_59 : memref<1x128x16xf32, #tpu.memory_space<hbm>> -> memref<128x16xf32, #tpu.memory_space<hbm>>
      %dma_wait3A_61 = arith.constant 0 : i32
      %dma_wait3A_62 = tpu.memref_slice %arg3[%arg0, %add3A_49, %dma_wait3A_61] : memref<2x10240x16xf32, #tpu.memory_space<hbm>> -> memref<1x128x16xf32, #tpu.memory_space<hbm>>
      %dma_wait3A_63 = tpu.memref_squeeze %dma_wait3A_62 : memref<1x128x16xf32, #tpu.memory_space<hbm>> -> memref<128x16xf32, #tpu.memory_space<hbm>>
      tpu.wait_dma2 semaphore(%run_scoped3A : memref<!tpu.dma_semaphore, #tpu.memory_space<semaphore_mem>>) src(%arg6 : memref<128x16xf32, #tpu.memory_space<vmem>>) dst(%dma_wait3A_63 : memref<128x16xf32, #tpu.memory_space<hbm>>)
      tpu.yield
    }) : () -> ()
    %add3A_50 = arith.constant 512 : i32
    %add3A_51 = arith.addi %mul3A_16, %add3A_50 : i32
    "tpu.region"() ({
      %run_scoped3A = tpu.sem_alloc : memref<!tpu.dma_semaphore, #tpu.memory_space<semaphore_mem>>
      %dma_start3A = arith.constant 0 : i32
      %dma_start3A_54 = tpu.memref_slice %arg7[%add3A_51, %dma_start3A] : memref<10240x16xf32, #tpu.memory_space<vmem_shared>> -> memref<128x16xf32, #tpu.memory_space<vmem_shared>>
      %dma_start3A_55 = arith.constant 0 : i32
      %dma_start3A_56 = tpu.memref_slice %arg7[%add3A_51, %dma_start3A_55] : memref<10240x16xf32, #tpu.memory_space<vmem_shared>> -> memref<128x16xf32, #tpu.memory_space<vmem_shared>>
      tpu.enqueue_dma source(%dma_start3A_56 : memref<128x16xf32, #tpu.memory_space<vmem_shared>>) target(%arg6 : memref<128x16xf32, #tpu.memory_space<vmem>>) target_semaphore(%run_scoped3A : memref<!tpu.dma_semaphore, #tpu.memory_space<semaphore_mem>>)
      %dma_wait3A = arith.constant 0 : i32
      %dma_wait3A_57 = tpu.memref_slice %arg7[%add3A_51, %dma_wait3A] : memref<10240x16xf32, #tpu.memory_space<vmem_shared>> -> memref<128x16xf32, #tpu.memory_space<vmem_shared>>
      %dma_wait3A_58 = arith.constant 0 : i32
      %dma_wait3A_59 = tpu.memref_slice %arg7[%add3A_51, %dma_wait3A_58] : memref<10240x16xf32, #tpu.memory_space<vmem_shared>> -> memref<128x16xf32, #tpu.memory_space<vmem_shared>>
      tpu.wait_dma2 semaphore(%run_scoped3A : memref<!tpu.dma_semaphore, #tpu.memory_space<semaphore_mem>>) src(%dma_wait3A_59 : memref<128x16xf32, #tpu.memory_space<vmem_shared>>) dst(%arg6 : memref<128x16xf32, #tpu.memory_space<vmem>>)
      tpu.yield
    }) : () -> ()
    %add3A_52 = arith.constant 512 : i32
    %add3A_53 = arith.addi %mul3A_16, %add3A_52 : i32
    "tpu.region"() ({
      %run_scoped3A = tpu.sem_alloc : memref<!tpu.dma_semaphore, #tpu.memory_space<semaphore_mem>>
      %dma_start3A = arith.constant 0 : i32
      %dma_start3A_54 = tpu.memref_slice %arg3[%arg0, %add3A_53, %dma_start3A] : memref<2x10240x16xf32, #tpu.memory_space<hbm>> -> memref<1x128x16xf32, #tpu.memory_space<hbm>>
      %dma_start3A_55 = tpu.memref_squeeze %dma_start3A_54 : memref<1x128x16xf32, #tpu.memory_space<hbm>> -> memref<128x16xf32, #tpu.memory_space<hbm>>
      %dma_start3A_56 = arith.constant 0 : i32
      %dma_start3A_57 = tpu.memref_slice %arg3[%arg0, %add3A_53, %dma_start3A_56] : memref<2x10240x16xf32, #tpu.memory_space<hbm>> -> memref<1x128x16xf32, #tpu.memory_space<hbm>>
      %dma_start3A_58 = tpu.memref_squeeze %dma_start3A_57 : memref<1x128x16xf32, #tpu.memory_space<hbm>> -> memref<128x16xf32, #tpu.memory_space<hbm>>
      tpu.enqueue_dma source(%arg6 : memref<128x16xf32, #tpu.memory_space<vmem>>) target(%dma_start3A_58 : memref<128x16xf32, #tpu.memory_space<hbm>>) target_semaphore(%run_scoped3A : memref<!tpu.dma_semaphore, #tpu.memory_space<semaphore_mem>>)
      %dma_wait3A = arith.constant 0 : i32
      %dma_wait3A_59 = tpu.memref_slice %arg3[%arg0, %add3A_53, %dma_wait3A] : memref<2x10240x16xf32, #tpu.memory_space<hbm>> -> memref<1x128x16xf32, #tpu.memory_space<hbm>>
      %dma_wait3A_60 = tpu.memref_squeeze %dma_wait3A_59 : memref<1x128x16xf32, #tpu.memory_space<hbm>> -> memref<128x16xf32, #tpu.memory_space<hbm>>
      %dma_wait3A_61 = arith.constant 0 : i32
      %dma_wait3A_62 = tpu.memref_slice %arg3[%arg0, %add3A_53, %dma_wait3A_61] : memref<2x10240x16xf32, #tpu.memory_space<hbm>> -> memref<1x128x16xf32, #tpu.memory_space<hbm>>
      %dma_wait3A_63 = tpu.memref_squeeze %dma_wait3A_62 : memref<1x128x16xf32, #tpu.memory_space<hbm>> -> memref<128x16xf32, #tpu.memory_space<hbm>>
      tpu.wait_dma2 semaphore(%run_scoped3A : memref<!tpu.dma_semaphore, #tpu.memory_space<semaphore_mem>>) src(%arg6 : memref<128x16xf32, #tpu.memory_space<vmem>>) dst(%dma_wait3A_63 : memref<128x16xf32, #tpu.memory_space<hbm>>)
      tpu.yield
    }) : () -> ()
    return
  }
}

#map = affine_map<(d0, d1) -> (0, 0)>
#map1 = affine_map<(d0, d1) -> (0, 0, 0)>
#map2 = affine_map<(d0, d1) -> (0, 0, 0, 0)>
module attributes {stable_mosaic.version = 14 : i64} {
  func.func @_scatter_kernel(%arg0: i32, %arg1: i32, %arg2: memref<10000x128xf32, #tpu.memory_space<hbm>>, %arg3: memref<2x16x10000xi32, #tpu.memory_space<hbm>>, %arg4: memref<2x16x125x80xi32, #tpu.memory_space<hbm>>, %arg5: memref<2x10240x128xf32, #tpu.memory_space<hbm>>, %arg6: memref<10000xi32, #tpu.memory_space<vmem>>, %arg7: memref<125x80xi32, #tpu.memory_space<vmem>>, %arg8: memref<2x80x128xf32, #tpu.memory_space<vmem>>, %arg9: memref<10240x128xf32, #tpu.memory_space<vmem_shared>>, %arg10: memref<!tpu.dma_semaphore, #tpu.memory_space<semaphore_mem>>, %arg11: memref<!tpu.dma_semaphore, #tpu.memory_space<semaphore_mem>>) attributes {dimension_semantics = [#tpu.dimension_semantics<core_parallel>, #tpu.dimension_semantics<subcore_parallel>], iteration_bounds = array<i64: 2, 16>, scalar_prefetch = 0 : i64, scratch_operands = 6 : i64, tpu.core_type = #tpu.core_type<sc_vector_subcore>, window_params = [{transform_indices = #map}, {transform_indices = #map1}, {transform_indices = #map2}, {transform_indices = #map1}]} {
    %broadcast_in_dim3A = arith.constant 0.000000e+00 : f32
    %broadcast_in_dim3A_0 = vector.broadcast %broadcast_in_dim3A : f32 to vector<16xf32>
    %scan3A = arith.constant 0 : i32
    %scan3A_1 = arith.constant 0 : i32
    %scan3A_2 = arith.constant 640 : i32
    %scan3A_3 = arith.addi %scan3A_1, %scan3A_2 : i32
    %scan3A_4 = arith.constant 1 : i32
    %scan3A_5 = scf.for %scan3A_354 = %scan3A_1 to %scan3A_3 step %scan3A_4 iter_args(%scan3A_355 = %scan3A) -> (i32)  : i32 {
      %jit3A = arith.constant 8 : i32
      %div3A = arith.divsi %scan3A_354, %jit3A : i32
      %sign3A = arith.constant 0 : i32
      %sign3A_356 = arith.cmpi sgt, %scan3A_354, %sign3A : i32
      %sign3A_357 = arith.extui %sign3A_356 : i1 to i32
      %sign3A_358 = arith.constant 0 : i32
      %sign3A_359 = arith.cmpi slt, %scan3A_354, %sign3A_358 : i32
      %sign3A_360 = arith.extui %sign3A_359 : i1 to i32
      %sign3A_361 = arith.subi %sign3A_357, %sign3A_360 : i32
      %sign3A_362 = arith.constant 0 : i32
      %sign3A_363 = arith.cmpi sgt, %jit3A, %sign3A_362 : i32
      %sign3A_364 = arith.extui %sign3A_363 : i1 to i32
      %sign3A_365 = arith.constant 0 : i32
      %sign3A_366 = arith.cmpi slt, %jit3A, %sign3A_365 : i32
      %sign3A_367 = arith.extui %sign3A_366 : i1 to i32
      %sign3A_368 = arith.subi %sign3A_364, %sign3A_367 : i32
      %ne3A = arith.cmpi ne, %sign3A_361, %sign3A_368 : i32
      %rem3A = arith.remsi %scan3A_354, %jit3A : i32
      %ne3A_369 = arith.constant 0 : i32
      %ne3A_370 = arith.cmpi ne, %rem3A, %ne3A_369 : i32
      %and3A = arith.andi %ne3A, %ne3A_370 : i1
      %sub3A = arith.constant 1 : i32
      %sub3A_371 = arith.subi %div3A, %sub3A : i32
      %select_n3A = arith.select %and3A, %sub3A_371, %div3A : i32
      %jit3A_372 = arith.constant 8 : i32
      %eq3A = arith.constant 0 : i32
      %eq3A_373 = arith.cmpi eq, %jit3A_372, %eq3A : i32
      %jit3A_374 = arith.constant 1 : i32
      %select_n3A_375 = arith.select %eq3A_373, %jit3A_374, %jit3A_372 : i32
      %rem3A_376 = arith.remsi %scan3A_354, %select_n3A_375 : i32
      %ne3A_377 = arith.constant 0 : i32
      %ne3A_378 = arith.cmpi ne, %rem3A_376, %ne3A_377 : i32
      %lt3A = arith.constant 0 : i32
      %lt3A_379 = arith.cmpi slt, %rem3A_376, %lt3A : i32
      %lt3A_380 = arith.constant 0 : i32
      %lt3A_381 = arith.cmpi slt, %select_n3A_375, %lt3A_380 : i32
      %ne3A_382 = arith.xori %lt3A_379, %lt3A_381 : i1
      %and3A_383 = arith.andi %ne3A_382, %ne3A_378 : i1
      %add3A_384 = arith.addi %rem3A_376, %select_n3A_375 : i32
      %select_n3A_385 = arith.select %and3A_383, %add3A_384, %rem3A_376 : i32
      %mul3A_386 = arith.constant 16 : i32
      %mul3A_387 = arith.muli %select_n3A_385, %mul3A_386 : i32
      %swap3A = arith.constant 0 : i32
      %swap3A_388 = arith.index_cast %swap3A : i32 to index
      %swap3A_389 = arith.index_cast %select_n3A : i32 to index
      %swap3A_390 = arith.index_cast %mul3A_387 : i32 to index
      %swap3A_391 = tpu.vector_load %arg8[%swap3A_388, %swap3A_389, %swap3A_390] {strides = array<i32>} : memref<2x80x128xf32, #tpu.memory_space<vmem>>, vector<1x1x16xf32>,
      %swap3A_392 = vector.shape_cast %swap3A_391 : vector<1x1x16xf32> to vector<16xf32>
      %swap3A_393 = vector.shape_cast %broadcast_in_dim3A_0 : vector<16xf32> to vector<1x1x16xf32>
      tpu.vector_store %arg8[%swap3A_388, %swap3A_389, %swap3A_390], %swap3A_393 {strides = array<i32>} : memref<2x80x128xf32, #tpu.memory_space<vmem>>, vector<1x1x16xf32>,
      %scan3A_394 = arith.constant 0 : i32
      scf.yield %scan3A_394 : i32
    }
    %scan3A_6 = arith.constant 640 : i32
    %mul3A = arith.constant 640 : i32
    %mul3A_7 = arith.muli %arg1, %mul3A : i32
    %add3A = arith.constant 0 : i32
    %add3A_8 = arith.addi %mul3A_7, %add3A : i32
    %run_scoped3A = arith.constant 0 : i32
    "tpu.region"() ({
      %run_scoped3A_354 = tpu.sem_alloc : memref<!tpu.dma_semaphore, #tpu.memory_space<semaphore_mem>>
      %dma_start3A_355 = arith.constant 0 : i32
      %dma_start3A_356 = arith.constant 0 : i32
      %dma_start3A_357 = tpu.memref_slice %arg8[%run_scoped3A, %dma_start3A_355, %dma_start3A_356] : memref<2x80x128xf32, #tpu.memory_space<vmem>> -> memref<1x80x128xf32, #tpu.memory_space<vmem>>
      %dma_start3A_358 = tpu.memref_squeeze %dma_start3A_357 : memref<1x80x128xf32, #tpu.memory_space<vmem>> -> memref<80x128xf32, #tpu.memory_space<vmem>>
      %dma_start3A_359 = arith.constant 0 : i32
      %dma_start3A_360 = tpu.memref_slice %arg9[%add3A_8, %dma_start3A_359] : memref<10240x128xf32, #tpu.memory_space<vmem_shared>> -> memref<80x128xf32, #tpu.memory_space<vmem_shared>>
      %dma_start3A_361 = arith.constant 0 : i32
      %dma_start3A_362 = tpu.memref_slice %arg9[%add3A_8, %dma_start3A_361] : memref<10240x128xf32, #tpu.memory_space<vmem_shared>> -> memref<80x128xf32, #tpu.memory_space<vmem_shared>>
      %dma_start3A_363 = arith.constant 0 : i32
      %dma_start3A_364 = arith.constant 0 : i32
      %dma_start3A_365 = tpu.memref_slice %arg8[%run_scoped3A, %dma_start3A_363, %dma_start3A_364] : memref<2x80x128xf32, #tpu.memory_space<vmem>> -> memref<1x80x128xf32, #tpu.memory_space<vmem>>
      %dma_start3A_366 = tpu.memref_squeeze %dma_start3A_365 : memref<1x80x128xf32, #tpu.memory_space<vmem>> -> memref<80x128xf32, #tpu.memory_space<vmem>>
      tpu.enqueue_dma source(%dma_start3A_366 : memref<80x128xf32, #tpu.memory_space<vmem>>) target(%dma_start3A_362 : memref<80x128xf32, #tpu.memory_space<vmem_shared>>) target_semaphore(%run_scoped3A_354 : memref<!tpu.dma_semaphore, #tpu.memory_space<semaphore_mem>>)
      %dma_wait3A_367 = arith.constant 0 : i32
      %dma_wait3A_368 = arith.constant 0 : i32
      %dma_wait3A_369 = tpu.memref_slice %arg8[%run_scoped3A, %dma_wait3A_367, %dma_wait3A_368] : memref<2x80x128xf32, #tpu.memory_space<vmem>> -> memref<1x80x128xf32, #tpu.memory_space<vmem>>
      %dma_wait3A_370 = tpu.memref_squeeze %dma_wait3A_369 : memref<1x80x128xf32, #tpu.memory_space<vmem>> -> memref<80x128xf32, #tpu.memory_space<vmem>>
      %dma_wait3A_371 = arith.constant 0 : i32
      %dma_wait3A_372 = tpu.memref_slice %arg9[%add3A_8, %dma_wait3A_371] : memref<10240x128xf32, #tpu.memory_space<vmem_shared>> -> memref<80x128xf32, #tpu.memory_space<vmem_shared>>
      %dma_wait3A_373 = arith.constant 0 : i32
      %dma_wait3A_374 = tpu.memref_slice %arg9[%add3A_8, %dma_wait3A_373] : memref<10240x128xf32, #tpu.memory_space<vmem_shared>> -> memref<80x128xf32, #tpu.memory_space<vmem_shared>>
      %dma_wait3A_375 = arith.constant 0 : i32
      %dma_wait3A_376 = arith.constant 0 : i32
      %dma_wait3A_377 = tpu.memref_slice %arg8[%run_scoped3A, %dma_wait3A_375, %dma_wait3A_376] : memref<2x80x128xf32, #tpu.memory_space<vmem>> -> memref<1x80x128xf32, #tpu.memory_space<vmem>>
      %dma_wait3A_378 = tpu.memref_squeeze %dma_wait3A_377 : memref<1x80x128xf32, #tpu.memory_space<vmem>> -> memref<80x128xf32, #tpu.memory_space<vmem>>
      tpu.wait_dma2 semaphore(%run_scoped3A_354 : memref<!tpu.dma_semaphore, #tpu.memory_space<semaphore_mem>>) src(%dma_wait3A_378 : memref<80x128xf32, #tpu.memory_space<vmem>>) dst(%dma_wait3A_374 : memref<80x128xf32, #tpu.memory_space<vmem_shared>>)
      tpu.yield
    }) : () -> ()
    %add3A_9 = arith.constant 80 : i32
    %add3A_10 = arith.addi %mul3A_7, %add3A_9 : i32
    %run_scoped3A_11 = arith.constant 0 : i32
    "tpu.region"() ({
      %run_scoped3A_354 = tpu.sem_alloc : memref<!tpu.dma_semaphore, #tpu.memory_space<semaphore_mem>>
      %dma_start3A_355 = arith.constant 0 : i32
      %dma_start3A_356 = arith.constant 0 : i32
      %dma_start3A_357 = tpu.memref_slice %arg8[%run_scoped3A_11, %dma_start3A_355, %dma_start3A_356] : memref<2x80x128xf32, #tpu.memory_space<vmem>> -> memref<1x80x128xf32, #tpu.memory_space<vmem>>
      %dma_start3A_358 = tpu.memref_squeeze %dma_start3A_357 : memref<1x80x128xf32, #tpu.memory_space<vmem>> -> memref<80x128xf32, #tpu.memory_space<vmem>>
      %dma_start3A_359 = arith.constant 0 : i32
      %dma_start3A_360 = tpu.memref_slice %arg9[%add3A_10, %dma_start3A_359] : memref<10240x128xf32, #tpu.memory_space<vmem_shared>> -> memref<80x128xf32, #tpu.memory_space<vmem_shared>>
      %dma_start3A_361 = arith.constant 0 : i32
      %dma_start3A_362 = tpu.memref_slice %arg9[%add3A_10, %dma_start3A_361] : memref<10240x128xf32, #tpu.memory_space<vmem_shared>> -> memref<80x128xf32, #tpu.memory_space<vmem_shared>>
      %dma_start3A_363 = arith.constant 0 : i32
      %dma_start3A_364 = arith.constant 0 : i32
      %dma_start3A_365 = tpu.memref_slice %arg8[%run_scoped3A_11, %dma_start3A_363, %dma_start3A_364] : memref<2x80x128xf32, #tpu.memory_space<vmem>> -> memref<1x80x128xf32, #tpu.memory_space<vmem>>
      %dma_start3A_366 = tpu.memref_squeeze %dma_start3A_365 : memref<1x80x128xf32, #tpu.memory_space<vmem>> -> memref<80x128xf32, #tpu.memory_space<vmem>>
      tpu.enqueue_dma source(%dma_start3A_366 : memref<80x128xf32, #tpu.memory_space<vmem>>) target(%dma_start3A_362 : memref<80x128xf32, #tpu.memory_space<vmem_shared>>) target_semaphore(%run_scoped3A_354 : memref<!tpu.dma_semaphore, #tpu.memory_space<semaphore_mem>>)
      %dma_wait3A_367 = arith.constant 0 : i32
      %dma_wait3A_368 = arith.constant 0 : i32
      %dma_wait3A_369 = tpu.memref_slice %arg8[%run_scoped3A_11, %dma_wait3A_367, %dma_wait3A_368] : memref<2x80x128xf32, #tpu.memory_space<vmem>> -> memref<1x80x128xf32, #tpu.memory_space<vmem>>
      %dma_wait3A_370 = tpu.memref_squeeze %dma_wait3A_369 : memref<1x80x128xf32, #tpu.memory_space<vmem>> -> memref<80x128xf32, #tpu.memory_space<vmem>>
      %dma_wait3A_371 = arith.constant 0 : i32
      %dma_wait3A_372 = tpu.memref_slice %arg9[%add3A_10, %dma_wait3A_371] : memref<10240x128xf32, #tpu.memory_space<vmem_shared>> -> memref<80x128xf32, #tpu.memory_space<vmem_shared>>
      %dma_wait3A_373 = arith.constant 0 : i32
      %dma_wait3A_374 = tpu.memref_slice %arg9[%add3A_10, %dma_wait3A_373] : memref<10240x128xf32, #tpu.memory_space<vmem_shared>> -> memref<80x128xf32, #tpu.memory_space<vmem_shared>>
      %dma_wait3A_375 = arith.constant 0 : i32
      %dma_wait3A_376 = arith.constant 0 : i32
      %dma_wait3A_377 = tpu.memref_slice %arg8[%run_scoped3A_11, %dma_wait3A_375, %dma_wait3A_376] : memref<2x80x128xf32, #tpu.memory_space<vmem>> -> memref<1x80x128xf32, #tpu.memory_space<vmem>>
      %dma_wait3A_378 = tpu.memref_squeeze %dma_wait3A_377 : memref<1x80x128xf32, #tpu.memory_space<vmem>> -> memref<80x128xf32, #tpu.memory_space<vmem>>
      tpu.wait_dma2 semaphore(%run_scoped3A_354 : memref<!tpu.dma_semaphore, #tpu.memory_space<semaphore_mem>>) src(%dma_wait3A_378 : memref<80x128xf32, #tpu.memory_space<vmem>>) dst(%dma_wait3A_374 : memref<80x128xf32, #tpu.memory_space<vmem_shared>>)
      tpu.yield
    }) : () -> ()
    %add3A_12 = arith.constant 160 : i32
    %add3A_13 = arith.addi %mul3A_7, %add3A_12 : i32
    %run_scoped3A_14 = arith.constant 0 : i32
    "tpu.region"() ({
      %run_scoped3A_354 = tpu.sem_alloc : memref<!tpu.dma_semaphore, #tpu.memory_space<semaphore_mem>>
      %dma_start3A_355 = arith.constant 0 : i32
      %dma_start3A_356 = arith.constant 0 : i32
      %dma_start3A_357 = tpu.memref_slice %arg8[%run_scoped3A_14, %dma_start3A_355, %dma_start3A_356] : memref<2x80x128xf32, #tpu.memory_space<vmem>> -> memref<1x80x128xf32, #tpu.memory_space<vmem>>
      %dma_start3A_358 = tpu.memref_squeeze %dma_start3A_357 : memref<1x80x128xf32, #tpu.memory_space<vmem>> -> memref<80x128xf32, #tpu.memory_space<vmem>>
      %dma_start3A_359 = arith.constant 0 : i32
      %dma_start3A_360 = tpu.memref_slice %arg9[%add3A_13, %dma_start3A_359] : memref<10240x128xf32, #tpu.memory_space<vmem_shared>> -> memref<80x128xf32, #tpu.memory_space<vmem_shared>>
      %dma_start3A_361 = arith.constant 0 : i32
      %dma_start3A_362 = tpu.memref_slice %arg9[%add3A_13, %dma_start3A_361] : memref<10240x128xf32, #tpu.memory_space<vmem_shared>> -> memref<80x128xf32, #tpu.memory_space<vmem_shared>>
      %dma_start3A_363 = arith.constant 0 : i32
      %dma_start3A_364 = arith.constant 0 : i32
      %dma_start3A_365 = tpu.memref_slice %arg8[%run_scoped3A_14, %dma_start3A_363, %dma_start3A_364] : memref<2x80x128xf32, #tpu.memory_space<vmem>> -> memref<1x80x128xf32, #tpu.memory_space<vmem>>
      %dma_start3A_366 = tpu.memref_squeeze %dma_start3A_365 : memref<1x80x128xf32, #tpu.memory_space<vmem>> -> memref<80x128xf32, #tpu.memory_space<vmem>>
      tpu.enqueue_dma source(%dma_start3A_366 : memref<80x128xf32, #tpu.memory_space<vmem>>) target(%dma_start3A_362 : memref<80x128xf32, #tpu.memory_space<vmem_shared>>) target_semaphore(%run_scoped3A_354 : memref<!tpu.dma_semaphore, #tpu.memory_space<semaphore_mem>>)
      %dma_wait3A_367 = arith.constant 0 : i32
      %dma_wait3A_368 = arith.constant 0 : i32
      %dma_wait3A_369 = tpu.memref_slice %arg8[%run_scoped3A_14, %dma_wait3A_367, %dma_wait3A_368] : memref<2x80x128xf32, #tpu.memory_space<vmem>> -> memref<1x80x128xf32, #tpu.memory_space<vmem>>
      %dma_wait3A_370 = tpu.memref_squeeze %dma_wait3A_369 : memref<1x80x128xf32, #tpu.memory_space<vmem>> -> memref<80x128xf32, #tpu.memory_space<vmem>>
      %dma_wait3A_371 = arith.constant 0 : i32
      %dma_wait3A_372 = tpu.memref_slice %arg9[%add3A_13, %dma_wait3A_371] : memref<10240x128xf32, #tpu.memory_space<vmem_shared>> -> memref<80x128xf32, #tpu.memory_space<vmem_shared>>
      %dma_wait3A_373 = arith.constant 0 : i32
      %dma_wait3A_374 = tpu.memref_slice %arg9[%add3A_13, %dma_wait3A_373] : memref<10240x128xf32, #tpu.memory_space<vmem_shared>> -> memref<80x128xf32, #tpu.memory_space<vmem_shared>>
      %dma_wait3A_375 = arith.constant 0 : i32
      %dma_wait3A_376 = arith.constant 0 : i32
      %dma_wait3A_377 = tpu.memref_slice %arg8[%run_scoped3A_14, %dma_wait3A_375, %dma_wait3A_376] : memref<2x80x128xf32, #tpu.memory_space<vmem>> -> memref<1x80x128xf32, #tpu.memory_space<vmem>>
      %dma_wait3A_378 = tpu.memref_squeeze %dma_wait3A_377 : memref<1x80x128xf32, #tpu.memory_space<vmem>> -> memref<80x128xf32, #tpu.memory_space<vmem>>
      tpu.wait_dma2 semaphore(%run_scoped3A_354 : memref<!tpu.dma_semaphore, #tpu.memory_space<semaphore_mem>>) src(%dma_wait3A_378 : memref<80x128xf32, #tpu.memory_space<vmem>>) dst(%dma_wait3A_374 : memref<80x128xf32, #tpu.memory_space<vmem_shared>>)
      tpu.yield
    }) : () -> ()
    %add3A_15 = arith.constant 240 : i32
    %add3A_16 = arith.addi %mul3A_7, %add3A_15 : i32
    %run_scoped3A_17 = arith.constant 0 : i32
    "tpu.region"() ({
      %run_scoped3A_354 = tpu.sem_alloc : memref<!tpu.dma_semaphore, #tpu.memory_space<semaphore_mem>>
      %dma_start3A_355 = arith.constant 0 : i32
      %dma_start3A_356 = arith.constant 0 : i32
      %dma_start3A_357 = tpu.memref_slice %arg8[%run_scoped3A_17, %dma_start3A_355, %dma_start3A_356] : memref<2x80x128xf32, #tpu.memory_space<vmem>> -> memref<1x80x128xf32, #tpu.memory_space<vmem>>
      %dma_start3A_358 = tpu.memref_squeeze %dma_start3A_357 : memref<1x80x128xf32, #tpu.memory_space<vmem>> -> memref<80x128xf32, #tpu.memory_space<vmem>>
      %dma_start3A_359 = arith.constant 0 : i32
      %dma_start3A_360 = tpu.memref_slice %arg9[%add3A_16, %dma_start3A_359] : memref<10240x128xf32, #tpu.memory_space<vmem_shared>> -> memref<80x128xf32, #tpu.memory_space<vmem_shared>>
      %dma_start3A_361 = arith.constant 0 : i32
      %dma_start3A_362 = tpu.memref_slice %arg9[%add3A_16, %dma_start3A_361] : memref<10240x128xf32, #tpu.memory_space<vmem_shared>> -> memref<80x128xf32, #tpu.memory_space<vmem_shared>>
      %dma_start3A_363 = arith.constant 0 : i32
      %dma_start3A_364 = arith.constant 0 : i32
      %dma_start3A_365 = tpu.memref_slice %arg8[%run_scoped3A_17, %dma_start3A_363, %dma_start3A_364] : memref<2x80x128xf32, #tpu.memory_space<vmem>> -> memref<1x80x128xf32, #tpu.memory_space<vmem>>
      %dma_start3A_366 = tpu.memref_squeeze %dma_start3A_365 : memref<1x80x128xf32, #tpu.memory_space<vmem>> -> memref<80x128xf32, #tpu.memory_space<vmem>>
      tpu.enqueue_dma source(%dma_start3A_366 : memref<80x128xf32, #tpu.memory_space<vmem>>) target(%dma_start3A_362 : memref<80x128xf32, #tpu.memory_space<vmem_shared>>) target_semaphore(%run_scoped3A_354 : memref<!tpu.dma_semaphore, #tpu.memory_space<semaphore_mem>>)
      %dma_wait3A_367 = arith.constant 0 : i32
      %dma_wait3A_368 = arith.constant 0 : i32
      %dma_wait3A_369 = tpu.memref_slice %arg8[%run_scoped3A_17, %dma_wait3A_367, %dma_wait3A_368] : memref<2x80x128xf32, #tpu.memory_space<vmem>> -> memref<1x80x128xf32, #tpu.memory_space<vmem>>
      %dma_wait3A_370 = tpu.memref_squeeze %dma_wait3A_369 : memref<1x80x128xf32, #tpu.memory_space<vmem>> -> memref<80x128xf32, #tpu.memory_space<vmem>>
      %dma_wait3A_371 = arith.constant 0 : i32
      %dma_wait3A_372 = tpu.memref_slice %arg9[%add3A_16, %dma_wait3A_371] : memref<10240x128xf32, #tpu.memory_space<vmem_shared>> -> memref<80x128xf32, #tpu.memory_space<vmem_shared>>
      %dma_wait3A_373 = arith.constant 0 : i32
      %dma_wait3A_374 = tpu.memref_slice %arg9[%add3A_16, %dma_wait3A_373] : memref<10240x128xf32, #tpu.memory_space<vmem_shared>> -> memref<80x128xf32, #tpu.memory_space<vmem_shared>>
      %dma_wait3A_375 = arith.constant 0 : i32
      %dma_wait3A_376 = arith.constant 0 : i32
      %dma_wait3A_377 = tpu.memref_slice %arg8[%run_scoped3A_17, %dma_wait3A_375, %dma_wait3A_376] : memref<2x80x128xf32, #tpu.memory_space<vmem>> -> memref<1x80x128xf32, #tpu.memory_space<vmem>>
      %dma_wait3A_378 = tpu.memref_squeeze %dma_wait3A_377 : memref<1x80x128xf32, #tpu.memory_space<vmem>> -> memref<80x128xf32, #tpu.memory_space<vmem>>
      tpu.wait_dma2 semaphore(%run_scoped3A_354 : memref<!tpu.dma_semaphore, #tpu.memory_space<semaphore_mem>>) src(%dma_wait3A_378 : memref<80x128xf32, #tpu.memory_space<vmem>>) dst(%dma_wait3A_374 : memref<80x128xf32, #tpu.memory_space<vmem_shared>>)
      tpu.yield
    }) : () -> ()
    %add3A_18 = arith.constant 320 : i32
    %add3A_19 = arith.addi %mul3A_7, %add3A_18 : i32
    %run_scoped3A_20 = arith.constant 0 : i32
    "tpu.region"() ({
      %run_scoped3A_354 = tpu.sem_alloc : memref<!tpu.dma_semaphore, #tpu.memory_space<semaphore_mem>>
      %dma_start3A_355 = arith.constant 0 : i32
      %dma_start3A_356 = arith.constant 0 : i32
      %dma_start3A_357 = tpu.memref_slice %arg8[%run_scoped3A_20, %dma_start3A_355, %dma_start3A_356] : memref<2x80x128xf32, #tpu.memory_space<vmem>> -> memref<1x80x128xf32, #tpu.memory_space<vmem>>
      %dma_start3A_358 = tpu.memref_squeeze %dma_start3A_357 : memref<1x80x128xf32, #tpu.memory_space<vmem>> -> memref<80x128xf32, #tpu.memory_space<vmem>>
      %dma_start3A_359 = arith.constant 0 : i32
      %dma_start3A_360 = tpu.memref_slice %arg9[%add3A_19, %dma_start3A_359] : memref<10240x128xf32, #tpu.memory_space<vmem_shared>> -> memref<80x128xf32, #tpu.memory_space<vmem_shared>>
      %dma_start3A_361 = arith.constant 0 : i32
      %dma_start3A_362 = tpu.memref_slice %arg9[%add3A_19, %dma_start3A_361] : memref<10240x128xf32, #tpu.memory_space<vmem_shared>> -> memref<80x128xf32, #tpu.memory_space<vmem_shared>>
      %dma_start3A_363 = arith.constant 0 : i32
      %dma_start3A_364 = arith.constant 0 : i32
      %dma_start3A_365 = tpu.memref_slice %arg8[%run_scoped3A_20, %dma_start3A_363, %dma_start3A_364] : memref<2x80x128xf32, #tpu.memory_space<vmem>> -> memref<1x80x128xf32, #tpu.memory_space<vmem>>
      %dma_start3A_366 = tpu.memref_squeeze %dma_start3A_365 : memref<1x80x128xf32, #tpu.memory_space<vmem>> -> memref<80x128xf32, #tpu.memory_space<vmem>>
      tpu.enqueue_dma source(%dma_start3A_366 : memref<80x128xf32, #tpu.memory_space<vmem>>) target(%dma_start3A_362 : memref<80x128xf32, #tpu.memory_space<vmem_shared>>) target_semaphore(%run_scoped3A_354 : memref<!tpu.dma_semaphore, #tpu.memory_space<semaphore_mem>>)
      %dma_wait3A_367 = arith.constant 0 : i32
      %dma_wait3A_368 = arith.constant 0 : i32
      %dma_wait3A_369 = tpu.memref_slice %arg8[%run_scoped3A_20, %dma_wait3A_367, %dma_wait3A_368] : memref<2x80x128xf32, #tpu.memory_space<vmem>> -> memref<1x80x128xf32, #tpu.memory_space<vmem>>
      %dma_wait3A_370 = tpu.memref_squeeze %dma_wait3A_369 : memref<1x80x128xf32, #tpu.memory_space<vmem>> -> memref<80x128xf32, #tpu.memory_space<vmem>>
      %dma_wait3A_371 = arith.constant 0 : i32
      %dma_wait3A_372 = tpu.memref_slice %arg9[%add3A_19, %dma_wait3A_371] : memref<10240x128xf32, #tpu.memory_space<vmem_shared>> -> memref<80x128xf32, #tpu.memory_space<vmem_shared>>
      %dma_wait3A_373 = arith.constant 0 : i32
      %dma_wait3A_374 = tpu.memref_slice %arg9[%add3A_19, %dma_wait3A_373] : memref<10240x128xf32, #tpu.memory_space<vmem_shared>> -> memref<80x128xf32, #tpu.memory_space<vmem_shared>>
      %dma_wait3A_375 = arith.constant 0 : i32
      %dma_wait3A_376 = arith.constant 0 : i32
      %dma_wait3A_377 = tpu.memref_slice %arg8[%run_scoped3A_20, %dma_wait3A_375, %dma_wait3A_376] : memref<2x80x128xf32, #tpu.memory_space<vmem>> -> memref<1x80x128xf32, #tpu.memory_space<vmem>>
      %dma_wait3A_378 = tpu.memref_squeeze %dma_wait3A_377 : memref<1x80x128xf32, #tpu.memory_space<vmem>> -> memref<80x128xf32, #tpu.memory_space<vmem>>
      tpu.wait_dma2 semaphore(%run_scoped3A_354 : memref<!tpu.dma_semaphore, #tpu.memory_space<semaphore_mem>>) src(%dma_wait3A_378 : memref<80x128xf32, #tpu.memory_space<vmem>>) dst(%dma_wait3A_374 : memref<80x128xf32, #tpu.memory_space<vmem_shared>>)
      tpu.yield
    }) : () -> ()
    %add3A_21 = arith.constant 400 : i32
    %add3A_22 = arith.addi %mul3A_7, %add3A_21 : i32
    %run_scoped3A_23 = arith.constant 0 : i32
    "tpu.region"() ({
      %run_scoped3A_354 = tpu.sem_alloc : memref<!tpu.dma_semaphore, #tpu.memory_space<semaphore_mem>>
      %dma_start3A_355 = arith.constant 0 : i32
      %dma_start3A_356 = arith.constant 0 : i32
      %dma_start3A_357 = tpu.memref_slice %arg8[%run_scoped3A_23, %dma_start3A_355, %dma_start3A_356] : memref<2x80x128xf32, #tpu.memory_space<vmem>> -> memref<1x80x128xf32, #tpu.memory_space<vmem>>
      %dma_start3A_358 = tpu.memref_squeeze %dma_start3A_357 : memref<1x80x128xf32, #tpu.memory_space<vmem>> -> memref<80x128xf32, #tpu.memory_space<vmem>>
      %dma_start3A_359 = arith.constant 0 : i32
      %dma_start3A_360 = tpu.memref_slice %arg9[%add3A_22, %dma_start3A_359] : memref<10240x128xf32, #tpu.memory_space<vmem_shared>> -> memref<80x128xf32, #tpu.memory_space<vmem_shared>>
      %dma_start3A_361 = arith.constant 0 : i32
      %dma_start3A_362 = tpu.memref_slice %arg9[%add3A_22, %dma_start3A_361] : memref<10240x128xf32, #tpu.memory_space<vmem_shared>> -> memref<80x128xf32, #tpu.memory_space<vmem_shared>>
      %dma_start3A_363 = arith.constant 0 : i32
      %dma_start3A_364 = arith.constant 0 : i32
      %dma_start3A_365 = tpu.memref_slice %arg8[%run_scoped3A_23, %dma_start3A_363, %dma_start3A_364] : memref<2x80x128xf32, #tpu.memory_space<vmem>> -> memref<1x80x128xf32, #tpu.memory_space<vmem>>
      %dma_start3A_366 = tpu.memref_squeeze %dma_start3A_365 : memref<1x80x128xf32, #tpu.memory_space<vmem>> -> memref<80x128xf32, #tpu.memory_space<vmem>>
      tpu.enqueue_dma source(%dma_start3A_366 : memref<80x128xf32, #tpu.memory_space<vmem>>) target(%dma_start3A_362 : memref<80x128xf32, #tpu.memory_space<vmem_shared>>) target_semaphore(%run_scoped3A_354 : memref<!tpu.dma_semaphore, #tpu.memory_space<semaphore_mem>>)
      %dma_wait3A_367 = arith.constant 0 : i32
      %dma_wait3A_368 = arith.constant 0 : i32
      %dma_wait3A_369 = tpu.memref_slice %arg8[%run_scoped3A_23, %dma_wait3A_367, %dma_wait3A_368] : memref<2x80x128xf32, #tpu.memory_space<vmem>> -> memref<1x80x128xf32, #tpu.memory_space<vmem>>
      %dma_wait3A_370 = tpu.memref_squeeze %dma_wait3A_369 : memref<1x80x128xf32, #tpu.memory_space<vmem>> -> memref<80x128xf32, #tpu.memory_space<vmem>>
      %dma_wait3A_371 = arith.constant 0 : i32
      %dma_wait3A_372 = tpu.memref_slice %arg9[%add3A_22, %dma_wait3A_371] : memref<10240x128xf32, #tpu.memory_space<vmem_shared>> -> memref<80x128xf32, #tpu.memory_space<vmem_shared>>
      %dma_wait3A_373 = arith.constant 0 : i32
      %dma_wait3A_374 = tpu.memref_slice %arg9[%add3A_22, %dma_wait3A_373] : memref<10240x128xf32, #tpu.memory_space<vmem_shared>> -> memref<80x128xf32, #tpu.memory_space<vmem_shared>>
      %dma_wait3A_375 = arith.constant 0 : i32
      %dma_wait3A_376 = arith.constant 0 : i32
      %dma_wait3A_377 = tpu.memref_slice %arg8[%run_scoped3A_23, %dma_wait3A_375, %dma_wait3A_376] : memref<2x80x128xf32, #tpu.memory_space<vmem>> -> memref<1x80x128xf32, #tpu.memory_space<vmem>>
      %dma_wait3A_378 = tpu.memref_squeeze %dma_wait3A_377 : memref<1x80x128xf32, #tpu.memory_space<vmem>> -> memref<80x128xf32, #tpu.memory_space<vmem>>
      tpu.wait_dma2 semaphore(%run_scoped3A_354 : memref<!tpu.dma_semaphore, #tpu.memory_space<semaphore_mem>>) src(%dma_wait3A_378 : memref<80x128xf32, #tpu.memory_space<vmem>>) dst(%dma_wait3A_374 : memref<80x128xf32, #tpu.memory_space<vmem_shared>>)
      tpu.yield
    }) : () -> ()
    %add3A_24 = arith.constant 480 : i32
    %add3A_25 = arith.addi %mul3A_7, %add3A_24 : i32
    %run_scoped3A_26 = arith.constant 0 : i32
    "tpu.region"() ({
      %run_scoped3A_354 = tpu.sem_alloc : memref<!tpu.dma_semaphore, #tpu.memory_space<semaphore_mem>>
      %dma_start3A_355 = arith.constant 0 : i32
      %dma_start3A_356 = arith.constant 0 : i32
      %dma_start3A_357 = tpu.memref_slice %arg8[%run_scoped3A_26, %dma_start3A_355, %dma_start3A_356] : memref<2x80x128xf32, #tpu.memory_space<vmem>> -> memref<1x80x128xf32, #tpu.memory_space<vmem>>
      %dma_start3A_358 = tpu.memref_squeeze %dma_start3A_357 : memref<1x80x128xf32, #tpu.memory_space<vmem>> -> memref<80x128xf32, #tpu.memory_space<vmem>>
      %dma_start3A_359 = arith.constant 0 : i32
      %dma_start3A_360 = tpu.memref_slice %arg9[%add3A_25, %dma_start3A_359] : memref<10240x128xf32, #tpu.memory_space<vmem_shared>> -> memref<80x128xf32, #tpu.memory_space<vmem_shared>>
      %dma_start3A_361 = arith.constant 0 : i32
      %dma_start3A_362 = tpu.memref_slice %arg9[%add3A_25, %dma_start3A_361] : memref<10240x128xf32, #tpu.memory_space<vmem_shared>> -> memref<80x128xf32, #tpu.memory_space<vmem_shared>>
      %dma_start3A_363 = arith.constant 0 : i32
      %dma_start3A_364 = arith.constant 0 : i32
      %dma_start3A_365 = tpu.memref_slice %arg8[%run_scoped3A_26, %dma_start3A_363, %dma_start3A_364] : memref<2x80x128xf32, #tpu.memory_space<vmem>> -> memref<1x80x128xf32, #tpu.memory_space<vmem>>
      %dma_start3A_366 = tpu.memref_squeeze %dma_start3A_365 : memref<1x80x128xf32, #tpu.memory_space<vmem>> -> memref<80x128xf32, #tpu.memory_space<vmem>>
      tpu.enqueue_dma source(%dma_start3A_366 : memref<80x128xf32, #tpu.memory_space<vmem>>) target(%dma_start3A_362 : memref<80x128xf32, #tpu.memory_space<vmem_shared>>) target_semaphore(%run_scoped3A_354 : memref<!tpu.dma_semaphore, #tpu.memory_space<semaphore_mem>>)
      %dma_wait3A_367 = arith.constant 0 : i32
      %dma_wait3A_368 = arith.constant 0 : i32
      %dma_wait3A_369 = tpu.memref_slice %arg8[%run_scoped3A_26, %dma_wait3A_367, %dma_wait3A_368] : memref<2x80x128xf32, #tpu.memory_space<vmem>> -> memref<1x80x128xf32, #tpu.memory_space<vmem>>
      %dma_wait3A_370 = tpu.memref_squeeze %dma_wait3A_369 : memref<1x80x128xf32, #tpu.memory_space<vmem>> -> memref<80x128xf32, #tpu.memory_space<vmem>>
      %dma_wait3A_371 = arith.constant 0 : i32
      %dma_wait3A_372 = tpu.memref_slice %arg9[%add3A_25, %dma_wait3A_371] : memref<10240x128xf32, #tpu.memory_space<vmem_shared>> -> memref<80x128xf32, #tpu.memory_space<vmem_shared>>
      %dma_wait3A_373 = arith.constant 0 : i32
      %dma_wait3A_374 = tpu.memref_slice %arg9[%add3A_25, %dma_wait3A_373] : memref<10240x128xf32, #tpu.memory_space<vmem_shared>> -> memref<80x128xf32, #tpu.memory_space<vmem_shared>>
      %dma_wait3A_375 = arith.constant 0 : i32
      %dma_wait3A_376 = arith.constant 0 : i32
      %dma_wait3A_377 = tpu.memref_slice %arg8[%run_scoped3A_26, %dma_wait3A_375, %dma_wait3A_376] : memref<2x80x128xf32, #tpu.memory_space<vmem>> -> memref<1x80x128xf32, #tpu.memory_space<vmem>>
      %dma_wait3A_378 = tpu.memref_squeeze %dma_wait3A_377 : memref<1x80x128xf32, #tpu.memory_space<vmem>> -> memref<80x128xf32, #tpu.memory_space<vmem>>
      tpu.wait_dma2 semaphore(%run_scoped3A_354 : memref<!tpu.dma_semaphore, #tpu.memory_space<semaphore_mem>>) src(%dma_wait3A_378 : memref<80x128xf32, #tpu.memory_space<vmem>>) dst(%dma_wait3A_374 : memref<80x128xf32, #tpu.memory_space<vmem_shared>>)
      tpu.yield
    }) : () -> ()
    %add3A_27 = arith.constant 560 : i32
    %add3A_28 = arith.addi %mul3A_7, %add3A_27 : i32
    %run_scoped3A_29 = arith.constant 0 : i32
    "tpu.region"() ({
      %run_scoped3A_354 = tpu.sem_alloc : memref<!tpu.dma_semaphore, #tpu.memory_space<semaphore_mem>>
      %dma_start3A_355 = arith.constant 0 : i32
      %dma_start3A_356 = arith.constant 0 : i32
      %dma_start3A_357 = tpu.memref_slice %arg8[%run_scoped3A_29, %dma_start3A_355, %dma_start3A_356] : memref<2x80x128xf32, #tpu.memory_space<vmem>> -> memref<1x80x128xf32, #tpu.memory_space<vmem>>
      %dma_start3A_358 = tpu.memref_squeeze %dma_start3A_357 : memref<1x80x128xf32, #tpu.memory_space<vmem>> -> memref<80x128xf32, #tpu.memory_space<vmem>>
      %dma_start3A_359 = arith.constant 0 : i32
      %dma_start3A_360 = tpu.memref_slice %arg9[%add3A_28, %dma_start3A_359] : memref<10240x128xf32, #tpu.memory_space<vmem_shared>> -> memref<80x128xf32, #tpu.memory_space<vmem_shared>>
      %dma_start3A_361 = arith.constant 0 : i32
      %dma_start3A_362 = tpu.memref_slice %arg9[%add3A_28, %dma_start3A_361] : memref<10240x128xf32, #tpu.memory_space<vmem_shared>> -> memref<80x128xf32, #tpu.memory_space<vmem_shared>>
      %dma_start3A_363 = arith.constant 0 : i32
      %dma_start3A_364 = arith.constant 0 : i32
      %dma_start3A_365 = tpu.memref_slice %arg8[%run_scoped3A_29, %dma_start3A_363, %dma_start3A_364] : memref<2x80x128xf32, #tpu.memory_space<vmem>> -> memref<1x80x128xf32, #tpu.memory_space<vmem>>
      %dma_start3A_366 = tpu.memref_squeeze %dma_start3A_365 : memref<1x80x128xf32, #tpu.memory_space<vmem>> -> memref<80x128xf32, #tpu.memory_space<vmem>>
      tpu.enqueue_dma source(%dma_start3A_366 : memref<80x128xf32, #tpu.memory_space<vmem>>) target(%dma_start3A_362 : memref<80x128xf32, #tpu.memory_space<vmem_shared>>) target_semaphore(%run_scoped3A_354 : memref<!tpu.dma_semaphore, #tpu.memory_space<semaphore_mem>>)
      %dma_wait3A_367 = arith.constant 0 : i32
      %dma_wait3A_368 = arith.constant 0 : i32
      %dma_wait3A_369 = tpu.memref_slice %arg8[%run_scoped3A_29, %dma_wait3A_367, %dma_wait3A_368] : memref<2x80x128xf32, #tpu.memory_space<vmem>> -> memref<1x80x128xf32, #tpu.memory_space<vmem>>
      %dma_wait3A_370 = tpu.memref_squeeze %dma_wait3A_369 : memref<1x80x128xf32, #tpu.memory_space<vmem>> -> memref<80x128xf32, #tpu.memory_space<vmem>>
      %dma_wait3A_371 = arith.constant 0 : i32
      %dma_wait3A_372 = tpu.memref_slice %arg9[%add3A_28, %dma_wait3A_371] : memref<10240x128xf32, #tpu.memory_space<vmem_shared>> -> memref<80x128xf32, #tpu.memory_space<vmem_shared>>
      %dma_wait3A_373 = arith.constant 0 : i32
      %dma_wait3A_374 = tpu.memref_slice %arg9[%add3A_28, %dma_wait3A_373] : memref<10240x128xf32, #tpu.memory_space<vmem_shared>> -> memref<80x128xf32, #tpu.memory_space<vmem_shared>>
      %dma_wait3A_375 = arith.constant 0 : i32
      %dma_wait3A_376 = arith.constant 0 : i32
      %dma_wait3A_377 = tpu.memref_slice %arg8[%run_scoped3A_29, %dma_wait3A_375, %dma_wait3A_376] : memref<2x80x128xf32, #tpu.memory_space<vmem>> -> memref<1x80x128xf32, #tpu.memory_space<vmem>>
      %dma_wait3A_378 = tpu.memref_squeeze %dma_wait3A_377 : memref<1x80x128xf32, #tpu.memory_space<vmem>> -> memref<80x128xf32, #tpu.memory_space<vmem>>
      tpu.wait_dma2 semaphore(%run_scoped3A_354 : memref<!tpu.dma_semaphore, #tpu.memory_space<semaphore_mem>>) src(%dma_wait3A_378 : memref<80x128xf32, #tpu.memory_space<vmem>>) dst(%dma_wait3A_374 : memref<80x128xf32, #tpu.memory_space<vmem_shared>>)
      tpu.yield
    }) : () -> ()
    %barrier3A = arith.constant 0 : index
    tpu.barrier barrier_id(%barrier3A)
    "tpu.region"() ({
      %run_scoped3A_354 = tpu.sem_alloc : memref<!tpu.dma_semaphore, #tpu.memory_space<semaphore_mem>>
      %dma_start3A_355 = arith.constant 0 : i32
      %dma_start3A_356 = tpu.memref_slice %arg3[%arg0, %arg1, %dma_start3A_355] : memref<2x16x10000xi32, #tpu.memory_space<hbm>> -> memref<1x1x10000xi32, #tpu.memory_space<hbm>>
      %dma_start3A_357 = tpu.memref_squeeze %dma_start3A_356 : memref<1x1x10000xi32, #tpu.memory_space<hbm>> -> memref<10000xi32, #tpu.memory_space<hbm>>
      %dma_start3A_358 = arith.constant 0 : i32
      %dma_start3A_359 = tpu.memref_slice %arg3[%arg0, %arg1, %dma_start3A_358] : memref<2x16x10000xi32, #tpu.memory_space<hbm>> -> memref<1x1x10000xi32, #tpu.memory_space<hbm>>
      %dma_start3A_360 = tpu.memref_squeeze %dma_start3A_359 : memref<1x1x10000xi32, #tpu.memory_space<hbm>> -> memref<10000xi32, #tpu.memory_space<hbm>>
      tpu.enqueue_dma source(%dma_start3A_360 : memref<10000xi32, #tpu.memory_space<hbm>>) target(%arg6 : memref<10000xi32, #tpu.memory_space<vmem>>) target_semaphore(%run_scoped3A_354 : memref<!tpu.dma_semaphore, #tpu.memory_space<semaphore_mem>>)
      %dma_wait3A_361 = arith.constant 0 : i32
      %dma_wait3A_362 = tpu.memref_slice %arg3[%arg0, %arg1, %dma_wait3A_361] : memref<2x16x10000xi32, #tpu.memory_space<hbm>> -> memref<1x1x10000xi32, #tpu.memory_space<hbm>>
      %dma_wait3A_363 = tpu.memref_squeeze %dma_wait3A_362 : memref<1x1x10000xi32, #tpu.memory_space<hbm>> -> memref<10000xi32, #tpu.memory_space<hbm>>
      %dma_wait3A_364 = arith.constant 0 : i32
      %dma_wait3A_365 = tpu.memref_slice %arg3[%arg0, %arg1, %dma_wait3A_364] : memref<2x16x10000xi32, #tpu.memory_space<hbm>> -> memref<1x1x10000xi32, #tpu.memory_space<hbm>>
      %dma_wait3A_366 = tpu.memref_squeeze %dma_wait3A_365 : memref<1x1x10000xi32, #tpu.memory_space<hbm>> -> memref<10000xi32, #tpu.memory_space<hbm>>
      tpu.wait_dma2 semaphore(%run_scoped3A_354 : memref<!tpu.dma_semaphore, #tpu.memory_space<semaphore_mem>>) src(%dma_wait3A_366 : memref<10000xi32, #tpu.memory_space<hbm>>) dst(%arg6 : memref<10000xi32, #tpu.memory_space<vmem>>)
      tpu.yield
    }) : () -> ()
    "tpu.region"() ({
      %run_scoped3A_354 = tpu.sem_alloc : memref<!tpu.dma_semaphore, #tpu.memory_space<semaphore_mem>>
      %dma_start3A_355 = arith.constant 0 : i32
      %dma_start3A_356 = arith.constant 0 : i32
      %dma_start3A_357 = tpu.memref_slice %arg4[%arg0, %arg1, %dma_start3A_355, %dma_start3A_356] : memref<2x16x125x80xi32, #tpu.memory_space<hbm>> -> memref<1x1x125x80xi32, #tpu.memory_space<hbm>>
      %dma_start3A_358 = tpu.memref_squeeze %dma_start3A_357 : memref<1x1x125x80xi32, #tpu.memory_space<hbm>> -> memref<125x80xi32, #tpu.memory_space<hbm>>
      %dma_start3A_359 = arith.constant 0 : i32
      %dma_start3A_360 = arith.constant 0 : i32
      %dma_start3A_361 = tpu.memref_slice %arg4[%arg0, %arg1, %dma_start3A_359, %dma_start3A_360] : memref<2x16x125x80xi32, #tpu.memory_space<hbm>> -> memref<1x1x125x80xi32, #tpu.memory_space<hbm>>
      %dma_start3A_362 = tpu.memref_squeeze %dma_start3A_361 : memref<1x1x125x80xi32, #tpu.memory_space<hbm>> -> memref<125x80xi32, #tpu.memory_space<hbm>>
      tpu.enqueue_dma source(%dma_start3A_362 : memref<125x80xi32, #tpu.memory_space<hbm>>) target(%arg7 : memref<125x80xi32, #tpu.memory_space<vmem>>) target_semaphore(%run_scoped3A_354 : memref<!tpu.dma_semaphore, #tpu.memory_space<semaphore_mem>>)
      %dma_wait3A_363 = arith.constant 0 : i32
      %dma_wait3A_364 = arith.constant 0 : i32
      %dma_wait3A_365 = tpu.memref_slice %arg4[%arg0, %arg1, %dma_wait3A_363, %dma_wait3A_364] : memref<2x16x125x80xi32, #tpu.memory_space<hbm>> -> memref<1x1x125x80xi32, #tpu.memory_space<hbm>>
      %dma_wait3A_366 = tpu.memref_squeeze %dma_wait3A_365 : memref<1x1x125x80xi32, #tpu.memory_space<hbm>> -> memref<125x80xi32, #tpu.memory_space<hbm>>
      %dma_wait3A_367 = arith.constant 0 : i32
      %dma_wait3A_368 = arith.constant 0 : i32
      %dma_wait3A_369 = tpu.memref_slice %arg4[%arg0, %arg1, %dma_wait3A_367, %dma_wait3A_368] : memref<2x16x125x80xi32, #tpu.memory_space<hbm>> -> memref<1x1x125x80xi32, #tpu.memory_space<hbm>>
      %dma_wait3A_370 = tpu.memref_squeeze %dma_wait3A_369 : memref<1x1x125x80xi32, #tpu.memory_space<hbm>> -> memref<125x80xi32, #tpu.memory_space<hbm>>
      tpu.wait_dma2 semaphore(%run_scoped3A_354 : memref<!tpu.dma_semaphore, #tpu.memory_space<semaphore_mem>>) src(%dma_wait3A_370 : memref<125x80xi32, #tpu.memory_space<hbm>>) dst(%arg7 : memref<125x80xi32, #tpu.memory_space<vmem>>)
      tpu.yield
    }) : () -> ()
    %multiple_of3A = arith.constant 0 : i32
    %multiple_of3A_30 = tpu.assume_multiple %multiple_of3A, 80 : i32
    %dma_start3A = arith.constant 0 : i32
    %dma_start3A_31 = arith.constant 0 : i32
    %dma_start3A_32 = arith.constant 0 : i32
    %dma_start3A_33 = tpu.memref_slice %arg8[%dma_start3A, %dma_start3A_31, %dma_start3A_32] : memref<2x80x128xf32, #tpu.memory_space<vmem>> -> memref<1x80x128xf32, #tpu.memory_space<vmem>>
    %dma_start3A_34 = tpu.memref_squeeze %dma_start3A_33 : memref<1x80x128xf32, #tpu.memory_space<vmem>> -> memref<80x128xf32, #tpu.memory_space<vmem>>
    %dma_start3A_35 = tpu.memref_slice %arg6[%multiple_of3A_30] : memref<10000xi32, #tpu.memory_space<vmem>> -> memref<80xi32, #tpu.memory_space<vmem>>
    %dma_start3A_36 = arith.constant 0 : i32
    %dma_start3A_37 = arith.constant 0 : i32
    %dma_start3A_38 = tpu.memref_slice %arg2[%dma_start3A_36, %dma_start3A_37] : memref<10000x128xf32, #tpu.memory_space<hbm>> -> memref<10000x128xf32, #tpu.memory_space<hbm>>
    tpu.enqueue_indirect_dma source(%dma_start3A_38 : memref<10000x128xf32, #tpu.memory_space<hbm>>) target(%dma_start3A_34 : memref<80x128xf32, #tpu.memory_space<vmem>>) offsets(%dma_start3A_35 : memref<80xi32, #tpu.memory_space<vmem>>) semaphore(%arg10 : memref<!tpu.dma_semaphore, #tpu.memory_space<semaphore_mem>>)
    %scan3A_39 = arith.constant 0 : i32
    %scan3A_40 = arith.constant 0 : i32
    %scan3A_41 = arith.constant 125 : i32
    %scan3A_42 = arith.addi %scan3A_40, %scan3A_41 : i32
    %scan3A_43 = arith.constant 1 : i32
    %scan3A_44 = scf.for %scan3A_354 = %scan3A_40 to %scan3A_42 step %scan3A_43 iter_args(%scan3A_355 = %scan3A_39) -> (i32)  : i32 {
      %rem3A = arith.constant 2 : i32
      %rem3A_356 = arith.remsi %scan3A_354, %rem3A : i32
      %mul3A_357 = arith.constant 80 : i32
      %mul3A_358 = arith.muli %scan3A_354, %mul3A_357 : i32
      %multiple_of3A_359 = tpu.assume_multiple %mul3A_358, 80 : i32
      %dma_wait3A_360 = arith.constant 0 : i32
      %dma_wait3A_361 = arith.constant 0 : i32
      %dma_wait3A_362 = tpu.memref_slice %arg8[%rem3A_356, %dma_wait3A_360, %dma_wait3A_361] : memref<2x80x128xf32, #tpu.memory_space<vmem>> -> memref<1x80x128xf32, #tpu.memory_space<vmem>>
      %dma_wait3A_363 = tpu.memref_squeeze %dma_wait3A_362 : memref<1x80x128xf32, #tpu.memory_space<vmem>> -> memref<80x128xf32, #tpu.memory_space<vmem>>
      %dma_wait3A_364 = tpu.memref_slice %arg6[%multiple_of3A_359] : memref<10000xi32, #tpu.memory_space<vmem>> -> memref<80xi32, #tpu.memory_space<vmem>>
      %dma_wait3A_365 = arith.constant 0 : i32
      %dma_wait3A_366 = arith.constant 0 : i32
      %dma_wait3A_367 = tpu.memref_slice %arg2[%dma_wait3A_365, %dma_wait3A_366] : memref<10000x128xf32, #tpu.memory_space<hbm>> -> memref<10000x128xf32, #tpu.memory_space<hbm>>
      tpu.wait_indirect_dma semaphore(%arg10 : memref<!tpu.dma_semaphore, #tpu.memory_space<semaphore_mem>>) src(%dma_wait3A_367 : memref<10000x128xf32, #tpu.memory_space<hbm>>) dst(%dma_wait3A_363 : memref<80x128xf32, #tpu.memory_space<vmem>>)
      %ge3A = arith.constant 1 : i32
      %ge3A_368 = arith.cmpi sge, %scan3A_354, %ge3A : i32
      %convert_element_type3A = arith.extui %ge3A_368 : i1 to i32
      %cond3A = arith.constant 0 : i32
      %cond3A_369 = arith.cmpi ne, %convert_element_type3A, %cond3A : i32
      scf.if %cond3A_369 {
        %sub3A = arith.constant 1 : i32
        %sub3A_387 = arith.subi %scan3A_354, %sub3A : i32
        %sub3A_388 = arith.constant 1 : i32
        %sub3A_389 = arith.subi %sub3A_388, %rem3A_356 : i32
        %dma_wait3A_390 = arith.constant 0 : i32
        %dma_wait3A_391 = arith.constant 0 : i32
        %dma_wait3A_392 = tpu.memref_slice %arg8[%sub3A_389, %dma_wait3A_390, %dma_wait3A_391] : memref<2x80x128xf32, #tpu.memory_space<vmem>> -> memref<1x80x128xf32, #tpu.memory_space<vmem>>
        %dma_wait3A_393 = tpu.memref_squeeze %dma_wait3A_392 : memref<1x80x128xf32, #tpu.memory_space<vmem>> -> memref<80x128xf32, #tpu.memory_space<vmem>>
        %dma_wait3A_394 = arith.constant 0 : i32
        %dma_wait3A_395 = tpu.memref_slice %arg7[%sub3A_387, %dma_wait3A_394] : memref<125x80xi32, #tpu.memory_space<vmem>> -> memref<1x80xi32, #tpu.memory_space<vmem>>
        %dma_wait3A_396 = tpu.memref_squeeze %dma_wait3A_395 : memref<1x80xi32, #tpu.memory_space<vmem>> -> memref<80xi32, #tpu.memory_space<vmem>>
        %dma_wait3A_397 = arith.constant 0 : i32
        %dma_wait3A_398 = arith.constant 0 : i32
        %dma_wait3A_399 = tpu.memref_slice %arg9[%dma_wait3A_397, %dma_wait3A_398] : memref<10240x128xf32, #tpu.memory_space<vmem_shared>> -> memref<10240x128xf32, #tpu.memory_space<vmem_shared>>
        tpu.wait_indirect_dma semaphore(%arg11 : memref<!tpu.dma_semaphore, #tpu.memory_space<semaphore_mem>>) src(%dma_wait3A_393 : memref<80x128xf32, #tpu.memory_space<vmem>>) dst(%dma_wait3A_399 : memref<10240x128xf32, #tpu.memory_space<vmem_shared>>)
      } else {
      }
      %add3A_370 = arith.constant 1 : i32
      %add3A_371 = arith.addi %scan3A_354, %add3A_370 : i32
      %lt3A = arith.constant 125 : i32
      %lt3A_372 = arith.cmpi slt, %add3A_371, %lt3A : i32
      %convert_element_type3A_373 = arith.extui %lt3A_372 : i1 to i32
      %cond3A_374 = arith.constant 0 : i32
      %cond3A_375 = arith.cmpi ne, %convert_element_type3A_373, %cond3A_374 : i32
      scf.if %cond3A_375 {
        %add3A_387 = arith.constant 1 : i32
        %add3A_388 = arith.addi %scan3A_354, %add3A_387 : i32
        %sub3A = arith.constant 1 : i32
        %sub3A_389 = arith.subi %sub3A, %rem3A_356 : i32
        %mul3A_390 = arith.constant 80 : i32
        %mul3A_391 = arith.muli %add3A_388, %mul3A_390 : i32
        %multiple_of3A_392 = tpu.assume_multiple %mul3A_391, 80 : i32
        %dma_start3A_393 = arith.constant 0 : i32
        %dma_start3A_394 = arith.constant 0 : i32
        %dma_start3A_395 = tpu.memref_slice %arg8[%sub3A_389, %dma_start3A_393, %dma_start3A_394] : memref<2x80x128xf32, #tpu.memory_space<vmem>> -> memref<1x80x128xf32, #tpu.memory_space<vmem>>
        %dma_start3A_396 = tpu.memref_squeeze %dma_start3A_395 : memref<1x80x128xf32, #tpu.memory_space<vmem>> -> memref<80x128xf32, #tpu.memory_space<vmem>>
        %dma_start3A_397 = tpu.memref_slice %arg6[%multiple_of3A_392] : memref<10000xi32, #tpu.memory_space<vmem>> -> memref<80xi32, #tpu.memory_space<vmem>>
        %dma_start3A_398 = arith.constant 0 : i32
        %dma_start3A_399 = arith.constant 0 : i32
        %dma_start3A_400 = tpu.memref_slice %arg2[%dma_start3A_398, %dma_start3A_399] : memref<10000x128xf32, #tpu.memory_space<hbm>> -> memref<10000x128xf32, #tpu.memory_space<hbm>>
        tpu.enqueue_indirect_dma source(%dma_start3A_400 : memref<10000x128xf32, #tpu.memory_space<hbm>>) target(%dma_start3A_396 : memref<80x128xf32, #tpu.memory_space<vmem>>) offsets(%dma_start3A_397 : memref<80xi32, #tpu.memory_space<vmem>>) semaphore(%arg10 : memref<!tpu.dma_semaphore, #tpu.memory_space<semaphore_mem>>)
      } else {
      }
      %dma_start3A_376 = arith.constant 0 : i32
      %dma_start3A_377 = arith.constant 0 : i32
      %dma_start3A_378 = tpu.memref_slice %arg8[%rem3A_356, %dma_start3A_376, %dma_start3A_377] : memref<2x80x128xf32, #tpu.memory_space<vmem>> -> memref<1x80x128xf32, #tpu.memory_space<vmem>>
      %dma_start3A_379 = tpu.memref_squeeze %dma_start3A_378 : memref<1x80x128xf32, #tpu.memory_space<vmem>> -> memref<80x128xf32, #tpu.memory_space<vmem>>
      %dma_start3A_380 = arith.constant 0 : i32
      %dma_start3A_381 = tpu.memref_slice %arg7[%scan3A_354, %dma_start3A_380] : memref<125x80xi32, #tpu.memory_space<vmem>> -> memref<1x80xi32, #tpu.memory_space<vmem>>
      %dma_start3A_382 = tpu.memref_squeeze %dma_start3A_381 : memref<1x80xi32, #tpu.memory_space<vmem>> -> memref<80xi32, #tpu.memory_space<vmem>>
      %dma_start3A_383 = arith.constant 0 : i32
      %dma_start3A_384 = arith.constant 0 : i32
      %dma_start3A_385 = tpu.memref_slice %arg9[%dma_start3A_383, %dma_start3A_384] : memref<10240x128xf32, #tpu.memory_space<vmem_shared>> -> memref<10240x128xf32, #tpu.memory_space<vmem_shared>>
      tpu.enqueue_indirect_dma source(%dma_start3A_379 : memref<80x128xf32, #tpu.memory_space<vmem>>) target(%dma_start3A_385 : memref<10240x128xf32, #tpu.memory_space<vmem_shared>>) offsets(%dma_start3A_382 : memref<80xi32, #tpu.memory_space<vmem>>) semaphore(%arg11 : memref<!tpu.dma_semaphore, #tpu.memory_space<semaphore_mem>>) {add = true}
      %scan3A_386 = arith.constant 0 : i32
      scf.yield %scan3A_386 : i32
    }
    %scan3A_45 = arith.constant 125 : i32
    %dma_wait3A = arith.constant 0 : i32
    %dma_wait3A_46 = arith.constant 124 : i32
    %dma_wait3A_47 = arith.constant 0 : i32
    %dma_wait3A_48 = arith.constant 0 : i32
    %dma_wait3A_49 = tpu.memref_slice %arg8[%dma_wait3A, %dma_wait3A_47, %dma_wait3A_48] : memref<2x80x128xf32, #tpu.memory_space<vmem>> -> memref<1x80x128xf32, #tpu.memory_space<vmem>>
    %dma_wait3A_50 = tpu.memref_squeeze %dma_wait3A_49 : memref<1x80x128xf32, #tpu.memory_space<vmem>> -> memref<80x128xf32, #tpu.memory_space<vmem>>
    %dma_wait3A_51 = arith.constant 0 : i32
    %dma_wait3A_52 = tpu.memref_slice %arg7[%dma_wait3A_46, %dma_wait3A_51] : memref<125x80xi32, #tpu.memory_space<vmem>> -> memref<1x80xi32, #tpu.memory_space<vmem>>
    %dma_wait3A_53 = tpu.memref_squeeze %dma_wait3A_52 : memref<1x80xi32, #tpu.memory_space<vmem>> -> memref<80xi32, #tpu.memory_space<vmem>>
    %dma_wait3A_54 = arith.constant 0 : i32
    %dma_wait3A_55 = arith.constant 0 : i32
    %dma_wait3A_56 = tpu.memref_slice %arg9[%dma_wait3A_54, %dma_wait3A_55] : memref<10240x128xf32, #tpu.memory_space<vmem_shared>> -> memref<10240x128xf32, #tpu.memory_space<vmem_shared>>
    tpu.wait_indirect_dma semaphore(%arg11 : memref<!tpu.dma_semaphore, #tpu.memory_space<semaphore_mem>>) src(%dma_wait3A_50 : memref<80x128xf32, #tpu.memory_space<vmem>>) dst(%dma_wait3A_56 : memref<10240x128xf32, #tpu.memory_space<vmem_shared>>)
    %barrier3A_57 = arith.constant 0 : index
    tpu.barrier barrier_id(%barrier3A_57)
    %add3A_58 = arith.constant 0 : i32
    %add3A_59 = arith.addi %mul3A_7, %add3A_58 : i32
    %run_scoped3A_60 = arith.constant 0 : i32
    "tpu.region"() ({
      %run_scoped3A_354 = tpu.sem_alloc : memref<!tpu.dma_semaphore, #tpu.memory_space<semaphore_mem>>
      %dma_start3A_355 = arith.constant 0 : i32
      %dma_start3A_356 = arith.constant 0 : i32
      %dma_start3A_357 = tpu.memref_slice %arg8[%run_scoped3A_60, %dma_start3A_355, %dma_start3A_356] : memref<2x80x128xf32, #tpu.memory_space<vmem>> -> memref<1x80x128xf32, #tpu.memory_space<vmem>>
      %dma_start3A_358 = tpu.memref_squeeze %dma_start3A_357 : memref<1x80x128xf32, #tpu.memory_space<vmem>> -> memref<80x128xf32, #tpu.memory_space<vmem>>
      %dma_start3A_359 = arith.constant 0 : i32
      %dma_start3A_360 = tpu.memref_slice %arg9[%add3A_59, %dma_start3A_359] : memref<10240x128xf32, #tpu.memory_space<vmem_shared>> -> memref<80x128xf32, #tpu.memory_space<vmem_shared>>
      %dma_start3A_361 = arith.constant 0 : i32
      %dma_start3A_362 = arith.constant 0 : i32
      %dma_start3A_363 = tpu.memref_slice %arg8[%run_scoped3A_60, %dma_start3A_361, %dma_start3A_362] : memref<2x80x128xf32, #tpu.memory_space<vmem>> -> memref<1x80x128xf32, #tpu.memory_space<vmem>>
      %dma_start3A_364 = tpu.memref_squeeze %dma_start3A_363 : memref<1x80x128xf32, #tpu.memory_space<vmem>> -> memref<80x128xf32, #tpu.memory_space<vmem>>
      %dma_start3A_365 = arith.constant 0 : i32
      %dma_start3A_366 = tpu.memref_slice %arg9[%add3A_59, %dma_start3A_365] : memref<10240x128xf32, #tpu.memory_space<vmem_shared>> -> memref<80x128xf32, #tpu.memory_space<vmem_shared>>
      tpu.enqueue_dma source(%dma_start3A_366 : memref<80x128xf32, #tpu.memory_space<vmem_shared>>) target(%dma_start3A_364 : memref<80x128xf32, #tpu.memory_space<vmem>>) target_semaphore(%run_scoped3A_354 : memref<!tpu.dma_semaphore, #tpu.memory_space<semaphore_mem>>)
      %dma_wait3A_367 = arith.constant 0 : i32
      %dma_wait3A_368 = arith.constant 0 : i32
      %dma_wait3A_369 = tpu.memref_slice %arg8[%run_scoped3A_60, %dma_wait3A_367, %dma_wait3A_368] : memref<2x80x128xf32, #tpu.memory_space<vmem>> -> memref<1x80x128xf32, #tpu.memory_space<vmem>>
      %dma_wait3A_370 = tpu.memref_squeeze %dma_wait3A_369 : memref<1x80x128xf32, #tpu.memory_space<vmem>> -> memref<80x128xf32, #tpu.memory_space<vmem>>
      %dma_wait3A_371 = arith.constant 0 : i32
      %dma_wait3A_372 = tpu.memref_slice %arg9[%add3A_59, %dma_wait3A_371] : memref<10240x128xf32, #tpu.memory_space<vmem_shared>> -> memref<80x128xf32, #tpu.memory_space<vmem_shared>>
      %dma_wait3A_373 = arith.constant 0 : i32
      %dma_wait3A_374 = arith.constant 0 : i32
      %dma_wait3A_375 = tpu.memref_slice %arg8[%run_scoped3A_60, %dma_wait3A_373, %dma_wait3A_374] : memref<2x80x128xf32, #tpu.memory_space<vmem>> -> memref<1x80x128xf32, #tpu.memory_space<vmem>>
      %dma_wait3A_376 = tpu.memref_squeeze %dma_wait3A_375 : memref<1x80x128xf32, #tpu.memory_space<vmem>> -> memref<80x128xf32, #tpu.memory_space<vmem>>
      %dma_wait3A_377 = arith.constant 0 : i32
      %dma_wait3A_378 = tpu.memref_slice %arg9[%add3A_59, %dma_wait3A_377] : memref<10240x128xf32, #tpu.memory_space<vmem_shared>> -> memref<80x128xf32, #tpu.memory_space<vmem_shared>>
      tpu.wait_dma2 semaphore(%run_scoped3A_354 : memref<!tpu.dma_semaphore, #tpu.memory_space<semaphore_mem>>) src(%dma_wait3A_378 : memref<80x128xf32, #tpu.memory_space<vmem_shared>>) dst(%dma_wait3A_376 : memref<80x128xf32, #tpu.memory_space<vmem>>)
      tpu.yield
    }) : () -> ()
    %add3A_61 = arith.constant 0 : i32
    %add3A_62 = arith.addi %mul3A_7, %add3A_61 : i32
    %dma_start3A_63 = arith.constant 0 : i32
    %dma_start3A_64 = arith.constant 0 : i32
    %dma_start3A_65 = arith.constant 0 : i32
    %dma_start3A_66 = tpu.memref_slice %arg8[%dma_start3A_63, %dma_start3A_64, %dma_start3A_65] : memref<2x80x128xf32, #tpu.memory_space<vmem>> -> memref<1x80x128xf32, #tpu.memory_space<vmem>>
    %dma_start3A_67 = tpu.memref_squeeze %dma_start3A_66 : memref<1x80x128xf32, #tpu.memory_space<vmem>> -> memref<80x128xf32, #tpu.memory_space<vmem>>
    %dma_start3A_68 = arith.constant 0 : i32
    %dma_start3A_69 = tpu.memref_slice %arg5[%arg0, %add3A_62, %dma_start3A_68] : memref<2x10240x128xf32, #tpu.memory_space<hbm>> -> memref<1x80x128xf32, #tpu.memory_space<hbm>>
    %dma_start3A_70 = tpu.memref_squeeze %dma_start3A_69 : memref<1x80x128xf32, #tpu.memory_space<hbm>> -> memref<80x128xf32, #tpu.memory_space<hbm>>
    %dma_start3A_71 = arith.constant 0 : i32
    %dma_start3A_72 = tpu.memref_slice %arg5[%arg0, %add3A_62, %dma_start3A_71] : memref<2x10240x128xf32, #tpu.memory_space<hbm>> -> memref<1x80x128xf32, #tpu.memory_space<hbm>>
    %dma_start3A_73 = tpu.memref_squeeze %dma_start3A_72 : memref<1x80x128xf32, #tpu.memory_space<hbm>> -> memref<80x128xf32, #tpu.memory_space<hbm>>
    %dma_start3A_74 = arith.constant 0 : i32
    %dma_start3A_75 = arith.constant 0 : i32
    %dma_start3A_76 = tpu.memref_slice %arg8[%dma_start3A_63, %dma_start3A_74, %dma_start3A_75] : memref<2x80x128xf32, #tpu.memory_space<vmem>> -> memref<1x80x128xf32, #tpu.memory_space<vmem>>
    %dma_start3A_77 = tpu.memref_squeeze %dma_start3A_76 : memref<1x80x128xf32, #tpu.memory_space<vmem>> -> memref<80x128xf32, #tpu.memory_space<vmem>>
    tpu.enqueue_dma source(%dma_start3A_77 : memref<80x128xf32, #tpu.memory_space<vmem>>) target(%dma_start3A_73 : memref<80x128xf32, #tpu.memory_space<hbm>>) target_semaphore(%arg11 : memref<!tpu.dma_semaphore, #tpu.memory_space<semaphore_mem>>)
    %add3A_78 = arith.constant 80 : i32
    %add3A_79 = arith.addi %mul3A_7, %add3A_78 : i32
    %run_scoped3A_80 = arith.constant 1 : i32
    "tpu.region"() ({
      %run_scoped3A_354 = tpu.sem_alloc : memref<!tpu.dma_semaphore, #tpu.memory_space<semaphore_mem>>
      %dma_start3A_355 = arith.constant 0 : i32
      %dma_start3A_356 = arith.constant 0 : i32
      %dma_start3A_357 = tpu.memref_slice %arg8[%run_scoped3A_80, %dma_start3A_355, %dma_start3A_356] : memref<2x80x128xf32, #tpu.memory_space<vmem>> -> memref<1x80x128xf32, #tpu.memory_space<vmem>>
      %dma_start3A_358 = tpu.memref_squeeze %dma_start3A_357 : memref<1x80x128xf32, #tpu.memory_space<vmem>> -> memref<80x128xf32, #tpu.memory_space<vmem>>
      %dma_start3A_359 = arith.constant 0 : i32
      %dma_start3A_360 = tpu.memref_slice %arg9[%add3A_79, %dma_start3A_359] : memref<10240x128xf32, #tpu.memory_space<vmem_shared>> -> memref<80x128xf32, #tpu.memory_space<vmem_shared>>
      %dma_start3A_361 = arith.constant 0 : i32
      %dma_start3A_362 = arith.constant 0 : i32
      %dma_start3A_363 = tpu.memref_slice %arg8[%run_scoped3A_80, %dma_start3A_361, %dma_start3A_362] : memref<2x80x128xf32, #tpu.memory_space<vmem>> -> memref<1x80x128xf32, #tpu.memory_space<vmem>>
      %dma_start3A_364 = tpu.memref_squeeze %dma_start3A_363 : memref<1x80x128xf32, #tpu.memory_space<vmem>> -> memref<80x128xf32, #tpu.memory_space<vmem>>
      %dma_start3A_365 = arith.constant 0 : i32
      %dma_start3A_366 = tpu.memref_slice %arg9[%add3A_79, %dma_start3A_365] : memref<10240x128xf32, #tpu.memory_space<vmem_shared>> -> memref<80x128xf32, #tpu.memory_space<vmem_shared>>
      tpu.enqueue_dma source(%dma_start3A_366 : memref<80x128xf32, #tpu.memory_space<vmem_shared>>) target(%dma_start3A_364 : memref<80x128xf32, #tpu.memory_space<vmem>>) target_semaphore(%run_scoped3A_354 : memref<!tpu.dma_semaphore, #tpu.memory_space<semaphore_mem>>)
      %dma_wait3A_367 = arith.constant 0 : i32
      %dma_wait3A_368 = arith.constant 0 : i32
      %dma_wait3A_369 = tpu.memref_slice %arg8[%run_scoped3A_80, %dma_wait3A_367, %dma_wait3A_368] : memref<2x80x128xf32, #tpu.memory_space<vmem>> -> memref<1x80x128xf32, #tpu.memory_space<vmem>>
      %dma_wait3A_370 = tpu.memref_squeeze %dma_wait3A_369 : memref<1x80x128xf32, #tpu.memory_space<vmem>> -> memref<80x128xf32, #tpu.memory_space<vmem>>
      %dma_wait3A_371 = arith.constant 0 : i32
      %dma_wait3A_372 = tpu.memref_slice %arg9[%add3A_79, %dma_wait3A_371] : memref<10240x128xf32, #tpu.memory_space<vmem_shared>> -> memref<80x128xf32, #tpu.memory_space<vmem_shared>>
      %dma_wait3A_373 = arith.constant 0 : i32
      %dma_wait3A_374 = arith.constant 0 : i32
      %dma_wait3A_375 = tpu.memref_slice %arg8[%run_scoped3A_80, %dma_wait3A_373, %dma_wait3A_374] : memref<2x80x128xf32, #tpu.memory_space<vmem>> -> memref<1x80x128xf32, #tpu.memory_space<vmem>>
      %dma_wait3A_376 = tpu.memref_squeeze %dma_wait3A_375 : memref<1x80x128xf32, #tpu.memory_space<vmem>> -> memref<80x128xf32, #tpu.memory_space<vmem>>
      %dma_wait3A_377 = arith.constant 0 : i32
      %dma_wait3A_378 = tpu.memref_slice %arg9[%add3A_79, %dma_wait3A_377] : memref<10240x128xf32, #tpu.memory_space<vmem_shared>> -> memref<80x128xf32, #tpu.memory_space<vmem_shared>>
      tpu.wait_dma2 semaphore(%run_scoped3A_354 : memref<!tpu.dma_semaphore, #tpu.memory_space<semaphore_mem>>) src(%dma_wait3A_378 : memref<80x128xf32, #tpu.memory_space<vmem_shared>>) dst(%dma_wait3A_376 : memref<80x128xf32, #tpu.memory_space<vmem>>)
      tpu.yield
    }) : () -> ()
    %add3A_81 = arith.constant 80 : i32
    %add3A_82 = arith.addi %mul3A_7, %add3A_81 : i32
    %dma_start3A_83 = arith.constant 1 : i32
    %dma_start3A_84 = arith.constant 0 : i32
    %dma_start3A_85 = arith.constant 0 : i32
    %dma_start3A_86 = tpu.memref_slice %arg8[%dma_start3A_83, %dma_start3A_84, %dma_start3A_85] : memref<2x80x128xf32, #tpu.memory_space<vmem>> -> memref<1x80x128xf32, #tpu.memory_space<vmem>>
    %dma_start3A_87 = tpu.memref_squeeze %dma_start3A_86 : memref<1x80x128xf32, #tpu.memory_space<vmem>> -> memref<80x128xf32, #tpu.memory_space<vmem>>
    %dma_start3A_88 = arith.constant 0 : i32
    %dma_start3A_89 = tpu.memref_slice %arg5[%arg0, %add3A_82, %dma_start3A_88] : memref<2x10240x128xf32, #tpu.memory_space<hbm>> -> memref<1x80x128xf32, #tpu.memory_space<hbm>>
    %dma_start3A_90 = tpu.memref_squeeze %dma_start3A_89 : memref<1x80x128xf32, #tpu.memory_space<hbm>> -> memref<80x128xf32, #tpu.memory_space<hbm>>
    %dma_start3A_91 = arith.constant 0 : i32
    %dma_start3A_92 = tpu.memref_slice %arg5[%arg0, %add3A_82, %dma_start3A_91] : memref<2x10240x128xf32, #tpu.memory_space<hbm>> -> memref<1x80x128xf32, #tpu.memory_space<hbm>>
    %dma_start3A_93 = tpu.memref_squeeze %dma_start3A_92 : memref<1x80x128xf32, #tpu.memory_space<hbm>> -> memref<80x128xf32, #tpu.memory_space<hbm>>
    %dma_start3A_94 = arith.constant 0 : i32
    %dma_start3A_95 = arith.constant 0 : i32
    %dma_start3A_96 = tpu.memref_slice %arg8[%dma_start3A_83, %dma_start3A_94, %dma_start3A_95] : memref<2x80x128xf32, #tpu.memory_space<vmem>> -> memref<1x80x128xf32, #tpu.memory_space<vmem>>
    %dma_start3A_97 = tpu.memref_squeeze %dma_start3A_96 : memref<1x80x128xf32, #tpu.memory_space<vmem>> -> memref<80x128xf32, #tpu.memory_space<vmem>>
    tpu.enqueue_dma source(%dma_start3A_97 : memref<80x128xf32, #tpu.memory_space<vmem>>) target(%dma_start3A_93 : memref<80x128xf32, #tpu.memory_space<hbm>>) target_semaphore(%arg11 : memref<!tpu.dma_semaphore, #tpu.memory_space<semaphore_mem>>)
    %add3A_98 = arith.constant 0 : i32
    %add3A_99 = arith.addi %mul3A_7, %add3A_98 : i32
    %dma_wait3A_100 = arith.constant 0 : i32
    %dma_wait3A_101 = arith.constant 0 : i32
    %dma_wait3A_102 = arith.constant 0 : i32
    %dma_wait3A_103 = tpu.memref_slice %arg8[%dma_wait3A_100, %dma_wait3A_101, %dma_wait3A_102] : memref<2x80x128xf32, #tpu.memory_space<vmem>> -> memref<1x80x128xf32, #tpu.memory_space<vmem>>
    %dma_wait3A_104 = tpu.memref_squeeze %dma_wait3A_103 : memref<1x80x128xf32, #tpu.memory_space<vmem>> -> memref<80x128xf32, #tpu.memory_space<vmem>>
    %dma_wait3A_105 = arith.constant 0 : i32
    %dma_wait3A_106 = tpu.memref_slice %arg5[%arg0, %add3A_99, %dma_wait3A_105] : memref<2x10240x128xf32, #tpu.memory_space<hbm>> -> memref<1x80x128xf32, #tpu.memory_space<hbm>>
    %dma_wait3A_107 = tpu.memref_squeeze %dma_wait3A_106 : memref<1x80x128xf32, #tpu.memory_space<hbm>> -> memref<80x128xf32, #tpu.memory_space<hbm>>
    %dma_wait3A_108 = arith.constant 0 : i32
    %dma_wait3A_109 = tpu.memref_slice %arg5[%arg0, %add3A_99, %dma_wait3A_108] : memref<2x10240x128xf32, #tpu.memory_space<hbm>> -> memref<1x80x128xf32, #tpu.memory_space<hbm>>
    %dma_wait3A_110 = tpu.memref_squeeze %dma_wait3A_109 : memref<1x80x128xf32, #tpu.memory_space<hbm>> -> memref<80x128xf32, #tpu.memory_space<hbm>>
    %dma_wait3A_111 = arith.constant 0 : i32
    %dma_wait3A_112 = arith.constant 0 : i32
    %dma_wait3A_113 = tpu.memref_slice %arg8[%dma_wait3A_100, %dma_wait3A_111, %dma_wait3A_112] : memref<2x80x128xf32, #tpu.memory_space<vmem>> -> memref<1x80x128xf32, #tpu.memory_space<vmem>>
    %dma_wait3A_114 = tpu.memref_squeeze %dma_wait3A_113 : memref<1x80x128xf32, #tpu.memory_space<vmem>> -> memref<80x128xf32, #tpu.memory_space<vmem>>
    tpu.wait_dma2 semaphore(%arg11 : memref<!tpu.dma_semaphore, #tpu.memory_space<semaphore_mem>>) src(%dma_wait3A_114 : memref<80x128xf32, #tpu.memory_space<vmem>>) dst(%dma_wait3A_110 : memref<80x128xf32, #tpu.memory_space<hbm>>)
    %add3A_115 = arith.constant 160 : i32
    %add3A_116 = arith.addi %mul3A_7, %add3A_115 : i32
    %run_scoped3A_117 = arith.constant 0 : i32
    "tpu.region"() ({
      %run_scoped3A_354 = tpu.sem_alloc : memref<!tpu.dma_semaphore, #tpu.memory_space<semaphore_mem>>
      %dma_start3A_355 = arith.constant 0 : i32
      %dma_start3A_356 = arith.constant 0 : i32
      %dma_start3A_357 = tpu.memref_slice %arg8[%run_scoped3A_117, %dma_start3A_355, %dma_start3A_356] : memref<2x80x128xf32, #tpu.memory_space<vmem>> -> memref<1x80x128xf32, #tpu.memory_space<vmem>>
      %dma_start3A_358 = tpu.memref_squeeze %dma_start3A_357 : memref<1x80x128xf32, #tpu.memory_space<vmem>> -> memref<80x128xf32, #tpu.memory_space<vmem>>
      %dma_start3A_359 = arith.constant 0 : i32
      %dma_start3A_360 = tpu.memref_slice %arg9[%add3A_116, %dma_start3A_359] : memref<10240x128xf32, #tpu.memory_space<vmem_shared>> -> memref<80x128xf32, #tpu.memory_space<vmem_shared>>
      %dma_start3A_361 = arith.constant 0 : i32
      %dma_start3A_362 = arith.constant 0 : i32
      %dma_start3A_363 = tpu.memref_slice %arg8[%run_scoped3A_117, %dma_start3A_361, %dma_start3A_362] : memref<2x80x128xf32, #tpu.memory_space<vmem>> -> memref<1x80x128xf32, #tpu.memory_space<vmem>>
      %dma_start3A_364 = tpu.memref_squeeze %dma_start3A_363 : memref<1x80x128xf32, #tpu.memory_space<vmem>> -> memref<80x128xf32, #tpu.memory_space<vmem>>
      %dma_start3A_365 = arith.constant 0 : i32
      %dma_start3A_366 = tpu.memref_slice %arg9[%add3A_116, %dma_start3A_365] : memref<10240x128xf32, #tpu.memory_space<vmem_shared>> -> memref<80x128xf32, #tpu.memory_space<vmem_shared>>
      tpu.enqueue_dma source(%dma_start3A_366 : memref<80x128xf32, #tpu.memory_space<vmem_shared>>) target(%dma_start3A_364 : memref<80x128xf32, #tpu.memory_space<vmem>>) target_semaphore(%run_scoped3A_354 : memref<!tpu.dma_semaphore, #tpu.memory_space<semaphore_mem>>)
      %dma_wait3A_367 = arith.constant 0 : i32
      %dma_wait3A_368 = arith.constant 0 : i32
      %dma_wait3A_369 = tpu.memref_slice %arg8[%run_scoped3A_117, %dma_wait3A_367, %dma_wait3A_368] : memref<2x80x128xf32, #tpu.memory_space<vmem>> -> memref<1x80x128xf32, #tpu.memory_space<vmem>>
      %dma_wait3A_370 = tpu.memref_squeeze %dma_wait3A_369 : memref<1x80x128xf32, #tpu.memory_space<vmem>> -> memref<80x128xf32, #tpu.memory_space<vmem>>
      %dma_wait3A_371 = arith.constant 0 : i32
      %dma_wait3A_372 = tpu.memref_slice %arg9[%add3A_116, %dma_wait3A_371] : memref<10240x128xf32, #tpu.memory_space<vmem_shared>> -> memref<80x128xf32, #tpu.memory_space<vmem_shared>>
      %dma_wait3A_373 = arith.constant 0 : i32
      %dma_wait3A_374 = arith.constant 0 : i32
      %dma_wait3A_375 = tpu.memref_slice %arg8[%run_scoped3A_117, %dma_wait3A_373, %dma_wait3A_374] : memref<2x80x128xf32, #tpu.memory_space<vmem>> -> memref<1x80x128xf32, #tpu.memory_space<vmem>>
      %dma_wait3A_376 = tpu.memref_squeeze %dma_wait3A_375 : memref<1x80x128xf32, #tpu.memory_space<vmem>> -> memref<80x128xf32, #tpu.memory_space<vmem>>
      %dma_wait3A_377 = arith.constant 0 : i32
      %dma_wait3A_378 = tpu.memref_slice %arg9[%add3A_116, %dma_wait3A_377] : memref<10240x128xf32, #tpu.memory_space<vmem_shared>> -> memref<80x128xf32, #tpu.memory_space<vmem_shared>>
      tpu.wait_dma2 semaphore(%run_scoped3A_354 : memref<!tpu.dma_semaphore, #tpu.memory_space<semaphore_mem>>) src(%dma_wait3A_378 : memref<80x128xf32, #tpu.memory_space<vmem_shared>>) dst(%dma_wait3A_376 : memref<80x128xf32, #tpu.memory_space<vmem>>)
      tpu.yield
    }) : () -> ()
    %add3A_118 = arith.constant 160 : i32
    %add3A_119 = arith.addi %mul3A_7, %add3A_118 : i32
    %dma_start3A_120 = arith.constant 0 : i32
    %dma_start3A_121 = arith.constant 0 : i32
    %dma_start3A_122 = arith.constant 0 : i32
    %dma_start3A_123 = tpu.memref_slice %arg8[%dma_start3A_120, %dma_start3A_121, %dma_start3A_122] : memref<2x80x128xf32, #tpu.memory_space<vmem>> -> memref<1x80x128xf32, #tpu.memory_space<vmem>>
    %dma_start3A_124 = tpu.memref_squeeze %dma_start3A_123 : memref<1x80x128xf32, #tpu.memory_space<vmem>> -> memref<80x128xf32, #tpu.memory_space<vmem>>
    %dma_start3A_125 = arith.constant 0 : i32
    %dma_start3A_126 = tpu.memref_slice %arg5[%arg0, %add3A_119, %dma_start3A_125] : memref<2x10240x128xf32, #tpu.memory_space<hbm>> -> memref<1x80x128xf32, #tpu.memory_space<hbm>>
    %dma_start3A_127 = tpu.memref_squeeze %dma_start3A_126 : memref<1x80x128xf32, #tpu.memory_space<hbm>> -> memref<80x128xf32, #tpu.memory_space<hbm>>
    %dma_start3A_128 = arith.constant 0 : i32
    %dma_start3A_129 = tpu.memref_slice %arg5[%arg0, %add3A_119, %dma_start3A_128] : memref<2x10240x128xf32, #tpu.memory_space<hbm>> -> memref<1x80x128xf32, #tpu.memory_space<hbm>>
    %dma_start3A_130 = tpu.memref_squeeze %dma_start3A_129 : memref<1x80x128xf32, #tpu.memory_space<hbm>> -> memref<80x128xf32, #tpu.memory_space<hbm>>
    %dma_start3A_131 = arith.constant 0 : i32
    %dma_start3A_132 = arith.constant 0 : i32
    %dma_start3A_133 = tpu.memref_slice %arg8[%dma_start3A_120, %dma_start3A_131, %dma_start3A_132] : memref<2x80x128xf32, #tpu.memory_space<vmem>> -> memref<1x80x128xf32, #tpu.memory_space<vmem>>
    %dma_start3A_134 = tpu.memref_squeeze %dma_start3A_133 : memref<1x80x128xf32, #tpu.memory_space<vmem>> -> memref<80x128xf32, #tpu.memory_space<vmem>>
    tpu.enqueue_dma source(%dma_start3A_134 : memref<80x128xf32, #tpu.memory_space<vmem>>) target(%dma_start3A_130 : memref<80x128xf32, #tpu.memory_space<hbm>>) target_semaphore(%arg11 : memref<!tpu.dma_semaphore, #tpu.memory_space<semaphore_mem>>)
    %add3A_135 = arith.constant 80 : i32
    %add3A_136 = arith.addi %mul3A_7, %add3A_135 : i32
    %dma_wait3A_137 = arith.constant 1 : i32
    %dma_wait3A_138 = arith.constant 0 : i32
    %dma_wait3A_139 = arith.constant 0 : i32
    %dma_wait3A_140 = tpu.memref_slice %arg8[%dma_wait3A_137, %dma_wait3A_138, %dma_wait3A_139] : memref<2x80x128xf32, #tpu.memory_space<vmem>> -> memref<1x80x128xf32, #tpu.memory_space<vmem>>
    %dma_wait3A_141 = tpu.memref_squeeze %dma_wait3A_140 : memref<1x80x128xf32, #tpu.memory_space<vmem>> -> memref<80x128xf32, #tpu.memory_space<vmem>>
    %dma_wait3A_142 = arith.constant 0 : i32
    %dma_wait3A_143 = tpu.memref_slice %arg5[%arg0, %add3A_136, %dma_wait3A_142] : memref<2x10240x128xf32, #tpu.memory_space<hbm>> -> memref<1x80x128xf32, #tpu.memory_space<hbm>>
    %dma_wait3A_144 = tpu.memref_squeeze %dma_wait3A_143 : memref<1x80x128xf32, #tpu.memory_space<hbm>> -> memref<80x128xf32, #tpu.memory_space<hbm>>
    %dma_wait3A_145 = arith.constant 0 : i32
    %dma_wait3A_146 = tpu.memref_slice %arg5[%arg0, %add3A_136, %dma_wait3A_145] : memref<2x10240x128xf32, #tpu.memory_space<hbm>> -> memref<1x80x128xf32, #tpu.memory_space<hbm>>
    %dma_wait3A_147 = tpu.memref_squeeze %dma_wait3A_146 : memref<1x80x128xf32, #tpu.memory_space<hbm>> -> memref<80x128xf32, #tpu.memory_space<hbm>>
    %dma_wait3A_148 = arith.constant 0 : i32
    %dma_wait3A_149 = arith.constant 0 : i32
    %dma_wait3A_150 = tpu.memref_slice %arg8[%dma_wait3A_137, %dma_wait3A_148, %dma_wait3A_149] : memref<2x80x128xf32, #tpu.memory_space<vmem>> -> memref<1x80x128xf32, #tpu.memory_space<vmem>>
    %dma_wait3A_151 = tpu.memref_squeeze %dma_wait3A_150 : memref<1x80x128xf32, #tpu.memory_space<vmem>> -> memref<80x128xf32, #tpu.memory_space<vmem>>
    tpu.wait_dma2 semaphore(%arg11 : memref<!tpu.dma_semaphore, #tpu.memory_space<semaphore_mem>>) src(%dma_wait3A_151 : memref<80x128xf32, #tpu.memory_space<vmem>>) dst(%dma_wait3A_147 : memref<80x128xf32, #tpu.memory_space<hbm>>)
    %add3A_152 = arith.constant 240 : i32
    %add3A_153 = arith.addi %mul3A_7, %add3A_152 : i32
    %run_scoped3A_154 = arith.constant 1 : i32
    "tpu.region"() ({
      %run_scoped3A_354 = tpu.sem_alloc : memref<!tpu.dma_semaphore, #tpu.memory_space<semaphore_mem>>
      %dma_start3A_355 = arith.constant 0 : i32
      %dma_start3A_356 = arith.constant 0 : i32
      %dma_start3A_357 = tpu.memref_slice %arg8[%run_scoped3A_154, %dma_start3A_355, %dma_start3A_356] : memref<2x80x128xf32, #tpu.memory_space<vmem>> -> memref<1x80x128xf32, #tpu.memory_space<vmem>>
      %dma_start3A_358 = tpu.memref_squeeze %dma_start3A_357 : memref<1x80x128xf32, #tpu.memory_space<vmem>> -> memref<80x128xf32, #tpu.memory_space<vmem>>
      %dma_start3A_359 = arith.constant 0 : i32
      %dma_start3A_360 = tpu.memref_slice %arg9[%add3A_153, %dma_start3A_359] : memref<10240x128xf32, #tpu.memory_space<vmem_shared>> -> memref<80x128xf32, #tpu.memory_space<vmem_shared>>
      %dma_start3A_361 = arith.constant 0 : i32
      %dma_start3A_362 = arith.constant 0 : i32
      %dma_start3A_363 = tpu.memref_slice %arg8[%run_scoped3A_154, %dma_start3A_361, %dma_start3A_362] : memref<2x80x128xf32, #tpu.memory_space<vmem>> -> memref<1x80x128xf32, #tpu.memory_space<vmem>>
      %dma_start3A_364 = tpu.memref_squeeze %dma_start3A_363 : memref<1x80x128xf32, #tpu.memory_space<vmem>> -> memref<80x128xf32, #tpu.memory_space<vmem>>
      %dma_start3A_365 = arith.constant 0 : i32
      %dma_start3A_366 = tpu.memref_slice %arg9[%add3A_153, %dma_start3A_365] : memref<10240x128xf32, #tpu.memory_space<vmem_shared>> -> memref<80x128xf32, #tpu.memory_space<vmem_shared>>
      tpu.enqueue_dma source(%dma_start3A_366 : memref<80x128xf32, #tpu.memory_space<vmem_shared>>) target(%dma_start3A_364 : memref<80x128xf32, #tpu.memory_space<vmem>>) target_semaphore(%run_scoped3A_354 : memref<!tpu.dma_semaphore, #tpu.memory_space<semaphore_mem>>)
      %dma_wait3A_367 = arith.constant 0 : i32
      %dma_wait3A_368 = arith.constant 0 : i32
      %dma_wait3A_369 = tpu.memref_slice %arg8[%run_scoped3A_154, %dma_wait3A_367, %dma_wait3A_368] : memref<2x80x128xf32, #tpu.memory_space<vmem>> -> memref<1x80x128xf32, #tpu.memory_space<vmem>>
      %dma_wait3A_370 = tpu.memref_squeeze %dma_wait3A_369 : memref<1x80x128xf32, #tpu.memory_space<vmem>> -> memref<80x128xf32, #tpu.memory_space<vmem>>
      %dma_wait3A_371 = arith.constant 0 : i32
      %dma_wait3A_372 = tpu.memref_slice %arg9[%add3A_153, %dma_wait3A_371] : memref<10240x128xf32, #tpu.memory_space<vmem_shared>> -> memref<80x128xf32, #tpu.memory_space<vmem_shared>>
      %dma_wait3A_373 = arith.constant 0 : i32
      %dma_wait3A_374 = arith.constant 0 : i32
      %dma_wait3A_375 = tpu.memref_slice %arg8[%run_scoped3A_154, %dma_wait3A_373, %dma_wait3A_374] : memref<2x80x128xf32, #tpu.memory_space<vmem>> -> memref<1x80x128xf32, #tpu.memory_space<vmem>>
      %dma_wait3A_376 = tpu.memref_squeeze %dma_wait3A_375 : memref<1x80x128xf32, #tpu.memory_space<vmem>> -> memref<80x128xf32, #tpu.memory_space<vmem>>
      %dma_wait3A_377 = arith.constant 0 : i32
      %dma_wait3A_378 = tpu.memref_slice %arg9[%add3A_153, %dma_wait3A_377] : memref<10240x128xf32, #tpu.memory_space<vmem_shared>> -> memref<80x128xf32, #tpu.memory_space<vmem_shared>>
      tpu.wait_dma2 semaphore(%run_scoped3A_354 : memref<!tpu.dma_semaphore, #tpu.memory_space<semaphore_mem>>) src(%dma_wait3A_378 : memref<80x128xf32, #tpu.memory_space<vmem_shared>>) dst(%dma_wait3A_376 : memref<80x128xf32, #tpu.memory_space<vmem>>)
      tpu.yield
    }) : () -> ()
    %add3A_155 = arith.constant 240 : i32
    %add3A_156 = arith.addi %mul3A_7, %add3A_155 : i32
    %dma_start3A_157 = arith.constant 1 : i32
    %dma_start3A_158 = arith.constant 0 : i32
    %dma_start3A_159 = arith.constant 0 : i32
    %dma_start3A_160 = tpu.memref_slice %arg8[%dma_start3A_157, %dma_start3A_158, %dma_start3A_159] : memref<2x80x128xf32, #tpu.memory_space<vmem>> -> memref<1x80x128xf32, #tpu.memory_space<vmem>>
    %dma_start3A_161 = tpu.memref_squeeze %dma_start3A_160 : memref<1x80x128xf32, #tpu.memory_space<vmem>> -> memref<80x128xf32, #tpu.memory_space<vmem>>
    %dma_start3A_162 = arith.constant 0 : i32
    %dma_start3A_163 = tpu.memref_slice %arg5[%arg0, %add3A_156, %dma_start3A_162] : memref<2x10240x128xf32, #tpu.memory_space<hbm>> -> memref<1x80x128xf32, #tpu.memory_space<hbm>>
    %dma_start3A_164 = tpu.memref_squeeze %dma_start3A_163 : memref<1x80x128xf32, #tpu.memory_space<hbm>> -> memref<80x128xf32, #tpu.memory_space<hbm>>
    %dma_start3A_165 = arith.constant 0 : i32
    %dma_start3A_166 = tpu.memref_slice %arg5[%arg0, %add3A_156, %dma_start3A_165] : memref<2x10240x128xf32, #tpu.memory_space<hbm>> -> memref<1x80x128xf32, #tpu.memory_space<hbm>>
    %dma_start3A_167 = tpu.memref_squeeze %dma_start3A_166 : memref<1x80x128xf32, #tpu.memory_space<hbm>> -> memref<80x128xf32, #tpu.memory_space<hbm>>
    %dma_start3A_168 = arith.constant 0 : i32
    %dma_start3A_169 = arith.constant 0 : i32
    %dma_start3A_170 = tpu.memref_slice %arg8[%dma_start3A_157, %dma_start3A_168, %dma_start3A_169] : memref<2x80x128xf32, #tpu.memory_space<vmem>> -> memref<1x80x128xf32, #tpu.memory_space<vmem>>
    %dma_start3A_171 = tpu.memref_squeeze %dma_start3A_170 : memref<1x80x128xf32, #tpu.memory_space<vmem>> -> memref<80x128xf32, #tpu.memory_space<vmem>>
    tpu.enqueue_dma source(%dma_start3A_171 : memref<80x128xf32, #tpu.memory_space<vmem>>) target(%dma_start3A_167 : memref<80x128xf32, #tpu.memory_space<hbm>>) target_semaphore(%arg11 : memref<!tpu.dma_semaphore, #tpu.memory_space<semaphore_mem>>)
    %add3A_172 = arith.constant 160 : i32
    %add3A_173 = arith.addi %mul3A_7, %add3A_172 : i32
    %dma_wait3A_174 = arith.constant 0 : i32
    %dma_wait3A_175 = arith.constant 0 : i32
    %dma_wait3A_176 = arith.constant 0 : i32
    %dma_wait3A_177 = tpu.memref_slice %arg8[%dma_wait3A_174, %dma_wait3A_175, %dma_wait3A_176] : memref<2x80x128xf32, #tpu.memory_space<vmem>> -> memref<1x80x128xf32, #tpu.memory_space<vmem>>
    %dma_wait3A_178 = tpu.memref_squeeze %dma_wait3A_177 : memref<1x80x128xf32, #tpu.memory_space<vmem>> -> memref<80x128xf32, #tpu.memory_space<vmem>>
    %dma_wait3A_179 = arith.constant 0 : i32
    %dma_wait3A_180 = tpu.memref_slice %arg5[%arg0, %add3A_173, %dma_wait3A_179] : memref<2x10240x128xf32, #tpu.memory_space<hbm>> -> memref<1x80x128xf32, #tpu.memory_space<hbm>>
    %dma_wait3A_181 = tpu.memref_squeeze %dma_wait3A_180 : memref<1x80x128xf32, #tpu.memory_space<hbm>> -> memref<80x128xf32, #tpu.memory_space<hbm>>
    %dma_wait3A_182 = arith.constant 0 : i32
    %dma_wait3A_183 = tpu.memref_slice %arg5[%arg0, %add3A_173, %dma_wait3A_182] : memref<2x10240x128xf32, #tpu.memory_space<hbm>> -> memref<1x80x128xf32, #tpu.memory_space<hbm>>
    %dma_wait3A_184 = tpu.memref_squeeze %dma_wait3A_183 : memref<1x80x128xf32, #tpu.memory_space<hbm>> -> memref<80x128xf32, #tpu.memory_space<hbm>>
    %dma_wait3A_185 = arith.constant 0 : i32
    %dma_wait3A_186 = arith.constant 0 : i32
    %dma_wait3A_187 = tpu.memref_slice %arg8[%dma_wait3A_174, %dma_wait3A_185, %dma_wait3A_186] : memref<2x80x128xf32, #tpu.memory_space<vmem>> -> memref<1x80x128xf32, #tpu.memory_space<vmem>>
    %dma_wait3A_188 = tpu.memref_squeeze %dma_wait3A_187 : memref<1x80x128xf32, #tpu.memory_space<vmem>> -> memref<80x128xf32, #tpu.memory_space<vmem>>
    tpu.wait_dma2 semaphore(%arg11 : memref<!tpu.dma_semaphore, #tpu.memory_space<semaphore_mem>>) src(%dma_wait3A_188 : memref<80x128xf32, #tpu.memory_space<vmem>>) dst(%dma_wait3A_184 : memref<80x128xf32, #tpu.memory_space<hbm>>)
    %add3A_189 = arith.constant 320 : i32
    %add3A_190 = arith.addi %mul3A_7, %add3A_189 : i32
    %run_scoped3A_191 = arith.constant 0 : i32
    "tpu.region"() ({
      %run_scoped3A_354 = tpu.sem_alloc : memref<!tpu.dma_semaphore, #tpu.memory_space<semaphore_mem>>
      %dma_start3A_355 = arith.constant 0 : i32
      %dma_start3A_356 = arith.constant 0 : i32
      %dma_start3A_357 = tpu.memref_slice %arg8[%run_scoped3A_191, %dma_start3A_355, %dma_start3A_356] : memref<2x80x128xf32, #tpu.memory_space<vmem>> -> memref<1x80x128xf32, #tpu.memory_space<vmem>>
      %dma_start3A_358 = tpu.memref_squeeze %dma_start3A_357 : memref<1x80x128xf32, #tpu.memory_space<vmem>> -> memref<80x128xf32, #tpu.memory_space<vmem>>
      %dma_start3A_359 = arith.constant 0 : i32
      %dma_start3A_360 = tpu.memref_slice %arg9[%add3A_190, %dma_start3A_359] : memref<10240x128xf32, #tpu.memory_space<vmem_shared>> -> memref<80x128xf32, #tpu.memory_space<vmem_shared>>
      %dma_start3A_361 = arith.constant 0 : i32
      %dma_start3A_362 = arith.constant 0 : i32
      %dma_start3A_363 = tpu.memref_slice %arg8[%run_scoped3A_191, %dma_start3A_361, %dma_start3A_362] : memref<2x80x128xf32, #tpu.memory_space<vmem>> -> memref<1x80x128xf32, #tpu.memory_space<vmem>>
      %dma_start3A_364 = tpu.memref_squeeze %dma_start3A_363 : memref<1x80x128xf32, #tpu.memory_space<vmem>> -> memref<80x128xf32, #tpu.memory_space<vmem>>
      %dma_start3A_365 = arith.constant 0 : i32
      %dma_start3A_366 = tpu.memref_slice %arg9[%add3A_190, %dma_start3A_365] : memref<10240x128xf32, #tpu.memory_space<vmem_shared>> -> memref<80x128xf32, #tpu.memory_space<vmem_shared>>
      tpu.enqueue_dma source(%dma_start3A_366 : memref<80x128xf32, #tpu.memory_space<vmem_shared>>) target(%dma_start3A_364 : memref<80x128xf32, #tpu.memory_space<vmem>>) target_semaphore(%run_scoped3A_354 : memref<!tpu.dma_semaphore, #tpu.memory_space<semaphore_mem>>)
      %dma_wait3A_367 = arith.constant 0 : i32
      %dma_wait3A_368 = arith.constant 0 : i32
      %dma_wait3A_369 = tpu.memref_slice %arg8[%run_scoped3A_191, %dma_wait3A_367, %dma_wait3A_368] : memref<2x80x128xf32, #tpu.memory_space<vmem>> -> memref<1x80x128xf32, #tpu.memory_space<vmem>>
      %dma_wait3A_370 = tpu.memref_squeeze %dma_wait3A_369 : memref<1x80x128xf32, #tpu.memory_space<vmem>> -> memref<80x128xf32, #tpu.memory_space<vmem>>
      %dma_wait3A_371 = arith.constant 0 : i32
      %dma_wait3A_372 = tpu.memref_slice %arg9[%add3A_190, %dma_wait3A_371] : memref<10240x128xf32, #tpu.memory_space<vmem_shared>> -> memref<80x128xf32, #tpu.memory_space<vmem_shared>>
      %dma_wait3A_373 = arith.constant 0 : i32
      %dma_wait3A_374 = arith.constant 0 : i32
      %dma_wait3A_375 = tpu.memref_slice %arg8[%run_scoped3A_191, %dma_wait3A_373, %dma_wait3A_374] : memref<2x80x128xf32, #tpu.memory_space<vmem>> -> memref<1x80x128xf32, #tpu.memory_space<vmem>>
      %dma_wait3A_376 = tpu.memref_squeeze %dma_wait3A_375 : memref<1x80x128xf32, #tpu.memory_space<vmem>> -> memref<80x128xf32, #tpu.memory_space<vmem>>
      %dma_wait3A_377 = arith.constant 0 : i32
      %dma_wait3A_378 = tpu.memref_slice %arg9[%add3A_190, %dma_wait3A_377] : memref<10240x128xf32, #tpu.memory_space<vmem_shared>> -> memref<80x128xf32, #tpu.memory_space<vmem_shared>>
      tpu.wait_dma2 semaphore(%run_scoped3A_354 : memref<!tpu.dma_semaphore, #tpu.memory_space<semaphore_mem>>) src(%dma_wait3A_378 : memref<80x128xf32, #tpu.memory_space<vmem_shared>>) dst(%dma_wait3A_376 : memref<80x128xf32, #tpu.memory_space<vmem>>)
      tpu.yield
    }) : () -> ()
    %add3A_192 = arith.constant 320 : i32
    %add3A_193 = arith.addi %mul3A_7, %add3A_192 : i32
    %dma_start3A_194 = arith.constant 0 : i32
    %dma_start3A_195 = arith.constant 0 : i32
    %dma_start3A_196 = arith.constant 0 : i32
    %dma_start3A_197 = tpu.memref_slice %arg8[%dma_start3A_194, %dma_start3A_195, %dma_start3A_196] : memref<2x80x128xf32, #tpu.memory_space<vmem>> -> memref<1x80x128xf32, #tpu.memory_space<vmem>>
    %dma_start3A_198 = tpu.memref_squeeze %dma_start3A_197 : memref<1x80x128xf32, #tpu.memory_space<vmem>> -> memref<80x128xf32, #tpu.memory_space<vmem>>
    %dma_start3A_199 = arith.constant 0 : i32
    %dma_start3A_200 = tpu.memref_slice %arg5[%arg0, %add3A_193, %dma_start3A_199] : memref<2x10240x128xf32, #tpu.memory_space<hbm>> -> memref<1x80x128xf32, #tpu.memory_space<hbm>>
    %dma_start3A_201 = tpu.memref_squeeze %dma_start3A_200 : memref<1x80x128xf32, #tpu.memory_space<hbm>> -> memref<80x128xf32, #tpu.memory_space<hbm>>
    %dma_start3A_202 = arith.constant 0 : i32
    %dma_start3A_203 = tpu.memref_slice %arg5[%arg0, %add3A_193, %dma_start3A_202] : memref<2x10240x128xf32, #tpu.memory_space<hbm>> -> memref<1x80x128xf32, #tpu.memory_space<hbm>>
    %dma_start3A_204 = tpu.memref_squeeze %dma_start3A_203 : memref<1x80x128xf32, #tpu.memory_space<hbm>> -> memref<80x128xf32, #tpu.memory_space<hbm>>
    %dma_start3A_205 = arith.constant 0 : i32
    %dma_start3A_206 = arith.constant 0 : i32
    %dma_start3A_207 = tpu.memref_slice %arg8[%dma_start3A_194, %dma_start3A_205, %dma_start3A_206] : memref<2x80x128xf32, #tpu.memory_space<vmem>> -> memref<1x80x128xf32, #tpu.memory_space<vmem>>
    %dma_start3A_208 = tpu.memref_squeeze %dma_start3A_207 : memref<1x80x128xf32, #tpu.memory_space<vmem>> -> memref<80x128xf32, #tpu.memory_space<vmem>>
    tpu.enqueue_dma source(%dma_start3A_208 : memref<80x128xf32, #tpu.memory_space<vmem>>) target(%dma_start3A_204 : memref<80x128xf32, #tpu.memory_space<hbm>>) target_semaphore(%arg11 : memref<!tpu.dma_semaphore, #tpu.memory_space<semaphore_mem>>)
    %add3A_209 = arith.constant 240 : i32
    %add3A_210 = arith.addi %mul3A_7, %add3A_209 : i32
    %dma_wait3A_211 = arith.constant 1 : i32
    %dma_wait3A_212 = arith.constant 0 : i32
    %dma_wait3A_213 = arith.constant 0 : i32
    %dma_wait3A_214 = tpu.memref_slice %arg8[%dma_wait3A_211, %dma_wait3A_212, %dma_wait3A_213] : memref<2x80x128xf32, #tpu.memory_space<vmem>> -> memref<1x80x128xf32, #tpu.memory_space<vmem>>
    %dma_wait3A_215 = tpu.memref_squeeze %dma_wait3A_214 : memref<1x80x128xf32, #tpu.memory_space<vmem>> -> memref<80x128xf32, #tpu.memory_space<vmem>>
    %dma_wait3A_216 = arith.constant 0 : i32
    %dma_wait3A_217 = tpu.memref_slice %arg5[%arg0, %add3A_210, %dma_wait3A_216] : memref<2x10240x128xf32, #tpu.memory_space<hbm>> -> memref<1x80x128xf32, #tpu.memory_space<hbm>>
    %dma_wait3A_218 = tpu.memref_squeeze %dma_wait3A_217 : memref<1x80x128xf32, #tpu.memory_space<hbm>> -> memref<80x128xf32, #tpu.memory_space<hbm>>
    %dma_wait3A_219 = arith.constant 0 : i32
    %dma_wait3A_220 = tpu.memref_slice %arg5[%arg0, %add3A_210, %dma_wait3A_219] : memref<2x10240x128xf32, #tpu.memory_space<hbm>> -> memref<1x80x128xf32, #tpu.memory_space<hbm>>
    %dma_wait3A_221 = tpu.memref_squeeze %dma_wait3A_220 : memref<1x80x128xf32, #tpu.memory_space<hbm>> -> memref<80x128xf32, #tpu.memory_space<hbm>>
    %dma_wait3A_222 = arith.constant 0 : i32
    %dma_wait3A_223 = arith.constant 0 : i32
    %dma_wait3A_224 = tpu.memref_slice %arg8[%dma_wait3A_211, %dma_wait3A_222, %dma_wait3A_223] : memref<2x80x128xf32, #tpu.memory_space<vmem>> -> memref<1x80x128xf32, #tpu.memory_space<vmem>>
    %dma_wait3A_225 = tpu.memref_squeeze %dma_wait3A_224 : memref<1x80x128xf32, #tpu.memory_space<vmem>> -> memref<80x128xf32, #tpu.memory_space<vmem>>
    tpu.wait_dma2 semaphore(%arg11 : memref<!tpu.dma_semaphore, #tpu.memory_space<semaphore_mem>>) src(%dma_wait3A_225 : memref<80x128xf32, #tpu.memory_space<vmem>>) dst(%dma_wait3A_221 : memref<80x128xf32, #tpu.memory_space<hbm>>)
    %add3A_226 = arith.constant 400 : i32
    %add3A_227 = arith.addi %mul3A_7, %add3A_226 : i32
    %run_scoped3A_228 = arith.constant 1 : i32
    "tpu.region"() ({
      %run_scoped3A_354 = tpu.sem_alloc : memref<!tpu.dma_semaphore, #tpu.memory_space<semaphore_mem>>
      %dma_start3A_355 = arith.constant 0 : i32
      %dma_start3A_356 = arith.constant 0 : i32
      %dma_start3A_357 = tpu.memref_slice %arg8[%run_scoped3A_228, %dma_start3A_355, %dma_start3A_356] : memref<2x80x128xf32, #tpu.memory_space<vmem>> -> memref<1x80x128xf32, #tpu.memory_space<vmem>>
      %dma_start3A_358 = tpu.memref_squeeze %dma_start3A_357 : memref<1x80x128xf32, #tpu.memory_space<vmem>> -> memref<80x128xf32, #tpu.memory_space<vmem>>
      %dma_start3A_359 = arith.constant 0 : i32
      %dma_start3A_360 = tpu.memref_slice %arg9[%add3A_227, %dma_start3A_359] : memref<10240x128xf32, #tpu.memory_space<vmem_shared>> -> memref<80x128xf32, #tpu.memory_space<vmem_shared>>
      %dma_start3A_361 = arith.constant 0 : i32
      %dma_start3A_362 = arith.constant 0 : i32
      %dma_start3A_363 = tpu.memref_slice %arg8[%run_scoped3A_228, %dma_start3A_361, %dma_start3A_362] : memref<2x80x128xf32, #tpu.memory_space<vmem>> -> memref<1x80x128xf32, #tpu.memory_space<vmem>>
      %dma_start3A_364 = tpu.memref_squeeze %dma_start3A_363 : memref<1x80x128xf32, #tpu.memory_space<vmem>> -> memref<80x128xf32, #tpu.memory_space<vmem>>
      %dma_start3A_365 = arith.constant 0 : i32
      %dma_start3A_366 = tpu.memref_slice %arg9[%add3A_227, %dma_start3A_365] : memref<10240x128xf32, #tpu.memory_space<vmem_shared>> -> memref<80x128xf32, #tpu.memory_space<vmem_shared>>
      tpu.enqueue_dma source(%dma_start3A_366 : memref<80x128xf32, #tpu.memory_space<vmem_shared>>) target(%dma_start3A_364 : memref<80x128xf32, #tpu.memory_space<vmem>>) target_semaphore(%run_scoped3A_354 : memref<!tpu.dma_semaphore, #tpu.memory_space<semaphore_mem>>)
      %dma_wait3A_367 = arith.constant 0 : i32
      %dma_wait3A_368 = arith.constant 0 : i32
      %dma_wait3A_369 = tpu.memref_slice %arg8[%run_scoped3A_228, %dma_wait3A_367, %dma_wait3A_368] : memref<2x80x128xf32, #tpu.memory_space<vmem>> -> memref<1x80x128xf32, #tpu.memory_space<vmem>>
      %dma_wait3A_370 = tpu.memref_squeeze %dma_wait3A_369 : memref<1x80x128xf32, #tpu.memory_space<vmem>> -> memref<80x128xf32, #tpu.memory_space<vmem>>
      %dma_wait3A_371 = arith.constant 0 : i32
      %dma_wait3A_372 = tpu.memref_slice %arg9[%add3A_227, %dma_wait3A_371] : memref<10240x128xf32, #tpu.memory_space<vmem_shared>> -> memref<80x128xf32, #tpu.memory_space<vmem_shared>>
      %dma_wait3A_373 = arith.constant 0 : i32
      %dma_wait3A_374 = arith.constant 0 : i32
      %dma_wait3A_375 = tpu.memref_slice %arg8[%run_scoped3A_228, %dma_wait3A_373, %dma_wait3A_374] : memref<2x80x128xf32, #tpu.memory_space<vmem>> -> memref<1x80x128xf32, #tpu.memory_space<vmem>>
      %dma_wait3A_376 = tpu.memref_squeeze %dma_wait3A_375 : memref<1x80x128xf32, #tpu.memory_space<vmem>> -> memref<80x128xf32, #tpu.memory_space<vmem>>
      %dma_wait3A_377 = arith.constant 0 : i32
      %dma_wait3A_378 = tpu.memref_slice %arg9[%add3A_227, %dma_wait3A_377] : memref<10240x128xf32, #tpu.memory_space<vmem_shared>> -> memref<80x128xf32, #tpu.memory_space<vmem_shared>>
      tpu.wait_dma2 semaphore(%run_scoped3A_354 : memref<!tpu.dma_semaphore, #tpu.memory_space<semaphore_mem>>) src(%dma_wait3A_378 : memref<80x128xf32, #tpu.memory_space<vmem_shared>>) dst(%dma_wait3A_376 : memref<80x128xf32, #tpu.memory_space<vmem>>)
      tpu.yield
    }) : () -> ()
    %add3A_229 = arith.constant 400 : i32
    %add3A_230 = arith.addi %mul3A_7, %add3A_229 : i32
    %dma_start3A_231 = arith.constant 1 : i32
    %dma_start3A_232 = arith.constant 0 : i32
    %dma_start3A_233 = arith.constant 0 : i32
    %dma_start3A_234 = tpu.memref_slice %arg8[%dma_start3A_231, %dma_start3A_232, %dma_start3A_233] : memref<2x80x128xf32, #tpu.memory_space<vmem>> -> memref<1x80x128xf32, #tpu.memory_space<vmem>>
    %dma_start3A_235 = tpu.memref_squeeze %dma_start3A_234 : memref<1x80x128xf32, #tpu.memory_space<vmem>> -> memref<80x128xf32, #tpu.memory_space<vmem>>
    %dma_start3A_236 = arith.constant 0 : i32
    %dma_start3A_237 = tpu.memref_slice %arg5[%arg0, %add3A_230, %dma_start3A_236] : memref<2x10240x128xf32, #tpu.memory_space<hbm>> -> memref<1x80x128xf32, #tpu.memory_space<hbm>>
    %dma_start3A_238 = tpu.memref_squeeze %dma_start3A_237 : memref<1x80x128xf32, #tpu.memory_space<hbm>> -> memref<80x128xf32, #tpu.memory_space<hbm>>
    %dma_start3A_239 = arith.constant 0 : i32
    %dma_start3A_240 = tpu.memref_slice %arg5[%arg0, %add3A_230, %dma_start3A_239] : memref<2x10240x128xf32, #tpu.memory_space<hbm>> -> memref<1x80x128xf32, #tpu.memory_space<hbm>>
    %dma_start3A_241 = tpu.memref_squeeze %dma_start3A_240 : memref<1x80x128xf32, #tpu.memory_space<hbm>> -> memref<80x128xf32, #tpu.memory_space<hbm>>
    %dma_start3A_242 = arith.constant 0 : i32
    %dma_start3A_243 = arith.constant 0 : i32
    %dma_start3A_244 = tpu.memref_slice %arg8[%dma_start3A_231, %dma_start3A_242, %dma_start3A_243] : memref<2x80x128xf32, #tpu.memory_space<vmem>> -> memref<1x80x128xf32, #tpu.memory_space<vmem>>
    %dma_start3A_245 = tpu.memref_squeeze %dma_start3A_244 : memref<1x80x128xf32, #tpu.memory_space<vmem>> -> memref<80x128xf32, #tpu.memory_space<vmem>>
    tpu.enqueue_dma source(%dma_start3A_245 : memref<80x128xf32, #tpu.memory_space<vmem>>) target(%dma_start3A_241 : memref<80x128xf32, #tpu.memory_space<hbm>>) target_semaphore(%arg11 : memref<!tpu.dma_semaphore, #tpu.memory_space<semaphore_mem>>)
    %add3A_246 = arith.constant 320 : i32
    %add3A_247 = arith.addi %mul3A_7, %add3A_246 : i32
    %dma_wait3A_248 = arith.constant 0 : i32
    %dma_wait3A_249 = arith.constant 0 : i32
    %dma_wait3A_250 = arith.constant 0 : i32
    %dma_wait3A_251 = tpu.memref_slice %arg8[%dma_wait3A_248, %dma_wait3A_249, %dma_wait3A_250] : memref<2x80x128xf32, #tpu.memory_space<vmem>> -> memref<1x80x128xf32, #tpu.memory_space<vmem>>
    %dma_wait3A_252 = tpu.memref_squeeze %dma_wait3A_251 : memref<1x80x128xf32, #tpu.memory_space<vmem>> -> memref<80x128xf32, #tpu.memory_space<vmem>>
    %dma_wait3A_253 = arith.constant 0 : i32
    %dma_wait3A_254 = tpu.memref_slice %arg5[%arg0, %add3A_247, %dma_wait3A_253] : memref<2x10240x128xf32, #tpu.memory_space<hbm>> -> memref<1x80x128xf32, #tpu.memory_space<hbm>>
    %dma_wait3A_255 = tpu.memref_squeeze %dma_wait3A_254 : memref<1x80x128xf32, #tpu.memory_space<hbm>> -> memref<80x128xf32, #tpu.memory_space<hbm>>
    %dma_wait3A_256 = arith.constant 0 : i32
    %dma_wait3A_257 = tpu.memref_slice %arg5[%arg0, %add3A_247, %dma_wait3A_256] : memref<2x10240x128xf32, #tpu.memory_space<hbm>> -> memref<1x80x128xf32, #tpu.memory_space<hbm>>
    %dma_wait3A_258 = tpu.memref_squeeze %dma_wait3A_257 : memref<1x80x128xf32, #tpu.memory_space<hbm>> -> memref<80x128xf32, #tpu.memory_space<hbm>>
    %dma_wait3A_259 = arith.constant 0 : i32
    %dma_wait3A_260 = arith.constant 0 : i32
    %dma_wait3A_261 = tpu.memref_slice %arg8[%dma_wait3A_248, %dma_wait3A_259, %dma_wait3A_260] : memref<2x80x128xf32, #tpu.memory_space<vmem>> -> memref<1x80x128xf32, #tpu.memory_space<vmem>>
    %dma_wait3A_262 = tpu.memref_squeeze %dma_wait3A_261 : memref<1x80x128xf32, #tpu.memory_space<vmem>> -> memref<80x128xf32, #tpu.memory_space<vmem>>
    tpu.wait_dma2 semaphore(%arg11 : memref<!tpu.dma_semaphore, #tpu.memory_space<semaphore_mem>>) src(%dma_wait3A_262 : memref<80x128xf32, #tpu.memory_space<vmem>>) dst(%dma_wait3A_258 : memref<80x128xf32, #tpu.memory_space<hbm>>)
    %add3A_263 = arith.constant 480 : i32
    %add3A_264 = arith.addi %mul3A_7, %add3A_263 : i32
    %run_scoped3A_265 = arith.constant 0 : i32
    "tpu.region"() ({
      %run_scoped3A_354 = tpu.sem_alloc : memref<!tpu.dma_semaphore, #tpu.memory_space<semaphore_mem>>
      %dma_start3A_355 = arith.constant 0 : i32
      %dma_start3A_356 = arith.constant 0 : i32
      %dma_start3A_357 = tpu.memref_slice %arg8[%run_scoped3A_265, %dma_start3A_355, %dma_start3A_356] : memref<2x80x128xf32, #tpu.memory_space<vmem>> -> memref<1x80x128xf32, #tpu.memory_space<vmem>>
      %dma_start3A_358 = tpu.memref_squeeze %dma_start3A_357 : memref<1x80x128xf32, #tpu.memory_space<vmem>> -> memref<80x128xf32, #tpu.memory_space<vmem>>
      %dma_start3A_359 = arith.constant 0 : i32
      %dma_start3A_360 = tpu.memref_slice %arg9[%add3A_264, %dma_start3A_359] : memref<10240x128xf32, #tpu.memory_space<vmem_shared>> -> memref<80x128xf32, #tpu.memory_space<vmem_shared>>
      %dma_start3A_361 = arith.constant 0 : i32
      %dma_start3A_362 = arith.constant 0 : i32
      %dma_start3A_363 = tpu.memref_slice %arg8[%run_scoped3A_265, %dma_start3A_361, %dma_start3A_362] : memref<2x80x128xf32, #tpu.memory_space<vmem>> -> memref<1x80x128xf32, #tpu.memory_space<vmem>>
      %dma_start3A_364 = tpu.memref_squeeze %dma_start3A_363 : memref<1x80x128xf32, #tpu.memory_space<vmem>> -> memref<80x128xf32, #tpu.memory_space<vmem>>
      %dma_start3A_365 = arith.constant 0 : i32
      %dma_start3A_366 = tpu.memref_slice %arg9[%add3A_264, %dma_start3A_365] : memref<10240x128xf32, #tpu.memory_space<vmem_shared>> -> memref<80x128xf32, #tpu.memory_space<vmem_shared>>
      tpu.enqueue_dma source(%dma_start3A_366 : memref<80x128xf32, #tpu.memory_space<vmem_shared>>) target(%dma_start3A_364 : memref<80x128xf32, #tpu.memory_space<vmem>>) target_semaphore(%run_scoped3A_354 : memref<!tpu.dma_semaphore, #tpu.memory_space<semaphore_mem>>)
      %dma_wait3A_367 = arith.constant 0 : i32
      %dma_wait3A_368 = arith.constant 0 : i32
      %dma_wait3A_369 = tpu.memref_slice %arg8[%run_scoped3A_265, %dma_wait3A_367, %dma_wait3A_368] : memref<2x80x128xf32, #tpu.memory_space<vmem>> -> memref<1x80x128xf32, #tpu.memory_space<vmem>>
      %dma_wait3A_370 = tpu.memref_squeeze %dma_wait3A_369 : memref<1x80x128xf32, #tpu.memory_space<vmem>> -> memref<80x128xf32, #tpu.memory_space<vmem>>
      %dma_wait3A_371 = arith.constant 0 : i32
      %dma_wait3A_372 = tpu.memref_slice %arg9[%add3A_264, %dma_wait3A_371] : memref<10240x128xf32, #tpu.memory_space<vmem_shared>> -> memref<80x128xf32, #tpu.memory_space<vmem_shared>>
      %dma_wait3A_373 = arith.constant 0 : i32
      %dma_wait3A_374 = arith.constant 0 : i32
      %dma_wait3A_375 = tpu.memref_slice %arg8[%run_scoped3A_265, %dma_wait3A_373, %dma_wait3A_374] : memref<2x80x128xf32, #tpu.memory_space<vmem>> -> memref<1x80x128xf32, #tpu.memory_space<vmem>>
      %dma_wait3A_376 = tpu.memref_squeeze %dma_wait3A_375 : memref<1x80x128xf32, #tpu.memory_space<vmem>> -> memref<80x128xf32, #tpu.memory_space<vmem>>
      %dma_wait3A_377 = arith.constant 0 : i32
      %dma_wait3A_378 = tpu.memref_slice %arg9[%add3A_264, %dma_wait3A_377] : memref<10240x128xf32, #tpu.memory_space<vmem_shared>> -> memref<80x128xf32, #tpu.memory_space<vmem_shared>>
      tpu.wait_dma2 semaphore(%run_scoped3A_354 : memref<!tpu.dma_semaphore, #tpu.memory_space<semaphore_mem>>) src(%dma_wait3A_378 : memref<80x128xf32, #tpu.memory_space<vmem_shared>>) dst(%dma_wait3A_376 : memref<80x128xf32, #tpu.memory_space<vmem>>)
      tpu.yield
    }) : () -> ()
    %add3A_266 = arith.constant 480 : i32
    %add3A_267 = arith.addi %mul3A_7, %add3A_266 : i32
    %dma_start3A_268 = arith.constant 0 : i32
    %dma_start3A_269 = arith.constant 0 : i32
    %dma_start3A_270 = arith.constant 0 : i32
    %dma_start3A_271 = tpu.memref_slice %arg8[%dma_start3A_268, %dma_start3A_269, %dma_start3A_270] : memref<2x80x128xf32, #tpu.memory_space<vmem>> -> memref<1x80x128xf32, #tpu.memory_space<vmem>>
    %dma_start3A_272 = tpu.memref_squeeze %dma_start3A_271 : memref<1x80x128xf32, #tpu.memory_space<vmem>> -> memref<80x128xf32, #tpu.memory_space<vmem>>
    %dma_start3A_273 = arith.constant 0 : i32
    %dma_start3A_274 = tpu.memref_slice %arg5[%arg0, %add3A_267, %dma_start3A_273] : memref<2x10240x128xf32, #tpu.memory_space<hbm>> -> memref<1x80x128xf32, #tpu.memory_space<hbm>>
    %dma_start3A_275 = tpu.memref_squeeze %dma_start3A_274 : memref<1x80x128xf32, #tpu.memory_space<hbm>> -> memref<80x128xf32, #tpu.memory_space<hbm>>
    %dma_start3A_276 = arith.constant 0 : i32
    %dma_start3A_277 = tpu.memref_slice %arg5[%arg0, %add3A_267, %dma_start3A_276] : memref<2x10240x128xf32, #tpu.memory_space<hbm>> -> memref<1x80x128xf32, #tpu.memory_space<hbm>>
    %dma_start3A_278 = tpu.memref_squeeze %dma_start3A_277 : memref<1x80x128xf32, #tpu.memory_space<hbm>> -> memref<80x128xf32, #tpu.memory_space<hbm>>
    %dma_start3A_279 = arith.constant 0 : i32
    %dma_start3A_280 = arith.constant 0 : i32
    %dma_start3A_281 = tpu.memref_slice %arg8[%dma_start3A_268, %dma_start3A_279, %dma_start3A_280] : memref<2x80x128xf32, #tpu.memory_space<vmem>> -> memref<1x80x128xf32, #tpu.memory_space<vmem>>
    %dma_start3A_282 = tpu.memref_squeeze %dma_start3A_281 : memref<1x80x128xf32, #tpu.memory_space<vmem>> -> memref<80x128xf32, #tpu.memory_space<vmem>>
    tpu.enqueue_dma source(%dma_start3A_282 : memref<80x128xf32, #tpu.memory_space<vmem>>) target(%dma_start3A_278 : memref<80x128xf32, #tpu.memory_space<hbm>>) target_semaphore(%arg11 : memref<!tpu.dma_semaphore, #tpu.memory_space<semaphore_mem>>)
    %add3A_283 = arith.constant 400 : i32
    %add3A_284 = arith.addi %mul3A_7, %add3A_283 : i32
    %dma_wait3A_285 = arith.constant 1 : i32
    %dma_wait3A_286 = arith.constant 0 : i32
    %dma_wait3A_287 = arith.constant 0 : i32
    %dma_wait3A_288 = tpu.memref_slice %arg8[%dma_wait3A_285, %dma_wait3A_286, %dma_wait3A_287] : memref<2x80x128xf32, #tpu.memory_space<vmem>> -> memref<1x80x128xf32, #tpu.memory_space<vmem>>
    %dma_wait3A_289 = tpu.memref_squeeze %dma_wait3A_288 : memref<1x80x128xf32, #tpu.memory_space<vmem>> -> memref<80x128xf32, #tpu.memory_space<vmem>>
    %dma_wait3A_290 = arith.constant 0 : i32
    %dma_wait3A_291 = tpu.memref_slice %arg5[%arg0, %add3A_284, %dma_wait3A_290] : memref<2x10240x128xf32, #tpu.memory_space<hbm>> -> memref<1x80x128xf32, #tpu.memory_space<hbm>>
    %dma_wait3A_292 = tpu.memref_squeeze %dma_wait3A_291 : memref<1x80x128xf32, #tpu.memory_space<hbm>> -> memref<80x128xf32, #tpu.memory_space<hbm>>
    %dma_wait3A_293 = arith.constant 0 : i32
    %dma_wait3A_294 = tpu.memref_slice %arg5[%arg0, %add3A_284, %dma_wait3A_293] : memref<2x10240x128xf32, #tpu.memory_space<hbm>> -> memref<1x80x128xf32, #tpu.memory_space<hbm>>
    %dma_wait3A_295 = tpu.memref_squeeze %dma_wait3A_294 : memref<1x80x128xf32, #tpu.memory_space<hbm>> -> memref<80x128xf32, #tpu.memory_space<hbm>>
    %dma_wait3A_296 = arith.constant 0 : i32
    %dma_wait3A_297 = arith.constant 0 : i32
    %dma_wait3A_298 = tpu.memref_slice %arg8[%dma_wait3A_285, %dma_wait3A_296, %dma_wait3A_297] : memref<2x80x128xf32, #tpu.memory_space<vmem>> -> memref<1x80x128xf32, #tpu.memory_space<vmem>>
    %dma_wait3A_299 = tpu.memref_squeeze %dma_wait3A_298 : memref<1x80x128xf32, #tpu.memory_space<vmem>> -> memref<80x128xf32, #tpu.memory_space<vmem>>
    tpu.wait_dma2 semaphore(%arg11 : memref<!tpu.dma_semaphore, #tpu.memory_space<semaphore_mem>>) src(%dma_wait3A_299 : memref<80x128xf32, #tpu.memory_space<vmem>>) dst(%dma_wait3A_295 : memref<80x128xf32, #tpu.memory_space<hbm>>)
    %add3A_300 = arith.constant 560 : i32
    %add3A_301 = arith.addi %mul3A_7, %add3A_300 : i32
    %run_scoped3A_302 = arith.constant 1 : i32
    "tpu.region"() ({
      %run_scoped3A_354 = tpu.sem_alloc : memref<!tpu.dma_semaphore, #tpu.memory_space<semaphore_mem>>
      %dma_start3A_355 = arith.constant 0 : i32
      %dma_start3A_356 = arith.constant 0 : i32
      %dma_start3A_357 = tpu.memref_slice %arg8[%run_scoped3A_302, %dma_start3A_355, %dma_start3A_356] : memref<2x80x128xf32, #tpu.memory_space<vmem>> -> memref<1x80x128xf32, #tpu.memory_space<vmem>>
      %dma_start3A_358 = tpu.memref_squeeze %dma_start3A_357 : memref<1x80x128xf32, #tpu.memory_space<vmem>> -> memref<80x128xf32, #tpu.memory_space<vmem>>
      %dma_start3A_359 = arith.constant 0 : i32
      %dma_start3A_360 = tpu.memref_slice %arg9[%add3A_301, %dma_start3A_359] : memref<10240x128xf32, #tpu.memory_space<vmem_shared>> -> memref<80x128xf32, #tpu.memory_space<vmem_shared>>
      %dma_start3A_361 = arith.constant 0 : i32
      %dma_start3A_362 = arith.constant 0 : i32
      %dma_start3A_363 = tpu.memref_slice %arg8[%run_scoped3A_302, %dma_start3A_361, %dma_start3A_362] : memref<2x80x128xf32, #tpu.memory_space<vmem>> -> memref<1x80x128xf32, #tpu.memory_space<vmem>>
      %dma_start3A_364 = tpu.memref_squeeze %dma_start3A_363 : memref<1x80x128xf32, #tpu.memory_space<vmem>> -> memref<80x128xf32, #tpu.memory_space<vmem>>
      %dma_start3A_365 = arith.constant 0 : i32
      %dma_start3A_366 = tpu.memref_slice %arg9[%add3A_301, %dma_start3A_365] : memref<10240x128xf32, #tpu.memory_space<vmem_shared>> -> memref<80x128xf32, #tpu.memory_space<vmem_shared>>
      tpu.enqueue_dma source(%dma_start3A_366 : memref<80x128xf32, #tpu.memory_space<vmem_shared>>) target(%dma_start3A_364 : memref<80x128xf32, #tpu.memory_space<vmem>>) target_semaphore(%run_scoped3A_354 : memref<!tpu.dma_semaphore, #tpu.memory_space<semaphore_mem>>)
      %dma_wait3A_367 = arith.constant 0 : i32
      %dma_wait3A_368 = arith.constant 0 : i32
      %dma_wait3A_369 = tpu.memref_slice %arg8[%run_scoped3A_302, %dma_wait3A_367, %dma_wait3A_368] : memref<2x80x128xf32, #tpu.memory_space<vmem>> -> memref<1x80x128xf32, #tpu.memory_space<vmem>>
      %dma_wait3A_370 = tpu.memref_squeeze %dma_wait3A_369 : memref<1x80x128xf32, #tpu.memory_space<vmem>> -> memref<80x128xf32, #tpu.memory_space<vmem>>
      %dma_wait3A_371 = arith.constant 0 : i32
      %dma_wait3A_372 = tpu.memref_slice %arg9[%add3A_301, %dma_wait3A_371] : memref<10240x128xf32, #tpu.memory_space<vmem_shared>> -> memref<80x128xf32, #tpu.memory_space<vmem_shared>>
      %dma_wait3A_373 = arith.constant 0 : i32
      %dma_wait3A_374 = arith.constant 0 : i32
      %dma_wait3A_375 = tpu.memref_slice %arg8[%run_scoped3A_302, %dma_wait3A_373, %dma_wait3A_374] : memref<2x80x128xf32, #tpu.memory_space<vmem>> -> memref<1x80x128xf32, #tpu.memory_space<vmem>>
      %dma_wait3A_376 = tpu.memref_squeeze %dma_wait3A_375 : memref<1x80x128xf32, #tpu.memory_space<vmem>> -> memref<80x128xf32, #tpu.memory_space<vmem>>
      %dma_wait3A_377 = arith.constant 0 : i32
      %dma_wait3A_378 = tpu.memref_slice %arg9[%add3A_301, %dma_wait3A_377] : memref<10240x128xf32, #tpu.memory_space<vmem_shared>> -> memref<80x128xf32, #tpu.memory_space<vmem_shared>>
      tpu.wait_dma2 semaphore(%run_scoped3A_354 : memref<!tpu.dma_semaphore, #tpu.memory_space<semaphore_mem>>) src(%dma_wait3A_378 : memref<80x128xf32, #tpu.memory_space<vmem_shared>>) dst(%dma_wait3A_376 : memref<80x128xf32, #tpu.memory_space<vmem>>)
      tpu.yield
    }) : () -> ()
    %add3A_303 = arith.constant 560 : i32
    %add3A_304 = arith.addi %mul3A_7, %add3A_303 : i32
    %dma_start3A_305 = arith.constant 1 : i32
    %dma_start3A_306 = arith.constant 0 : i32
    %dma_start3A_307 = arith.constant 0 : i32
    %dma_start3A_308 = tpu.memref_slice %arg8[%dma_start3A_305, %dma_start3A_306, %dma_start3A_307] : memref<2x80x128xf32, #tpu.memory_space<vmem>> -> memref<1x80x128xf32, #tpu.memory_space<vmem>>
    %dma_start3A_309 = tpu.memref_squeeze %dma_start3A_308 : memref<1x80x128xf32, #tpu.memory_space<vmem>> -> memref<80x128xf32, #tpu.memory_space<vmem>>
    %dma_start3A_310 = arith.constant 0 : i32
    %dma_start3A_311 = tpu.memref_slice %arg5[%arg0, %add3A_304, %dma_start3A_310] : memref<2x10240x128xf32, #tpu.memory_space<hbm>> -> memref<1x80x128xf32, #tpu.memory_space<hbm>>
    %dma_start3A_312 = tpu.memref_squeeze %dma_start3A_311 : memref<1x80x128xf32, #tpu.memory_space<hbm>> -> memref<80x128xf32, #tpu.memory_space<hbm>>
    %dma_start3A_313 = arith.constant 0 : i32
    %dma_start3A_314 = tpu.memref_slice %arg5[%arg0, %add3A_304, %dma_start3A_313] : memref<2x10240x128xf32, #tpu.memory_space<hbm>> -> memref<1x80x128xf32, #tpu.memory_space<hbm>>
    %dma_start3A_315 = tpu.memref_squeeze %dma_start3A_314 : memref<1x80x128xf32, #tpu.memory_space<hbm>> -> memref<80x128xf32, #tpu.memory_space<hbm>>
    %dma_start3A_316 = arith.constant 0 : i32
    %dma_start3A_317 = arith.constant 0 : i32
    %dma_start3A_318 = tpu.memref_slice %arg8[%dma_start3A_305, %dma_start3A_316, %dma_start3A_317] : memref<2x80x128xf32, #tpu.memory_space<vmem>> -> memref<1x80x128xf32, #tpu.memory_space<vmem>>
    %dma_start3A_319 = tpu.memref_squeeze %dma_start3A_318 : memref<1x80x128xf32, #tpu.memory_space<vmem>> -> memref<80x128xf32, #tpu.memory_space<vmem>>
    tpu.enqueue_dma source(%dma_start3A_319 : memref<80x128xf32, #tpu.memory_space<vmem>>) target(%dma_start3A_315 : memref<80x128xf32, #tpu.memory_space<hbm>>) target_semaphore(%arg11 : memref<!tpu.dma_semaphore, #tpu.memory_space<semaphore_mem>>)
    %add3A_320 = arith.constant 480 : i32
    %add3A_321 = arith.addi %mul3A_7, %add3A_320 : i32
    %dma_wait3A_322 = arith.constant 0 : i32
    %dma_wait3A_323 = arith.constant 0 : i32
    %dma_wait3A_324 = arith.constant 0 : i32
    %dma_wait3A_325 = tpu.memref_slice %arg8[%dma_wait3A_322, %dma_wait3A_323, %dma_wait3A_324] : memref<2x80x128xf32, #tpu.memory_space<vmem>> -> memref<1x80x128xf32, #tpu.memory_space<vmem>>
    %dma_wait3A_326 = tpu.memref_squeeze %dma_wait3A_325 : memref<1x80x128xf32, #tpu.memory_space<vmem>> -> memref<80x128xf32, #tpu.memory_space<vmem>>
    %dma_wait3A_327 = arith.constant 0 : i32
    %dma_wait3A_328 = tpu.memref_slice %arg5[%arg0, %add3A_321, %dma_wait3A_327] : memref<2x10240x128xf32, #tpu.memory_space<hbm>> -> memref<1x80x128xf32, #tpu.memory_space<hbm>>
    %dma_wait3A_329 = tpu.memref_squeeze %dma_wait3A_328 : memref<1x80x128xf32, #tpu.memory_space<hbm>> -> memref<80x128xf32, #tpu.memory_space<hbm>>
    %dma_wait3A_330 = arith.constant 0 : i32
    %dma_wait3A_331 = tpu.memref_slice %arg5[%arg0, %add3A_321, %dma_wait3A_330] : memref<2x10240x128xf32, #tpu.memory_space<hbm>> -> memref<1x80x128xf32, #tpu.memory_space<hbm>>
    %dma_wait3A_332 = tpu.memref_squeeze %dma_wait3A_331 : memref<1x80x128xf32, #tpu.memory_space<hbm>> -> memref<80x128xf32, #tpu.memory_space<hbm>>
    %dma_wait3A_333 = arith.constant 0 : i32
    %dma_wait3A_334 = arith.constant 0 : i32
    %dma_wait3A_335 = tpu.memref_slice %arg8[%dma_wait3A_322, %dma_wait3A_333, %dma_wait3A_334] : memref<2x80x128xf32, #tpu.memory_space<vmem>> -> memref<1x80x128xf32, #tpu.memory_space<vmem>>
    %dma_wait3A_336 = tpu.memref_squeeze %dma_wait3A_335 : memref<1x80x128xf32, #tpu.memory_space<vmem>> -> memref<80x128xf32, #tpu.memory_space<vmem>>
    tpu.wait_dma2 semaphore(%arg11 : memref<!tpu.dma_semaphore, #tpu.memory_space<semaphore_mem>>) src(%dma_wait3A_336 : memref<80x128xf32, #tpu.memory_space<vmem>>) dst(%dma_wait3A_332 : memref<80x128xf32, #tpu.memory_space<hbm>>)
    %add3A_337 = arith.constant 560 : i32
    %add3A_338 = arith.addi %mul3A_7, %add3A_337 : i32
    %dma_wait3A_339 = arith.constant 1 : i32
    %dma_wait3A_340 = arith.constant 0 : i32
    %dma_wait3A_341 = arith.constant 0 : i32
    %dma_wait3A_342 = tpu.memref_slice %arg8[%dma_wait3A_339, %dma_wait3A_340, %dma_wait3A_341] : memref<2x80x128xf32, #tpu.memory_space<vmem>> -> memref<1x80x128xf32, #tpu.memory_space<vmem>>
    %dma_wait3A_343 = tpu.memref_squeeze %dma_wait3A_342 : memref<1x80x128xf32, #tpu.memory_space<vmem>> -> memref<80x128xf32, #tpu.memory_space<vmem>>
    %dma_wait3A_344 = arith.constant 0 : i32
    %dma_wait3A_345 = tpu.memref_slice %arg5[%arg0, %add3A_338, %dma_wait3A_344] : memref<2x10240x128xf32, #tpu.memory_space<hbm>> -> memref<1x80x128xf32, #tpu.memory_space<hbm>>
    %dma_wait3A_346 = tpu.memref_squeeze %dma_wait3A_345 : memref<1x80x128xf32, #tpu.memory_space<hbm>> -> memref<80x128xf32, #tpu.memory_space<hbm>>
    %dma_wait3A_347 = arith.constant 0 : i32
    %dma_wait3A_348 = tpu.memref_slice %arg5[%arg0, %add3A_338, %dma_wait3A_347] : memref<2x10240x128xf32, #tpu.memory_space<hbm>> -> memref<1x80x128xf32, #tpu.memory_space<hbm>>
    %dma_wait3A_349 = tpu.memref_squeeze %dma_wait3A_348 : memref<1x80x128xf32, #tpu.memory_space<hbm>> -> memref<80x128xf32, #tpu.memory_space<hbm>>
    %dma_wait3A_350 = arith.constant 0 : i32
    %dma_wait3A_351 = arith.constant 0 : i32
    %dma_wait3A_352 = tpu.memref_slice %arg8[%dma_wait3A_339, %dma_wait3A_350, %dma_wait3A_351] : memref<2x80x128xf32, #tpu.memory_space<vmem>> -> memref<1x80x128xf32, #tpu.memory_space<vmem>>
    %dma_wait3A_353 = tpu.memref_squeeze %dma_wait3A_352 : memref<1x80x128xf32, #tpu.memory_space<vmem>> -> memref<80x128xf32, #tpu.memory_space<vmem>>
    tpu.wait_dma2 semaphore(%arg11 : memref<!tpu.dma_semaphore, #tpu.memory_space<semaphore_mem>>) src(%dma_wait3A_353 : memref<80x128xf32, #tpu.memory_space<vmem>>) dst(%dma_wait3A_349 : memref<80x128xf32, #tpu.memory_space<hbm>>)
    return
  }
}

module attributes {stable_mosaic.version = 14 : i64} {
  func.func @_stage1_body(%arg0: i32, %arg1: memref<1000x128xf32, #tpu.memory_space<vmem>>, %arg2: memref<128x128xf32, #tpu.memory_space<vmem>>, %arg3: memref<2x1000x16xf32, #tpu.memory_space<vmem>>, %arg4: memref<1000x128xf32, #tpu.memory_space<vmem>>) attributes {dimension_semantics = [#tpu.dimension_semantics<arbitrary>], iteration_bounds = array<i64: 10>, scalar_prefetch = 0 : i64, scratch_operands = 0 : i64, tpu.core_type = #tpu.core_type<tc>, window_params = [{transform_indices = @transform_0, window_bounds = array<i64: 1000, 128>}, {pipeline_mode = #tpu.pipeline_mode<synchronous>, transform_indices = @transform_1, window_bounds = array<i64: 128, 128>}, {transform_indices = @transform_2, window_bounds = array<i64: 2, 1000, 16>}, {transform_indices = @transform_3, window_bounds = array<i64: 1000, 128>}]} {
    %get3A = arith.constant 0 : index
    %get3A_0 = arith.constant 0 : index
    %get3A_1 = vector.load %arg1[%get3A, %get3A_0] : memref<1000x128xf32, #tpu.memory_space<vmem>>, vector<1000x128xf32>
    %get3A_2 = arith.constant 0 : index
    %get3A_3 = arith.constant 0 : index
    %get3A_4 = arith.constant 0 : index
    %get3A_5 = vector.load %arg3[%get3A_2, %get3A_3, %get3A_4] : memref<2x1000x16xf32, #tpu.memory_space<vmem>>, vector<1x1000x1xf32>
    %get3A_6 = vector.shape_cast %get3A_5 : vector<1x1000x1xf32> to vector<1000x1xf32>
    %get3A_7 = arith.constant 1 : index
    %get3A_8 = arith.constant 0 : index
    %get3A_9 = arith.constant 0 : index
    %get3A_10 = vector.load %arg3[%get3A_7, %get3A_8, %get3A_9] : memref<2x1000x16xf32, #tpu.memory_space<vmem>>, vector<1x1000x1xf32>
    %get3A_11 = vector.shape_cast %get3A_10 : vector<1x1000x1xf32> to vector<1000x1xf32>
    %add3A = arith.addf %get3A_6, %get3A_11 : vector<1000x1xf32>
    %add3A_12 = arith.constant 1.000000e+00 : f32
    %add3A_13 = vector.broadcast %add3A_12 : f32 to vector<1000x1xf32>
    %add3A_14 = arith.addf %add3A, %add3A_13 : vector<1000x1xf32>
    %rsqrt3A = math.rsqrt %add3A_14 : vector<1000x1xf32>
    %mul3A = arith.mulf %get3A_1, %get3A_1 : vector<1000x128xf32>
    %reduce_sum3A = arith.constant dense<0.000000e+00> : vector<1000xf32>
    %reduce_sum3A_15 = vector.multi_reduction <add>, %mul3A, %reduce_sum3A [1] : vector<1000x128xf32> to vector<1000xf32>
    %broadcast_in_dim3A = vector.shape_cast %reduce_sum3A_15 : vector<1000xf32> to vector<1000x1xf32>
    %sqrt3A = math.sqrt %broadcast_in_dim3A : vector<1000x1xf32>
    %add3A_16 = arith.constant 9.99999993E-9 : f32
    %add3A_17 = vector.broadcast %add3A_16 : f32 to vector<1000x1xf32>
    %add3A_18 = arith.addf %sqrt3A, %add3A_17 : vector<1000x1xf32>
    %rsqrt3A_19 = math.rsqrt %add3A_18 : vector<1000x1xf32>
    %mul3A_20 = vector.broadcast %rsqrt3A_19 : vector<1000x1xf32> to vector<1000x128xf32>
    %mul3A_21 = arith.mulf %get3A_1, %mul3A_20 : vector<1000x128xf32>
    %get3A_22 = arith.constant 0 : index
    %get3A_23 = arith.constant 0 : index
    %get3A_24 = vector.load %arg2[%get3A_22, %get3A_23] : memref<128x128xf32, #tpu.memory_space<vmem>>, vector<128x128xf32>
    %dot_general3A = arith.constant dense<0.000000e+00> : vector<1000x128xf32>
    %dot_general3A_25 = tpu.matmul %mul3A_21, %get3A_24, %dot_general3A {dimension_numbers = #tpu.dot_dimension_numbers<[1], [0], [0], [1], [0, 0, 1, 1], [], []>, precision = #tpu.contract_precision<fp32>, transpose_lhs_hint = false} : vector<1000x128xf32>, vector<128x128xf32>, vector<1000x128xf32> -> vector<1000x128xf32>
    %mul3A_26 = vector.broadcast %rsqrt3A : vector<1000x1xf32> to vector<1000x128xf32>
    %mul3A_27 = arith.mulf %dot_general3A_25, %mul3A_26 : vector<1000x128xf32>
    %swap3A = arith.constant 0 : index
    %swap3A_28 = arith.constant 0 : index
    %swap3A_29 = vector.load %arg4[%swap3A, %swap3A_28] : memref<1000x128xf32, #tpu.memory_space<vmem>>, vector<1000x128xf32>
    tpu.vector_store %arg4[%swap3A, %swap3A_28], %mul3A_27 {strides = array<i32>} : memref<1000x128xf32, #tpu.memory_space<vmem>>, vector<1000x128xf32>,
    return
  }
  func.func @transform_0(%arg0: i32) -> (i32, i32) {
    %c0_i32 = arith.constant 0 : i32
    %c0_i32_0 = arith.constant 0 : i32
    return %arg0, %c0_i32 : i32, i32
  }
  func.func @transform_1(%arg0: i32) -> (i32, i32) {
    %c0_i32 = arith.constant 0 : i32
    %c0_i32_0 = arith.constant 0 : i32
    %c0_i32_1 = arith.constant 0 : i32
    return %c0_i32, %c0_i32_0 : i32, i32
  }
  func.func @transform_2(%arg0: i32) -> (i32, i32, i32) {
    %c0_i32 = arith.constant 0 : i32
    %c0_i32_0 = arith.constant 0 : i32
    %c0_i32_1 = arith.constant 0 : i32
    return %c0_i32, %arg0, %c0_i32_0 : i32, i32, i32
  }
  func.func @transform_3(%arg0: i32) -> (i32, i32) {
    %c0_i32 = arith.constant 0 : i32
    %c0_i32_0 = arith.constant 0 : i32
    return %arg0, %c0_i32 : i32, i32
  }
}

module attributes {stable_mosaic.version = 14 : i64} {
  func.func @_stage2_body(%arg0: i32, %arg1: memref<2x1000x128xf32, #tpu.memory_space<vmem>>, %arg2: memref<1000x128xf32, #tpu.memory_space<vmem>>, %arg3: memref<2x1000x16xf32, #tpu.memory_space<vmem>>, %arg4: memref<128x128xf32, #tpu.memory_space<vmem>>, %arg5: memref<1000x128xf32, #tpu.memory_space<vmem>>) attributes {dimension_semantics = [#tpu.dimension_semantics<arbitrary>], iteration_bounds = array<i64: 10>, scalar_prefetch = 0 : i64, scratch_operands = 0 : i64, tpu.core_type = #tpu.core_type<tc>, window_params = [{transform_indices = @transform_0, window_bounds = array<i64: 2, 1000, 128>}, {transform_indices = @transform_1, window_bounds = array<i64: 1000, 128>}, {transform_indices = @transform_2, window_bounds = array<i64: 2, 1000, 16>}, {pipeline_mode = #tpu.pipeline_mode<synchronous>, transform_indices = @transform_3, window_bounds = array<i64: 128, 128>}, {transform_indices = @transform_4, window_bounds = array<i64: 1000, 128>}]} {
    %get3A = arith.constant 0 : index
    %get3A_0 = arith.constant 0 : index
    %get3A_1 = arith.constant 0 : index
    %get3A_2 = vector.load %arg3[%get3A, %get3A_0, %get3A_1] : memref<2x1000x16xf32, #tpu.memory_space<vmem>>, vector<1x1000x1xf32>
    %get3A_3 = vector.shape_cast %get3A_2 : vector<1x1000x1xf32> to vector<1000x1xf32>
    %get3A_4 = arith.constant 1 : index
    %get3A_5 = arith.constant 0 : index
    %get3A_6 = arith.constant 0 : index
    %get3A_7 = vector.load %arg3[%get3A_4, %get3A_5, %get3A_6] : memref<2x1000x16xf32, #tpu.memory_space<vmem>>, vector<1x1000x1xf32>
    %get3A_8 = vector.shape_cast %get3A_7 : vector<1x1000x1xf32> to vector<1000x1xf32>
    %add3A = arith.addf %get3A_3, %get3A_8 : vector<1000x1xf32>
    %add3A_9 = arith.constant 1.000000e+00 : f32
    %add3A_10 = vector.broadcast %add3A_9 : f32 to vector<1000x1xf32>
    %add3A_11 = arith.addf %add3A, %add3A_10 : vector<1000x1xf32>
    %rsqrt3A = math.rsqrt %add3A_11 : vector<1000x1xf32>
    %get3A_12 = arith.constant 0 : index
    %get3A_13 = arith.constant 0 : index
    %get3A_14 = arith.constant 0 : index
    %get3A_15 = vector.load %arg1[%get3A_12, %get3A_13, %get3A_14] : memref<2x1000x128xf32, #tpu.memory_space<vmem>>, vector<1x1000x128xf32>
    %get3A_16 = vector.shape_cast %get3A_15 : vector<1x1000x128xf32> to vector<1000x128xf32>
    %get3A_17 = arith.constant 1 : index
    %get3A_18 = arith.constant 0 : index
    %get3A_19 = arith.constant 0 : index
    %get3A_20 = vector.load %arg1[%get3A_17, %get3A_18, %get3A_19] : memref<2x1000x128xf32, #tpu.memory_space<vmem>>, vector<1x1000x128xf32>
    %get3A_21 = vector.shape_cast %get3A_20 : vector<1x1000x128xf32> to vector<1000x128xf32>
    %add3A_22 = arith.addf %get3A_16, %get3A_21 : vector<1000x128xf32>
    %get3A_23 = arith.constant 0 : index
    %get3A_24 = arith.constant 0 : index
    %get3A_25 = vector.load %arg2[%get3A_23, %get3A_24] : memref<1000x128xf32, #tpu.memory_space<vmem>>, vector<1000x128xf32>
    %add3A_26 = arith.addf %add3A_22, %get3A_25 : vector<1000x128xf32>
    %mul3A = vector.broadcast %rsqrt3A : vector<1000x1xf32> to vector<1000x128xf32>
    %mul3A_27 = arith.mulf %add3A_26, %mul3A : vector<1000x128xf32>
    %max3A = arith.constant 0.000000e+00 : f32
    %max3A_28 = vector.broadcast %max3A : f32 to vector<1000x128xf32>
    %max3A_29 = arith.maximumf %mul3A_27, %max3A_28 : vector<1000x128xf32>
    %mul3A_30 = arith.mulf %max3A_29, %max3A_29 : vector<1000x128xf32>
    %reduce_sum3A = arith.constant dense<0.000000e+00> : vector<1000xf32>
    %reduce_sum3A_31 = vector.multi_reduction <add>, %mul3A_30, %reduce_sum3A [1] : vector<1000x128xf32> to vector<1000xf32>
    %broadcast_in_dim3A = vector.shape_cast %reduce_sum3A_31 : vector<1000xf32> to vector<1000x1xf32>
    %sqrt3A = math.sqrt %broadcast_in_dim3A : vector<1000x1xf32>
    %add3A_32 = arith.constant 9.99999993E-9 : f32
    %add3A_33 = vector.broadcast %add3A_32 : f32 to vector<1000x1xf32>
    %add3A_34 = arith.addf %sqrt3A, %add3A_33 : vector<1000x1xf32>
    %rsqrt3A_35 = math.rsqrt %add3A_34 : vector<1000x1xf32>
    %mul3A_36 = vector.broadcast %rsqrt3A_35 : vector<1000x1xf32> to vector<1000x128xf32>
    %mul3A_37 = arith.mulf %max3A_29, %mul3A_36 : vector<1000x128xf32>
    %get3A_38 = arith.constant 0 : index
    %get3A_39 = arith.constant 0 : index
    %get3A_40 = vector.load %arg4[%get3A_38, %get3A_39] : memref<128x128xf32, #tpu.memory_space<vmem>>, vector<128x128xf32>
    %dot_general3A = arith.constant dense<0.000000e+00> : vector<1000x128xf32>
    %dot_general3A_41 = tpu.matmul %mul3A_37, %get3A_40, %dot_general3A {dimension_numbers = #tpu.dot_dimension_numbers<[1], [0], [0], [1], [0, 0, 1, 1], [], []>, precision = #tpu.contract_precision<fp32>, transpose_lhs_hint = false} : vector<1000x128xf32>, vector<128x128xf32>, vector<1000x128xf32> -> vector<1000x128xf32>
    %mul3A_42 = vector.broadcast %rsqrt3A : vector<1000x1xf32> to vector<1000x128xf32>
    %mul3A_43 = arith.mulf %dot_general3A_41, %mul3A_42 : vector<1000x128xf32>
    %swap3A = arith.constant 0 : index
    %swap3A_44 = arith.constant 0 : index
    %swap3A_45 = vector.load %arg5[%swap3A, %swap3A_44] : memref<1000x128xf32, #tpu.memory_space<vmem>>, vector<1000x128xf32>
    tpu.vector_store %arg5[%swap3A, %swap3A_44], %mul3A_43 {strides = array<i32>} : memref<1000x128xf32, #tpu.memory_space<vmem>>, vector<1000x128xf32>,
    return
  }
  func.func @transform_0(%arg0: i32) -> (i32, i32, i32) {
    %c0_i32 = arith.constant 0 : i32
    %c0_i32_0 = arith.constant 0 : i32
    %c0_i32_1 = arith.constant 0 : i32
    return %c0_i32, %arg0, %c0_i32_0 : i32, i32, i32
  }
  func.func @transform_1(%arg0: i32) -> (i32, i32) {
    %c0_i32 = arith.constant 0 : i32
    %c0_i32_0 = arith.constant 0 : i32
    return %arg0, %c0_i32 : i32, i32
  }
  func.func @transform_2(%arg0: i32) -> (i32, i32, i32) {
    %c0_i32 = arith.constant 0 : i32
    %c0_i32_0 = arith.constant 0 : i32
    %c0_i32_1 = arith.constant 0 : i32
    return %c0_i32, %arg0, %c0_i32_0 : i32, i32, i32
  }
  func.func @transform_3(%arg0: i32) -> (i32, i32) {
    %c0_i32 = arith.constant 0 : i32
    %c0_i32_0 = arith.constant 0 : i32
    %c0_i32_1 = arith.constant 0 : i32
    return %c0_i32, %c0_i32_0 : i32, i32
  }
  func.func @transform_4(%arg0: i32) -> (i32, i32) {
    %c0_i32 = arith.constant 0 : i32
    %c0_i32_0 = arith.constant 0 : i32
    return %arg0, %c0_i32 : i32, i32
  }
}

module attributes {stable_mosaic.version = 14 : i64} {
  func.func @_stage3_body(%arg0: i32, %arg1: memref<2x1000x128xf32, #tpu.memory_space<vmem>>, %arg2: memref<1000x128xf32, #tpu.memory_space<vmem>>, %arg3: memref<2x1000x16xf32, #tpu.memory_space<vmem>>, %arg4: memref<1x1x1000xi32, #tpu.memory_space<vmem>>, %arg5: memref<128x10xf32, #tpu.memory_space<vmem>>, %arg6: memref<128x10xf32, #tpu.memory_space<vmem>>, %arg7: memref<128x128xf32, #tpu.memory_space<vmem>>, %arg8: memref<128x128xf32, #tpu.memory_space<vmem>>) attributes {dimension_semantics = [#tpu.dimension_semantics<arbitrary>], iteration_bounds = array<i64: 10>, scalar_prefetch = 0 : i64, scratch_operands = 2 : i64, tpu.core_type = #tpu.core_type<tc>, window_params = [{transform_indices = @transform_0, window_bounds = array<i64: 2, 1000, 128>}, {transform_indices = @transform_1, window_bounds = array<i64: 1000, 128>}, {transform_indices = @transform_2, window_bounds = array<i64: 2, 1000, 16>}, {transform_indices = @transform_3, window_bounds = array<i64: 1, 1, 1000>}, {pipeline_mode = #tpu.pipeline_mode<synchronous>, transform_indices = @transform_4, window_bounds = array<i64: 128, 10>}, {pipeline_mode = #tpu.pipeline_mode<synchronous>, transform_indices = @transform_5, window_bounds = array<i64: 128, 10>}]} {
    %eq3A = arith.constant 0 : i32
    %eq3A_0 = arith.cmpi eq, %arg0, %eq3A : i32
    %convert_element_type3A = arith.extui %eq3A_0 : i1 to i32
    %cond3A = arith.constant 0 : i32
    %cond3A_1 = arith.cmpi ne, %convert_element_type3A, %cond3A : i32
    scf.if %cond3A_1 {
      %broadcast_in_dim3A_61 = arith.constant 0.000000e+00 : f32
      %broadcast_in_dim3A_62 = vector.broadcast %broadcast_in_dim3A_61 : f32 to vector<128x128xf32>
      %swap3A_63 = arith.constant 0 : index
      %swap3A_64 = arith.constant 0 : index
      %swap3A_65 = vector.load %arg7[%swap3A_63, %swap3A_64] : memref<128x128xf32, #tpu.memory_space<vmem>>, vector<128x128xf32>
      tpu.vector_store %arg7[%swap3A_63, %swap3A_64], %broadcast_in_dim3A_62 {strides = array<i32>} : memref<128x128xf32, #tpu.memory_space<vmem>>, vector<128x128xf32>,
      %broadcast_in_dim3A_66 = arith.constant 0.000000e+00 : f32
      %broadcast_in_dim3A_67 = vector.broadcast %broadcast_in_dim3A_66 : f32 to vector<128x128xf32>
      %swap3A_68 = arith.constant 0 : index
      %swap3A_69 = arith.constant 0 : index
      %swap3A_70 = vector.load %arg8[%swap3A_68, %swap3A_69] : memref<128x128xf32, #tpu.memory_space<vmem>>, vector<128x128xf32>
      tpu.vector_store %arg8[%swap3A_68, %swap3A_69], %broadcast_in_dim3A_67 {strides = array<i32>} : memref<128x128xf32, #tpu.memory_space<vmem>>, vector<128x128xf32>,
    } else {
    }
    %get3A = arith.constant 0 : index
    %get3A_2 = arith.constant 0 : index
    %get3A_3 = arith.constant 0 : index
    %get3A_4 = vector.load %arg3[%get3A, %get3A_2, %get3A_3] : memref<2x1000x16xf32, #tpu.memory_space<vmem>>, vector<1x1000x1xf32>
    %get3A_5 = vector.shape_cast %get3A_4 : vector<1x1000x1xf32> to vector<1000x1xf32>
    %get3A_6 = arith.constant 1 : index
    %get3A_7 = arith.constant 0 : index
    %get3A_8 = arith.constant 0 : index
    %get3A_9 = vector.load %arg3[%get3A_6, %get3A_7, %get3A_8] : memref<2x1000x16xf32, #tpu.memory_space<vmem>>, vector<1x1000x1xf32>
    %get3A_10 = vector.shape_cast %get3A_9 : vector<1x1000x1xf32> to vector<1000x1xf32>
    %add3A = arith.addf %get3A_5, %get3A_10 : vector<1000x1xf32>
    %add3A_11 = arith.constant 1.000000e+00 : f32
    %add3A_12 = vector.broadcast %add3A_11 : f32 to vector<1000x1xf32>
    %add3A_13 = arith.addf %add3A, %add3A_12 : vector<1000x1xf32>
    %rsqrt3A = math.rsqrt %add3A_13 : vector<1000x1xf32>
    %get3A_14 = arith.constant 0 : index
    %get3A_15 = arith.constant 0 : index
    %get3A_16 = arith.constant 0 : index
    %get3A_17 = vector.load %arg1[%get3A_14, %get3A_15, %get3A_16] : memref<2x1000x128xf32, #tpu.memory_space<vmem>>, vector<1x1000x128xf32>
    %get3A_18 = vector.shape_cast %get3A_17 : vector<1x1000x128xf32> to vector<1000x128xf32>
    %get3A_19 = arith.constant 1 : index
    %get3A_20 = arith.constant 0 : index
    %get3A_21 = arith.constant 0 : index
    %get3A_22 = vector.load %arg1[%get3A_19, %get3A_20, %get3A_21] : memref<2x1000x128xf32, #tpu.memory_space<vmem>>, vector<1x1000x128xf32>
    %get3A_23 = vector.shape_cast %get3A_22 : vector<1x1000x128xf32> to vector<1000x128xf32>
    %add3A_24 = arith.addf %get3A_18, %get3A_23 : vector<1000x128xf32>
    %get3A_25 = arith.constant 0 : index
    %get3A_26 = arith.constant 0 : index
    %get3A_27 = vector.load %arg2[%get3A_25, %get3A_26] : memref<1000x128xf32, #tpu.memory_space<vmem>>, vector<1000x128xf32>
    %add3A_28 = arith.addf %add3A_24, %get3A_27 : vector<1000x128xf32>
    %mul3A = vector.broadcast %rsqrt3A : vector<1000x1xf32> to vector<1000x128xf32>
    %mul3A_29 = arith.mulf %add3A_28, %mul3A : vector<1000x128xf32>
    %get3A_30 = arith.constant 0 : index
    %get3A_31 = arith.constant 0 : index
    %get3A_32 = arith.constant 0 : index
    %get3A_33 = vector.load %arg4[%get3A_30, %get3A_31, %get3A_32] : memref<1x1x1000xi32, #tpu.memory_space<vmem>>, vector<1x1x1000xi32>
    %get3A_34 = vector.shape_cast %get3A_33 : vector<1x1x1000xi32> to vector<1x1000xi32>
    %iota3A = tpu.iota {dimensions = array<i32: 0>} : vector<128x1000xi32>
    %eq3A_35 = vector.broadcast %get3A_34 : vector<1x1000xi32> to vector<128x1000xi32>
    %eq3A_36 = arith.cmpi eq, %eq3A_35, %iota3A : vector<128x1000xi32>
    %convert_element_type3A_37 = arith.extui %eq3A_36 : vector<128x1000xi1> to vector<128x1000xi32>
    %convert_element_type3A_38 = arith.sitofp %convert_element_type3A_37 : vector<128x1000xi32> to vector<128x1000xf32>
    %get3A_39 = arith.constant 0 : index
    %get3A_40 = arith.constant 0 : index
    %get3A_41 = vector.load %arg7[%get3A_39, %get3A_40] : memref<128x128xf32, #tpu.memory_space<vmem>>, vector<128x128xf32>
    %dot_general3A = arith.constant dense<0.000000e+00> : vector<128x128xf32>
    %dot_general3A_42 = tpu.matmul %convert_element_type3A_38, %mul3A_29, %dot_general3A {dimension_numbers = #tpu.dot_dimension_numbers<[1], [0], [0], [1], [0, 0, 1, 1], [], []>, precision = #tpu.contract_precision<fp32>, transpose_lhs_hint = false} : vector<128x1000xf32>, vector<1000x128xf32>, vector<128x128xf32> -> vector<128x128xf32>
    %add3A_43 = arith.addf %get3A_41, %dot_general3A_42 : vector<128x128xf32>
    %swap3A = arith.constant 0 : index
    %swap3A_44 = arith.constant 0 : index
    %swap3A_45 = vector.load %arg7[%swap3A, %swap3A_44] : memref<128x128xf32, #tpu.memory_space<vmem>>, vector<128x128xf32>
    tpu.vector_store %arg7[%swap3A, %swap3A_44], %add3A_43 {strides = array<i32>} : memref<128x128xf32, #tpu.memory_space<vmem>>, vector<128x128xf32>,
    %get3A_46 = arith.constant 0 : index
    %get3A_47 = arith.constant 0 : index
    %get3A_48 = vector.load %arg8[%get3A_46, %get3A_47] : memref<128x128xf32, #tpu.memory_space<vmem>>, vector<128x128xf32>
    %broadcast_in_dim3A = arith.constant 1.000000e+00 : f32
    %broadcast_in_dim3A_49 = vector.broadcast %broadcast_in_dim3A : f32 to vector<1000x128xf32>
    %dot_general3A_50 = arith.constant dense<0.000000e+00> : vector<128x128xf32>
    %dot_general3A_51 = tpu.matmul %convert_element_type3A_38, %broadcast_in_dim3A_49, %dot_general3A_50 {dimension_numbers = #tpu.dot_dimension_numbers<[1], [0], [0], [1], [0, 0, 1, 1], [], []>, precision = #tpu.contract_precision<fp32>, transpose_lhs_hint = false} : vector<128x1000xf32>, vector<1000x128xf32>, vector<128x128xf32> -> vector<128x128xf32>
    %add3A_52 = arith.addf %get3A_48, %dot_general3A_51 : vector<128x128xf32>
    %swap3A_53 = arith.constant 0 : index
    %swap3A_54 = arith.constant 0 : index
    %swap3A_55 = vector.load %arg8[%swap3A_53, %swap3A_54] : memref<128x128xf32, #tpu.memory_space<vmem>>, vector<128x128xf32>
    tpu.vector_store %arg8[%swap3A_53, %swap3A_54], %add3A_52 {strides = array<i32>} : memref<128x128xf32, #tpu.memory_space<vmem>>, vector<128x128xf32>,
    %eq3A_56 = arith.constant 9 : i32
    %eq3A_57 = arith.cmpi eq, %arg0, %eq3A_56 : i32
    %convert_element_type3A_58 = arith.extui %eq3A_57 : i1 to i32
    %cond3A_59 = arith.constant 0 : i32
    %cond3A_60 = arith.cmpi ne, %convert_element_type3A_58, %cond3A_59 : i32
    scf.if %cond3A_60 {
      %get3A_61 = arith.constant 0 : index
      %get3A_62 = arith.constant 0 : index
      %get3A_63 = vector.load %arg7[%get3A_61, %get3A_62] : memref<128x128xf32, #tpu.memory_space<vmem>>, vector<128x128xf32>
      %get3A_64 = arith.constant 0 : index
      %get3A_65 = arith.constant 0 : index
      %get3A_66 = vector.load %arg8[%get3A_64, %get3A_65] : memref<128x128xf32, #tpu.memory_space<vmem>>, vector<128x128xf32>
      %max3A = arith.constant 1.000000e+00 : f32
      %max3A_67 = vector.broadcast %max3A : f32 to vector<128x128xf32>
      %max3A_68 = arith.maximumf %get3A_66, %max3A_67 : vector<128x128xf32>
      %div3A = arith.divf %get3A_63, %max3A_68 : vector<128x128xf32>
      %get3A_69 = arith.constant 0 : index
      %get3A_70 = arith.constant 0 : index
      %get3A_71 = vector.load %arg5[%get3A_69, %get3A_70] : memref<128x10xf32, #tpu.memory_space<vmem>>, vector<128x10xf32>
      %dot_general3A_72 = arith.constant dense<0.000000e+00> : vector<128x10xf32>
      %dot_general3A_73 = tpu.matmul %div3A, %get3A_71, %dot_general3A_72 {dimension_numbers = #tpu.dot_dimension_numbers<[1], [0], [0], [1], [0, 0, 1, 1], [], []>, precision = #tpu.contract_precision<fp32>, transpose_lhs_hint = false} : vector<128x128xf32>, vector<128x10xf32>, vector<128x10xf32> -> vector<128x10xf32>
      %swap3A_74 = arith.constant 0 : index
      %swap3A_75 = arith.constant 0 : index
      %swap3A_76 = vector.load %arg6[%swap3A_74, %swap3A_75] : memref<128x10xf32, #tpu.memory_space<vmem>>, vector<128x10xf32>
      tpu.vector_store %arg6[%swap3A_74, %swap3A_75], %dot_general3A_73 {strides = array<i32>} : memref<128x10xf32, #tpu.memory_space<vmem>>, vector<128x10xf32>,
    } else {
    }
    return
  }
  func.func @transform_0(%arg0: i32) -> (i32, i32, i32) {
    %c0_i32 = arith.constant 0 : i32
    %c0_i32_0 = arith.constant 0 : i32
    %c0_i32_1 = arith.constant 0 : i32
    return %c0_i32, %arg0, %c0_i32_0 : i32, i32, i32
  }
  func.func @transform_1(%arg0: i32) -> (i32, i32) {
    %c0_i32 = arith.constant 0 : i32
    %c0_i32_0 = arith.constant 0 : i32
    return %arg0, %c0_i32 : i32, i32
  }
  func.func @transform_2(%arg0: i32) -> (i32, i32, i32) {
    %c0_i32 = arith.constant 0 : i32
    %c0_i32_0 = arith.constant 0 : i32
    %c0_i32_1 = arith.constant 0 : i32
    return %c0_i32, %arg0, %c0_i32_0 : i32, i32, i32
  }
  func.func @transform_3(%arg0: i32) -> (i32, i32, i32) {
    %c0_i32 = arith.constant 0 : i32
    %c0_i32_0 = arith.constant 0 : i32
    %c0_i32_1 = arith.constant 0 : i32
    return %arg0, %c0_i32, %c0_i32_0 : i32, i32, i32
  }
  func.func @transform_4(%arg0: i32) -> (i32, i32) {
    %c0_i32 = arith.constant 0 : i32
    %c0_i32_0 = arith.constant 0 : i32
    %c0_i32_1 = arith.constant 0 : i32
    return %c0_i32, %c0_i32_0 : i32, i32
  }
  func.func @transform_5(%arg0: i32) -> (i32, i32) {
    %c0_i32 = arith.constant 0 : i32
    %c0_i32_0 = arith.constant 0 : i32
    %c0_i32_1 = arith.constant 0 : i32
    return %c0_i32, %c0_i32_0 : i32, i32
  }
}

</mosaic_0001>

<sc_bundles>
// kernel: kernel.11.cloned.1.call-start
scs
__scs_entry_jumppad:
0x0: {  	(pc) =	sbr.rel $0x88, $3  }
0x1: {  	(tag) =	ssettag $0x0;
	lr =	simm.s32 $0x1  }
0x2: {  	[smem:$0x3F9B] =	sst lr;
	_ =	strace $0xD0000000  }
0x3: {  	_ = 	snop  }
0x4: {  	_ = 	snop  }
0x5: {  	_ = 	snop  }
0x6: {  	_ = 	snop  }
0x7: {  	_ = 	snop  }
__scs_overlays_trampoline_lowered:
0x8: {  	[smem:$0x3FAA] =	sst s0  }
0x9: {  	[smem:$0x3FAB] =	sst s1  }
0xa: {  	[smem:$0x3FAC] =	sst s2  }
0xb: {  	[smem:$0x3FAD] =	sst s3  }
0xc: {  	[smem:$0x3FAE] =	sst s4  }
0xd: {  	[smem:$0x3FAF] =	sst s5  }
0xe: {  	[smem:$0x3FB0] =	sst s6  }
0xf: {  	[smem:$0x3FB1] =	sst s7  }
0x10: {  	[smem:$0x3FB2] =	sst s8  }
0x11: {  	[smem:$0x3FB3] =	sst s9;
	s0 =	simm.s32 @!p0 $0x0  }
0x12: {  	s1 =	sld [smem:$0x3F99];
	s0 =	simm.s32 @p0 $0x1  }
0x13: {  	[smem:$0x3FB4] =	sst s0;
	s0 =	simm.s32 @!p1 $0x0  }
0x14: {  	s2 =	sld [smem:$0x3F98];
	s0 =	simm.s32 @p1 $0x1  }
0x15: {  	[smem:$0x3FB5] =	sst s0;
	s0 =	simm.s32 @!p2 $0x0  }
0x16: {  	s3 =	sld [smem:$0x3FDB];
	s0 =	simm.s32 @p2 $0x1  }
0x17: {  	s4 =	simm.s32 $0x1BF5;
	[smem:$0x3FB7] =	sst s0  }
0x18: {  	s0 =	sld [smem:$0x3F9A];
	_ =	swait.ge [sflag:s4], $0x0  }
0x19: {  	s7 =	sld [smem:$0x3F9B]  }
0x1a: {  	s8 =	sadd.s32 $0xFFFFE003, lr  }
0x1b: {  	s9 =	sadd.s32 $0xFFFFFEF7, lr;
	s5 =	simm.s32 $0xFFFFFFFF;
	p2 =	slt.u32 s8, $0xFFFFF086  }
0x1c: {  	p1 =	slt.u32 s9, $0xF7A;
	s5 =	simm.s32 @!p2 $0x0  }
0x1d: {  	s5 =	simm.s32 @p1 $0x1;
	p0 =	seq.s32 s7, s2  }
0x1e: {  	s7 =	smul.u32 @!p0 $0xF7A, s2;
	p2 =	seq.s32 @!p0 s5, $0x0  }
0x1f: {  	s9 =	smul.u32 $0xF7A, s1;
	s8 =	simm.s32 @!p0 $0x1BF5;
	p2 =	por !p2, p0  }
0x20: {  	[sflag:s8] =	ssyncset.s32 @!p0 $0xFFFFF086;
	s6 =	sadd.s32 @!p0 s3, s7;
	s7 =	simm.s32 @!p0 $0x108  }
0x21: {  	s3 =	sadd.s32 s3, s9;
	s6 =	sadd.s32 @!p0 $0x88, s6;
	s7 =	simm.s32 @p2 $0x1082  }
0x22: {  	[simem:s7], [sflag:s8] =	dma.local @!p0 [hbm:s6], $0xF7A  }
0x23: {  	s9 =	sor.u32 $0xD0000000, s2;
	s6 =	simm.s32 $0x108;
	_ =	swait.ge @!p0 [sflag:s8], $0x0  }
0x24: {  	s3 =	sadd.s32 $0x88, s3;
	s6 =	simm.s32 @!p1 $0x1082;
	[sflag:s4] =	ssyncset.s32 $0xFFFFF086  }
0x25: {  	[simem:s6], [sflag:s4] =	dma.local [hbm:s3], $0xF7A  }
0x26: {  	[smem:$0x3F9B] =	sst s1;
	(tag) =	ssettag s2;
	_ =	strace s9  }
0x27: {  	s1 =	sld [smem:$0x3FAB]  }
0x28: {  	s2 =	sld [smem:$0x3FAC]  }
0x29: {  	s4 =	sld [smem:$0x3FAE]  }
0x2a: {  	p0 =	seq.s32 s5, $0x0;
	s5 =	sld [smem:$0x3FAF]  }
0x2b: {  	s6 =	sld [smem:$0x3FB0]  }
0x2c: {  	s7 =	sld [smem:$0x3FB1]  }
0x2d: {  	s3 =	simm.s32 $0x108;
	s8 =	sld [smem:$0x3FB2]  }
0x2e: {  	s3 =	simm.s32 @!p0 $0x1082;
	s9 =	sld [smem:$0x3FB3]  }
0x2f: {  	lr =	sadd.s32 s0, s3;
	s0 =	sld [smem:$0x3FAA]  }
0x30: {  	s3 =	sld [smem:$0x3FAD]  }
0x31: {  	[smem:$0x3FB6] =	sst s10  }
0x32: {  	s10 =	sld [smem:$0x3FB4];
	_ =	sdelay $0x3  }
0x33: {  	p0 =	seq.s32 s10, $0x1;
	s10 =	sld [smem:$0x3FB6];
	_ =	sdelay $0x3  }
0x34: {  	[smem:$0x3FB6] =	sst s10  }
0x35: {  	s10 =	sld [smem:$0x3FB5];
	_ =	sdelay $0x3  }
0x36: {  	p1 =	seq.s32 s10, $0x1;
	s10 =	sld [smem:$0x3FB6];
	_ =	sdelay $0x3  }
0x37: {  	[smem:$0x3FB6] =	sst s10  }
0x38: {  	s10 =	sld [smem:$0x3FB7]  }
0x39: {  	_ = 	snop;
	(pc) =	sbr.ind lr, $3  }
0x3a: {  	_ = 	snop  }
0x3b: {  	_ = 	snop  }
0x3c: {  	p2 =	seq.s32 s10, $0x1;
	s10 =	sld [smem:$0x3FB6]  }
0x3d: {  	_ =	shalt  }
0x3e: {  	_ =	shalt  }
0x3f: {  	_ =	shalt  }
0x40: {  	_ =	shalt  }
0x41: {  	_ =	shalt  }
0x42: {  	_ =	shalt  }
0x43: {  	_ =	shalt  }
0x44: {  	_ =	shalt  }
0x45: {  	_ =	shalt  }
0x46: {  	_ =	shalt  }
0x47: {  	_ =	shalt  }
0x48: {  	_ =	shalt  }
0x49: {  	_ =	shalt  }
0x4a: {  	_ =	shalt  }
0x4b: {  	_ =	shalt  }
0x4c: {  	_ =	shalt  }
0x4d: {  	_ =	shalt  }
0x4e: {  	_ =	shalt  }
0x4f: {  	_ =	shalt  }
0x50: {  	_ =	shalt  }
0x51: {  	_ =	shalt  }
0x52: {  	_ =	shalt  }
0x53: {  	_ =	shalt  }
0x54: {  	_ =	shalt  }
0x55: {  	_ =	shalt  }
0x56: {  	_ =	shalt  }
0x57: {  	_ =	shalt  }
0x58: {  	_ =	shalt  }
0x59: {  	_ =	shalt  }
0x5a: {  	_ =	shalt  }
0x5b: {  	_ =	shalt  }
0x5c: {  	_ =	shalt  }
0x5d: {  	_ =	shalt  }
0x5e: {  	_ =	shalt  }
0x5f: {  	_ =	shalt  }
0x60: {  	_ =	shalt  }
0x61: {  	_ =	shalt  }
0x62: {  	_ =	shalt  }
0x63: {  	_ =	shalt  }
0x64: {  	_ =	shalt  }
0x65: {  	_ =	shalt  }
0x66: {  	_ =	shalt  }
0x67: {  	_ =	shalt  }
0x68: {  	_ =	shalt  }
0x69: {  	_ =	shalt  }
0x6a: {  	_ =	shalt  }
0x6b: {  	_ =	shalt  }
0x6c: {  	_ =	shalt  }
0x6d: {  	_ =	shalt  }
0x6e: {  	_ =	shalt  }
0x6f: {  	_ =	shalt  }
0x70: {  	_ =	shalt  }
0x71: {  	_ =	shalt  }
0x72: {  	_ =	shalt  }
0x73: {  	_ =	shalt  }
0x74: {  	_ =	shalt  }
0x75: {  	_ =	shalt  }
0x76: {  	_ =	shalt  }
0x77: {  	_ =	shalt  }
0x78: {  	_ =	shalt  }
0x79: {  	_ =	shalt  }
0x7a: {  	_ =	shalt  }
0x7b: {  	_ =	shalt  }
0x7c: {  	_ =	shalt  }
0x7d: {  	_ =	shalt  }
0x7e: {  	_ =	shalt  }
0x7f: {  	_ =	shalt  }
0x80: {  	_ =	shalt  }
0x81: {  	_ =	shalt  }
0x82: {  	_ =	shalt  }
0x83: {  	_ =	shalt  }
0x84: {  	_ =	shalt  }
0x85: {  	_ =	shalt  }
0x86: {  	_ =	shalt  }
0x87: {  	_ =	shalt  }
.Lfunc_end0:
.L_simem_size_0:
called_computation.1_lowered:
.L_overlay_start_0:
0x88: {  	s2 =	sld [smem:$0x3FD9]  }
0x89: {  	s3 =	sld [smem:$0x3FFE];
	_ =	sdelay $0x1  }
0x8a: {  	s1 =	srdreg.scid  }
0x8b: {  	s0 =	sand.u32 $0x1, s1  }
0x8c: {  	s16 =	sshll.u32 s0, $0xA;
	s2 =	sadd.s32 s3, s2  }
0x8d: {  	s2 =	sadd.s32 s2, s16  }
0x8e: {  	[smem:$0x3FC2] =	sst s2  }
0x8f: {  	_ = 	snop  }
0x90: {  	(tm) =	ssettm $0x1  }
0x91: {  	s17 =	sld [smem:$0x3FFB];
	_ =	sdelay $0x3  }
0x92: {  	_ =	strace s17  }
0x93: {  	s2 =	sld [smem:$0x3FFC];
	_ =	sdelay $0x3  }
0x94: {  	_ =	strace s2  }
0x95: {  	s2 =	sld [smem:$0x3FFD];
	_ =	sdelay $0x3  }
0x96: {  	_ =	strace s2  }
0x97: {  	_ =	strace $0x8FFFFFFF  }
0x98: {  	s18 =	sld [smem:$0x3FDB];
	_ =	sdelay $0x1  }
0x99: {  	s19 =	simm.s32 $_scs_section_size  }
0x9a: {  	s4 =	simm.s32 $_size__tile_overlayer_lowered;
	s5 =	simm.s32 $_tile_overlayer_lowered  }
0x9b: {  	s22 =	simm.s32 $0x1BFF;
	s21 =	sshll.u32 s5, $0x1;
	s2 =	sadd.s32 s19, s18  }
0x9c: {  	s6 =	simm.s32 $0x0;
	s20 =	sshll.u32 s4, $0x1;
	s4 =	sadd.s32 s21, s2  }
0x9d: {  	[timem:s6], [sflag:s22] =	dma.local [hbm:s4], s20  }
0x9e: {  	_ =	swait.ge [sflag:s22], s20  }
0x9f: {  	s3 =	ssub.s32 $0x0, s20;
	[sflag:s22] =	ssyncset.done $0x0  }
0xa0: {  	[sflag:s22] =	ssyncadd.s32 s3;
	_ =	sdelay $0x1  }
0xa1: {  	s23 =	simm.s32 $0x1B8B  }
0xa2: {  	_ =	swait.ge [sflag:s23], $0x1  }
0xa3: {  	[sflag:s23] =	ssyncset.done $0x0  }
0xa4: {  	s25 =	simm.s32 $0x1B8E;
	s24 =	sld [smem:$0x3FFE];
	[sflag:s23] =	ssyncadd.s32 $0xFFFFFFFF  }
0xa5: {  	s26 =	simm.s32 $execute0_lowered;
	[smem:$0x3FD2] =	sst s25  }
0xa6: {  	s4 =	sshll.u32 s26, $0x1;
	_ =	strace $0x80000049;
	[dreg:$0x1] =	wrdreg $0xFFFFFFFF  }
0xa7: {  	s28 =	simm.s32 $_size_execute0_lowered;
	s2 =	sadd.s32 s2, s4;
	[dreg:$0x0] =	wrdreg $0x0  }
0xa8: {  	s4 =	sshll.u32 s28, $0x1;
	[dreg:$0x2] =	wrdreg s2  }
0xa9: {  	[dreg:$0x3] =	wrdreg s4  }
0xaa: {  	[dreg:$0x4] =	wrdreg $0xC0  }
0xab: {  	_ =	task [dreg:s6], $0x5FFFF  }
0xac: {  	[dreg:$0x1] =	wrdreg $0xFFFFFFFF  }
0xad: {  	[dreg:$0x0] =	wrdreg $0x60  }
0xae: {  	[dreg:$0x2] =	wrdreg s24  }
0xaf: {  	[dreg:$0x3] =	wrdreg $0xB7800  }
0xb0: {  	[dreg:$0x4] =	wrdreg $0x9  }
0xb1: {  	_ =	task.clear_ibuf [dreg:s6], $0x5FFFF;
	_ =	strace $0x90000049  }
0xb2: {  	s29 =	simm.s32 $0x9;
	_ =	strace $0x8000004B  }
0xb3: {  	_ =	swait.ge [sflag:s29], $0x1  }
0xb4: {  	[sflag:s29] =	ssyncadd.s32 $0xFFFFFFFF  }
0xb5: {  	_ =	strace $0x9000004B  }
0xb6: {  	_ =	sfence  }
0xb7: {  	s30 =	sld [smem:$0x0];
	_ =	sdelay $0x2  }
0xb8: {  	s31 =	sshll.u32 s1, $0xD;
	s1 =	sshrl.u32 s1, $0x2  }
0xb9: {  	s3 =	sand.u32 $0x4000, s31;
	s1 =	sadd.s32 s1, s30  }
0xba: {  	s0 =	sor.u32 s3, s0;
	s1 =	sshll.u32 s1, $0x11  }
0xbb: {  	s0 =	sor.u32 s1, s0  }
0xbc: {  	s0 =	sadd.s32 $0x8F2B, s0  }
0xbd: {  	[sflag:s0] =	ssyncadd.remote.s32 $0x1  }
0xbe: {  	_ =	sfence.sel $0xFFFF  }
0xbf: {  	[dreg:$0x0] =	wrdreg $0xFFFFFFFF;
	(pc) =	sbr.abs _section_cstart, $3  }
0xc0: {  	[dreg:$0x1] =	wrdreg $0xFFFFFFFF  }
0xc1: {  	_ =	task.clear_ibuf [dreg:s6], $0x2FFFF;
	_ =	strace $0x9FFFFFFF  }
0xc2: {  	(tm) =	ssettm $0x7FFFFFFF  }
0xc3: {  	_ =	shalt  }
tec
execute0_lowered:
.L_overlay_start_1:
0x0: {  	(tag) =	ssettag $0x1  }
0x1: {  	s0 =	srdreg.scid  }
0x2: {  	s8 =	stileid.u32;
	s1 =	rddreg [dreg:$0x0]  }
0x3: {  	s2 =	rddreg [dreg:$0x1];
	s29 =	simm.s32 $0x1;
	s24 =	smul.u32 $0x50000, s8  }
0x4: {  	s30 =	simm.s32 $0x50;
	s0 =	sand.u32 $0x1, s0;
	s14 =	smul.u32 $0x14000, s8  }
0x5: {  	s3 =	sshrl.u32 s8, $0x3;
	s6 =	sshll.u32 s8, $0x7;
	s4 =	smul.u32 $0x27800, s0  }
0x6: {  	s25 =	sshll.u32 s8, $0xB;
	s5 =	smul.u32 $0x13C00, s3;
	s3 =	simm.s32 $0x0  }
0x7: {  	s23 =	sand.u32 $0x380, s6;
	s7 =	ssub.s32 $0x2, s0;
	s12 =	sadd.s32 s25, s1  }
0x8: {  	s22 =	smul.u32 $0x140000, s0;
	s0 =	sshll.u32 s0, $0xF;
	[smem:$0x7FF] =	sst s3  }
0x9: {  	s26 =	sshrl.u32 s7, $0x1;
	s16 =	sor.u32 $0x2800, s14;
	s17 =	sadd.s32 $0x5000, s14  }
0xa: {  	s18 =	sadd.s32 $0x7800, s14;
	s19 =	sadd.s32 $0xA000, s14;
	s20 =	sadd.s32 $0xC800, s14  }
0xb: {  	s21 =	sadd.s32 $0xF000, s14;
	s0 =	sadd.s32 s0, s12;
	s4 =	sadd.s32 s4, s5  }
0xc: {  	_ =	strace $0x8000004A;
	s15 =	ssub.s32 s7, s26;
	s6 =	sadd.s32 s16, s2  }
0xd: {  	s7 =	sadd.s32 s17, s2;
	s8 =	sadd.s32 s18, s2;
	s9 =	sadd.s32 s19, s2  }
0xe: {  	s10 =	sadd.s32 s20, s2;
	s11 =	sadd.s32 s21, s2;
	s31 =	sadd.s32 s22, s16  }
0xf: {  	s0 =	sadd.s32 $0x2200, s0;
	s17 =	sadd.s32 s22, s17;
	s18 =	sadd.s32 s22, s18  }
0x10: {  	s19 =	sadd.s32 s22, s19;
	s25 =	sadd.s32 s22, s20;
	s26 =	sadd.s32 s22, s21  }
0x11: {  	s4 =	sor.u32 s23, s4;
	s23 =	sadd.s32 $0x11800, s14;
	s14 =	sadd.s32 s14, s22  }
0x12: {  	[dreg:$0x4] =	wrdreg s0;
	s16 =	sshrl.u32 s31, $0x3;
	s5 =	sshrl.u32 s4, $0x3  }
0x13: {  	s4 =	sadd.s32 $0x6C000, s1;
	s12 =	sadd.s32 s23, s2;
	s28 =	sshrl.u32 s14, $0x3  }
0x14: {  	s13 =	sadd.s32 s5, s1;
	s1 =	sadd.s32 $0x93200, s1;
	s5 =	sshrl.u32 s24, $0x2  }
0x15: {  	s24 =	sshrl.u32 s19, $0x3;
	s5 =	sadd.s32 s5, s2;
	s13 =	sadd.s32 $0x62200, s13  }
0x16: {  	s0 =	sadd.s32 s1, s16;
	s19 =	sadd.s32 s1, s24;
	[dreg:$0x3] =	wrdreg s13  }
0x17: {  	s24 =	simm.s32 $0x6780;
	s13 =	sadd.s32 s1, s28;
	[dreg:$0x6] =	wrdreg s0  }
0x18: {  	s0 =	sshrl.u32 s17, $0x3;
	s28 =	sadd.s32 s22, s23;
	s23 =	smax.u32 s15, $0x1  }
.Ltmp0:
0x19: {  	[dreg:$0x5] =	wrdreg s13;
	s13 =	sshrl.u32 s18, $0x3;
	(pc) =	sbr.rel .LBB2_1-.Ltmp0, $4  }
0x1a: {  	s17 =	sadd.s32 s1, s0;
	s0 =	sshrl.u32 s25, $0x3;
	s31 =	sshrl.u32 s28, $0x3  }
0x1b: {  	s25 =	simm.s32 $0x3;
	s18 =	sadd.s32 s1, s13;
	s13 =	sshrl.u32 s26, $0x3  }
0x1c: {  	s20 =	sadd.s32 s1, s0;
	s22 =	sadd.s32 s1, s31;
	s0 =	simm.s32 $0x8F80  }
0x1d: {  	v0 =	vimm.f32 $0.0e+00;
	s26 =	simm.s32 $0x0;
	s21 =	sadd.s32 s1, s13;
	s1 =	simm.s32 $0x2  }
.LBB2_6:
0x1e: {  	s13 =	simm.s32 $0x6580  }
0x1f: {  	[spmem:s2] =	stream.indirect.scatter.add.f32 [tilespmem:s15], [sflag:$0x2], $0x80, s13, s30, $0xb8;
	[tilespmem:$0x1F780] =	vst v63  }
0x20: {  	_ =	swait.ge [sflag:s1], $0x2800  }
0x21: {  	[sflag:s1] =	ssyncset.done $0x0  }
0x22: {  	[sflag:s1] =	ssyncadd.s32 $0xFFFFD800  }
0x23: {  	[bflag:$0x0] =	sbarrier.arrive $0xFFFF  }
0x24: {  	[tilespmem:s24], [sflag:$0x3] =	stream.linear.gather [spmem:s5], $0x2800, $0x38;
	[tilespmem:$0x1F780] =	vst v63  }
0x25: {  	_ =	swait.ge [sflag:s25], $0x2800  }
0x26: {  	[sflag:s25] =	ssyncset.done $0x0  }
0x27: {  	s28 =	rddreg [dreg:$0x5];
	[sflag:s25] =	ssyncadd.s32 $0xFFFFD800  }
0x28: {  	[hbm4b:s28+s3] =	stream.linear.scatter [tilespmem:s24], [sflag:$0x2], $0x2800, $0x38;
	[tilespmem:$0x1F780] =	vst v63  }
0x29: {  	_ = 	snop  }
0x2a: {  	[tilespmem:s0], [sflag:$0x3] =	stream.linear.gather [spmem:s6], $0x2800, $0x38;
	[tilespmem:$0x1F780] =	vst v63  }
0x2b: {  	_ =	swait.ge [sflag:s25], $0x2800  }
0x2c: {  	[sflag:s25] =	ssyncset.done $0x0  }
0x2d: {  	s31 =	rddreg [dreg:$0x6];
	[sflag:s25] =	ssyncadd.s32 $0xFFFFD800  }
0x2e: {  	[hbm4b:s31+s3] =	stream.linear.scatter [tilespmem:s0], [sflag:$0x2], $0x2800, $0x38;
	[tilespmem:$0x1F780] =	vst v63  }
0x2f: {  	_ =	swait.ge [sflag:s1], $0x2800  }
0x30: {  	[sflag:s1] =	ssyncset.done $0x0  }
0x31: {  	[sflag:s1] =	ssyncadd.s32 $0xFFFFD800  }
0x32: {  	[tilespmem:s24], [sflag:$0x3] =	stream.linear.gather [spmem:s7], $0x2800, $0x38;
	[tilespmem:$0x1F780] =	vst v63  }
0x33: {  	_ =	swait.ge [sflag:s25], $0x2800  }
0x34: {  	[sflag:s25] =	ssyncset.done $0x0  }
0x35: {  	[sflag:s25] =	ssyncadd.s32 $0xFFFFD800  }
0x36: {  	[hbm4b:s17+s3] =	stream.linear.scatter [tilespmem:s24], [sflag:$0x2], $0x2800, $0x38;
	[tilespmem:$0x1F780] =	vst v63  }
0x37: {  	_ =	swait.ge [sflag:s1], $0x2800  }
0x38: {  	[sflag:s1] =	ssyncset.done $0x0  }
0x39: {  	[sflag:s1] =	ssyncadd.s32 $0xFFFFD800  }
0x3a: {  	[tilespmem:s0], [sflag:$0x3] =	stream.linear.gather [spmem:s8], $0x2800, $0x38;
	[tilespmem:$0x1F780] =	vst v63  }
0x3b: {  	_ =	swait.ge [sflag:s25], $0x2800  }
0x3c: {  	[sflag:s25] =	ssyncset.done $0x0  }
0x3d: {  	[sflag:s25] =	ssyncadd.s32 $0xFFFFD800  }
0x3e: {  	[hbm4b:s18+s3] =	stream.linear.scatter [tilespmem:s0], [sflag:$0x2], $0x2800, $0x38;
	[tilespmem:$0x1F780] =	vst v63  }
0x3f: {  	_ =	swait.ge [sflag:s1], $0x2800  }
0x40: {  	[sflag:s1] =	ssyncset.done $0x0  }
0x41: {  	[sflag:s1] =	ssyncadd.s32 $0xFFFFD800  }
0x42: {  	[tilespmem:s24], [sflag:$0x3] =	stream.linear.gather [spmem:s9], $0x2800, $0x38;
	[tilespmem:$0x1F780] =	vst v63  }
0x43: {  	_ =	swait.ge [sflag:s25], $0x2800  }
0x44: {  	[sflag:s25] =	ssyncset.done $0x0  }
0x45: {  	[sflag:s25] =	ssyncadd.s32 $0xFFFFD800  }
0x46: {  	[hbm4b:s19+s3] =	stream.linear.scatter [tilespmem:s24], [sflag:$0x2], $0x2800, $0x38;
	[tilespmem:$0x1F780] =	vst v63  }
0x47: {  	_ =	swait.ge [sflag:s1], $0x2800  }
0x48: {  	[sflag:s1] =	ssyncset.done $0x0  }
0x49: {  	[sflag:s1] =	ssyncadd.s32 $0xFFFFD800  }
0x4a: {  	[tilespmem:s0], [sflag:$0x3] =	stream.linear.gather [spmem:s10], $0x2800, $0x38;
	[tilespmem:$0x1F780] =	vst v63  }
0x4b: {  	_ =	swait.ge [sflag:s25], $0x2800  }
0x4c: {  	[sflag:s25] =	ssyncset.done $0x0  }
0x4d: {  	[sflag:s25] =	ssyncadd.s32 $0xFFFFD800  }
0x4e: {  	[hbm4b:s20+s3] =	stream.linear.scatter [tilespmem:s0], [sflag:$0x2], $0x2800, $0x38;
	[tilespmem:$0x1F780] =	vst v63  }
0x4f: {  	_ =	swait.ge [sflag:s1], $0x2800  }
0x50: {  	[sflag:s1] =	ssyncset.done $0x0  }
0x51: {  	[sflag:s1] =	ssyncadd.s32 $0xFFFFD800  }
0x52: {  	[tilespmem:s24], [sflag:$0x3] =	stream.linear.gather [spmem:s11], $0x2800, $0x38;
	[tilespmem:$0x1F780] =	vst v63  }
0x53: {  	_ =	swait.ge [sflag:s25], $0x2800  }
0x54: {  	[sflag:s25] =	ssyncset.done $0x0  }
0x55: {  	[sflag:s25] =	ssyncadd.s32 $0xFFFFD800  }
0x56: {  	[hbm4b:s21+s3] =	stream.linear.scatter [tilespmem:s24], [sflag:$0x2], $0x2800, $0x38;
	[tilespmem:$0x1F780] =	vst v63  }
0x57: {  	_ =	swait.ge [sflag:s1], $0x2800  }
0x58: {  	[sflag:s1] =	ssyncset.done $0x0  }
0x59: {  	[sflag:s1] =	ssyncadd.s32 $0xFFFFD800  }
0x5a: {  	[tilespmem:s0], [sflag:$0x3] =	stream.linear.gather [spmem:s12], $0x2800, $0x38;
	[tilespmem:$0x1F780] =	vst v63  }
0x5b: {  	_ =	swait.ge [sflag:s25], $0x2800  }
0x5c: {  	[sflag:s25] =	ssyncset.done $0x0  }
0x5d: {  	s26 =	sadd.s32 $0x1, s26;
	[sflag:s25] =	ssyncadd.s32 $0xFFFFD800  }
0x5e: {  	[hbm4b:s22+s3] =	stream.linear.scatter [tilespmem:s0], [sflag:$0x2], $0x2800, $0x38;
	[tilespmem:$0x1F780] =	vst v63  }
0x5f: {  	p0 =	sne.s32 s26, s23;
	_ =	swait.ge [sflag:s1], $0x2800  }
.Ltmp1:
0x60: {  	[sflag:s1] =	ssyncset.done $0x0;
	(pc) =	sbr.rel @!p0 .LBB2_7-.Ltmp1, $4  }
0x61: {  	[sflag:s1] =	ssyncadd.s32 $0xFFFFD800  }
0x62: {  	_ =	swait.ge [sflag:s1], $0x2800  }
0x63: {  	[sflag:s1] =	ssyncset.done $0x0  }
0x64: {  	[sflag:s1] =	ssyncadd.s32 $0xFFFFD800  }
.LBB2_1:
0x65: {  	s13 =	sand.u32 $0xFE00, s3  }
0x66: {  	s14 =	sand.u32 $0x70, s3;
	s15 =	sshrl.u32 s13, $0x2  }
0x67: {  	s28 =	simm.s32 $0x0;
	s13 =	simm.s32 $0x40;
	s14 =	sor.u32 s14, s15  }
.LBB2_2:
0x68: {  	p0 =	sne.s32 s13, $0x9FC0  }
0x69: {  	[tilespmem:s14+$0x6780] =	vst v0;
	s28 =	sadd.s32 $0x10, s28;
	s14 =	smov.u32 s13;
	s13 =	sadd.s32 $0x40, s13  }
.Ltmp2:
0x6a: {  	(pc) =	sbr.rel @p0 .LBB2_2-.Ltmp2, $4  }
0x6b: {  	_ = 	snop  }
0x6c: {  	s14 =	sand.u32 $0xFE00, s14  }
0x6d: {  	s15 =	sand.u32 $0x70, s28;
	s14 =	sshrl.u32 s14, $0x2  }
0x6e: {  	s14 =	sor.u32 s15, s14  }
0x6f: {  	[tilespmem:s14+$0x6780] =	vst v0  }
0x70: {  	[spmem:s5] =	stream.linear.scatter [tilespmem:s24], [sflag:$0x3], $0x2800, $0x38;
	[tilespmem:$0x1F780] =	vst v63  }
0x71: {  	_ =	swait.ge [sflag:s25], $0x2800  }
0x72: {  	[sflag:s25] =	ssyncset.done $0x0  }
0x73: {  	[sflag:s25] =	ssyncadd.s32 $0xFFFFD800  }
0x74: {  	[spmem:s6] =	stream.linear.scatter [tilespmem:s24], [sflag:$0x3], $0x2800, $0x38;
	[tilespmem:$0x1F780] =	vst v63  }
0x75: {  	_ =	swait.ge [sflag:s25], $0x2800  }
0x76: {  	[sflag:s25] =	ssyncset.done $0x0  }
0x77: {  	[sflag:s25] =	ssyncadd.s32 $0xFFFFD800  }
0x78: {  	[spmem:s7] =	stream.linear.scatter [tilespmem:s24], [sflag:$0x3], $0x2800, $0x38;
	[tilespmem:$0x1F780] =	vst v63  }
0x79: {  	_ =	swait.ge [sflag:s25], $0x2800  }
0x7a: {  	[sflag:s25] =	ssyncset.done $0x0  }
0x7b: {  	[sflag:s25] =	ssyncadd.s32 $0xFFFFD800  }
0x7c: {  	[spmem:s8] =	stream.linear.scatter [tilespmem:s24], [sflag:$0x3], $0x2800, $0x38;
	[tilespmem:$0x1F780] =	vst v63  }
0x7d: {  	_ =	swait.ge [sflag:s25], $0x2800  }
0x7e: {  	[sflag:s25] =	ssyncset.done $0x0  }
0x7f: {  	[sflag:s25] =	ssyncadd.s32 $0xFFFFD800  }
0x80: {  	[spmem:s9] =	stream.linear.scatter [tilespmem:s24], [sflag:$0x3], $0x2800, $0x38;
	[tilespmem:$0x1F780] =	vst v63  }
0x81: {  	_ =	swait.ge [sflag:s25], $0x2800  }
0x82: {  	[sflag:s25] =	ssyncset.done $0x0  }
0x83: {  	[sflag:s25] =	ssyncadd.s32 $0xFFFFD800  }
0x84: {  	[spmem:s10] =	stream.linear.scatter [tilespmem:s24], [sflag:$0x3], $0x2800, $0x38;
	[tilespmem:$0x1F780] =	vst v63  }
0x85: {  	_ =	swait.ge [sflag:s25], $0x2800  }
0x86: {  	[sflag:s25] =	ssyncset.done $0x0  }
0x87: {  	[sflag:s25] =	ssyncadd.s32 $0xFFFFD800  }
0x88: {  	[spmem:s11] =	stream.linear.scatter [tilespmem:s24], [sflag:$0x3], $0x2800, $0x38;
	[tilespmem:$0x1F780] =	vst v63  }
0x89: {  	_ =	swait.ge [sflag:s25], $0x2800  }
0x8a: {  	[sflag:s25] =	ssyncset.done $0x0  }
0x8b: {  	[sflag:s25] =	ssyncadd.s32 $0xFFFFD800  }
0x8c: {  	[spmem:s12] =	stream.linear.scatter [tilespmem:s24], [sflag:$0x3], $0x2800, $0x38;
	[tilespmem:$0x1F780] =	vst v63  }
0x8d: {  	_ =	swait.ge [sflag:s25], $0x2800  }
0x8e: {  	[sflag:s25] =	ssyncset.done $0x0  }
0x8f: {  	[sflag:s25] =	ssyncadd.s32 $0xFFFFD800  }
0x90: {  	s28 =	simm.s32 $0x0;
	[bflag:$0x0] =	sbarrier.arrive $0xFFFF  }
0x91: {  	s16 =	simm.s32 $0x80;
	s15 =	simm.s32 $0x400;
	s13 =	rddreg [dreg:$0x3]  }
0x92: {  	[tilespmem:s28], [sflag:$0x3] =	stream.strided.gather [hbm4b:s13+s16], $0x2780, s15, s16, $0x38;
	[tilespmem:$0x1F780] =	vst v63  }
0x93: {  	_ =	swait.ge [sflag:s25], $0x2780  }
0x94: {  	[sflag:s25] =	ssyncset.done $0x0  }
0x95: {  	s31 =	simm.s32 $0x2780;
	s16 =	rddreg [dreg:$0x4];
	[sflag:s25] =	ssyncadd.s32 $0xFFFFD880  }
0x96: {  	[tilespmem:s31], [sflag:$0x3] =	stream.linear.gather [hbm4b:s16+s28], $0x3E80, $0x38;
	[tilespmem:$0x1F780] =	vst v63  }
0x97: {  	_ =	swait.ge [sflag:s25], $0x3E80  }
0x98: {  	[sflag:s25] =	ssyncset.done $0x0  }
0x99: {  	s13 =	simm.s32 $0x50;
	[sflag:s25] =	ssyncadd.s32 $0xFFFFC180  }
0x9a: {  	[tilespmem:s24], [sflag:$0x1] =	stream.indirect.gather [hbm4b:s4+s13], $0x80, s28, s13, $0xb8;
	[tilespmem:$0x1F780] =	vst v63  }
.LBB2_4:
0x9b: {  	p0 =	seq.s32 s28, $0x0  }
0x9c: {  	p1 =	seq.s32 @!p0 s28, $0x7C  }
0x9d: {  	_ =	swait.ge [sflag:s29], $0x2800;
	p1 =	por p0, !p1  }
.Ltmp3:
0x9e: {  	s14 =	sand.u32 $0x1, s28;
	[sflag:s29] =	ssyncset.done $0x0;
	(pc) =	sbr.rel @!p1 .LBB2_6-.Ltmp3, $4  }
0x9f: {  	s15 =	smul.u32 $0xA000, s14;
	s16 =	simm.s32 @!p0 $0x2;
	[sflag:s29] =	ssyncadd.s32 $0xFFFFD800  }
0xa0: {  	_ =	swait.ge @!p0 [sflag:s16], $0x2800  }
0xa1: {  	s15 =	sshrl.u32 s15, $0x2;
	[sflag:s16] =	ssyncset.done @!p0 $0x0  }
0xa2: {  	s15 =	sadd.s32 $0x6780, s15;
	[sflag:s16] =	ssyncadd.s32 @!p0 $0xFFFFD800  }
0xa3: {  	s14 =	sxor.u32 $0x1, s14  }
0xa4: {  	s14 =	smul.u32 $0xA000, s14;
	_ =	sdelay $0x1  }
0xa5: {  	s14 =	sshrl.u32 s14, $0x2  }
.Ltmp4:
0xa6: {  	s14 =	sadd.s32 $0x6780, s14;
	(pc) =	sbr.rel .LBB2_4-.Ltmp4, $4  }
0xa7: {  	[tilespmem:s14], [sflag:$0x1] =	stream.indirect.gather [hbm4b:s4+s30], $0x80, s13, s30, $0xb8;
	[tilespmem:$0x1F780] =	vst v63  }
0xa8: {  	_ = 	snop  }
0xa9: {  	[spmem:s2] =	stream.indirect.scatter.add.f32 [tilespmem:s15], [sflag:$0x2], $0x80, s31, s30, $0xb8;
	[tilespmem:$0x1F780] =	vst v63  }
0xaa: {  	s28 =	sadd.s32 $0x1, s28;
	s13 =	sadd.s32 $0x50, s13;
	s31 =	sadd.s32 $0x80, s31  }
.LBB2_7:
0xab: {  	_ =	sfence.sel $0x180000  }
0xac: {  	[bflag:$0x0] =	sbarrier.arrive $0xFFFF  }
0xad: {  	_ =	strace $0x9000004A  }
0xae: {  	s0 =	stileid.u32;
	[bflag:$0x2] =	sbarrier.arrive $0xFFFF  }
0xaf: {  	p0 =	sne.s32 s0, $0x0;
	s0 =	rddreg [dreg:$0x2]  }
0xb0: {  	s0 =	sadd.s32 @!p0 $0x100000, s0  }
0xb1: {  	[sflag:s0] =	ssyncadd.tile.s32 @!p0 $0x1;
	_ =	shalt  }
.Lfunc_end2:
_tile_overlayer_lowered:
.L_overlay_start_2:
0xb2: {  	(tag) =	ssettag $0x2  }
0xb3: {  	s0 =	rddreg [dreg:$0x0];
	s2 =	stileid.u32  }
0xb4: {  	s1 =	rddreg [dreg:$0x1];
	p0 =	sne.s32 s2, $0x0  }
0xb5: {  	s3 =	rddreg [dreg:$0x2];
	[bflag:$0x3] =	sbarrier.arrive $0xFFFF;
	s2 =	simm.s32 @!p0 $0x1C03  }
0xb6: {  	[timem:s3], [sflag:s2] =	dma.local @!p0 [hbm:s0], s1  }
0xb7: {  	s0 =	simm.s32 @!p0 $0x3  }
0xb8: {  	_ =	swait.ge @!p0 [sflag:s0], s1  }
0xb9: {  	s1 =	ssub.s32 @!p0 $0x0, s1;
	[sflag:s0] =	ssyncset.done @!p0 $0x0  }
0xba: {  	[sflag:s0] =	ssyncadd.s32 @!p0 s1  }
0xbb: {  	[bflag:$0x3] =	sbarrier.arrive $0xFFFF  }
0xbc: {  	_ =	shalt  }

// kernel: kernel.14.cloned.1.call-start
scs
__scs_entry_jumppad:
0x0: {  	(pc) =	sbr.rel $0x88, $3  }
0x1: {  	(tag) =	ssettag $0x0;
	lr =	simm.s32 $0x1  }
0x2: {  	[smem:$0x3F9B] =	sst lr;
	_ =	strace $0xD0000000  }
0x3: {  	_ = 	snop  }
0x4: {  	_ = 	snop  }
0x5: {  	_ = 	snop  }
0x6: {  	_ = 	snop  }
0x7: {  	_ = 	snop  }
__scs_overlays_trampoline_lowered:
0x8: {  	[smem:$0x3FAA] =	sst s0  }
0x9: {  	[smem:$0x3FAB] =	sst s1  }
0xa: {  	[smem:$0x3FAC] =	sst s2  }
0xb: {  	[smem:$0x3FAD] =	sst s3  }
0xc: {  	[smem:$0x3FAE] =	sst s4  }
0xd: {  	[smem:$0x3FAF] =	sst s5  }
0xe: {  	[smem:$0x3FB0] =	sst s6  }
0xf: {  	[smem:$0x3FB1] =	sst s7  }
0x10: {  	[smem:$0x3FB2] =	sst s8  }
0x11: {  	[smem:$0x3FB3] =	sst s9;
	s0 =	simm.s32 @!p0 $0x0  }
0x12: {  	s1 =	sld [smem:$0x3F99];
	s0 =	simm.s32 @p0 $0x1  }
0x13: {  	[smem:$0x3FB4] =	sst s0;
	s0 =	simm.s32 @!p1 $0x0  }
0x14: {  	s2 =	sld [smem:$0x3F98];
	s0 =	simm.s32 @p1 $0x1  }
0x15: {  	[smem:$0x3FB5] =	sst s0;
	s0 =	simm.s32 @!p2 $0x0  }
0x16: {  	s3 =	sld [smem:$0x3FDB];
	s0 =	simm.s32 @p2 $0x1  }
0x17: {  	s4 =	simm.s32 $0x1BF5;
	[smem:$0x3FB7] =	sst s0  }
0x18: {  	s0 =	sld [smem:$0x3F9A];
	_ =	swait.ge [sflag:s4], $0x0  }
0x19: {  	s7 =	sld [smem:$0x3F9B]  }
0x1a: {  	s8 =	sadd.s32 $0xFFFFE003, lr  }
0x1b: {  	s9 =	sadd.s32 $0xFFFFFEF7, lr;
	s5 =	simm.s32 $0xFFFFFFFF;
	p2 =	slt.u32 s8, $0xFFFFF086  }
0x1c: {  	p1 =	slt.u32 s9, $0xF7A;
	s5 =	simm.s32 @!p2 $0x0  }
0x1d: {  	s5 =	simm.s32 @p1 $0x1;
	p0 =	seq.s32 s7, s2  }
0x1e: {  	s7 =	smul.u32 @!p0 $0xF7A, s2;
	p2 =	seq.s32 @!p0 s5, $0x0  }
0x1f: {  	s9 =	smul.u32 $0xF7A, s1;
	s8 =	simm.s32 @!p0 $0x1BF5;
	p2 =	por !p2, p0  }
0x20: {  	[sflag:s8] =	ssyncset.s32 @!p0 $0xFFFFF086;
	s6 =	sadd.s32 @!p0 s3, s7;
	s7 =	simm.s32 @!p0 $0x108  }
0x21: {  	s3 =	sadd.s32 s3, s9;
	s6 =	sadd.s32 @!p0 $0x88, s6;
	s7 =	simm.s32 @p2 $0x1082  }
0x22: {  	[simem:s7], [sflag:s8] =	dma.local @!p0 [hbm:s6], $0xF7A  }
0x23: {  	s9 =	sor.u32 $0xD0000000, s2;
	s6 =	simm.s32 $0x108;
	_ =	swait.ge @!p0 [sflag:s8], $0x0  }
0x24: {  	s3 =	sadd.s32 $0x88, s3;
	s6 =	simm.s32 @!p1 $0x1082;
	[sflag:s4] =	ssyncset.s32 $0xFFFFF086  }
0x25: {  	[simem:s6], [sflag:s4] =	dma.local [hbm:s3], $0xF7A  }
0x26: {  	[smem:$0x3F9B] =	sst s1;
	(tag) =	ssettag s2;
	_ =	strace s9  }
0x27: {  	s1 =	sld [smem:$0x3FAB]  }
0x28: {  	s2 =	sld [smem:$0x3FAC]  }
0x29: {  	s4 =	sld [smem:$0x3FAE]  }
0x2a: {  	p0 =	seq.s32 s5, $0x0;
	s5 =	sld [smem:$0x3FAF]  }
0x2b: {  	s6 =	sld [smem:$0x3FB0]  }
0x2c: {  	s7 =	sld [smem:$0x3FB1]  }
0x2d: {  	s3 =	simm.s32 $0x108;
	s8 =	sld [smem:$0x3FB2]  }
0x2e: {  	s3 =	simm.s32 @!p0 $0x1082;
	s9 =	sld [smem:$0x3FB3]  }
0x2f: {  	lr =	sadd.s32 s0, s3;
	s0 =	sld [smem:$0x3FAA]  }
0x30: {  	s3 =	sld [smem:$0x3FAD]  }
0x31: {  	[smem:$0x3FB6] =	sst s10  }
0x32: {  	s10 =	sld [smem:$0x3FB4];
	_ =	sdelay $0x3  }
0x33: {  	p0 =	seq.s32 s10, $0x1;
	s10 =	sld [smem:$0x3FB6];
	_ =	sdelay $0x3  }
0x34: {  	[smem:$0x3FB6] =	sst s10  }
0x35: {  	s10 =	sld [smem:$0x3FB5];
	_ =	sdelay $0x3  }
0x36: {  	p1 =	seq.s32 s10, $0x1;
	s10 =	sld [smem:$0x3FB6];
	_ =	sdelay $0x3  }
0x37: {  	[smem:$0x3FB6] =	sst s10  }
0x38: {  	s10 =	sld [smem:$0x3FB7]  }
0x39: {  	_ = 	snop;
	(pc) =	sbr.ind lr, $3  }
0x3a: {  	_ = 	snop  }
0x3b: {  	_ = 	snop  }
0x3c: {  	p2 =	seq.s32 s10, $0x1;
	s10 =	sld [smem:$0x3FB6]  }
0x3d: {  	_ =	shalt  }
0x3e: {  	_ =	shalt  }
0x3f: {  	_ =	shalt  }
0x40: {  	_ =	shalt  }
0x41: {  	_ =	shalt  }
0x42: {  	_ =	shalt  }
0x43: {  	_ =	shalt  }
0x44: {  	_ =	shalt  }
0x45: {  	_ =	shalt  }
0x46: {  	_ =	shalt  }
0x47: {  	_ =	shalt  }
0x48: {  	_ =	shalt  }
0x49: {  	_ =	shalt  }
0x4a: {  	_ =	shalt  }
0x4b: {  	_ =	shalt  }
0x4c: {  	_ =	shalt  }
0x4d: {  	_ =	shalt  }
0x4e: {  	_ =	shalt  }
0x4f: {  	_ =	shalt  }
0x50: {  	_ =	shalt  }
0x51: {  	_ =	shalt  }
0x52: {  	_ =	shalt  }
0x53: {  	_ =	shalt  }
0x54: {  	_ =	shalt  }
0x55: {  	_ =	shalt  }
0x56: {  	_ =	shalt  }
0x57: {  	_ =	shalt  }
0x58: {  	_ =	shalt  }
0x59: {  	_ =	shalt  }
0x5a: {  	_ =	shalt  }
0x5b: {  	_ =	shalt  }
0x5c: {  	_ =	shalt  }
0x5d: {  	_ =	shalt  }
0x5e: {  	_ =	shalt  }
0x5f: {  	_ =	shalt  }
0x60: {  	_ =	shalt  }
0x61: {  	_ =	shalt  }
0x62: {  	_ =	shalt  }
0x63: {  	_ =	shalt  }
0x64: {  	_ =	shalt  }
0x65: {  	_ =	shalt  }
0x66: {  	_ =	shalt  }
0x67: {  	_ =	shalt  }
0x68: {  	_ =	shalt  }
0x69: {  	_ =	shalt  }
0x6a: {  	_ =	shalt  }
0x6b: {  	_ =	shalt  }
0x6c: {  	_ =	shalt  }
0x6d: {  	_ =	shalt  }
0x6e: {  	_ =	shalt  }
0x6f: {  	_ =	shalt  }
0x70: {  	_ =	shalt  }
0x71: {  	_ =	shalt  }
0x72: {  	_ =	shalt  }
0x73: {  	_ =	shalt  }
0x74: {  	_ =	shalt  }
0x75: {  	_ =	shalt  }
0x76: {  	_ =	shalt  }
0x77: {  	_ =	shalt  }
0x78: {  	_ =	shalt  }
0x79: {  	_ =	shalt  }
0x7a: {  	_ =	shalt  }
0x7b: {  	_ =	shalt  }
0x7c: {  	_ =	shalt  }
0x7d: {  	_ =	shalt  }
0x7e: {  	_ =	shalt  }
0x7f: {  	_ =	shalt  }
0x80: {  	_ =	shalt  }
0x81: {  	_ =	shalt  }
0x82: {  	_ =	shalt  }
0x83: {  	_ =	shalt  }
0x84: {  	_ =	shalt  }
0x85: {  	_ =	shalt  }
0x86: {  	_ =	shalt  }
0x87: {  	_ =	shalt  }
.Lfunc_end0:
.L_simem_size_0:
called_computation.2_lowered:
.L_overlay_start_0:
0x88: {  	s2 =	sld [smem:$0x3FD9]  }
0x89: {  	s3 =	sld [smem:$0x3FFE];
	_ =	sdelay $0x1  }
0x8a: {  	s1 =	srdreg.scid  }
0x8b: {  	s0 =	sand.u32 $0x1, s1  }
0x8c: {  	s16 =	sshll.u32 s0, $0xA;
	s2 =	sadd.s32 s3, s2  }
0x8d: {  	s2 =	sadd.s32 s2, s16  }
0x8e: {  	[smem:$0x3FC2] =	sst s2  }
0x8f: {  	_ = 	snop  }
0x90: {  	(tm) =	ssettm $0x1  }
0x91: {  	s17 =	sld [smem:$0x3FFB];
	_ =	sdelay $0x3  }
0x92: {  	_ =	strace s17  }
0x93: {  	s2 =	sld [smem:$0x3FFC];
	_ =	sdelay $0x3  }
0x94: {  	_ =	strace s2  }
0x95: {  	s2 =	sld [smem:$0x3FFD];
	_ =	sdelay $0x3  }
0x96: {  	_ =	strace s2  }
0x97: {  	_ =	strace $0x8FFFFFFF  }
0x98: {  	s18 =	sld [smem:$0x3FDB];
	_ =	sdelay $0x1  }
0x99: {  	s19 =	simm.s32 $_scs_section_size  }
0x9a: {  	s4 =	simm.s32 $_size__tile_overlayer_lowered;
	s5 =	simm.s32 $_tile_overlayer_lowered  }
0x9b: {  	s22 =	simm.s32 $0x1BFF;
	s21 =	sshll.u32 s5, $0x1;
	s2 =	sadd.s32 s19, s18  }
0x9c: {  	s6 =	simm.s32 $0x0;
	s20 =	sshll.u32 s4, $0x1;
	s4 =	sadd.s32 s21, s2  }
0x9d: {  	[timem:s6], [sflag:s22] =	dma.local [hbm:s4], s20  }
0x9e: {  	_ =	swait.ge [sflag:s22], s20  }
0x9f: {  	s3 =	ssub.s32 $0x0, s20;
	[sflag:s22] =	ssyncset.done $0x0  }
0xa0: {  	[sflag:s22] =	ssyncadd.s32 s3;
	_ =	sdelay $0x1  }
0xa1: {  	s23 =	simm.s32 $0x1B8B  }
0xa2: {  	_ =	swait.ge [sflag:s23], $0x1  }
0xa3: {  	[sflag:s23] =	ssyncset.done $0x0  }
0xa4: {  	s25 =	simm.s32 $0x1B8E;
	s24 =	sld [smem:$0x3FFE];
	[sflag:s23] =	ssyncadd.s32 $0xFFFFFFFF  }
0xa5: {  	s26 =	simm.s32 $execute0_lowered;
	[smem:$0x3FD2] =	sst s25  }
0xa6: {  	s4 =	sshll.u32 s26, $0x1;
	_ =	strace $0x8000004C;
	[dreg:$0x1] =	wrdreg $0xFFFFFFFF  }
0xa7: {  	s28 =	simm.s32 $_size_execute0_lowered;
	s2 =	sadd.s32 s2, s4;
	[dreg:$0x0] =	wrdreg $0x0  }
0xa8: {  	s4 =	sshll.u32 s28, $0x1;
	[dreg:$0x2] =	wrdreg s2  }
0xa9: {  	[dreg:$0x3] =	wrdreg s4  }
0xaa: {  	[dreg:$0x4] =	wrdreg $0xC0  }
0xab: {  	_ =	task [dreg:s6], $0x5FFFF  }
0xac: {  	[dreg:$0x1] =	wrdreg $0xFFFFFFFF  }
0xad: {  	[dreg:$0x0] =	wrdreg $0x60  }
0xae: {  	[dreg:$0x2] =	wrdreg s24  }
0xaf: {  	[dreg:$0x3] =	wrdreg $0xB7800  }
0xb0: {  	[dreg:$0x4] =	wrdreg $0x9  }
0xb1: {  	_ =	task.clear_ibuf [dreg:s6], $0x5FFFF;
	_ =	strace $0x9000004C  }
0xb2: {  	s29 =	simm.s32 $0x9;
	_ =	strace $0x8000004E  }
0xb3: {  	_ =	swait.ge [sflag:s29], $0x1  }
0xb4: {  	[sflag:s29] =	ssyncadd.s32 $0xFFFFFFFF  }
0xb5: {  	_ =	strace $0x9000004E  }
0xb6: {  	_ =	sfence  }
0xb7: {  	s30 =	sld [smem:$0x0];
	_ =	sdelay $0x2  }
0xb8: {  	s31 =	sshll.u32 s1, $0xD;
	s1 =	sshrl.u32 s1, $0x2  }
0xb9: {  	s3 =	sand.u32 $0x4000, s31;
	s1 =	sadd.s32 s1, s30  }
0xba: {  	s0 =	sor.u32 s3, s0;
	s1 =	sshll.u32 s1, $0x11  }
0xbb: {  	s0 =	sor.u32 s1, s0  }
0xbc: {  	s0 =	sadd.s32 $0x8F2B, s0  }
0xbd: {  	[sflag:s0] =	ssyncadd.remote.s32 $0x1  }
0xbe: {  	_ =	sfence.sel $0xFFFF  }
0xbf: {  	[dreg:$0x0] =	wrdreg $0xFFFFFFFF;
	(pc) =	sbr.abs _section_cstart, $3  }
0xc0: {  	[dreg:$0x1] =	wrdreg $0xFFFFFFFF  }
0xc1: {  	_ =	task.clear_ibuf [dreg:s6], $0x2FFFF;
	_ =	strace $0x9FFFFFFF  }
0xc2: {  	(tm) =	ssettm $0x7FFFFFFF  }
0xc3: {  	_ =	shalt  }
tec
execute0_lowered:
.L_overlay_start_1:
0x0: {  	(tag) =	ssettag $0x1  }
0x1: {  	s0 =	srdreg.scid  }
0x2: {  	s8 =	stileid.u32;
	s1 =	rddreg [dreg:$0x0]  }
0x3: {  	s2 =	rddreg [dreg:$0x1];
	s29 =	simm.s32 $0x1;
	s24 =	smul.u32 $0x50000, s8  }
0x4: {  	s30 =	simm.s32 $0x50;
	s0 =	sand.u32 $0x1, s0;
	s14 =	smul.u32 $0x14000, s8  }
0x5: {  	s3 =	sshrl.u32 s8, $0x3;
	s6 =	sshll.u32 s8, $0x7;
	s4 =	smul.u32 $0x27800, s0  }
0x6: {  	s25 =	sshll.u32 s8, $0xB;
	s5 =	smul.u32 $0x13C00, s3;
	s3 =	simm.s32 $0x0  }
0x7: {  	s23 =	sand.u32 $0x380, s6;
	s7 =	ssub.s32 $0x2, s0;
	s12 =	sadd.s32 s25, s1  }
0x8: {  	s22 =	smul.u32 $0x140000, s0;
	s0 =	sshll.u32 s0, $0xF;
	[smem:$0x7FF] =	sst s3  }
0x9: {  	s26 =	sshrl.u32 s7, $0x1;
	s16 =	sor.u32 $0x2800, s14;
	s17 =	sadd.s32 $0x5000, s14  }
0xa: {  	s18 =	sadd.s32 $0x7800, s14;
	s19 =	sadd.s32 $0xA000, s14;
	s20 =	sadd.s32 $0xC800, s14  }
0xb: {  	s21 =	sadd.s32 $0xF000, s14;
	s0 =	sadd.s32 s0, s12;
	s4 =	sadd.s32 s4, s5  }
0xc: {  	_ =	strace $0x8000004D;
	s15 =	ssub.s32 s7, s26;
	s6 =	sadd.s32 s16, s2  }
0xd: {  	s7 =	sadd.s32 s17, s2;
	s8 =	sadd.s32 s18, s2;
	s9 =	sadd.s32 s19, s2  }
0xe: {  	s10 =	sadd.s32 s20, s2;
	s11 =	sadd.s32 s21, s2;
	s31 =	sadd.s32 s22, s16  }
0xf: {  	s0 =	sadd.s32 $0x2200, s0;
	s17 =	sadd.s32 s22, s17;
	s18 =	sadd.s32 s22, s18  }
0x10: {  	s19 =	sadd.s32 s22, s19;
	s25 =	sadd.s32 s22, s20;
	s26 =	sadd.s32 s22, s21  }
0x11: {  	s4 =	sor.u32 s23, s4;
	s23 =	sadd.s32 $0x11800, s14;
	s14 =	sadd.s32 s14, s22  }
0x12: {  	[dreg:$0x4] =	wrdreg s0;
	s16 =	sshrl.u32 s31, $0x3;
	s5 =	sshrl.u32 s4, $0x3  }
0x13: {  	s4 =	sadd.s32 $0x6C000, s1;
	s12 =	sadd.s32 s23, s2;
	s28 =	sshrl.u32 s14, $0x3  }
0x14: {  	s13 =	sadd.s32 s5, s1;
	s1 =	sadd.s32 $0x93200, s1;
	s5 =	sshrl.u32 s24, $0x2  }
0x15: {  	s24 =	sshrl.u32 s19, $0x3;
	s5 =	sadd.s32 s5, s2;
	s13 =	sadd.s32 $0x62200, s13  }
0x16: {  	s0 =	sadd.s32 s1, s16;
	s19 =	sadd.s32 s1, s24;
	[dreg:$0x3] =	wrdreg s13  }
0x17: {  	s24 =	simm.s32 $0x6780;
	s13 =	sadd.s32 s1, s28;
	[dreg:$0x6] =	wrdreg s0  }
0x18: {  	s0 =	sshrl.u32 s17, $0x3;
	s28 =	sadd.s32 s22, s23;
	s23 =	smax.u32 s15, $0x1  }
.Ltmp0:
0x19: {  	[dreg:$0x5] =	wrdreg s13;
	s13 =	sshrl.u32 s18, $0x3;
	(pc) =	sbr.rel .LBB2_1-.Ltmp0, $4  }
0x1a: {  	s17 =	sadd.s32 s1, s0;
	s0 =	sshrl.u32 s25, $0x3;
	s31 =	sshrl.u32 s28, $0x3  }
0x1b: {  	s25 =	simm.s32 $0x3;
	s18 =	sadd.s32 s1, s13;
	s13 =	sshrl.u32 s26, $0x3  }
0x1c: {  	s20 =	sadd.s32 s1, s0;
	s22 =	sadd.s32 s1, s31;
	s0 =	simm.s32 $0x8F80  }
0x1d: {  	v0 =	vimm.f32 $0.0e+00;
	s26 =	simm.s32 $0x0;
	s21 =	sadd.s32 s1, s13;
	s1 =	simm.s32 $0x2  }
.LBB2_6:
0x1e: {  	s13 =	simm.s32 $0x6580  }
0x1f: {  	[spmem:s2] =	stream.indirect.scatter.add.f32 [tilespmem:s15], [sflag:$0x2], $0x80, s13, s30, $0xb8;
	[tilespmem:$0x1F780] =	vst v63  }
0x20: {  	_ =	swait.ge [sflag:s1], $0x2800  }
0x21: {  	[sflag:s1] =	ssyncset.done $0x0  }
0x22: {  	[sflag:s1] =	ssyncadd.s32 $0xFFFFD800  }
0x23: {  	[bflag:$0x0] =	sbarrier.arrive $0xFFFF  }
0x24: {  	[tilespmem:s24], [sflag:$0x3] =	stream.linear.gather [spmem:s5], $0x2800, $0x38;
	[tilespmem:$0x1F780] =	vst v63  }
0x25: {  	_ =	swait.ge [sflag:s25], $0x2800  }
0x26: {  	[sflag:s25] =	ssyncset.done $0x0  }
0x27: {  	s28 =	rddreg [dreg:$0x5];
	[sflag:s25] =	ssyncadd.s32 $0xFFFFD800  }
0x28: {  	[hbm4b:s28+s3] =	stream.linear.scatter [tilespmem:s24], [sflag:$0x2], $0x2800, $0x38;
	[tilespmem:$0x1F780] =	vst v63  }
0x29: {  	_ = 	snop  }
0x2a: {  	[tilespmem:s0], [sflag:$0x3] =	stream.linear.gather [spmem:s6], $0x2800, $0x38;
	[tilespmem:$0x1F780] =	vst v63  }
0x2b: {  	_ =	swait.ge [sflag:s25], $0x2800  }
0x2c: {  	[sflag:s25] =	ssyncset.done $0x0  }
0x2d: {  	s31 =	rddreg [dreg:$0x6];
	[sflag:s25] =	ssyncadd.s32 $0xFFFFD800  }
0x2e: {  	[hbm4b:s31+s3] =	stream.linear.scatter [tilespmem:s0], [sflag:$0x2], $0x2800, $0x38;
	[tilespmem:$0x1F780] =	vst v63  }
0x2f: {  	_ =	swait.ge [sflag:s1], $0x2800  }
0x30: {  	[sflag:s1] =	ssyncset.done $0x0  }
0x31: {  	[sflag:s1] =	ssyncadd.s32 $0xFFFFD800  }
0x32: {  	[tilespmem:s24], [sflag:$0x3] =	stream.linear.gather [spmem:s7], $0x2800, $0x38;
	[tilespmem:$0x1F780] =	vst v63  }
0x33: {  	_ =	swait.ge [sflag:s25], $0x2800  }
0x34: {  	[sflag:s25] =	ssyncset.done $0x0  }
0x35: {  	[sflag:s25] =	ssyncadd.s32 $0xFFFFD800  }
0x36: {  	[hbm4b:s17+s3] =	stream.linear.scatter [tilespmem:s24], [sflag:$0x2], $0x2800, $0x38;
	[tilespmem:$0x1F780] =	vst v63  }
0x37: {  	_ =	swait.ge [sflag:s1], $0x2800  }
0x38: {  	[sflag:s1] =	ssyncset.done $0x0  }
0x39: {  	[sflag:s1] =	ssyncadd.s32 $0xFFFFD800  }
0x3a: {  	[tilespmem:s0], [sflag:$0x3] =	stream.linear.gather [spmem:s8], $0x2800, $0x38;
	[tilespmem:$0x1F780] =	vst v63  }
0x3b: {  	_ =	swait.ge [sflag:s25], $0x2800  }
0x3c: {  	[sflag:s25] =	ssyncset.done $0x0  }
0x3d: {  	[sflag:s25] =	ssyncadd.s32 $0xFFFFD800  }
0x3e: {  	[hbm4b:s18+s3] =	stream.linear.scatter [tilespmem:s0], [sflag:$0x2], $0x2800, $0x38;
	[tilespmem:$0x1F780] =	vst v63  }
0x3f: {  	_ =	swait.ge [sflag:s1], $0x2800  }
0x40: {  	[sflag:s1] =	ssyncset.done $0x0  }
0x41: {  	[sflag:s1] =	ssyncadd.s32 $0xFFFFD800  }
0x42: {  	[tilespmem:s24], [sflag:$0x3] =	stream.linear.gather [spmem:s9], $0x2800, $0x38;
	[tilespmem:$0x1F780] =	vst v63  }
0x43: {  	_ =	swait.ge [sflag:s25], $0x2800  }
0x44: {  	[sflag:s25] =	ssyncset.done $0x0  }
0x45: {  	[sflag:s25] =	ssyncadd.s32 $0xFFFFD800  }
0x46: {  	[hbm4b:s19+s3] =	stream.linear.scatter [tilespmem:s24], [sflag:$0x2], $0x2800, $0x38;
	[tilespmem:$0x1F780] =	vst v63  }
0x47: {  	_ =	swait.ge [sflag:s1], $0x2800  }
0x48: {  	[sflag:s1] =	ssyncset.done $0x0  }
0x49: {  	[sflag:s1] =	ssyncadd.s32 $0xFFFFD800  }
0x4a: {  	[tilespmem:s0], [sflag:$0x3] =	stream.linear.gather [spmem:s10], $0x2800, $0x38;
	[tilespmem:$0x1F780] =	vst v63  }
0x4b: {  	_ =	swait.ge [sflag:s25], $0x2800  }
0x4c: {  	[sflag:s25] =	ssyncset.done $0x0  }
0x4d: {  	[sflag:s25] =	ssyncadd.s32 $0xFFFFD800  }
0x4e: {  	[hbm4b:s20+s3] =	stream.linear.scatter [tilespmem:s0], [sflag:$0x2], $0x2800, $0x38;
	[tilespmem:$0x1F780] =	vst v63  }
0x4f: {  	_ =	swait.ge [sflag:s1], $0x2800  }
0x50: {  	[sflag:s1] =	ssyncset.done $0x0  }
0x51: {  	[sflag:s1] =	ssyncadd.s32 $0xFFFFD800  }
0x52: {  	[tilespmem:s24], [sflag:$0x3] =	stream.linear.gather [spmem:s11], $0x2800, $0x38;
	[tilespmem:$0x1F780] =	vst v63  }
0x53: {  	_ =	swait.ge [sflag:s25], $0x2800  }
0x54: {  	[sflag:s25] =	ssyncset.done $0x0  }
0x55: {  	[sflag:s25] =	ssyncadd.s32 $0xFFFFD800  }
0x56: {  	[hbm4b:s21+s3] =	stream.linear.scatter [tilespmem:s24], [sflag:$0x2], $0x2800, $0x38;
	[tilespmem:$0x1F780] =	vst v63  }
0x57: {  	_ =	swait.ge [sflag:s1], $0x2800  }
0x58: {  	[sflag:s1] =	ssyncset.done $0x0  }
0x59: {  	[sflag:s1] =	ssyncadd.s32 $0xFFFFD800  }
0x5a: {  	[tilespmem:s0], [sflag:$0x3] =	stream.linear.gather [spmem:s12], $0x2800, $0x38;
	[tilespmem:$0x1F780] =	vst v63  }
0x5b: {  	_ =	swait.ge [sflag:s25], $0x2800  }
0x5c: {  	[sflag:s25] =	ssyncset.done $0x0  }
0x5d: {  	s26 =	sadd.s32 $0x1, s26;
	[sflag:s25] =	ssyncadd.s32 $0xFFFFD800  }
0x5e: {  	[hbm4b:s22+s3] =	stream.linear.scatter [tilespmem:s0], [sflag:$0x2], $0x2800, $0x38;
	[tilespmem:$0x1F780] =	vst v63  }
0x5f: {  	p0 =	sne.s32 s26, s23;
	_ =	swait.ge [sflag:s1], $0x2800  }
.Ltmp1:
0x60: {  	[sflag:s1] =	ssyncset.done $0x0;
	(pc) =	sbr.rel @!p0 .LBB2_7-.Ltmp1, $4  }
0x61: {  	[sflag:s1] =	ssyncadd.s32 $0xFFFFD800  }
0x62: {  	_ =	swait.ge [sflag:s1], $0x2800  }
0x63: {  	[sflag:s1] =	ssyncset.done $0x0  }
0x64: {  	[sflag:s1] =	ssyncadd.s32 $0xFFFFD800  }
.LBB2_1:
0x65: {  	s13 =	sand.u32 $0xFE00, s3  }
0x66: {  	s14 =	sand.u32 $0x70, s3;
	s15 =	sshrl.u32 s13, $0x2  }
0x67: {  	s28 =	simm.s32 $0x0;
	s13 =	simm.s32 $0x40;
	s14 =	sor.u32 s14, s15  }
.LBB2_2:
0x68: {  	p0 =	sne.s32 s13, $0x9FC0  }
0x69: {  	[tilespmem:s14+$0x6780] =	vst v0;
	s28 =	sadd.s32 $0x10, s28;
	s14 =	smov.u32 s13;
	s13 =	sadd.s32 $0x40, s13  }
.Ltmp2:
0x6a: {  	(pc) =	sbr.rel @p0 .LBB2_2-.Ltmp2, $4  }
0x6b: {  	_ = 	snop  }
0x6c: {  	s14 =	sand.u32 $0xFE00, s14  }
0x6d: {  	s15 =	sand.u32 $0x70, s28;
	s14 =	sshrl.u32 s14, $0x2  }
0x6e: {  	s14 =	sor.u32 s15, s14  }
0x6f: {  	[tilespmem:s14+$0x6780] =	vst v0  }
0x70: {  	[spmem:s5] =	stream.linear.scatter [tilespmem:s24], [sflag:$0x3], $0x2800, $0x38;
	[tilespmem:$0x1F780] =	vst v63  }
0x71: {  	_ =	swait.ge [sflag:s25], $0x2800  }
0x72: {  	[sflag:s25] =	ssyncset.done $0x0  }
0x73: {  	[sflag:s25] =	ssyncadd.s32 $0xFFFFD800  }
0x74: {  	[spmem:s6] =	stream.linear.scatter [tilespmem:s24], [sflag:$0x3], $0x2800, $0x38;
	[tilespmem:$0x1F780] =	vst v63  }
0x75: {  	_ =	swait.ge [sflag:s25], $0x2800  }
0x76: {  	[sflag:s25] =	ssyncset.done $0x0  }
0x77: {  	[sflag:s25] =	ssyncadd.s32 $0xFFFFD800  }
0x78: {  	[spmem:s7] =	stream.linear.scatter [tilespmem:s24], [sflag:$0x3], $0x2800, $0x38;
	[tilespmem:$0x1F780] =	vst v63  }
0x79: {  	_ =	swait.ge [sflag:s25], $0x2800  }
0x7a: {  	[sflag:s25] =	ssyncset.done $0x0  }
0x7b: {  	[sflag:s25] =	ssyncadd.s32 $0xFFFFD800  }
0x7c: {  	[spmem:s8] =	stream.linear.scatter [tilespmem:s24], [sflag:$0x3], $0x2800, $0x38;
	[tilespmem:$0x1F780] =	vst v63  }
0x7d: {  	_ =	swait.ge [sflag:s25], $0x2800  }
0x7e: {  	[sflag:s25] =	ssyncset.done $0x0  }
0x7f: {  	[sflag:s25] =	ssyncadd.s32 $0xFFFFD800  }
0x80: {  	[spmem:s9] =	stream.linear.scatter [tilespmem:s24], [sflag:$0x3], $0x2800, $0x38;
	[tilespmem:$0x1F780] =	vst v63  }
0x81: {  	_ =	swait.ge [sflag:s25], $0x2800  }
0x82: {  	[sflag:s25] =	ssyncset.done $0x0  }
0x83: {  	[sflag:s25] =	ssyncadd.s32 $0xFFFFD800  }
0x84: {  	[spmem:s10] =	stream.linear.scatter [tilespmem:s24], [sflag:$0x3], $0x2800, $0x38;
	[tilespmem:$0x1F780] =	vst v63  }
0x85: {  	_ =	swait.ge [sflag:s25], $0x2800  }
0x86: {  	[sflag:s25] =	ssyncset.done $0x0  }
0x87: {  	[sflag:s25] =	ssyncadd.s32 $0xFFFFD800  }
0x88: {  	[spmem:s11] =	stream.linear.scatter [tilespmem:s24], [sflag:$0x3], $0x2800, $0x38;
	[tilespmem:$0x1F780] =	vst v63  }
0x89: {  	_ =	swait.ge [sflag:s25], $0x2800  }
0x8a: {  	[sflag:s25] =	ssyncset.done $0x0  }
0x8b: {  	[sflag:s25] =	ssyncadd.s32 $0xFFFFD800  }
0x8c: {  	[spmem:s12] =	stream.linear.scatter [tilespmem:s24], [sflag:$0x3], $0x2800, $0x38;
	[tilespmem:$0x1F780] =	vst v63  }
0x8d: {  	_ =	swait.ge [sflag:s25], $0x2800  }
0x8e: {  	[sflag:s25] =	ssyncset.done $0x0  }
0x8f: {  	[sflag:s25] =	ssyncadd.s32 $0xFFFFD800  }
0x90: {  	s28 =	simm.s32 $0x0;
	[bflag:$0x0] =	sbarrier.arrive $0xFFFF  }
0x91: {  	s16 =	simm.s32 $0x80;
	s15 =	simm.s32 $0x400;
	s13 =	rddreg [dreg:$0x3]  }
0x92: {  	[tilespmem:s28], [sflag:$0x3] =	stream.strided.gather [hbm4b:s13+s16], $0x2780, s15, s16, $0x38;
	[tilespmem:$0x1F780] =	vst v63  }
0x93: {  	_ =	swait.ge [sflag:s25], $0x2780  }
0x94: {  	[sflag:s25] =	ssyncset.done $0x0  }
0x95: {  	s31 =	simm.s32 $0x2780;
	s16 =	rddreg [dreg:$0x4];
	[sflag:s25] =	ssyncadd.s32 $0xFFFFD880  }
0x96: {  	[tilespmem:s31], [sflag:$0x3] =	stream.linear.gather [hbm4b:s16+s28], $0x3E80, $0x38;
	[tilespmem:$0x1F780] =	vst v63  }
0x97: {  	_ =	swait.ge [sflag:s25], $0x3E80  }
0x98: {  	[sflag:s25] =	ssyncset.done $0x0  }
0x99: {  	s13 =	simm.s32 $0x50;
	[sflag:s25] =	ssyncadd.s32 $0xFFFFC180  }
0x9a: {  	[tilespmem:s24], [sflag:$0x1] =	stream.indirect.gather [hbm4b:s4+s13], $0x80, s28, s13, $0xb8;
	[tilespmem:$0x1F780] =	vst v63  }
.LBB2_4:
0x9b: {  	p0 =	seq.s32 s28, $0x0  }
0x9c: {  	p1 =	seq.s32 @!p0 s28, $0x7C  }
0x9d: {  	_ =	swait.ge [sflag:s29], $0x2800;
	p1 =	por p0, !p1  }
.Ltmp3:
0x9e: {  	s14 =	sand.u32 $0x1, s28;
	[sflag:s29] =	ssyncset.done $0x0;
	(pc) =	sbr.rel @!p1 .LBB2_6-.Ltmp3, $4  }
0x9f: {  	s15 =	smul.u32 $0xA000, s14;
	s16 =	simm.s32 @!p0 $0x2;
	[sflag:s29] =	ssyncadd.s32 $0xFFFFD800  }
0xa0: {  	_ =	swait.ge @!p0 [sflag:s16], $0x2800  }
0xa1: {  	s15 =	sshrl.u32 s15, $0x2;
	[sflag:s16] =	ssyncset.done @!p0 $0x0  }
0xa2: {  	s15 =	sadd.s32 $0x6780, s15;
	[sflag:s16] =	ssyncadd.s32 @!p0 $0xFFFFD800  }
0xa3: {  	s14 =	sxor.u32 $0x1, s14  }
0xa4: {  	s14 =	smul.u32 $0xA000, s14;
	_ =	sdelay $0x1  }
0xa5: {  	s14 =	sshrl.u32 s14, $0x2  }
.Ltmp4:
0xa6: {  	s14 =	sadd.s32 $0x6780, s14;
	(pc) =	sbr.rel .LBB2_4-.Ltmp4, $4  }
0xa7: {  	[tilespmem:s14], [sflag:$0x1] =	stream.indirect.gather [hbm4b:s4+s30], $0x80, s13, s30, $0xb8;
	[tilespmem:$0x1F780] =	vst v63  }
0xa8: {  	_ = 	snop  }
0xa9: {  	[spmem:s2] =	stream.indirect.scatter.add.f32 [tilespmem:s15], [sflag:$0x2], $0x80, s31, s30, $0xb8;
	[tilespmem:$0x1F780] =	vst v63  }
0xaa: {  	s28 =	sadd.s32 $0x1, s28;
	s13 =	sadd.s32 $0x50, s13;
	s31 =	sadd.s32 $0x80, s31  }
.LBB2_7:
0xab: {  	_ =	sfence.sel $0x180000  }
0xac: {  	[bflag:$0x0] =	sbarrier.arrive $0xFFFF  }
0xad: {  	_ =	strace $0x9000004D  }
0xae: {  	s0 =	stileid.u32;
	[bflag:$0x2] =	sbarrier.arrive $0xFFFF  }
0xaf: {  	p0 =	sne.s32 s0, $0x0;
	s0 =	rddreg [dreg:$0x2]  }
0xb0: {  	s0 =	sadd.s32 @!p0 $0x100000, s0  }
0xb1: {  	[sflag:s0] =	ssyncadd.tile.s32 @!p0 $0x1;
	_ =	shalt  }
.Lfunc_end2:
_tile_overlayer_lowered:
.L_overlay_start_2:
0xb2: {  	(tag) =	ssettag $0x2  }
0xb3: {  	s0 =	rddreg [dreg:$0x0];
	s2 =	stileid.u32  }
0xb4: {  	s1 =	rddreg [dreg:$0x1];
	p0 =	sne.s32 s2, $0x0  }
0xb5: {  	s3 =	rddreg [dreg:$0x2];
	[bflag:$0x3] =	sbarrier.arrive $0xFFFF;
	s2 =	simm.s32 @!p0 $0x1C03  }
0xb6: {  	[timem:s3], [sflag:s2] =	dma.local @!p0 [hbm:s0], s1  }
0xb7: {  	s0 =	simm.s32 @!p0 $0x3  }
0xb8: {  	_ =	swait.ge @!p0 [sflag:s0], s1  }
0xb9: {  	s1 =	ssub.s32 @!p0 $0x0, s1;
	[sflag:s0] =	ssyncset.done @!p0 $0x0  }
0xba: {  	[sflag:s0] =	ssyncadd.s32 @!p0 s1  }
0xbb: {  	[bflag:$0x3] =	sbarrier.arrive $0xFFFF  }
0xbc: {  	_ =	shalt  }

// kernel: kernel.8.cloned.1.call-start
scs
__scs_entry_jumppad:
0x0: {  	(pc) =	sbr.rel $0x88, $3  }
0x1: {  	(tag) =	ssettag $0x0;
	lr =	simm.s32 $0x1  }
0x2: {  	[smem:$0x3F9B] =	sst lr;
	_ =	strace $0xD0000000  }
0x3: {  	_ = 	snop  }
0x4: {  	_ = 	snop  }
0x5: {  	_ = 	snop  }
0x6: {  	_ = 	snop  }
0x7: {  	_ = 	snop  }
__scs_overlays_trampoline_lowered:
0x8: {  	[smem:$0x3FAA] =	sst s0  }
0x9: {  	[smem:$0x3FAB] =	sst s1  }
0xa: {  	[smem:$0x3FAC] =	sst s2  }
0xb: {  	[smem:$0x3FAD] =	sst s3  }
0xc: {  	[smem:$0x3FAE] =	sst s4  }
0xd: {  	[smem:$0x3FAF] =	sst s5  }
0xe: {  	[smem:$0x3FB0] =	sst s6  }
0xf: {  	[smem:$0x3FB1] =	sst s7  }
0x10: {  	[smem:$0x3FB2] =	sst s8  }
0x11: {  	[smem:$0x3FB3] =	sst s9;
	s0 =	simm.s32 @!p0 $0x0  }
0x12: {  	s1 =	sld [smem:$0x3F99];
	s0 =	simm.s32 @p0 $0x1  }
0x13: {  	[smem:$0x3FB4] =	sst s0;
	s0 =	simm.s32 @!p1 $0x0  }
0x14: {  	s2 =	sld [smem:$0x3F98];
	s0 =	simm.s32 @p1 $0x1  }
0x15: {  	[smem:$0x3FB5] =	sst s0;
	s0 =	simm.s32 @!p2 $0x0  }
0x16: {  	s3 =	sld [smem:$0x3FDB];
	s0 =	simm.s32 @p2 $0x1  }
0x17: {  	s4 =	simm.s32 $0x1BF5;
	[smem:$0x3FB7] =	sst s0  }
0x18: {  	s0 =	sld [smem:$0x3F9A];
	_ =	swait.ge [sflag:s4], $0x0  }
0x19: {  	s7 =	sld [smem:$0x3F9B]  }
0x1a: {  	s8 =	sadd.s32 $0xFFFFE003, lr  }
0x1b: {  	s9 =	sadd.s32 $0xFFFFFEF7, lr;
	s5 =	simm.s32 $0xFFFFFFFF;
	p2 =	slt.u32 s8, $0xFFFFF086  }
0x1c: {  	p1 =	slt.u32 s9, $0xF7A;
	s5 =	simm.s32 @!p2 $0x0  }
0x1d: {  	s5 =	simm.s32 @p1 $0x1;
	p0 =	seq.s32 s7, s2  }
0x1e: {  	s7 =	smul.u32 @!p0 $0xF7A, s2;
	p2 =	seq.s32 @!p0 s5, $0x0  }
0x1f: {  	s9 =	smul.u32 $0xF7A, s1;
	s8 =	simm.s32 @!p0 $0x1BF5;
	p2 =	por !p2, p0  }
0x20: {  	[sflag:s8] =	ssyncset.s32 @!p0 $0xFFFFF086;
	s6 =	sadd.s32 @!p0 s3, s7;
	s7 =	simm.s32 @!p0 $0x108  }
0x21: {  	s3 =	sadd.s32 s3, s9;
	s6 =	sadd.s32 @!p0 $0x88, s6;
	s7 =	simm.s32 @p2 $0x1082  }
0x22: {  	[simem:s7], [sflag:s8] =	dma.local @!p0 [hbm:s6], $0xF7A  }
0x23: {  	s9 =	sor.u32 $0xD0000000, s2;
	s6 =	simm.s32 $0x108;
	_ =	swait.ge @!p0 [sflag:s8], $0x0  }
0x24: {  	s3 =	sadd.s32 $0x88, s3;
	s6 =	simm.s32 @!p1 $0x1082;
	[sflag:s4] =	ssyncset.s32 $0xFFFFF086  }
0x25: {  	[simem:s6], [sflag:s4] =	dma.local [hbm:s3], $0xF7A  }
0x26: {  	[smem:$0x3F9B] =	sst s1;
	(tag) =	ssettag s2;
	_ =	strace s9  }
0x27: {  	s1 =	sld [smem:$0x3FAB]  }
0x28: {  	s2 =	sld [smem:$0x3FAC]  }
0x29: {  	s4 =	sld [smem:$0x3FAE]  }
0x2a: {  	p0 =	seq.s32 s5, $0x0;
	s5 =	sld [smem:$0x3FAF]  }
0x2b: {  	s6 =	sld [smem:$0x3FB0]  }
0x2c: {  	s7 =	sld [smem:$0x3FB1]  }
0x2d: {  	s3 =	simm.s32 $0x108;
	s8 =	sld [smem:$0x3FB2]  }
0x2e: {  	s3 =	simm.s32 @!p0 $0x1082;
	s9 =	sld [smem:$0x3FB3]  }
0x2f: {  	lr =	sadd.s32 s0, s3;
	s0 =	sld [smem:$0x3FAA]  }
0x30: {  	s3 =	sld [smem:$0x3FAD]  }
0x31: {  	[smem:$0x3FB6] =	sst s10  }
0x32: {  	s10 =	sld [smem:$0x3FB4];
	_ =	sdelay $0x3  }
0x33: {  	p0 =	seq.s32 s10, $0x1;
	s10 =	sld [smem:$0x3FB6];
	_ =	sdelay $0x3  }
0x34: {  	[smem:$0x3FB6] =	sst s10  }
0x35: {  	s10 =	sld [smem:$0x3FB5];
	_ =	sdelay $0x3  }
0x36: {  	p1 =	seq.s32 s10, $0x1;
	s10 =	sld [smem:$0x3FB6];
	_ =	sdelay $0x3  }
0x37: {  	[smem:$0x3FB6] =	sst s10  }
0x38: {  	s10 =	sld [smem:$0x3FB7]  }
0x39: {  	_ = 	snop;
	(pc) =	sbr.ind lr, $3  }
0x3a: {  	_ = 	snop  }
0x3b: {  	_ = 	snop  }
0x3c: {  	p2 =	seq.s32 s10, $0x1;
	s10 =	sld [smem:$0x3FB6]  }
0x3d: {  	_ =	shalt  }
0x3e: {  	_ =	shalt  }
0x3f: {  	_ =	shalt  }
0x40: {  	_ =	shalt  }
0x41: {  	_ =	shalt  }
0x42: {  	_ =	shalt  }
0x43: {  	_ =	shalt  }
0x44: {  	_ =	shalt  }
0x45: {  	_ =	shalt  }
0x46: {  	_ =	shalt  }
0x47: {  	_ =	shalt  }
0x48: {  	_ =	shalt  }
0x49: {  	_ =	shalt  }
0x4a: {  	_ =	shalt  }
0x4b: {  	_ =	shalt  }
0x4c: {  	_ =	shalt  }
0x4d: {  	_ =	shalt  }
0x4e: {  	_ =	shalt  }
0x4f: {  	_ =	shalt  }
0x50: {  	_ =	shalt  }
0x51: {  	_ =	shalt  }
0x52: {  	_ =	shalt  }
0x53: {  	_ =	shalt  }
0x54: {  	_ =	shalt  }
0x55: {  	_ =	shalt  }
0x56: {  	_ =	shalt  }
0x57: {  	_ =	shalt  }
0x58: {  	_ =	shalt  }
0x59: {  	_ =	shalt  }
0x5a: {  	_ =	shalt  }
0x5b: {  	_ =	shalt  }
0x5c: {  	_ =	shalt  }
0x5d: {  	_ =	shalt  }
0x5e: {  	_ =	shalt  }
0x5f: {  	_ =	shalt  }
0x60: {  	_ =	shalt  }
0x61: {  	_ =	shalt  }
0x62: {  	_ =	shalt  }
0x63: {  	_ =	shalt  }
0x64: {  	_ =	shalt  }
0x65: {  	_ =	shalt  }
0x66: {  	_ =	shalt  }
0x67: {  	_ =	shalt  }
0x68: {  	_ =	shalt  }
0x69: {  	_ =	shalt  }
0x6a: {  	_ =	shalt  }
0x6b: {  	_ =	shalt  }
0x6c: {  	_ =	shalt  }
0x6d: {  	_ =	shalt  }
0x6e: {  	_ =	shalt  }
0x6f: {  	_ =	shalt  }
0x70: {  	_ =	shalt  }
0x71: {  	_ =	shalt  }
0x72: {  	_ =	shalt  }
0x73: {  	_ =	shalt  }
0x74: {  	_ =	shalt  }
0x75: {  	_ =	shalt  }
0x76: {  	_ =	shalt  }
0x77: {  	_ =	shalt  }
0x78: {  	_ =	shalt  }
0x79: {  	_ =	shalt  }
0x7a: {  	_ =	shalt  }
0x7b: {  	_ =	shalt  }
0x7c: {  	_ =	shalt  }
0x7d: {  	_ =	shalt  }
0x7e: {  	_ =	shalt  }
0x7f: {  	_ =	shalt  }
0x80: {  	_ =	shalt  }
0x81: {  	_ =	shalt  }
0x82: {  	_ =	shalt  }
0x83: {  	_ =	shalt  }
0x84: {  	_ =	shalt  }
0x85: {  	_ =	shalt  }
0x86: {  	_ =	shalt  }
0x87: {  	_ =	shalt  }
.Lfunc_end0:
.L_simem_size_0:
called_computation_lowered:
.L_overlay_start_0:
0x88: {  	s2 =	sld [smem:$0x3FD9]  }
0x89: {  	s3 =	sld [smem:$0x3FFE];
	_ =	sdelay $0x1  }
0x8a: {  	s1 =	srdreg.scid  }
0x8b: {  	s0 =	sand.u32 $0x1, s1  }
0x8c: {  	s16 =	sshll.u32 s0, $0xA;
	s2 =	sadd.s32 s3, s2  }
0x8d: {  	s2 =	sadd.s32 s2, s16  }
0x8e: {  	[smem:$0x3FC2] =	sst s2  }
0x8f: {  	_ = 	snop  }
0x90: {  	(tm) =	ssettm $0x1  }
0x91: {  	s17 =	sld [smem:$0x3FFB];
	_ =	sdelay $0x3  }
0x92: {  	_ =	strace s17  }
0x93: {  	s2 =	sld [smem:$0x3FFC];
	_ =	sdelay $0x3  }
0x94: {  	_ =	strace s2  }
0x95: {  	s2 =	sld [smem:$0x3FFD];
	_ =	sdelay $0x3  }
0x96: {  	_ =	strace s2  }
0x97: {  	_ =	strace $0x8FFFFFFF  }
0x98: {  	s18 =	sld [smem:$0x3FDB];
	_ =	sdelay $0x1  }
0x99: {  	s19 =	simm.s32 $_scs_section_size  }
0x9a: {  	s4 =	simm.s32 $_size__tile_overlayer_lowered;
	s5 =	simm.s32 $_tile_overlayer_lowered  }
0x9b: {  	s22 =	simm.s32 $0x1BFF;
	s21 =	sshll.u32 s5, $0x1;
	s2 =	sadd.s32 s19, s18  }
0x9c: {  	s6 =	simm.s32 $0x0;
	s20 =	sshll.u32 s4, $0x1;
	s4 =	sadd.s32 s21, s2  }
0x9d: {  	[timem:s6], [sflag:s22] =	dma.local [hbm:s4], s20  }
0x9e: {  	_ =	swait.ge [sflag:s22], s20  }
0x9f: {  	s3 =	ssub.s32 $0x0, s20;
	[sflag:s22] =	ssyncset.done $0x0  }
0xa0: {  	[sflag:s22] =	ssyncadd.s32 s3;
	_ =	sdelay $0x1  }
0xa1: {  	s23 =	simm.s32 $0x1B8B  }
0xa2: {  	_ =	swait.ge [sflag:s23], $0x1  }
0xa3: {  	[sflag:s23] =	ssyncset.done $0x0  }
0xa4: {  	s25 =	simm.s32 $0x1B8E;
	s24 =	sld [smem:$0x3FFE];
	[sflag:s23] =	ssyncadd.s32 $0xFFFFFFFF  }
0xa5: {  	s26 =	simm.s32 $execute0_lowered;
	[smem:$0x3FD2] =	sst s25  }
0xa6: {  	s4 =	sshll.u32 s26, $0x1;
	_ =	strace $0x80000046;
	[dreg:$0x1] =	wrdreg $0xFFFFFFFF  }
0xa7: {  	s28 =	simm.s32 $_size_execute0_lowered;
	s2 =	sadd.s32 s2, s4;
	[dreg:$0x0] =	wrdreg $0x0  }
0xa8: {  	s4 =	sshll.u32 s28, $0x1;
	[dreg:$0x2] =	wrdreg s2  }
0xa9: {  	[dreg:$0x3] =	wrdreg s4  }
0xaa: {  	[dreg:$0x4] =	wrdreg $0xC0  }
0xab: {  	_ =	task [dreg:s6], $0x5FFFF  }
0xac: {  	[dreg:$0x1] =	wrdreg $0xFFFFFFFF  }
0xad: {  	[dreg:$0x0] =	wrdreg $0x60  }
0xae: {  	[dreg:$0x2] =	wrdreg s24  }
0xaf: {  	[dreg:$0x3] =	wrdreg $0xA8000  }
0xb0: {  	[dreg:$0x4] =	wrdreg $0x9  }
0xb1: {  	_ =	task.clear_ibuf [dreg:s6], $0x5FFFF;
	_ =	strace $0x90000046  }
0xb2: {  	s29 =	simm.s32 $0x9;
	_ =	strace $0x80000048  }
0xb3: {  	_ =	swait.ge [sflag:s29], $0x1  }
0xb4: {  	[sflag:s29] =	ssyncadd.s32 $0xFFFFFFFF  }
0xb5: {  	_ =	strace $0x90000048  }
0xb6: {  	_ =	sfence  }
0xb7: {  	s30 =	sld [smem:$0x0];
	_ =	sdelay $0x2  }
0xb8: {  	s31 =	sshll.u32 s1, $0xD;
	s1 =	sshrl.u32 s1, $0x2  }
0xb9: {  	s3 =	sand.u32 $0x4000, s31;
	s1 =	sadd.s32 s1, s30  }
0xba: {  	s0 =	sor.u32 s3, s0;
	s1 =	sshll.u32 s1, $0x11  }
0xbb: {  	s0 =	sor.u32 s1, s0  }
0xbc: {  	s0 =	sadd.s32 $0x8F2B, s0  }
0xbd: {  	[sflag:s0] =	ssyncadd.remote.s32 $0x1  }
0xbe: {  	_ =	sfence.sel $0xFFFF  }
0xbf: {  	[dreg:$0x0] =	wrdreg $0xFFFFFFFF;
	(pc) =	sbr.abs _section_cstart, $3  }
0xc0: {  	[dreg:$0x1] =	wrdreg $0xFFFFFFFF  }
0xc1: {  	_ =	task.clear_ibuf [dreg:s6], $0x2FFFF;
	_ =	strace $0x9FFFFFFF  }
0xc2: {  	(tm) =	ssettm $0x7FFFFFFF  }
0xc3: {  	_ =	shalt  }
tec
execute0_lowered:
.L_overlay_start_1:
0x0: {  	(tag) =	ssettag $0x1  }
0x1: {  	s4 =	rddreg [dreg:$0x0]  }
0x2: {  	s2 =	rddreg [dreg:$0x1]  }
0x3: {  	s0 =	rddreg [dreg:$0x2];
	s3 =	simm.s32 $0x0  }
0x4: {  	s1 =	stileid.u32;
	s5 =	srdreg.scid;
	s19 =	simm.s32 $0x4000  }
0x5: {  	s20 =	simm.s32 $0x0;
	[smem:$0x7FF] =	sst s3;
	s24 =	smul.u32 $0x50000, s1  }
0x6: {  	s9 =	sand.u32 $0x1, s5;
	s6 =	sshll.u32 s1, $0xB;
	s10 =	smul.u32 $0x14000, s1  }
0x7: {  	s14 =	sadd.s32 $0x12200, s4;
	_ =	strace $0x80000047;
	s7 =	ssub.s32 $0x2, s9  }
0x8: {  	s11 =	sadd.s32 s6, s4;
	s18 =	smul.u32 $0x140000, s9;
	s9 =	sshll.u32 s9, $0xF  }
0x9: {  	s25 =	sshrl.u32 s7, $0x1;
	s26 =	sshrl.u32 s24, $0x2;
	s12 =	sadd.s32 $0x4000, s10  }
0xa: {  	s13 =	sadd.s32 $0x8000, s10;
	s16 =	sadd.s32 $0xC000, s10;
	s17 =	sadd.s32 $0x10000, s10  }
0xb: {  	s9 =	sadd.s32 s9, s11;
	s15 =	ssub.s32 s7, s25;
	s4 =	sadd.s32 s26, s2  }
0xc: {  	s5 =	sadd.s32 s12, s2;
	s6 =	sadd.s32 s13, s2;
	s7 =	sadd.s32 s16, s2  }
0xd: {  	s8 =	sadd.s32 s17, s2;
	s10 =	sadd.s32 s10, s18;
	s12 =	sadd.s32 s18, s12  }
0xe: {  	s9 =	sadd.s32 $0x2200, s9;
	s29 =	sadd.s32 s18, s13;
	s30 =	sadd.s32 s18, s16  }
0xf: {  	s31 =	sadd.s32 s18, s17;
	s17 =	simm.s32 $0x1;
	s18 =	simm.s32 $0x50  }
0x10: {  	s10 =	sshrl.u32 s10, $0x3;
	s28 =	sshrl.u32 s12, $0x3;
	s12 =	sshrl.u32 s29, $0x3  }
0x11: {  	s13 =	sshrl.u32 s30, $0x3;
	s16 =	sshrl.u32 s31, $0x3;
	s15 =	smax.u32 s15, $0x1  }
0x12: {  	s10 =	sadd.s32 s14, s10;
	s11 =	sadd.s32 s14, s28;
	s12 =	sadd.s32 s14, s12  }
0x13: {  	v0 =	vimm.f32 $0.0e+00;
	v1 =	vimm.f32 $1.000000000e+00;
	s13 =	sadd.s32 s14, s13;
	s14 =	sadd.s32 s14, s16;
	s16 =	simm.s32 $0x6800  }
.LBB2_1:
0x14: {  	s21 =	simm.s32 $0x0  }
.LBB2_2:
0x15: {  	p0 =	sne.s32 s21, $0xFE00  }
.Ltmp0:
0x16: {  	_ = 	snop;
	(pc) =	sbr.rel @p0 .LBB2_2-.Ltmp0, $3  }
0x17: {  	_ =	sdelay $0x1  }
0x18: {  	s22 =	sshra.s32 s21, $0x2  }
0x19: {  	s21 =	sadd.s32 $0x200, s21;
	[tilespmem:s22+$0x6800] =	vst v0  }
0x1a: {  	s21 =	simm.s32 $0x200;
	s22 =	simm.s32 $0x0  }
.LBB2_4:
0x1b: {  	p0 =	sne.s32 s21, $0x9E00;
	[tilespmem:s22+$0x4000] =	vst v1;
	s22 =	smov.u32 s21;
	s21 =	sadd.s32 $0x200, s21  }
.Ltmp1:
0x1c: {  	(pc) =	sbr.rel @p0 .LBB2_4-.Ltmp1, $2  }
0x1d: {  	_ =	sdelay $0x2  }
0x1e: {  	s22 =	sshra.s32 s22, $0x2  }
0x1f: {  	[tilespmem:s22+$0x4000] =	vst v1  }
0x20: {  	[spmem:s4] =	stream.linear.scatter [tilespmem:s16], [sflag:$0x1], $0x4000, $0x38;
	[tilespmem:$0xD000] =	vst v63  }
0x21: {  	_ =	swait.ge [sflag:s17], $0x4000  }
0x22: {  	[sflag:s17] =	ssyncset.done $0x0  }
0x23: {  	[sflag:s17] =	ssyncadd.s32 $0xFFFFC000  }
0x24: {  	[spmem:s5] =	stream.linear.scatter [tilespmem:s16], [sflag:$0x1], $0x4000, $0x38;
	[tilespmem:$0xD000] =	vst v63  }
0x25: {  	_ =	swait.ge [sflag:s17], $0x4000  }
0x26: {  	[sflag:s17] =	ssyncset.done $0x0  }
0x27: {  	[sflag:s17] =	ssyncadd.s32 $0xFFFFC000  }
0x28: {  	[spmem:s6] =	stream.linear.scatter [tilespmem:s16], [sflag:$0x1], $0x4000, $0x38;
	[tilespmem:$0xD000] =	vst v63  }
0x29: {  	_ =	swait.ge [sflag:s17], $0x4000  }
0x2a: {  	[sflag:s17] =	ssyncset.done $0x0  }
0x2b: {  	[sflag:s17] =	ssyncadd.s32 $0xFFFFC000  }
0x2c: {  	[spmem:s7] =	stream.linear.scatter [tilespmem:s16], [sflag:$0x1], $0x4000, $0x38;
	[tilespmem:$0xD000] =	vst v63  }
0x2d: {  	_ =	swait.ge [sflag:s17], $0x4000  }
0x2e: {  	[sflag:s17] =	ssyncset.done $0x0  }
0x2f: {  	[sflag:s17] =	ssyncadd.s32 $0xFFFFC000  }
0x30: {  	[spmem:s8] =	stream.linear.scatter [tilespmem:s16], [sflag:$0x1], $0x4000, $0x38;
	[tilespmem:$0xD000] =	vst v63  }
0x31: {  	_ =	swait.ge [sflag:s17], $0x4000  }
0x32: {  	[sflag:s17] =	ssyncset.done $0x0  }
0x33: {  	[sflag:s17] =	ssyncadd.s32 $0xFFFFC000  }
0x34: {  	s21 =	simm.s32 $0x0;
	[bflag:$0x0] =	sbarrier.arrive $0xFFFF  }
0x35: {  	[tilespmem:s21], [sflag:$0x1] =	stream.linear.gather [hbm4b:s9+s21], $0x3E80, $0x38;
	[tilespmem:$0xD000] =	vst v63  }
0x36: {  	_ =	swait.ge [sflag:s17], $0x3E80  }
0x37: {  	[sflag:s17] =	ssyncset.done $0x0  }
0x38: {  	s31 =	simm.s32 $0x0;
	[sflag:s17] =	ssyncadd.s32 $0xFFFFC180  }
0x39: {  	[spmem:s2] =	stream.indirect.scatter.add.f32 [tilespmem:s19], [sflag:$0x1], $0x10, s31, s18, $0xb8;
	[tilespmem:$0xD000] =	vst v63  }
0x3a: {  	_ =	swait.ge [sflag:s17], $0x500  }
0x3b: {  	s21 =	simm.s32 $0x200;
	[sflag:s17] =	ssyncset.done $0x0  }
.LBB2_6:
0x3c: {  	s22 =	sshra.s32 s21, $0x2;
	[sflag:s17] =	ssyncadd.s32 $0xFFFFFB00;
	p0 =	sne.s32 s21, $0xF800  }
0x3d: {  	[spmem:s2] =	stream.indirect.scatter.add.f32 [tilespmem:s19], [sflag:$0x1], $0x10, s22, s18, $0xb8;
	[tilespmem:$0xD000] =	vst v63  }
.Ltmp2:
0x3e: {  	_ = 	snop;
	(pc) =	sbr.rel @p0 .LBB2_6-.Ltmp2, $4  }
0x3f: {  	_ = 	snop  }
0x40: {  	s21 =	sadd.s32 $0x200, s21  }
0x41: {  	_ =	swait.ge [sflag:s17], $0x500  }
0x42: {  	[sflag:s17] =	ssyncset.done $0x0  }
0x43: {  	[sflag:s17] =	ssyncadd.s32 $0xFFFFFB00  }
0x44: {  	[bflag:$0x0] =	sbarrier.arrive $0xFFFF  }
0x45: {  	[tilespmem:s16], [sflag:$0x1] =	stream.linear.gather [spmem:s4], $0x4000, $0x38;
	[tilespmem:$0xD000] =	vst v63  }
0x46: {  	_ =	swait.ge [sflag:s17], $0x4000  }
0x47: {  	[sflag:s17] =	ssyncset.done $0x0  }
0x48: {  	[sflag:s17] =	ssyncadd.s32 $0xFFFFC000  }
0x49: {  	[hbm4b:s10+s3] =	stream.linear.scatter [tilespmem:s16], [sflag:$0x1], $0x4000, $0x38;
	[tilespmem:$0xD000] =	vst v63  }
0x4a: {  	_ =	swait.ge [sflag:s17], $0x4000  }
0x4b: {  	[sflag:s17] =	ssyncset.done $0x0  }
0x4c: {  	[sflag:s17] =	ssyncadd.s32 $0xFFFFC000  }
0x4d: {  	[tilespmem:s16], [sflag:$0x1] =	stream.linear.gather [spmem:s5], $0x4000, $0x38;
	[tilespmem:$0xD000] =	vst v63  }
0x4e: {  	_ =	swait.ge [sflag:s17], $0x4000  }
0x4f: {  	[sflag:s17] =	ssyncset.done $0x0  }
0x50: {  	[sflag:s17] =	ssyncadd.s32 $0xFFFFC000  }
0x51: {  	[hbm4b:s11+s3] =	stream.linear.scatter [tilespmem:s16], [sflag:$0x1], $0x4000, $0x38;
	[tilespmem:$0xD000] =	vst v63  }
0x52: {  	_ =	swait.ge [sflag:s17], $0x4000  }
0x53: {  	[sflag:s17] =	ssyncset.done $0x0  }
0x54: {  	[sflag:s17] =	ssyncadd.s32 $0xFFFFC000  }
0x55: {  	[tilespmem:s16], [sflag:$0x1] =	stream.linear.gather [spmem:s6], $0x4000, $0x38;
	[tilespmem:$0xD000] =	vst v63  }
0x56: {  	_ =	swait.ge [sflag:s17], $0x4000  }
0x57: {  	[sflag:s17] =	ssyncset.done $0x0  }
0x58: {  	[sflag:s17] =	ssyncadd.s32 $0xFFFFC000  }
0x59: {  	[hbm4b:s12+s3] =	stream.linear.scatter [tilespmem:s16], [sflag:$0x1], $0x4000, $0x38;
	[tilespmem:$0xD000] =	vst v63  }
0x5a: {  	_ =	swait.ge [sflag:s17], $0x4000  }
0x5b: {  	[sflag:s17] =	ssyncset.done $0x0  }
0x5c: {  	[sflag:s17] =	ssyncadd.s32 $0xFFFFC000  }
0x5d: {  	[tilespmem:s16], [sflag:$0x1] =	stream.linear.gather [spmem:s7], $0x4000, $0x38;
	[tilespmem:$0xD000] =	vst v63  }
0x5e: {  	_ =	swait.ge [sflag:s17], $0x4000  }
0x5f: {  	[sflag:s17] =	ssyncset.done $0x0  }
0x60: {  	[sflag:s17] =	ssyncadd.s32 $0xFFFFC000  }
0x61: {  	[hbm4b:s13+s3] =	stream.linear.scatter [tilespmem:s16], [sflag:$0x1], $0x4000, $0x38;
	[tilespmem:$0xD000] =	vst v63  }
0x62: {  	_ =	swait.ge [sflag:s17], $0x4000  }
0x63: {  	[sflag:s17] =	ssyncset.done $0x0  }
0x64: {  	[sflag:s17] =	ssyncadd.s32 $0xFFFFC000  }
0x65: {  	[tilespmem:s16], [sflag:$0x1] =	stream.linear.gather [spmem:s8], $0x4000, $0x38;
	[tilespmem:$0xD000] =	vst v63  }
0x66: {  	s20 =	sadd.s32 $0x1, s20;
	_ =	swait.ge [sflag:s17], $0x4000  }
0x67: {  	p0 =	sne.s32 s20, s15;
	[sflag:s17] =	ssyncset.done $0x0  }
.Ltmp3:
0x68: {  	[sflag:s17] =	ssyncadd.s32 $0xFFFFC000;
	(pc) =	sbr.rel @p0 .LBB2_1-.Ltmp3, $4  }
0x69: {  	[hbm4b:s14+s3] =	stream.linear.scatter [tilespmem:s16], [sflag:$0x1], $0x4000, $0x38;
	[tilespmem:$0xD000] =	vst v63  }
0x6a: {  	_ =	swait.ge [sflag:s17], $0x4000  }
0x6b: {  	[sflag:s17] =	ssyncset.done $0x0  }
0x6c: {  	[sflag:s17] =	ssyncadd.s32 $0xFFFFC000  }
0x6d: {  	_ =	sfence.sel $0x180000  }
0x6e: {  	[bflag:$0x0] =	sbarrier.arrive $0xFFFF  }
0x6f: {  	p0 =	sne.s32 s1, $0x0;
	_ =	strace $0x90000047  }
0x70: {  	s0 =	sadd.s32 @!p0 $0x100000, s0;
	[bflag:$0x2] =	sbarrier.arrive $0xFFFF  }
0x71: {  	[sflag:s0] =	ssyncadd.tile.s32 @!p0 $0x1;
	_ =	shalt  }
.Lfunc_end2:
_tile_overlayer_lowered:
.L_overlay_start_2:
0x72: {  	(tag) =	ssettag $0x2  }
0x73: {  	s0 =	rddreg [dreg:$0x0];
	s2 =	stileid.u32  }
0x74: {  	s1 =	rddreg [dreg:$0x1];
	p0 =	sne.s32 s2, $0x0  }
0x75: {  	s3 =	rddreg [dreg:$0x2];
	[bflag:$0x3] =	sbarrier.arrive $0xFFFF;
	s2 =	simm.s32 @!p0 $0x1C01  }
0x76: {  	[timem:s3], [sflag:s2] =	dma.local @!p0 [hbm:s0], s1  }
0x77: {  	s0 =	simm.s32 @!p0 $0x1  }
0x78: {  	_ =	swait.ge @!p0 [sflag:s0], s1  }
0x79: {  	s1 =	ssub.s32 @!p0 $0x0, s1;
	[sflag:s0] =	ssyncset.done @!p0 $0x0  }
0x7a: {  	[sflag:s0] =	ssyncadd.s32 @!p0 s1  }
0x7b: {  	[bflag:$0x3] =	sbarrier.arrive $0xFFFF  }
0x7c: {  	_ =	shalt  }

</sc_bundles>
